<compile_context>
chip_gen: v7x
topology: tpu7x:2x2x1
jax: 0.10.2.dev20260603
libtpu: 0.0.44.dev20260713+nightly
codegen_flags: <defaults>
</compile_context>

<pallas_src>
import jax
import jax.numpy as jnp
from jax import lax
from jax.experimental import pallas as pl
from jax.experimental.pallas import tpu as pltpu
from jax.experimental.pallas import tpu_sc as plsc

_NMS_PRE = 500
_NPAD = 512
_SIGMA = 2.0
_HW = 25600
_KBLK = 1024
_NK = _HW // _KBLK


def _make_sc_gather(n_src, n_out, n_idx=_NPAD):
    info = plsc.get_sparse_core_info()
    nc, ns = info.num_cores, info.num_subcores
    nw = nc * ns
    rows_per_w = max(1, n_idx // nw)
    mesh = plsc.VectorSubcoreMesh(core_axis_name="c", subcore_axis_name="s")

    nbuf = 4

    def body(src_hbm, idx_hbm, out_hbm, idx_v, rows_v, gsems, osems):
        wid = lax.axis_index("s") * nc + lax.axis_index("c")
        base = wid * rows_per_w
        pltpu.sync_copy(idx_hbm.at[pl.ds(base, rows_per_w)], idx_v)

        def gather(j):
            return pltpu.make_async_copy(
                src_hbm.at[idx_v.at[j]], rows_v.at[j % nbuf], gsems.at[j % nbuf]
            )

        def putback(j):
            return pltpu.make_async_copy(
                rows_v.at[j % nbuf],
                out_hbm.at[pl.ds(base + j, 1)],
                osems.at[j % nbuf],
            )

        def guarded(j, fn):
            @pl.when(base + j < n_out)
            def _():
                fn()

        for j in range(min(nbuf - 1, rows_per_w)):
            guarded(j, lambda j=j: gather(j).start())
        for j in range(rows_per_w):
            guarded(j, lambda j=j: gather(j).wait())
            guarded(j, lambda j=j: putback(j).start())
            nxt = j + nbuf - 1
            if nxt < rows_per_w:
                if j >= 1:
                    guarded(j - 1, lambda j=j: putback(j - 1).wait())
                guarded(nxt, lambda nxt=nxt: gather(nxt).start())
        for j in range(max(0, rows_per_w - nbuf), rows_per_w):
            guarded(j, lambda j=j: putback(j).wait())

    return pl.kernel(
        body,
        out_type=jax.ShapeDtypeStruct((n_out, _HW), jnp.float32),
        mesh=mesh,
        scratch_types=[
            pltpu.VMEM((rows_per_w, 1), jnp.int32),
            pltpu.VMEM((nbuf, 1, _HW), jnp.float32),
            pltpu.SemaphoreType.DMA((nbuf,)),
            pltpu.SemaphoreType.DMA((nbuf,)),
        ],
    )


def _gather_rows(src2d, idx, n_out):
    idx2d = idx.reshape(idx.shape[0], 1)
    return _make_sc_gather(src2d.shape[0], n_out, idx.shape[0])(src2d, idx2d)


def _nms_body(flat_ref, labels_ref, scores_ref, out_ref, acc_ref, area_ref):
    k = pl.program_id(0)

    @pl.when(k == 0)
    def _init():
        acc_ref[...] = jnp.zeros_like(acc_ref)
        area_ref[...] = jnp.zeros_like(area_ref)

    a = flat_ref[...]
    acc_ref[...] += lax.dot_general(
        a, a, (((1,), (1,)), ((), ())), preferred_element_type=jnp.float32
    )
    area_ref[...] += a.sum(axis=1, keepdims=True).reshape(1, _NPAD)

    @pl.when(k == _NK - 1)
    def _finish():
        inter = acc_ref[...]
        area = area_ref[...]
        iou = inter / (area + area.T - inter)
        lab = labels_ref[...]
        eq = lab == lab.T
        row = lax.broadcasted_iota(jnp.int32, (_NPAD, _NPAD), 0)
        col = lax.broadcasted_iota(jnp.int32, (_NPAD, _NPAD), 1)
        t = jnp.where((col > row) & eq, iou, 0.0)
        c = t.max(axis=0)
        m = (c[:, None] * c[:, None] - t * t).min(axis=0)
        out_ref[...] = scores_ref[...] * jnp.exp(_SIGMA * m)[None, :]


def kernel(masks, labels, scores):
    masks2d = masks.reshape(masks.shape[0], _HW)
    sort_inds = lax.top_k(scores, _NMS_PRE)[1].astype(jnp.int32)
    pad = jnp.broadcast_to(sort_inds[:1], (_NPAD - _NMS_PRE,))
    idx_pad = jnp.concatenate([sort_inds, pad])

    flat_s = _gather_rows(masks2d, idx_pad, _NPAD)

    labels_s = labels[sort_inds].astype(jnp.int32)
    labels_pad = jnp.concatenate(
        [labels_s, jnp.full((_NPAD - _NMS_PRE,), -1, jnp.int32)]
    ).reshape(1, _NPAD)
    scores_s = scores[sort_inds]
    scores_pad = jnp.concatenate(
        [scores_s, jnp.zeros((_NPAD - _NMS_PRE,), jnp.float32)]
    ).reshape(1, _NPAD)

    scores_new_pad = pl.pallas_call(
        _nms_body,
        grid=(_NK,),
        in_specs=[
            pl.BlockSpec((_NPAD, _KBLK), lambda k: (0, k)),
            pl.BlockSpec((1, _NPAD), lambda k: (0, 0)),
            pl.BlockSpec((1, _NPAD), lambda k: (0, 0)),
        ],
        out_specs=pl.BlockSpec((1, _NPAD), lambda k: (0, 0)),
        out_shape=jax.ShapeDtypeStruct((1, _NPAD), jnp.float32),
        scratch_shapes=[
            pltpu.VMEM((_NPAD, _NPAD), jnp.float32),
            pltpu.VMEM((1, _NPAD), jnp.float32),
        ],
    )(flat_s, labels_pad, scores_pad)

    scores_new = scores_new_pad[0, :_NMS_PRE]
    sort2 = lax.top_k(scores_new, _NMS_PRE)[1].astype(jnp.int32)
    keep_inds = sort_inds[sort2]
    scores_out = scores_new[sort2]
    labels_out = labels_s[sort2].astype(labels.dtype)

    keep_pad = jnp.concatenate([keep_inds, jnp.zeros((_NPAD - _NMS_PRE,), jnp.int32)])
    masks_out = _gather_rows(masks2d, keep_pad, _NMS_PRE).reshape(
        _NMS_PRE, 160, 160
    )
    return (scores_out, labels_out, masks_out, keep_inds)

# --- scband reference (transcript-rebuilt; emitter-appended) ---
"""Pipeline reference for scband-solov2-41850161332608 (READ-ONLY COPY).

The authoritative reference and input builder live on the scoring server;
editing this copy changes nothing except your own understanding.
"""

import jax, jax.numpy as jnp
import numpy as np

NMS_PRE = 500
SIGMA = 2.0

def setup_inputs(seed: int = 0) -> dict:
    key = jax.random.key(seed)
    k1, k2, k3 = jax.random.split(key, 3)
    masks = jax.random.uniform(k1, (2000, 160, 160), dtype=jnp.float32)
    labels = jax.random.randint(k2, (2000,), 0, 80, dtype=jnp.int64 if jax.config.jax_enable_x64 else jnp.int32)
    scores = jax.random.uniform(k3, (2000,), dtype=jnp.float32)
    return {"masks": masks, "labels": labels, "scores": scores}

def reference(masks, labels, scores):
    # Matrix NMS (SOLOv2 mask_matrix_nms), gaussian kernel, static shapes
    mask_area = masks.sum(axis=(1, 2)).astype(jnp.float32)
    # sort descending, keep top nms_pre
    sort_inds = jnp.argsort(-scores)[:NMS_PRE]
    keep_inds = sort_inds
    scores_s = scores[sort_inds]
    masks_s = masks[sort_inds]
    mask_area_s = mask_area[sort_inds]
    labels_s = labels[sort_inds]
    n = NMS_PRE
    flat = masks_s.reshape(n, -1).astype(jnp.float32)
    inter = flat @ flat.T  # (n, n)
    area_exp = jnp.broadcast_to(mask_area_s[None, :], (n, n))
    iou = inter / (area_exp + area_exp.T - inter)
    iou = jnp.triu(iou, k=1)
    lab_exp = jnp.broadcast_to(labels_s[None, :], (n, n))
    label_matrix = jnp.triu((lab_exp == lab_exp.T).astype(jnp.float32), k=1)
    compensate_iou = (iou * label_matrix).max(axis=0)
    compensate_iou = jnp.broadcast_to(compensate_iou[None, :], (n, n)).T
    decay_iou = iou * label_matrix
    decay_matrix = jnp.exp(-SIGMA * decay_iou ** 2)
    compensate_matrix = jnp.exp(-SIGMA * compensate_iou ** 2)
    decay_coefficient = (decay_matrix / compensate_matrix).min(axis=0)
    scores_new = scores_s * decay_coefficient
    sort2 = jnp.argsort(-scores_new)
    keep_inds = keep_inds[sort2]
    scores_out = scores_new[sort2]
    labels_out = labels_s[sort2]
    masks_out = masks_s[sort2]
    return (scores_out, labels_out, masks_out, keep_inds)

if __name__ == "__main__":
    import jax
    _d = setup_inputs()
    print(jax.jit(kernel)(*tuple(_d.values())))

</pallas_src>

<mosaic_0001>
#map = affine_map<(d0, d1) -> (0, 0)>
module attributes {stable_mosaic.version = 14 : i64} {
  func.func @body(%arg0: i32, %arg1: i32, %arg2: memref<2000x25600xf32, #tpu.memory_space<hbm>>, %arg3: memref<512x1xi32, #tpu.memory_space<hbm>>, %arg4: memref<512x25600xf32, #tpu.memory_space<hbm>>, %arg5: memref<16x1xi32, #tpu.memory_space<vmem>>, %arg6: memref<4x1x25600xf32, #tpu.memory_space<vmem>>, %arg7: memref<4x!tpu.dma_semaphore, #tpu.memory_space<semaphore_mem>>, %arg8: memref<4x!tpu.dma_semaphore, #tpu.memory_space<semaphore_mem>>) attributes {dimension_semantics = [#tpu.dimension_semantics<core_parallel>, #tpu.dimension_semantics<subcore_parallel>], iteration_bounds = array<i64: 2, 16>, scalar_prefetch = 0 : i64, scratch_operands = 4 : i64, tpu.core_type = #tpu.core_type<sc_vector_subcore>, window_params = [{transform_indices = #map}, {transform_indices = #map}, {transform_indices = #map}]} {
    %mul3A = arith.constant 2 : i32
    %mul3A_0 = arith.muli %arg1, %mul3A : i32
    %add3A = arith.addi %mul3A_0, %arg0 : i32
    %mul3A_1 = arith.constant 16 : i32
    %mul3A_2 = arith.muli %add3A, %mul3A_1 : i32
    "tpu.region"() ({
      %run_scoped3A = tpu.sem_alloc : memref<!tpu.dma_semaphore, #tpu.memory_space<semaphore_mem>>
      %dma_start3A = arith.constant 0 : i32
      %dma_start3A_448 = tpu.memref_slice %arg3[%mul3A_2, %dma_start3A] : memref<512x1xi32, #tpu.memory_space<hbm>> -> memref<16x1xi32, #tpu.memory_space<hbm>>
      %dma_start3A_449 = arith.constant 0 : i32
      %dma_start3A_450 = tpu.memref_slice %arg3[%mul3A_2, %dma_start3A_449] : memref<512x1xi32, #tpu.memory_space<hbm>> -> memref<16x1xi32, #tpu.memory_space<hbm>>
      tpu.enqueue_dma source(%dma_start3A_450 : memref<16x1xi32, #tpu.memory_space<hbm>>) target(%arg5 : memref<16x1xi32, #tpu.memory_space<vmem>>) target_semaphore(%run_scoped3A : memref<!tpu.dma_semaphore, #tpu.memory_space<semaphore_mem>>)
      %dma_wait3A = arith.constant 0 : i32
      %dma_wait3A_451 = tpu.memref_slice %arg3[%mul3A_2, %dma_wait3A] : memref<512x1xi32, #tpu.memory_space<hbm>> -> memref<16x1xi32, #tpu.memory_space<hbm>>
      %dma_wait3A_452 = arith.constant 0 : i32
      %dma_wait3A_453 = tpu.memref_slice %arg3[%mul3A_2, %dma_wait3A_452] : memref<512x1xi32, #tpu.memory_space<hbm>> -> memref<16x1xi32, #tpu.memory_space<hbm>>
      tpu.wait_dma2 semaphore(%run_scoped3A : memref<!tpu.dma_semaphore, #tpu.memory_space<semaphore_mem>>) src(%dma_wait3A_453 : memref<16x1xi32, #tpu.memory_space<hbm>>) dst(%arg5 : memref<16x1xi32, #tpu.memory_space<vmem>>)
      tpu.yield
    }) : () -> ()
    %add3A_3 = arith.constant 0 : i32
    %add3A_4 = arith.addi %mul3A_2, %add3A_3 : i32
    %lt3A = arith.constant 512 : i32
    %lt3A_5 = arith.cmpi slt, %add3A_4, %lt3A : i32
    %convert_element_type3A = arith.extui %lt3A_5 : i1 to i32
    %cond3A = arith.constant 0 : i32
    %cond3A_6 = arith.cmpi ne, %convert_element_type3A, %cond3A : i32
    scf.if %cond3A_6 {
      %dma_start3A = arith.constant 0 : i32
      %dma_start3A_448 = arith.constant 0 : i32
      %dma_start3A_449 = arith.constant 0 : i32
      %dma_start3A_450 = arith.constant 0 : i32
      %dma_start3A_451 = arith.constant 0 : i32
      %dma_start3A_452 = tpu.memref_slice %arg6[%dma_start3A_448, %dma_start3A_450, %dma_start3A_451] : memref<4x1x25600xf32, #tpu.memory_space<vmem>> -> memref<1x1x25600xf32, #tpu.memory_space<vmem>>
      %dma_start3A_453 = tpu.memref_squeeze %dma_start3A_452 : memref<1x1x25600xf32, #tpu.memory_space<vmem>> -> memref<1x25600xf32, #tpu.memory_space<vmem>>
      %dma_start3A_454 = arith.constant 0 : i32
      %dma_start3A_455 = tpu.memref_slice %arg5[%dma_start3A, %dma_start3A_454] : memref<16x1xi32, #tpu.memory_space<vmem>> -> memref<1x1xi32, #tpu.memory_space<vmem>>
      %dma_start3A_456 = tpu.memref_squeeze %dma_start3A_455 : memref<1x1xi32, #tpu.memory_space<vmem>> -> memref<1xi32, #tpu.memory_space<vmem>>
      %dma_start3A_457 = arith.constant 0 : i32
      %dma_start3A_458 = arith.constant 0 : i32
      %dma_start3A_459 = tpu.memref_slice %arg2[%dma_start3A_457, %dma_start3A_458] : memref<2000x25600xf32, #tpu.memory_space<hbm>> -> memref<2000x25600xf32, #tpu.memory_space<hbm>>
      %dma_start3A_460 = tpu.memref_slice %arg7[%dma_start3A_449] : memref<4x!tpu.dma_semaphore, #tpu.memory_space<semaphore_mem>> -> memref<1x!tpu.dma_semaphore, #tpu.memory_space<semaphore_mem>>
      %dma_start3A_461 = tpu.memref_squeeze %dma_start3A_460 : memref<1x!tpu.dma_semaphore, #tpu.memory_space<semaphore_mem>> -> memref<!tpu.dma_semaphore, #tpu.memory_space<semaphore_mem>>
      tpu.enqueue_indirect_dma source(%dma_start3A_459 : memref<2000x25600xf32, #tpu.memory_space<hbm>>) target(%dma_start3A_453 : memref<1x25600xf32, #tpu.memory_space<vmem>>) offsets(%dma_start3A_456 : memref<1xi32, #tpu.memory_space<vmem>>) semaphore(%dma_start3A_461 : memref<!tpu.dma_semaphore, #tpu.memory_space<semaphore_mem>>)
    } else {
    }
    %add3A_7 = arith.constant 1 : i32
    %add3A_8 = arith.addi %mul3A_2, %add3A_7 : i32
    %lt3A_9 = arith.constant 512 : i32
    %lt3A_10 = arith.cmpi slt, %add3A_8, %lt3A_9 : i32
    %convert_element_type3A_11 = arith.extui %lt3A_10 : i1 to i32
    %cond3A_12 = arith.constant 0 : i32
    %cond3A_13 = arith.cmpi ne, %convert_element_type3A_11, %cond3A_12 : i32
    scf.if %cond3A_13 {
      %dma_start3A = arith.constant 1 : i32
      %dma_start3A_448 = arith.constant 1 : i32
      %dma_start3A_449 = arith.constant 1 : i32
      %dma_start3A_450 = arith.constant 0 : i32
      %dma_start3A_451 = arith.constant 0 : i32
      %dma_start3A_452 = tpu.memref_slice %arg6[%dma_start3A_448, %dma_start3A_450, %dma_start3A_451] : memref<4x1x25600xf32, #tpu.memory_space<vmem>> -> memref<1x1x25600xf32, #tpu.memory_space<vmem>>
      %dma_start3A_453 = tpu.memref_squeeze %dma_start3A_452 : memref<1x1x25600xf32, #tpu.memory_space<vmem>> -> memref<1x25600xf32, #tpu.memory_space<vmem>>
      %dma_start3A_454 = arith.constant 0 : i32
      %dma_start3A_455 = tpu.memref_slice %arg5[%dma_start3A, %dma_start3A_454] : memref<16x1xi32, #tpu.memory_space<vmem>> -> memref<1x1xi32, #tpu.memory_space<vmem>>
      %dma_start3A_456 = tpu.memref_squeeze %dma_start3A_455 : memref<1x1xi32, #tpu.memory_space<vmem>> -> memref<1xi32, #tpu.memory_space<vmem>>
      %dma_start3A_457 = arith.constant 0 : i32
      %dma_start3A_458 = arith.constant 0 : i32
      %dma_start3A_459 = tpu.memref_slice %arg2[%dma_start3A_457, %dma_start3A_458] : memref<2000x25600xf32, #tpu.memory_space<hbm>> -> memref<2000x25600xf32, #tpu.memory_space<hbm>>
      %dma_start3A_460 = tpu.memref_slice %arg7[%dma_start3A_449] : memref<4x!tpu.dma_semaphore, #tpu.memory_space<semaphore_mem>> -> memref<1x!tpu.dma_semaphore, #tpu.memory_space<semaphore_mem>>
      %dma_start3A_461 = tpu.memref_squeeze %dma_start3A_460 : memref<1x!tpu.dma_semaphore, #tpu.memory_space<semaphore_mem>> -> memref<!tpu.dma_semaphore, #tpu.memory_space<semaphore_mem>>
      tpu.enqueue_indirect_dma source(%dma_start3A_459 : memref<2000x25600xf32, #tpu.memory_space<hbm>>) target(%dma_start3A_453 : memref<1x25600xf32, #tpu.memory_space<vmem>>) offsets(%dma_start3A_456 : memref<1xi32, #tpu.memory_space<vmem>>) semaphore(%dma_start3A_461 : memref<!tpu.dma_semaphore, #tpu.memory_space<semaphore_mem>>)
    } else {
    }
    %add3A_14 = arith.constant 2 : i32
    %add3A_15 = arith.addi %mul3A_2, %add3A_14 : i32
    %lt3A_16 = arith.constant 512 : i32
    %lt3A_17 = arith.cmpi slt, %add3A_15, %lt3A_16 : i32
    %convert_element_type3A_18 = arith.extui %lt3A_17 : i1 to i32
    %cond3A_19 = arith.constant 0 : i32
    %cond3A_20 = arith.cmpi ne, %convert_element_type3A_18, %cond3A_19 : i32
    scf.if %cond3A_20 {
      %dma_start3A = arith.constant 2 : i32
      %dma_start3A_448 = arith.constant 2 : i32
      %dma_start3A_449 = arith.constant 2 : i32
      %dma_start3A_450 = arith.constant 0 : i32
      %dma_start3A_451 = arith.constant 0 : i32
      %dma_start3A_452 = tpu.memref_slice %arg6[%dma_start3A_448, %dma_start3A_450, %dma_start3A_451] : memref<4x1x25600xf32, #tpu.memory_space<vmem>> -> memref<1x1x25600xf32, #tpu.memory_space<vmem>>
      %dma_start3A_453 = tpu.memref_squeeze %dma_start3A_452 : memref<1x1x25600xf32, #tpu.memory_space<vmem>> -> memref<1x25600xf32, #tpu.memory_space<vmem>>
      %dma_start3A_454 = arith.constant 0 : i32
      %dma_start3A_455 = tpu.memref_slice %arg5[%dma_start3A, %dma_start3A_454] : memref<16x1xi32, #tpu.memory_space<vmem>> -> memref<1x1xi32, #tpu.memory_space<vmem>>
      %dma_start3A_456 = tpu.memref_squeeze %dma_start3A_455 : memref<1x1xi32, #tpu.memory_space<vmem>> -> memref<1xi32, #tpu.memory_space<vmem>>
      %dma_start3A_457 = arith.constant 0 : i32
      %dma_start3A_458 = arith.constant 0 : i32
      %dma_start3A_459 = tpu.memref_slice %arg2[%dma_start3A_457, %dma_start3A_458] : memref<2000x25600xf32, #tpu.memory_space<hbm>> -> memref<2000x25600xf32, #tpu.memory_space<hbm>>
      %dma_start3A_460 = tpu.memref_slice %arg7[%dma_start3A_449] : memref<4x!tpu.dma_semaphore, #tpu.memory_space<semaphore_mem>> -> memref<1x!tpu.dma_semaphore, #tpu.memory_space<semaphore_mem>>
      %dma_start3A_461 = tpu.memref_squeeze %dma_start3A_460 : memref<1x!tpu.dma_semaphore, #tpu.memory_space<semaphore_mem>> -> memref<!tpu.dma_semaphore, #tpu.memory_space<semaphore_mem>>
      tpu.enqueue_indirect_dma source(%dma_start3A_459 : memref<2000x25600xf32, #tpu.memory_space<hbm>>) target(%dma_start3A_453 : memref<1x25600xf32, #tpu.memory_space<vmem>>) offsets(%dma_start3A_456 : memref<1xi32, #tpu.memory_space<vmem>>) semaphore(%dma_start3A_461 : memref<!tpu.dma_semaphore, #tpu.memory_space<semaphore_mem>>)
    } else {
    }
    %add3A_21 = arith.constant 0 : i32
    %add3A_22 = arith.addi %mul3A_2, %add3A_21 : i32
    %lt3A_23 = arith.constant 512 : i32
    %lt3A_24 = arith.cmpi slt, %add3A_22, %lt3A_23 : i32
    %convert_element_type3A_25 = arith.extui %lt3A_24 : i1 to i32
    %cond3A_26 = arith.constant 0 : i32
    %cond3A_27 = arith.cmpi ne, %convert_element_type3A_25, %cond3A_26 : i32
    scf.if %cond3A_27 {
      %dma_wait3A = arith.constant 0 : i32
      %dma_wait3A_448 = arith.constant 0 : i32
      %dma_wait3A_449 = arith.constant 0 : i32
      %dma_wait3A_450 = arith.constant 0 : i32
      %dma_wait3A_451 = arith.constant 0 : i32
      %dma_wait3A_452 = tpu.memref_slice %arg6[%dma_wait3A_448, %dma_wait3A_450, %dma_wait3A_451] : memref<4x1x25600xf32, #tpu.memory_space<vmem>> -> memref<1x1x25600xf32, #tpu.memory_space<vmem>>
      %dma_wait3A_453 = tpu.memref_squeeze %dma_wait3A_452 : memref<1x1x25600xf32, #tpu.memory_space<vmem>> -> memref<1x25600xf32, #tpu.memory_space<vmem>>
      %dma_wait3A_454 = arith.constant 0 : i32
      %dma_wait3A_455 = tpu.memref_slice %arg5[%dma_wait3A, %dma_wait3A_454] : memref<16x1xi32, #tpu.memory_space<vmem>> -> memref<1x1xi32, #tpu.memory_space<vmem>>
      %dma_wait3A_456 = tpu.memref_squeeze %dma_wait3A_455 : memref<1x1xi32, #tpu.memory_space<vmem>> -> memref<1xi32, #tpu.memory_space<vmem>>
      %dma_wait3A_457 = arith.constant 0 : i32
      %dma_wait3A_458 = arith.constant 0 : i32
      %dma_wait3A_459 = tpu.memref_slice %arg2[%dma_wait3A_457, %dma_wait3A_458] : memref<2000x25600xf32, #tpu.memory_space<hbm>> -> memref<2000x25600xf32, #tpu.memory_space<hbm>>
      %dma_wait3A_460 = tpu.memref_slice %arg7[%dma_wait3A_449] : memref<4x!tpu.dma_semaphore, #tpu.memory_space<semaphore_mem>> -> memref<1x!tpu.dma_semaphore, #tpu.memory_space<semaphore_mem>>
      %dma_wait3A_461 = tpu.memref_squeeze %dma_wait3A_460 : memref<1x!tpu.dma_semaphore, #tpu.memory_space<semaphore_mem>> -> memref<!tpu.dma_semaphore, #tpu.memory_space<semaphore_mem>>
      tpu.wait_indirect_dma semaphore(%dma_wait3A_461 : memref<!tpu.dma_semaphore, #tpu.memory_space<semaphore_mem>>) src(%dma_wait3A_459 : memref<2000x25600xf32, #tpu.memory_space<hbm>>) dst(%dma_wait3A_453 : memref<1x25600xf32, #tpu.memory_space<vmem>>)
    } else {
    }
    %add3A_28 = arith.constant 0 : i32
    %add3A_29 = arith.addi %mul3A_2, %add3A_28 : i32
    %lt3A_30 = arith.constant 512 : i32
    %lt3A_31 = arith.cmpi slt, %add3A_29, %lt3A_30 : i32
    %convert_element_type3A_32 = arith.extui %lt3A_31 : i1 to i32
    %cond3A_33 = arith.constant 0 : i32
    %cond3A_34 = arith.cmpi ne, %convert_element_type3A_32, %cond3A_33 : i32
    scf.if %cond3A_34 {
      %add3A_448 = arith.constant 0 : i32
      %add3A_449 = arith.addi %mul3A_2, %add3A_448 : i32
      %dma_start3A = arith.constant 0 : i32
      %dma_start3A_450 = arith.constant 0 : i32
      %dma_start3A_451 = arith.constant 0 : i32
      %dma_start3A_452 = arith.constant 0 : i32
      %dma_start3A_453 = tpu.memref_slice %arg6[%dma_start3A, %dma_start3A_451, %dma_start3A_452] : memref<4x1x25600xf32, #tpu.memory_space<vmem>> -> memref<1x1x25600xf32, #tpu.memory_space<vmem>>
      %dma_start3A_454 = tpu.memref_squeeze %dma_start3A_453 : memref<1x1x25600xf32, #tpu.memory_space<vmem>> -> memref<1x25600xf32, #tpu.memory_space<vmem>>
      %dma_start3A_455 = arith.constant 0 : i32
      %dma_start3A_456 = tpu.memref_slice %arg4[%add3A_449, %dma_start3A_455] : memref<512x25600xf32, #tpu.memory_space<hbm>> -> memref<1x25600xf32, #tpu.memory_space<hbm>>
      %dma_start3A_457 = tpu.memref_slice %arg8[%dma_start3A_450] : memref<4x!tpu.dma_semaphore, #tpu.memory_space<semaphore_mem>> -> memref<1x!tpu.dma_semaphore, #tpu.memory_space<semaphore_mem>>
      %dma_start3A_458 = tpu.memref_squeeze %dma_start3A_457 : memref<1x!tpu.dma_semaphore, #tpu.memory_space<semaphore_mem>> -> memref<!tpu.dma_semaphore, #tpu.memory_space<semaphore_mem>>
      %dma_start3A_459 = arith.constant 0 : i32
      %dma_start3A_460 = tpu.memref_slice %arg4[%add3A_449, %dma_start3A_459] : memref<512x25600xf32, #tpu.memory_space<hbm>> -> memref<1x25600xf32, #tpu.memory_space<hbm>>
      %dma_start3A_461 = arith.constant 0 : i32
      %dma_start3A_462 = arith.constant 0 : i32
      %dma_start3A_463 = tpu.memref_slice %arg6[%dma_start3A, %dma_start3A_461, %dma_start3A_462] : memref<4x1x25600xf32, #tpu.memory_space<vmem>> -> memref<1x1x25600xf32, #tpu.memory_space<vmem>>
      %dma_start3A_464 = tpu.memref_squeeze %dma_start3A_463 : memref<1x1x25600xf32, #tpu.memory_space<vmem>> -> memref<1x25600xf32, #tpu.memory_space<vmem>>
      tpu.enqueue_dma source(%dma_start3A_464 : memref<1x25600xf32, #tpu.memory_space<vmem>>) target(%dma_start3A_460 : memref<1x25600xf32, #tpu.memory_space<hbm>>) target_semaphore(%dma_start3A_458 : memref<!tpu.dma_semaphore, #tpu.memory_space<semaphore_mem>>)
    } else {
    }
    %add3A_35 = arith.constant 3 : i32
    %add3A_36 = arith.addi %mul3A_2, %add3A_35 : i32
    %lt3A_37 = arith.constant 512 : i32
    %lt3A_38 = arith.cmpi slt, %add3A_36, %lt3A_37 : i32
    %convert_element_type3A_39 = arith.extui %lt3A_38 : i1 to i32
    %cond3A_40 = arith.constant 0 : i32
    %cond3A_41 = arith.cmpi ne, %convert_element_type3A_39, %cond3A_40 : i32
    scf.if %cond3A_41 {
      %dma_start3A = arith.constant 3 : i32
      %dma_start3A_448 = arith.constant 3 : i32
      %dma_start3A_449 = arith.constant 3 : i32
      %dma_start3A_450 = arith.constant 0 : i32
      %dma_start3A_451 = arith.constant 0 : i32
      %dma_start3A_452 = tpu.memref_slice %arg6[%dma_start3A_448, %dma_start3A_450, %dma_start3A_451] : memref<4x1x25600xf32, #tpu.memory_space<vmem>> -> memref<1x1x25600xf32, #tpu.memory_space<vmem>>
      %dma_start3A_453 = tpu.memref_squeeze %dma_start3A_452 : memref<1x1x25600xf32, #tpu.memory_space<vmem>> -> memref<1x25600xf32, #tpu.memory_space<vmem>>
      %dma_start3A_454 = arith.constant 0 : i32
      %dma_start3A_455 = tpu.memref_slice %arg5[%dma_start3A, %dma_start3A_454] : memref<16x1xi32, #tpu.memory_space<vmem>> -> memref<1x1xi32, #tpu.memory_space<vmem>>
      %dma_start3A_456 = tpu.memref_squeeze %dma_start3A_455 : memref<1x1xi32, #tpu.memory_space<vmem>> -> memref<1xi32, #tpu.memory_space<vmem>>
      %dma_start3A_457 = arith.constant 0 : i32
      %dma_start3A_458 = arith.constant 0 : i32
      %dma_start3A_459 = tpu.memref_slice %arg2[%dma_start3A_457, %dma_start3A_458] : memref<2000x25600xf32, #tpu.memory_space<hbm>> -> memref<2000x25600xf32, #tpu.memory_space<hbm>>
      %dma_start3A_460 = tpu.memref_slice %arg7[%dma_start3A_449] : memref<4x!tpu.dma_semaphore, #tpu.memory_space<semaphore_mem>> -> memref<1x!tpu.dma_semaphore, #tpu.memory_space<semaphore_mem>>
      %dma_start3A_461 = tpu.memref_squeeze %dma_start3A_460 : memref<1x!tpu.dma_semaphore, #tpu.memory_space<semaphore_mem>> -> memref<!tpu.dma_semaphore, #tpu.memory_space<semaphore_mem>>
      tpu.enqueue_indirect_dma source(%dma_start3A_459 : memref<2000x25600xf32, #tpu.memory_space<hbm>>) target(%dma_start3A_453 : memref<1x25600xf32, #tpu.memory_space<vmem>>) offsets(%dma_start3A_456 : memref<1xi32, #tpu.memory_space<vmem>>) semaphore(%dma_start3A_461 : memref<!tpu.dma_semaphore, #tpu.memory_space<semaphore_mem>>)
    } else {
    }
    %add3A_42 = arith.constant 1 : i32
    %add3A_43 = arith.addi %mul3A_2, %add3A_42 : i32
    %lt3A_44 = arith.constant 512 : i32
    %lt3A_45 = arith.cmpi slt, %add3A_43, %lt3A_44 : i32
    %convert_element_type3A_46 = arith.extui %lt3A_45 : i1 to i32
    %cond3A_47 = arith.constant 0 : i32
    %cond3A_48 = arith.cmpi ne, %convert_element_type3A_46, %cond3A_47 : i32
    scf.if %cond3A_48 {
      %dma_wait3A = arith.constant 1 : i32
      %dma_wait3A_448 = arith.constant 1 : i32
      %dma_wait3A_449 = arith.constant 1 : i32
      %dma_wait3A_450 = arith.constant 0 : i32
      %dma_wait3A_451 = arith.constant 0 : i32
      %dma_wait3A_452 = tpu.memref_slice %arg6[%dma_wait3A_448, %dma_wait3A_450, %dma_wait3A_451] : memref<4x1x25600xf32, #tpu.memory_space<vmem>> -> memref<1x1x25600xf32, #tpu.memory_space<vmem>>
      %dma_wait3A_453 = tpu.memref_squeeze %dma_wait3A_452 : memref<1x1x25600xf32, #tpu.memory_space<vmem>> -> memref<1x25600xf32, #tpu.memory_space<vmem>>
      %dma_wait3A_454 = arith.constant 0 : i32
      %dma_wait3A_455 = tpu.memref_slice %arg5[%dma_wait3A, %dma_wait3A_454] : memref<16x1xi32, #tpu.memory_space<vmem>> -> memref<1x1xi32, #tpu.memory_space<vmem>>
      %dma_wait3A_456 = tpu.memref_squeeze %dma_wait3A_455 : memref<1x1xi32, #tpu.memory_space<vmem>> -> memref<1xi32, #tpu.memory_space<vmem>>
      %dma_wait3A_457 = arith.constant 0 : i32
      %dma_wait3A_458 = arith.constant 0 : i32
      %dma_wait3A_459 = tpu.memref_slice %arg2[%dma_wait3A_457, %dma_wait3A_458] : memref<2000x25600xf32, #tpu.memory_space<hbm>> -> memref<2000x25600xf32, #tpu.memory_space<hbm>>
      %dma_wait3A_460 = tpu.memref_slice %arg7[%dma_wait3A_449] : memref<4x!tpu.dma_semaphore, #tpu.memory_space<semaphore_mem>> -> memref<1x!tpu.dma_semaphore, #tpu.memory_space<semaphore_mem>>
      %dma_wait3A_461 = tpu.memref_squeeze %dma_wait3A_460 : memref<1x!tpu.dma_semaphore, #tpu.memory_space<semaphore_mem>> -> memref<!tpu.dma_semaphore, #tpu.memory_space<semaphore_mem>>
      tpu.wait_indirect_dma semaphore(%dma_wait3A_461 : memref<!tpu.dma_semaphore, #tpu.memory_space<semaphore_mem>>) src(%dma_wait3A_459 : memref<2000x25600xf32, #tpu.memory_space<hbm>>) dst(%dma_wait3A_453 : memref<1x25600xf32, #tpu.memory_space<vmem>>)
    } else {
    }
    %add3A_49 = arith.constant 1 : i32
    %add3A_50 = arith.addi %mul3A_2, %add3A_49 : i32
    %lt3A_51 = arith.constant 512 : i32
    %lt3A_52 = arith.cmpi slt, %add3A_50, %lt3A_51 : i32
    %convert_element_type3A_53 = arith.extui %lt3A_52 : i1 to i32
    %cond3A_54 = arith.constant 0 : i32
    %cond3A_55 = arith.cmpi ne, %convert_element_type3A_53, %cond3A_54 : i32
    scf.if %cond3A_55 {
      %add3A_448 = arith.constant 1 : i32
      %add3A_449 = arith.addi %mul3A_2, %add3A_448 : i32
      %dma_start3A = arith.constant 1 : i32
      %dma_start3A_450 = arith.constant 1 : i32
      %dma_start3A_451 = arith.constant 0 : i32
      %dma_start3A_452 = arith.constant 0 : i32
      %dma_start3A_453 = tpu.memref_slice %arg6[%dma_start3A, %dma_start3A_451, %dma_start3A_452] : memref<4x1x25600xf32, #tpu.memory_space<vmem>> -> memref<1x1x25600xf32, #tpu.memory_space<vmem>>
      %dma_start3A_454 = tpu.memref_squeeze %dma_start3A_453 : memref<1x1x25600xf32, #tpu.memory_space<vmem>> -> memref<1x25600xf32, #tpu.memory_space<vmem>>
      %dma_start3A_455 = arith.constant 0 : i32
      %dma_start3A_456 = tpu.memref_slice %arg4[%add3A_449, %dma_start3A_455] : memref<512x25600xf32, #tpu.memory_space<hbm>> -> memref<1x25600xf32, #tpu.memory_space<hbm>>
      %dma_start3A_457 = tpu.memref_slice %arg8[%dma_start3A_450] : memref<4x!tpu.dma_semaphore, #tpu.memory_space<semaphore_mem>> -> memref<1x!tpu.dma_semaphore, #tpu.memory_space<semaphore_mem>>
      %dma_start3A_458 = tpu.memref_squeeze %dma_start3A_457 : memref<1x!tpu.dma_semaphore, #tpu.memory_space<semaphore_mem>> -> memref<!tpu.dma_semaphore, #tpu.memory_space<semaphore_mem>>
      %dma_start3A_459 = arith.constant 0 : i32
      %dma_start3A_460 = tpu.memref_slice %arg4[%add3A_449, %dma_start3A_459] : memref<512x25600xf32, #tpu.memory_space<hbm>> -> memref<1x25600xf32, #tpu.memory_space<hbm>>
      %dma_start3A_461 = arith.constant 0 : i32
      %dma_start3A_462 = arith.constant 0 : i32
      %dma_start3A_463 = tpu.memref_slice %arg6[%dma_start3A, %dma_start3A_461, %dma_start3A_462] : memref<4x1x25600xf32, #tpu.memory_space<vmem>> -> memref<1x1x25600xf32, #tpu.memory_space<vmem>>
      %dma_start3A_464 = tpu.memref_squeeze %dma_start3A_463 : memref<1x1x25600xf32, #tpu.memory_space<vmem>> -> memref<1x25600xf32, #tpu.memory_space<vmem>>
      tpu.enqueue_dma source(%dma_start3A_464 : memref<1x25600xf32, #tpu.memory_space<vmem>>) target(%dma_start3A_460 : memref<1x25600xf32, #tpu.memory_space<hbm>>) target_semaphore(%dma_start3A_458 : memref<!tpu.dma_semaphore, #tpu.memory_space<semaphore_mem>>)
    } else {
    }
    %add3A_56 = arith.constant 0 : i32
    %add3A_57 = arith.addi %mul3A_2, %add3A_56 : i32
    %lt3A_58 = arith.constant 512 : i32
    %lt3A_59 = arith.cmpi slt, %add3A_57, %lt3A_58 : i32
    %convert_element_type3A_60 = arith.extui %lt3A_59 : i1 to i32
    %cond3A_61 = arith.constant 0 : i32
    %cond3A_62 = arith.cmpi ne, %convert_element_type3A_60, %cond3A_61 : i32
    scf.if %cond3A_62 {
      %add3A_448 = arith.constant 0 : i32
      %add3A_449 = arith.addi %mul3A_2, %add3A_448 : i32
      %dma_wait3A = arith.constant 0 : i32
      %dma_wait3A_450 = arith.constant 0 : i32
      %dma_wait3A_451 = arith.constant 0 : i32
      %dma_wait3A_452 = arith.constant 0 : i32
      %dma_wait3A_453 = tpu.memref_slice %arg6[%dma_wait3A, %dma_wait3A_451, %dma_wait3A_452] : memref<4x1x25600xf32, #tpu.memory_space<vmem>> -> memref<1x1x25600xf32, #tpu.memory_space<vmem>>
      %dma_wait3A_454 = tpu.memref_squeeze %dma_wait3A_453 : memref<1x1x25600xf32, #tpu.memory_space<vmem>> -> memref<1x25600xf32, #tpu.memory_space<vmem>>
      %dma_wait3A_455 = arith.constant 0 : i32
      %dma_wait3A_456 = tpu.memref_slice %arg4[%add3A_449, %dma_wait3A_455] : memref<512x25600xf32, #tpu.memory_space<hbm>> -> memref<1x25600xf32, #tpu.memory_space<hbm>>
      %dma_wait3A_457 = tpu.memref_slice %arg8[%dma_wait3A_450] : memref<4x!tpu.dma_semaphore, #tpu.memory_space<semaphore_mem>> -> memref<1x!tpu.dma_semaphore, #tpu.memory_space<semaphore_mem>>
      %dma_wait3A_458 = tpu.memref_squeeze %dma_wait3A_457 : memref<1x!tpu.dma_semaphore, #tpu.memory_space<semaphore_mem>> -> memref<!tpu.dma_semaphore, #tpu.memory_space<semaphore_mem>>
      %dma_wait3A_459 = arith.constant 0 : i32
      %dma_wait3A_460 = tpu.memref_slice %arg4[%add3A_449, %dma_wait3A_459] : memref<512x25600xf32, #tpu.memory_space<hbm>> -> memref<1x25600xf32, #tpu.memory_space<hbm>>
      %dma_wait3A_461 = arith.constant 0 : i32
      %dma_wait3A_462 = arith.constant 0 : i32
      %dma_wait3A_463 = tpu.memref_slice %arg6[%dma_wait3A, %dma_wait3A_461, %dma_wait3A_462] : memref<4x1x25600xf32, #tpu.memory_space<vmem>> -> memref<1x1x25600xf32, #tpu.memory_space<vmem>>
      %dma_wait3A_464 = tpu.memref_squeeze %dma_wait3A_463 : memref<1x1x25600xf32, #tpu.memory_space<vmem>> -> memref<1x25600xf32, #tpu.memory_space<vmem>>
      tpu.wait_dma2 semaphore(%dma_wait3A_458 : memref<!tpu.dma_semaphore, #tpu.memory_space<semaphore_mem>>) src(%dma_wait3A_464 : memref<1x25600xf32, #tpu.memory_space<vmem>>) dst(%dma_wait3A_460 : memref<1x25600xf32, #tpu.memory_space<hbm>>)
    } else {
    }
    %add3A_63 = arith.constant 4 : i32
    %add3A_64 = arith.addi %mul3A_2, %add3A_63 : i32
    %lt3A_65 = arith.constant 512 : i32
    %lt3A_66 = arith.cmpi slt, %add3A_64, %lt3A_65 : i32
    %convert_element_type3A_67 = arith.extui %lt3A_66 : i1 to i32
    %cond3A_68 = arith.constant 0 : i32
    %cond3A_69 = arith.cmpi ne, %convert_element_type3A_67, %cond3A_68 : i32
    scf.if %cond3A_69 {
      %dma_start3A = arith.constant 4 : i32
      %dma_start3A_448 = arith.constant 0 : i32
      %dma_start3A_449 = arith.constant 0 : i32
      %dma_start3A_450 = arith.constant 0 : i32
      %dma_start3A_451 = arith.constant 0 : i32
      %dma_start3A_452 = tpu.memref_slice %arg6[%dma_start3A_448, %dma_start3A_450, %dma_start3A_451] : memref<4x1x25600xf32, #tpu.memory_space<vmem>> -> memref<1x1x25600xf32, #tpu.memory_space<vmem>>
      %dma_start3A_453 = tpu.memref_squeeze %dma_start3A_452 : memref<1x1x25600xf32, #tpu.memory_space<vmem>> -> memref<1x25600xf32, #tpu.memory_space<vmem>>
      %dma_start3A_454 = arith.constant 0 : i32
      %dma_start3A_455 = tpu.memref_slice %arg5[%dma_start3A, %dma_start3A_454] : memref<16x1xi32, #tpu.memory_space<vmem>> -> memref<1x1xi32, #tpu.memory_space<vmem>>
      %dma_start3A_456 = tpu.memref_squeeze %dma_start3A_455 : memref<1x1xi32, #tpu.memory_space<vmem>> -> memref<1xi32, #tpu.memory_space<vmem>>
      %dma_start3A_457 = arith.constant 0 : i32
      %dma_start3A_458 = arith.constant 0 : i32
      %dma_start3A_459 = tpu.memref_slice %arg2[%dma_start3A_457, %dma_start3A_458] : memref<2000x25600xf32, #tpu.memory_space<hbm>> -> memref<2000x25600xf32, #tpu.memory_space<hbm>>
      %dma_start3A_460 = tpu.memref_slice %arg7[%dma_start3A_449] : memref<4x!tpu.dma_semaphore, #tpu.memory_space<semaphore_mem>> -> memref<1x!tpu.dma_semaphore, #tpu.memory_space<semaphore_mem>>
      %dma_start3A_461 = tpu.memref_squeeze %dma_start3A_460 : memref<1x!tpu.dma_semaphore, #tpu.memory_space<semaphore_mem>> -> memref<!tpu.dma_semaphore, #tpu.memory_space<semaphore_mem>>
      tpu.enqueue_indirect_dma source(%dma_start3A_459 : memref<2000x25600xf32, #tpu.memory_space<hbm>>) target(%dma_start3A_453 : memref<1x25600xf32, #tpu.memory_space<vmem>>) offsets(%dma_start3A_456 : memref<1xi32, #tpu.memory_space<vmem>>) semaphore(%dma_start3A_461 : memref<!tpu.dma_semaphore, #tpu.memory_space<semaphore_mem>>)
    } else {
    }
    %add3A_70 = arith.constant 2 : i32
    %add3A_71 = arith.addi %mul3A_2, %add3A_70 : i32
    %lt3A_72 = arith.constant 512 : i32
    %lt3A_73 = arith.cmpi slt, %add3A_71, %lt3A_72 : i32
    %convert_element_type3A_74 = arith.extui %lt3A_73 : i1 to i32
    %cond3A_75 = arith.constant 0 : i32
    %cond3A_76 = arith.cmpi ne, %convert_element_type3A_74, %cond3A_75 : i32
    scf.if %cond3A_76 {
      %dma_wait3A = arith.constant 2 : i32
      %dma_wait3A_448 = arith.constant 2 : i32
      %dma_wait3A_449 = arith.constant 2 : i32
      %dma_wait3A_450 = arith.constant 0 : i32
      %dma_wait3A_451 = arith.constant 0 : i32
      %dma_wait3A_452 = tpu.memref_slice %arg6[%dma_wait3A_448, %dma_wait3A_450, %dma_wait3A_451] : memref<4x1x25600xf32, #tpu.memory_space<vmem>> -> memref<1x1x25600xf32, #tpu.memory_space<vmem>>
      %dma_wait3A_453 = tpu.memref_squeeze %dma_wait3A_452 : memref<1x1x25600xf32, #tpu.memory_space<vmem>> -> memref<1x25600xf32, #tpu.memory_space<vmem>>
      %dma_wait3A_454 = arith.constant 0 : i32
      %dma_wait3A_455 = tpu.memref_slice %arg5[%dma_wait3A, %dma_wait3A_454] : memref<16x1xi32, #tpu.memory_space<vmem>> -> memref<1x1xi32, #tpu.memory_space<vmem>>
      %dma_wait3A_456 = tpu.memref_squeeze %dma_wait3A_455 : memref<1x1xi32, #tpu.memory_space<vmem>> -> memref<1xi32, #tpu.memory_space<vmem>>
      %dma_wait3A_457 = arith.constant 0 : i32
      %dma_wait3A_458 = arith.constant 0 : i32
      %dma_wait3A_459 = tpu.memref_slice %arg2[%dma_wait3A_457, %dma_wait3A_458] : memref<2000x25600xf32, #tpu.memory_space<hbm>> -> memref<2000x25600xf32, #tpu.memory_space<hbm>>
      %dma_wait3A_460 = tpu.memref_slice %arg7[%dma_wait3A_449] : memref<4x!tpu.dma_semaphore, #tpu.memory_space<semaphore_mem>> -> memref<1x!tpu.dma_semaphore, #tpu.memory_space<semaphore_mem>>
      %dma_wait3A_461 = tpu.memref_squeeze %dma_wait3A_460 : memref<1x!tpu.dma_semaphore, #tpu.memory_space<semaphore_mem>> -> memref<!tpu.dma_semaphore, #tpu.memory_space<semaphore_mem>>
      tpu.wait_indirect_dma semaphore(%dma_wait3A_461 : memref<!tpu.dma_semaphore, #tpu.memory_space<semaphore_mem>>) src(%dma_wait3A_459 : memref<2000x25600xf32, #tpu.memory_space<hbm>>) dst(%dma_wait3A_453 : memref<1x25600xf32, #tpu.memory_space<vmem>>)
    } else {
    }
    %add3A_77 = arith.constant 2 : i32
    %add3A_78 = arith.addi %mul3A_2, %add3A_77 : i32
    %lt3A_79 = arith.constant 512 : i32
    %lt3A_80 = arith.cmpi slt, %add3A_78, %lt3A_79 : i32
    %convert_element_type3A_81 = arith.extui %lt3A_80 : i1 to i32
    %cond3A_82 = arith.constant 0 : i32
    %cond3A_83 = arith.cmpi ne, %convert_element_type3A_81, %cond3A_82 : i32
    scf.if %cond3A_83 {
      %add3A_448 = arith.constant 2 : i32
      %add3A_449 = arith.addi %mul3A_2, %add3A_448 : i32
      %dma_start3A = arith.constant 2 : i32
      %dma_start3A_450 = arith.constant 2 : i32
      %dma_start3A_451 = arith.constant 0 : i32
      %dma_start3A_452 = arith.constant 0 : i32
      %dma_start3A_453 = tpu.memref_slice %arg6[%dma_start3A, %dma_start3A_451, %dma_start3A_452] : memref<4x1x25600xf32, #tpu.memory_space<vmem>> -> memref<1x1x25600xf32, #tpu.memory_space<vmem>>
      %dma_start3A_454 = tpu.memref_squeeze %dma_start3A_453 : memref<1x1x25600xf32, #tpu.memory_space<vmem>> -> memref<1x25600xf32, #tpu.memory_space<vmem>>
      %dma_start3A_455 = arith.constant 0 : i32
      %dma_start3A_456 = tpu.memref_slice %arg4[%add3A_449, %dma_start3A_455] : memref<512x25600xf32, #tpu.memory_space<hbm>> -> memref<1x25600xf32, #tpu.memory_space<hbm>>
      %dma_start3A_457 = tpu.memref_slice %arg8[%dma_start3A_450] : memref<4x!tpu.dma_semaphore, #tpu.memory_space<semaphore_mem>> -> memref<1x!tpu.dma_semaphore, #tpu.memory_space<semaphore_mem>>
      %dma_start3A_458 = tpu.memref_squeeze %dma_start3A_457 : memref<1x!tpu.dma_semaphore, #tpu.memory_space<semaphore_mem>> -> memref<!tpu.dma_semaphore, #tpu.memory_space<semaphore_mem>>
      %dma_start3A_459 = arith.constant 0 : i32
      %dma_start3A_460 = tpu.memref_slice %arg4[%add3A_449, %dma_start3A_459] : memref<512x25600xf32, #tpu.memory_space<hbm>> -> memref<1x25600xf32, #tpu.memory_space<hbm>>
      %dma_start3A_461 = arith.constant 0 : i32
      %dma_start3A_462 = arith.constant 0 : i32
      %dma_start3A_463 = tpu.memref_slice %arg6[%dma_start3A, %dma_start3A_461, %dma_start3A_462] : memref<4x1x25600xf32, #tpu.memory_space<vmem>> -> memref<1x1x25600xf32, #tpu.memory_space<vmem>>
      %dma_start3A_464 = tpu.memref_squeeze %dma_start3A_463 : memref<1x1x25600xf32, #tpu.memory_space<vmem>> -> memref<1x25600xf32, #tpu.memory_space<vmem>>
      tpu.enqueue_dma source(%dma_start3A_464 : memref<1x25600xf32, #tpu.memory_space<vmem>>) target(%dma_start3A_460 : memref<1x25600xf32, #tpu.memory_space<hbm>>) target_semaphore(%dma_start3A_458 : memref<!tpu.dma_semaphore, #tpu.memory_space<semaphore_mem>>)
    } else {
    }
    %add3A_84 = arith.constant 1 : i32
    %add3A_85 = arith.addi %mul3A_2, %add3A_84 : i32
    %lt3A_86 = arith.constant 512 : i32
    %lt3A_87 = arith.cmpi slt, %add3A_85, %lt3A_86 : i32
    %convert_element_type3A_88 = arith.extui %lt3A_87 : i1 to i32
    %cond3A_89 = arith.constant 0 : i32
    %cond3A_90 = arith.cmpi ne, %convert_element_type3A_88, %cond3A_89 : i32
    scf.if %cond3A_90 {
      %add3A_448 = arith.constant 1 : i32
      %add3A_449 = arith.addi %mul3A_2, %add3A_448 : i32
      %dma_wait3A = arith.constant 1 : i32
      %dma_wait3A_450 = arith.constant 1 : i32
      %dma_wait3A_451 = arith.constant 0 : i32
      %dma_wait3A_452 = arith.constant 0 : i32
      %dma_wait3A_453 = tpu.memref_slice %arg6[%dma_wait3A, %dma_wait3A_451, %dma_wait3A_452] : memref<4x1x25600xf32, #tpu.memory_space<vmem>> -> memref<1x1x25600xf32, #tpu.memory_space<vmem>>
      %dma_wait3A_454 = tpu.memref_squeeze %dma_wait3A_453 : memref<1x1x25600xf32, #tpu.memory_space<vmem>> -> memref<1x25600xf32, #tpu.memory_space<vmem>>
      %dma_wait3A_455 = arith.constant 0 : i32
      %dma_wait3A_456 = tpu.memref_slice %arg4[%add3A_449, %dma_wait3A_455] : memref<512x25600xf32, #tpu.memory_space<hbm>> -> memref<1x25600xf32, #tpu.memory_space<hbm>>
      %dma_wait3A_457 = tpu.memref_slice %arg8[%dma_wait3A_450] : memref<4x!tpu.dma_semaphore, #tpu.memory_space<semaphore_mem>> -> memref<1x!tpu.dma_semaphore, #tpu.memory_space<semaphore_mem>>
      %dma_wait3A_458 = tpu.memref_squeeze %dma_wait3A_457 : memref<1x!tpu.dma_semaphore, #tpu.memory_space<semaphore_mem>> -> memref<!tpu.dma_semaphore, #tpu.memory_space<semaphore_mem>>
      %dma_wait3A_459 = arith.constant 0 : i32
      %dma_wait3A_460 = tpu.memref_slice %arg4[%add3A_449, %dma_wait3A_459] : memref<512x25600xf32, #tpu.memory_space<hbm>> -> memref<1x25600xf32, #tpu.memory_space<hbm>>
      %dma_wait3A_461 = arith.constant 0 : i32
      %dma_wait3A_462 = arith.constant 0 : i32
      %dma_wait3A_463 = tpu.memref_slice %arg6[%dma_wait3A, %dma_wait3A_461, %dma_wait3A_462] : memref<4x1x25600xf32, #tpu.memory_space<vmem>> -> memref<1x1x25600xf32, #tpu.memory_space<vmem>>
      %dma_wait3A_464 = tpu.memref_squeeze %dma_wait3A_463 : memref<1x1x25600xf32, #tpu.memory_space<vmem>> -> memref<1x25600xf32, #tpu.memory_space<vmem>>
      tpu.wait_dma2 semaphore(%dma_wait3A_458 : memref<!tpu.dma_semaphore, #tpu.memory_space<semaphore_mem>>) src(%dma_wait3A_464 : memref<1x25600xf32, #tpu.memory_space<vmem>>) dst(%dma_wait3A_460 : memref<1x25600xf32, #tpu.memory_space<hbm>>)
    } else {
    }
    %add3A_91 = arith.constant 5 : i32
    %add3A_92 = arith.addi %mul3A_2, %add3A_91 : i32
    %lt3A_93 = arith.constant 512 : i32
    %lt3A_94 = arith.cmpi slt, %add3A_92, %lt3A_93 : i32
    %convert_element_type3A_95 = arith.extui %lt3A_94 : i1 to i32
    %cond3A_96 = arith.constant 0 : i32
    %cond3A_97 = arith.cmpi ne, %convert_element_type3A_95, %cond3A_96 : i32
    scf.if %cond3A_97 {
      %dma_start3A = arith.constant 5 : i32
      %dma_start3A_448 = arith.constant 1 : i32
      %dma_start3A_449 = arith.constant 1 : i32
      %dma_start3A_450 = arith.constant 0 : i32
      %dma_start3A_451 = arith.constant 0 : i32
      %dma_start3A_452 = tpu.memref_slice %arg6[%dma_start3A_448, %dma_start3A_450, %dma_start3A_451] : memref<4x1x25600xf32, #tpu.memory_space<vmem>> -> memref<1x1x25600xf32, #tpu.memory_space<vmem>>
      %dma_start3A_453 = tpu.memref_squeeze %dma_start3A_452 : memref<1x1x25600xf32, #tpu.memory_space<vmem>> -> memref<1x25600xf32, #tpu.memory_space<vmem>>
      %dma_start3A_454 = arith.constant 0 : i32
      %dma_start3A_455 = tpu.memref_slice %arg5[%dma_start3A, %dma_start3A_454] : memref<16x1xi32, #tpu.memory_space<vmem>> -> memref<1x1xi32, #tpu.memory_space<vmem>>
      %dma_start3A_456 = tpu.memref_squeeze %dma_start3A_455 : memref<1x1xi32, #tpu.memory_space<vmem>> -> memref<1xi32, #tpu.memory_space<vmem>>
      %dma_start3A_457 = arith.constant 0 : i32
      %dma_start3A_458 = arith.constant 0 : i32
      %dma_start3A_459 = tpu.memref_slice %arg2[%dma_start3A_457, %dma_start3A_458] : memref<2000x25600xf32, #tpu.memory_space<hbm>> -> memref<2000x25600xf32, #tpu.memory_space<hbm>>
      %dma_start3A_460 = tpu.memref_slice %arg7[%dma_start3A_449] : memref<4x!tpu.dma_semaphore, #tpu.memory_space<semaphore_mem>> -> memref<1x!tpu.dma_semaphore, #tpu.memory_space<semaphore_mem>>
      %dma_start3A_461 = tpu.memref_squeeze %dma_start3A_460 : memref<1x!tpu.dma_semaphore, #tpu.memory_space<semaphore_mem>> -> memref<!tpu.dma_semaphore, #tpu.memory_space<semaphore_mem>>
      tpu.enqueue_indirect_dma source(%dma_start3A_459 : memref<2000x25600xf32, #tpu.memory_space<hbm>>) target(%dma_start3A_453 : memref<1x25600xf32, #tpu.memory_space<vmem>>) offsets(%dma_start3A_456 : memref<1xi32, #tpu.memory_space<vmem>>) semaphore(%dma_start3A_461 : memref<!tpu.dma_semaphore, #tpu.memory_space<semaphore_mem>>)
    } else {
    }
    %add3A_98 = arith.constant 3 : i32
    %add3A_99 = arith.addi %mul3A_2, %add3A_98 : i32
    %lt3A_100 = arith.constant 512 : i32
    %lt3A_101 = arith.cmpi slt, %add3A_99, %lt3A_100 : i32
    %convert_element_type3A_102 = arith.extui %lt3A_101 : i1 to i32
    %cond3A_103 = arith.constant 0 : i32
    %cond3A_104 = arith.cmpi ne, %convert_element_type3A_102, %cond3A_103 : i32
    scf.if %cond3A_104 {
      %dma_wait3A = arith.constant 3 : i32
      %dma_wait3A_448 = arith.constant 3 : i32
      %dma_wait3A_449 = arith.constant 3 : i32
      %dma_wait3A_450 = arith.constant 0 : i32
      %dma_wait3A_451 = arith.constant 0 : i32
      %dma_wait3A_452 = tpu.memref_slice %arg6[%dma_wait3A_448, %dma_wait3A_450, %dma_wait3A_451] : memref<4x1x25600xf32, #tpu.memory_space<vmem>> -> memref<1x1x25600xf32, #tpu.memory_space<vmem>>
      %dma_wait3A_453 = tpu.memref_squeeze %dma_wait3A_452 : memref<1x1x25600xf32, #tpu.memory_space<vmem>> -> memref<1x25600xf32, #tpu.memory_space<vmem>>
      %dma_wait3A_454 = arith.constant 0 : i32
      %dma_wait3A_455 = tpu.memref_slice %arg5[%dma_wait3A, %dma_wait3A_454] : memref<16x1xi32, #tpu.memory_space<vmem>> -> memref<1x1xi32, #tpu.memory_space<vmem>>
      %dma_wait3A_456 = tpu.memref_squeeze %dma_wait3A_455 : memref<1x1xi32, #tpu.memory_space<vmem>> -> memref<1xi32, #tpu.memory_space<vmem>>
      %dma_wait3A_457 = arith.constant 0 : i32
      %dma_wait3A_458 = arith.constant 0 : i32
      %dma_wait3A_459 = tpu.memref_slice %arg2[%dma_wait3A_457, %dma_wait3A_458] : memref<2000x25600xf32, #tpu.memory_space<hbm>> -> memref<2000x25600xf32, #tpu.memory_space<hbm>>
      %dma_wait3A_460 = tpu.memref_slice %arg7[%dma_wait3A_449] : memref<4x!tpu.dma_semaphore, #tpu.memory_space<semaphore_mem>> -> memref<1x!tpu.dma_semaphore, #tpu.memory_space<semaphore_mem>>
      %dma_wait3A_461 = tpu.memref_squeeze %dma_wait3A_460 : memref<1x!tpu.dma_semaphore, #tpu.memory_space<semaphore_mem>> -> memref<!tpu.dma_semaphore, #tpu.memory_space<semaphore_mem>>
      tpu.wait_indirect_dma semaphore(%dma_wait3A_461 : memref<!tpu.dma_semaphore, #tpu.memory_space<semaphore_mem>>) src(%dma_wait3A_459 : memref<2000x25600xf32, #tpu.memory_space<hbm>>) dst(%dma_wait3A_453 : memref<1x25600xf32, #tpu.memory_space<vmem>>)
    } else {
    }
    %add3A_105 = arith.constant 3 : i32
    %add3A_106 = arith.addi %mul3A_2, %add3A_105 : i32
    %lt3A_107 = arith.constant 512 : i32
    %lt3A_108 = arith.cmpi slt, %add3A_106, %lt3A_107 : i32
    %convert_element_type3A_109 = arith.extui %lt3A_108 : i1 to i32
    %cond3A_110 = arith.constant 0 : i32
    %cond3A_111 = arith.cmpi ne, %convert_element_type3A_109, %cond3A_110 : i32
    scf.if %cond3A_111 {
      %add3A_448 = arith.constant 3 : i32
      %add3A_449 = arith.addi %mul3A_2, %add3A_448 : i32
      %dma_start3A = arith.constant 3 : i32
      %dma_start3A_450 = arith.constant 3 : i32
      %dma_start3A_451 = arith.constant 0 : i32
      %dma_start3A_452 = arith.constant 0 : i32
      %dma_start3A_453 = tpu.memref_slice %arg6[%dma_start3A, %dma_start3A_451, %dma_start3A_452] : memref<4x1x25600xf32, #tpu.memory_space<vmem>> -> memref<1x1x25600xf32, #tpu.memory_space<vmem>>
      %dma_start3A_454 = tpu.memref_squeeze %dma_start3A_453 : memref<1x1x25600xf32, #tpu.memory_space<vmem>> -> memref<1x25600xf32, #tpu.memory_space<vmem>>
      %dma_start3A_455 = arith.constant 0 : i32
      %dma_start3A_456 = tpu.memref_slice %arg4[%add3A_449, %dma_start3A_455] : memref<512x25600xf32, #tpu.memory_space<hbm>> -> memref<1x25600xf32, #tpu.memory_space<hbm>>
      %dma_start3A_457 = tpu.memref_slice %arg8[%dma_start3A_450] : memref<4x!tpu.dma_semaphore, #tpu.memory_space<semaphore_mem>> -> memref<1x!tpu.dma_semaphore, #tpu.memory_space<semaphore_mem>>
      %dma_start3A_458 = tpu.memref_squeeze %dma_start3A_457 : memref<1x!tpu.dma_semaphore, #tpu.memory_space<semaphore_mem>> -> memref<!tpu.dma_semaphore, #tpu.memory_space<semaphore_mem>>
      %dma_start3A_459 = arith.constant 0 : i32
      %dma_start3A_460 = tpu.memref_slice %arg4[%add3A_449, %dma_start3A_459] : memref<512x25600xf32, #tpu.memory_space<hbm>> -> memref<1x25600xf32, #tpu.memory_space<hbm>>
      %dma_start3A_461 = arith.constant 0 : i32
      %dma_start3A_462 = arith.constant 0 : i32
      %dma_start3A_463 = tpu.memref_slice %arg6[%dma_start3A, %dma_start3A_461, %dma_start3A_462] : memref<4x1x25600xf32, #tpu.memory_space<vmem>> -> memref<1x1x25600xf32, #tpu.memory_space<vmem>>
      %dma_start3A_464 = tpu.memref_squeeze %dma_start3A_463 : memref<1x1x25600xf32, #tpu.memory_space<vmem>> -> memref<1x25600xf32, #tpu.memory_space<vmem>>
      tpu.enqueue_dma source(%dma_start3A_464 : memref<1x25600xf32, #tpu.memory_space<vmem>>) target(%dma_start3A_460 : memref<1x25600xf32, #tpu.memory_space<hbm>>) target_semaphore(%dma_start3A_458 : memref<!tpu.dma_semaphore, #tpu.memory_space<semaphore_mem>>)
    } else {
    }
    %add3A_112 = arith.constant 2 : i32
    %add3A_113 = arith.addi %mul3A_2, %add3A_112 : i32
    %lt3A_114 = arith.constant 512 : i32
    %lt3A_115 = arith.cmpi slt, %add3A_113, %lt3A_114 : i32
    %convert_element_type3A_116 = arith.extui %lt3A_115 : i1 to i32
    %cond3A_117 = arith.constant 0 : i32
    %cond3A_118 = arith.cmpi ne, %convert_element_type3A_116, %cond3A_117 : i32
    scf.if %cond3A_118 {
      %add3A_448 = arith.constant 2 : i32
      %add3A_449 = arith.addi %mul3A_2, %add3A_448 : i32
      %dma_wait3A = arith.constant 2 : i32
      %dma_wait3A_450 = arith.constant 2 : i32
      %dma_wait3A_451 = arith.constant 0 : i32
      %dma_wait3A_452 = arith.constant 0 : i32
      %dma_wait3A_453 = tpu.memref_slice %arg6[%dma_wait3A, %dma_wait3A_451, %dma_wait3A_452] : memref<4x1x25600xf32, #tpu.memory_space<vmem>> -> memref<1x1x25600xf32, #tpu.memory_space<vmem>>
      %dma_wait3A_454 = tpu.memref_squeeze %dma_wait3A_453 : memref<1x1x25600xf32, #tpu.memory_space<vmem>> -> memref<1x25600xf32, #tpu.memory_space<vmem>>
      %dma_wait3A_455 = arith.constant 0 : i32
      %dma_wait3A_456 = tpu.memref_slice %arg4[%add3A_449, %dma_wait3A_455] : memref<512x25600xf32, #tpu.memory_space<hbm>> -> memref<1x25600xf32, #tpu.memory_space<hbm>>
      %dma_wait3A_457 = tpu.memref_slice %arg8[%dma_wait3A_450] : memref<4x!tpu.dma_semaphore, #tpu.memory_space<semaphore_mem>> -> memref<1x!tpu.dma_semaphore, #tpu.memory_space<semaphore_mem>>
      %dma_wait3A_458 = tpu.memref_squeeze %dma_wait3A_457 : memref<1x!tpu.dma_semaphore, #tpu.memory_space<semaphore_mem>> -> memref<!tpu.dma_semaphore, #tpu.memory_space<semaphore_mem>>
      %dma_wait3A_459 = arith.constant 0 : i32
      %dma_wait3A_460 = tpu.memref_slice %arg4[%add3A_449, %dma_wait3A_459] : memref<512x25600xf32, #tpu.memory_space<hbm>> -> memref<1x25600xf32, #tpu.memory_space<hbm>>
      %dma_wait3A_461 = arith.constant 0 : i32
      %dma_wait3A_462 = arith.constant 0 : i32
      %dma_wait3A_463 = tpu.memref_slice %arg6[%dma_wait3A, %dma_wait3A_461, %dma_wait3A_462] : memref<4x1x25600xf32, #tpu.memory_space<vmem>> -> memref<1x1x25600xf32, #tpu.memory_space<vmem>>
      %dma_wait3A_464 = tpu.memref_squeeze %dma_wait3A_463 : memref<1x1x25600xf32, #tpu.memory_space<vmem>> -> memref<1x25600xf32, #tpu.memory_space<vmem>>
      tpu.wait_dma2 semaphore(%dma_wait3A_458 : memref<!tpu.dma_semaphore, #tpu.memory_space<semaphore_mem>>) src(%dma_wait3A_464 : memref<1x25600xf32, #tpu.memory_space<vmem>>) dst(%dma_wait3A_460 : memref<1x25600xf32, #tpu.memory_space<hbm>>)
    } else {
    }
    %add3A_119 = arith.constant 6 : i32
    %add3A_120 = arith.addi %mul3A_2, %add3A_119 : i32
    %lt3A_121 = arith.constant 512 : i32
    %lt3A_122 = arith.cmpi slt, %add3A_120, %lt3A_121 : i32
    %convert_element_type3A_123 = arith.extui %lt3A_122 : i1 to i32
    %cond3A_124 = arith.constant 0 : i32
    %cond3A_125 = arith.cmpi ne, %convert_element_type3A_123, %cond3A_124 : i32
    scf.if %cond3A_125 {
      %dma_start3A = arith.constant 6 : i32
      %dma_start3A_448 = arith.constant 2 : i32
      %dma_start3A_449 = arith.constant 2 : i32
      %dma_start3A_450 = arith.constant 0 : i32
      %dma_start3A_451 = arith.constant 0 : i32
      %dma_start3A_452 = tpu.memref_slice %arg6[%dma_start3A_448, %dma_start3A_450, %dma_start3A_451] : memref<4x1x25600xf32, #tpu.memory_space<vmem>> -> memref<1x1x25600xf32, #tpu.memory_space<vmem>>
      %dma_start3A_453 = tpu.memref_squeeze %dma_start3A_452 : memref<1x1x25600xf32, #tpu.memory_space<vmem>> -> memref<1x25600xf32, #tpu.memory_space<vmem>>
      %dma_start3A_454 = arith.constant 0 : i32
      %dma_start3A_455 = tpu.memref_slice %arg5[%dma_start3A, %dma_start3A_454] : memref<16x1xi32, #tpu.memory_space<vmem>> -> memref<1x1xi32, #tpu.memory_space<vmem>>
      %dma_start3A_456 = tpu.memref_squeeze %dma_start3A_455 : memref<1x1xi32, #tpu.memory_space<vmem>> -> memref<1xi32, #tpu.memory_space<vmem>>
      %dma_start3A_457 = arith.constant 0 : i32
      %dma_start3A_458 = arith.constant 0 : i32
      %dma_start3A_459 = tpu.memref_slice %arg2[%dma_start3A_457, %dma_start3A_458] : memref<2000x25600xf32, #tpu.memory_space<hbm>> -> memref<2000x25600xf32, #tpu.memory_space<hbm>>
      %dma_start3A_460 = tpu.memref_slice %arg7[%dma_start3A_449] : memref<4x!tpu.dma_semaphore, #tpu.memory_space<semaphore_mem>> -> memref<1x!tpu.dma_semaphore, #tpu.memory_space<semaphore_mem>>
      %dma_start3A_461 = tpu.memref_squeeze %dma_start3A_460 : memref<1x!tpu.dma_semaphore, #tpu.memory_space<semaphore_mem>> -> memref<!tpu.dma_semaphore, #tpu.memory_space<semaphore_mem>>
      tpu.enqueue_indirect_dma source(%dma_start3A_459 : memref<2000x25600xf32, #tpu.memory_space<hbm>>) target(%dma_start3A_453 : memref<1x25600xf32, #tpu.memory_space<vmem>>) offsets(%dma_start3A_456 : memref<1xi32, #tpu.memory_space<vmem>>) semaphore(%dma_start3A_461 : memref<!tpu.dma_semaphore, #tpu.memory_space<semaphore_mem>>)
    } else {
    }
    %add3A_126 = arith.constant 4 : i32
    %add3A_127 = arith.addi %mul3A_2, %add3A_126 : i32
    %lt3A_128 = arith.constant 512 : i32
    %lt3A_129 = arith.cmpi slt, %add3A_127, %lt3A_128 : i32
    %convert_element_type3A_130 = arith.extui %lt3A_129 : i1 to i32
    %cond3A_131 = arith.constant 0 : i32
    %cond3A_132 = arith.cmpi ne, %convert_element_type3A_130, %cond3A_131 : i32
    scf.if %cond3A_132 {
      %dma_wait3A = arith.constant 4 : i32
      %dma_wait3A_448 = arith.constant 0 : i32
      %dma_wait3A_449 = arith.constant 0 : i32
      %dma_wait3A_450 = arith.constant 0 : i32
      %dma_wait3A_451 = arith.constant 0 : i32
      %dma_wait3A_452 = tpu.memref_slice %arg6[%dma_wait3A_448, %dma_wait3A_450, %dma_wait3A_451] : memref<4x1x25600xf32, #tpu.memory_space<vmem>> -> memref<1x1x25600xf32, #tpu.memory_space<vmem>>
      %dma_wait3A_453 = tpu.memref_squeeze %dma_wait3A_452 : memref<1x1x25600xf32, #tpu.memory_space<vmem>> -> memref<1x25600xf32, #tpu.memory_space<vmem>>
      %dma_wait3A_454 = arith.constant 0 : i32
      %dma_wait3A_455 = tpu.memref_slice %arg5[%dma_wait3A, %dma_wait3A_454] : memref<16x1xi32, #tpu.memory_space<vmem>> -> memref<1x1xi32, #tpu.memory_space<vmem>>
      %dma_wait3A_456 = tpu.memref_squeeze %dma_wait3A_455 : memref<1x1xi32, #tpu.memory_space<vmem>> -> memref<1xi32, #tpu.memory_space<vmem>>
      %dma_wait3A_457 = arith.constant 0 : i32
      %dma_wait3A_458 = arith.constant 0 : i32
      %dma_wait3A_459 = tpu.memref_slice %arg2[%dma_wait3A_457, %dma_wait3A_458] : memref<2000x25600xf32, #tpu.memory_space<hbm>> -> memref<2000x25600xf32, #tpu.memory_space<hbm>>
      %dma_wait3A_460 = tpu.memref_slice %arg7[%dma_wait3A_449] : memref<4x!tpu.dma_semaphore, #tpu.memory_space<semaphore_mem>> -> memref<1x!tpu.dma_semaphore, #tpu.memory_space<semaphore_mem>>
      %dma_wait3A_461 = tpu.memref_squeeze %dma_wait3A_460 : memref<1x!tpu.dma_semaphore, #tpu.memory_space<semaphore_mem>> -> memref<!tpu.dma_semaphore, #tpu.memory_space<semaphore_mem>>
      tpu.wait_indirect_dma semaphore(%dma_wait3A_461 : memref<!tpu.dma_semaphore, #tpu.memory_space<semaphore_mem>>) src(%dma_wait3A_459 : memref<2000x25600xf32, #tpu.memory_space<hbm>>) dst(%dma_wait3A_453 : memref<1x25600xf32, #tpu.memory_space<vmem>>)
    } else {
    }
    %add3A_133 = arith.constant 4 : i32
    %add3A_134 = arith.addi %mul3A_2, %add3A_133 : i32
    %lt3A_135 = arith.constant 512 : i32
    %lt3A_136 = arith.cmpi slt, %add3A_134, %lt3A_135 : i32
    %convert_element_type3A_137 = arith.extui %lt3A_136 : i1 to i32
    %cond3A_138 = arith.constant 0 : i32
    %cond3A_139 = arith.cmpi ne, %convert_element_type3A_137, %cond3A_138 : i32
    scf.if %cond3A_139 {
      %add3A_448 = arith.constant 4 : i32
      %add3A_449 = arith.addi %mul3A_2, %add3A_448 : i32
      %dma_start3A = arith.constant 0 : i32
      %dma_start3A_450 = arith.constant 0 : i32
      %dma_start3A_451 = arith.constant 0 : i32
      %dma_start3A_452 = arith.constant 0 : i32
      %dma_start3A_453 = tpu.memref_slice %arg6[%dma_start3A, %dma_start3A_451, %dma_start3A_452] : memref<4x1x25600xf32, #tpu.memory_space<vmem>> -> memref<1x1x25600xf32, #tpu.memory_space<vmem>>
      %dma_start3A_454 = tpu.memref_squeeze %dma_start3A_453 : memref<1x1x25600xf32, #tpu.memory_space<vmem>> -> memref<1x25600xf32, #tpu.memory_space<vmem>>
      %dma_start3A_455 = arith.constant 0 : i32
      %dma_start3A_456 = tpu.memref_slice %arg4[%add3A_449, %dma_start3A_455] : memref<512x25600xf32, #tpu.memory_space<hbm>> -> memref<1x25600xf32, #tpu.memory_space<hbm>>
      %dma_start3A_457 = tpu.memref_slice %arg8[%dma_start3A_450] : memref<4x!tpu.dma_semaphore, #tpu.memory_space<semaphore_mem>> -> memref<1x!tpu.dma_semaphore, #tpu.memory_space<semaphore_mem>>
      %dma_start3A_458 = tpu.memref_squeeze %dma_start3A_457 : memref<1x!tpu.dma_semaphore, #tpu.memory_space<semaphore_mem>> -> memref<!tpu.dma_semaphore, #tpu.memory_space<semaphore_mem>>
      %dma_start3A_459 = arith.constant 0 : i32
      %dma_start3A_460 = tpu.memref_slice %arg4[%add3A_449, %dma_start3A_459] : memref<512x25600xf32, #tpu.memory_space<hbm>> -> memref<1x25600xf32, #tpu.memory_space<hbm>>
      %dma_start3A_461 = arith.constant 0 : i32
      %dma_start3A_462 = arith.constant 0 : i32
      %dma_start3A_463 = tpu.memref_slice %arg6[%dma_start3A, %dma_start3A_461, %dma_start3A_462] : memref<4x1x25600xf32, #tpu.memory_space<vmem>> -> memref<1x1x25600xf32, #tpu.memory_space<vmem>>
      %dma_start3A_464 = tpu.memref_squeeze %dma_start3A_463 : memref<1x1x25600xf32, #tpu.memory_space<vmem>> -> memref<1x25600xf32, #tpu.memory_space<vmem>>
      tpu.enqueue_dma source(%dma_start3A_464 : memref<1x25600xf32, #tpu.memory_space<vmem>>) target(%dma_start3A_460 : memref<1x25600xf32, #tpu.memory_space<hbm>>) target_semaphore(%dma_start3A_458 : memref<!tpu.dma_semaphore, #tpu.memory_space<semaphore_mem>>)
    } else {
    }
    %add3A_140 = arith.constant 3 : i32
    %add3A_141 = arith.addi %mul3A_2, %add3A_140 : i32
    %lt3A_142 = arith.constant 512 : i32
    %lt3A_143 = arith.cmpi slt, %add3A_141, %lt3A_142 : i32
    %convert_element_type3A_144 = arith.extui %lt3A_143 : i1 to i32
    %cond3A_145 = arith.constant 0 : i32
    %cond3A_146 = arith.cmpi ne, %convert_element_type3A_144, %cond3A_145 : i32
    scf.if %cond3A_146 {
      %add3A_448 = arith.constant 3 : i32
      %add3A_449 = arith.addi %mul3A_2, %add3A_448 : i32
      %dma_wait3A = arith.constant 3 : i32
      %dma_wait3A_450 = arith.constant 3 : i32
      %dma_wait3A_451 = arith.constant 0 : i32
      %dma_wait3A_452 = arith.constant 0 : i32
      %dma_wait3A_453 = tpu.memref_slice %arg6[%dma_wait3A, %dma_wait3A_451, %dma_wait3A_452] : memref<4x1x25600xf32, #tpu.memory_space<vmem>> -> memref<1x1x25600xf32, #tpu.memory_space<vmem>>
      %dma_wait3A_454 = tpu.memref_squeeze %dma_wait3A_453 : memref<1x1x25600xf32, #tpu.memory_space<vmem>> -> memref<1x25600xf32, #tpu.memory_space<vmem>>
      %dma_wait3A_455 = arith.constant 0 : i32
      %dma_wait3A_456 = tpu.memref_slice %arg4[%add3A_449, %dma_wait3A_455] : memref<512x25600xf32, #tpu.memory_space<hbm>> -> memref<1x25600xf32, #tpu.memory_space<hbm>>
      %dma_wait3A_457 = tpu.memref_slice %arg8[%dma_wait3A_450] : memref<4x!tpu.dma_semaphore, #tpu.memory_space<semaphore_mem>> -> memref<1x!tpu.dma_semaphore, #tpu.memory_space<semaphore_mem>>
      %dma_wait3A_458 = tpu.memref_squeeze %dma_wait3A_457 : memref<1x!tpu.dma_semaphore, #tpu.memory_space<semaphore_mem>> -> memref<!tpu.dma_semaphore, #tpu.memory_space<semaphore_mem>>
      %dma_wait3A_459 = arith.constant 0 : i32
      %dma_wait3A_460 = tpu.memref_slice %arg4[%add3A_449, %dma_wait3A_459] : memref<512x25600xf32, #tpu.memory_space<hbm>> -> memref<1x25600xf32, #tpu.memory_space<hbm>>
      %dma_wait3A_461 = arith.constant 0 : i32
      %dma_wait3A_462 = arith.constant 0 : i32
      %dma_wait3A_463 = tpu.memref_slice %arg6[%dma_wait3A, %dma_wait3A_461, %dma_wait3A_462] : memref<4x1x25600xf32, #tpu.memory_space<vmem>> -> memref<1x1x25600xf32, #tpu.memory_space<vmem>>
      %dma_wait3A_464 = tpu.memref_squeeze %dma_wait3A_463 : memref<1x1x25600xf32, #tpu.memory_space<vmem>> -> memref<1x25600xf32, #tpu.memory_space<vmem>>
      tpu.wait_dma2 semaphore(%dma_wait3A_458 : memref<!tpu.dma_semaphore, #tpu.memory_space<semaphore_mem>>) src(%dma_wait3A_464 : memref<1x25600xf32, #tpu.memory_space<vmem>>) dst(%dma_wait3A_460 : memref<1x25600xf32, #tpu.memory_space<hbm>>)
    } else {
    }
    %add3A_147 = arith.constant 7 : i32
    %add3A_148 = arith.addi %mul3A_2, %add3A_147 : i32
    %lt3A_149 = arith.constant 512 : i32
    %lt3A_150 = arith.cmpi slt, %add3A_148, %lt3A_149 : i32
    %convert_element_type3A_151 = arith.extui %lt3A_150 : i1 to i32
    %cond3A_152 = arith.constant 0 : i32
    %cond3A_153 = arith.cmpi ne, %convert_element_type3A_151, %cond3A_152 : i32
    scf.if %cond3A_153 {
      %dma_start3A = arith.constant 7 : i32
      %dma_start3A_448 = arith.constant 3 : i32
      %dma_start3A_449 = arith.constant 3 : i32
      %dma_start3A_450 = arith.constant 0 : i32
      %dma_start3A_451 = arith.constant 0 : i32
      %dma_start3A_452 = tpu.memref_slice %arg6[%dma_start3A_448, %dma_start3A_450, %dma_start3A_451] : memref<4x1x25600xf32, #tpu.memory_space<vmem>> -> memref<1x1x25600xf32, #tpu.memory_space<vmem>>
      %dma_start3A_453 = tpu.memref_squeeze %dma_start3A_452 : memref<1x1x25600xf32, #tpu.memory_space<vmem>> -> memref<1x25600xf32, #tpu.memory_space<vmem>>
      %dma_start3A_454 = arith.constant 0 : i32
      %dma_start3A_455 = tpu.memref_slice %arg5[%dma_start3A, %dma_start3A_454] : memref<16x1xi32, #tpu.memory_space<vmem>> -> memref<1x1xi32, #tpu.memory_space<vmem>>
      %dma_start3A_456 = tpu.memref_squeeze %dma_start3A_455 : memref<1x1xi32, #tpu.memory_space<vmem>> -> memref<1xi32, #tpu.memory_space<vmem>>
      %dma_start3A_457 = arith.constant 0 : i32
      %dma_start3A_458 = arith.constant 0 : i32
      %dma_start3A_459 = tpu.memref_slice %arg2[%dma_start3A_457, %dma_start3A_458] : memref<2000x25600xf32, #tpu.memory_space<hbm>> -> memref<2000x25600xf32, #tpu.memory_space<hbm>>
      %dma_start3A_460 = tpu.memref_slice %arg7[%dma_start3A_449] : memref<4x!tpu.dma_semaphore, #tpu.memory_space<semaphore_mem>> -> memref<1x!tpu.dma_semaphore, #tpu.memory_space<semaphore_mem>>
      %dma_start3A_461 = tpu.memref_squeeze %dma_start3A_460 : memref<1x!tpu.dma_semaphore, #tpu.memory_space<semaphore_mem>> -> memref<!tpu.dma_semaphore, #tpu.memory_space<semaphore_mem>>
      tpu.enqueue_indirect_dma source(%dma_start3A_459 : memref<2000x25600xf32, #tpu.memory_space<hbm>>) target(%dma_start3A_453 : memref<1x25600xf32, #tpu.memory_space<vmem>>) offsets(%dma_start3A_456 : memref<1xi32, #tpu.memory_space<vmem>>) semaphore(%dma_start3A_461 : memref<!tpu.dma_semaphore, #tpu.memory_space<semaphore_mem>>)
    } else {
    }
    %add3A_154 = arith.constant 5 : i32
    %add3A_155 = arith.addi %mul3A_2, %add3A_154 : i32
    %lt3A_156 = arith.constant 512 : i32
    %lt3A_157 = arith.cmpi slt, %add3A_155, %lt3A_156 : i32
    %convert_element_type3A_158 = arith.extui %lt3A_157 : i1 to i32
    %cond3A_159 = arith.constant 0 : i32
    %cond3A_160 = arith.cmpi ne, %convert_element_type3A_158, %cond3A_159 : i32
    scf.if %cond3A_160 {
      %dma_wait3A = arith.constant 5 : i32
      %dma_wait3A_448 = arith.constant 1 : i32
      %dma_wait3A_449 = arith.constant 1 : i32
      %dma_wait3A_450 = arith.constant 0 : i32
      %dma_wait3A_451 = arith.constant 0 : i32
      %dma_wait3A_452 = tpu.memref_slice %arg6[%dma_wait3A_448, %dma_wait3A_450, %dma_wait3A_451] : memref<4x1x25600xf32, #tpu.memory_space<vmem>> -> memref<1x1x25600xf32, #tpu.memory_space<vmem>>
      %dma_wait3A_453 = tpu.memref_squeeze %dma_wait3A_452 : memref<1x1x25600xf32, #tpu.memory_space<vmem>> -> memref<1x25600xf32, #tpu.memory_space<vmem>>
      %dma_wait3A_454 = arith.constant 0 : i32
      %dma_wait3A_455 = tpu.memref_slice %arg5[%dma_wait3A, %dma_wait3A_454] : memref<16x1xi32, #tpu.memory_space<vmem>> -> memref<1x1xi32, #tpu.memory_space<vmem>>
      %dma_wait3A_456 = tpu.memref_squeeze %dma_wait3A_455 : memref<1x1xi32, #tpu.memory_space<vmem>> -> memref<1xi32, #tpu.memory_space<vmem>>
      %dma_wait3A_457 = arith.constant 0 : i32
      %dma_wait3A_458 = arith.constant 0 : i32
      %dma_wait3A_459 = tpu.memref_slice %arg2[%dma_wait3A_457, %dma_wait3A_458] : memref<2000x25600xf32, #tpu.memory_space<hbm>> -> memref<2000x25600xf32, #tpu.memory_space<hbm>>
      %dma_wait3A_460 = tpu.memref_slice %arg7[%dma_wait3A_449] : memref<4x!tpu.dma_semaphore, #tpu.memory_space<semaphore_mem>> -> memref<1x!tpu.dma_semaphore, #tpu.memory_space<semaphore_mem>>
      %dma_wait3A_461 = tpu.memref_squeeze %dma_wait3A_460 : memref<1x!tpu.dma_semaphore, #tpu.memory_space<semaphore_mem>> -> memref<!tpu.dma_semaphore, #tpu.memory_space<semaphore_mem>>
      tpu.wait_indirect_dma semaphore(%dma_wait3A_461 : memref<!tpu.dma_semaphore, #tpu.memory_space<semaphore_mem>>) src(%dma_wait3A_459 : memref<2000x25600xf32, #tpu.memory_space<hbm>>) dst(%dma_wait3A_453 : memref<1x25600xf32, #tpu.memory_space<vmem>>)
    } else {
    }
    %add3A_161 = arith.constant 5 : i32
    %add3A_162 = arith.addi %mul3A_2, %add3A_161 : i32
    %lt3A_163 = arith.constant 512 : i32
    %lt3A_164 = arith.cmpi slt, %add3A_162, %lt3A_163 : i32
    %convert_element_type3A_165 = arith.extui %lt3A_164 : i1 to i32
    %cond3A_166 = arith.constant 0 : i32
    %cond3A_167 = arith.cmpi ne, %convert_element_type3A_165, %cond3A_166 : i32
    scf.if %cond3A_167 {
      %add3A_448 = arith.constant 5 : i32
      %add3A_449 = arith.addi %mul3A_2, %add3A_448 : i32
      %dma_start3A = arith.constant 1 : i32
      %dma_start3A_450 = arith.constant 1 : i32
      %dma_start3A_451 = arith.constant 0 : i32
      %dma_start3A_452 = arith.constant 0 : i32
      %dma_start3A_453 = tpu.memref_slice %arg6[%dma_start3A, %dma_start3A_451, %dma_start3A_452] : memref<4x1x25600xf32, #tpu.memory_space<vmem>> -> memref<1x1x25600xf32, #tpu.memory_space<vmem>>
      %dma_start3A_454 = tpu.memref_squeeze %dma_start3A_453 : memref<1x1x25600xf32, #tpu.memory_space<vmem>> -> memref<1x25600xf32, #tpu.memory_space<vmem>>
      %dma_start3A_455 = arith.constant 0 : i32
      %dma_start3A_456 = tpu.memref_slice %arg4[%add3A_449, %dma_start3A_455] : memref<512x25600xf32, #tpu.memory_space<hbm>> -> memref<1x25600xf32, #tpu.memory_space<hbm>>
      %dma_start3A_457 = tpu.memref_slice %arg8[%dma_start3A_450] : memref<4x!tpu.dma_semaphore, #tpu.memory_space<semaphore_mem>> -> memref<1x!tpu.dma_semaphore, #tpu.memory_space<semaphore_mem>>
      %dma_start3A_458 = tpu.memref_squeeze %dma_start3A_457 : memref<1x!tpu.dma_semaphore, #tpu.memory_space<semaphore_mem>> -> memref<!tpu.dma_semaphore, #tpu.memory_space<semaphore_mem>>
      %dma_start3A_459 = arith.constant 0 : i32
      %dma_start3A_460 = tpu.memref_slice %arg4[%add3A_449, %dma_start3A_459] : memref<512x25600xf32, #tpu.memory_space<hbm>> -> memref<1x25600xf32, #tpu.memory_space<hbm>>
      %dma_start3A_461 = arith.constant 0 : i32
      %dma_start3A_462 = arith.constant 0 : i32
      %dma_start3A_463 = tpu.memref_slice %arg6[%dma_start3A, %dma_start3A_461, %dma_start3A_462] : memref<4x1x25600xf32, #tpu.memory_space<vmem>> -> memref<1x1x25600xf32, #tpu.memory_space<vmem>>
      %dma_start3A_464 = tpu.memref_squeeze %dma_start3A_463 : memref<1x1x25600xf32, #tpu.memory_space<vmem>> -> memref<1x25600xf32, #tpu.memory_space<vmem>>
      tpu.enqueue_dma source(%dma_start3A_464 : memref<1x25600xf32, #tpu.memory_space<vmem>>) target(%dma_start3A_460 : memref<1x25600xf32, #tpu.memory_space<hbm>>) target_semaphore(%dma_start3A_458 : memref<!tpu.dma_semaphore, #tpu.memory_space<semaphore_mem>>)
    } else {
    }
    %add3A_168 = arith.constant 4 : i32
    %add3A_169 = arith.addi %mul3A_2, %add3A_168 : i32
    %lt3A_170 = arith.constant 512 : i32
    %lt3A_171 = arith.cmpi slt, %add3A_169, %lt3A_170 : i32
    %convert_element_type3A_172 = arith.extui %lt3A_171 : i1 to i32
    %cond3A_173 = arith.constant 0 : i32
    %cond3A_174 = arith.cmpi ne, %convert_element_type3A_172, %cond3A_173 : i32
    scf.if %cond3A_174 {
      %add3A_448 = arith.constant 4 : i32
      %add3A_449 = arith.addi %mul3A_2, %add3A_448 : i32
      %dma_wait3A = arith.constant 0 : i32
      %dma_wait3A_450 = arith.constant 0 : i32
      %dma_wait3A_451 = arith.constant 0 : i32
      %dma_wait3A_452 = arith.constant 0 : i32
      %dma_wait3A_453 = tpu.memref_slice %arg6[%dma_wait3A, %dma_wait3A_451, %dma_wait3A_452] : memref<4x1x25600xf32, #tpu.memory_space<vmem>> -> memref<1x1x25600xf32, #tpu.memory_space<vmem>>
      %dma_wait3A_454 = tpu.memref_squeeze %dma_wait3A_453 : memref<1x1x25600xf32, #tpu.memory_space<vmem>> -> memref<1x25600xf32, #tpu.memory_space<vmem>>
      %dma_wait3A_455 = arith.constant 0 : i32
      %dma_wait3A_456 = tpu.memref_slice %arg4[%add3A_449, %dma_wait3A_455] : memref<512x25600xf32, #tpu.memory_space<hbm>> -> memref<1x25600xf32, #tpu.memory_space<hbm>>
      %dma_wait3A_457 = tpu.memref_slice %arg8[%dma_wait3A_450] : memref<4x!tpu.dma_semaphore, #tpu.memory_space<semaphore_mem>> -> memref<1x!tpu.dma_semaphore, #tpu.memory_space<semaphore_mem>>
      %dma_wait3A_458 = tpu.memref_squeeze %dma_wait3A_457 : memref<1x!tpu.dma_semaphore, #tpu.memory_space<semaphore_mem>> -> memref<!tpu.dma_semaphore, #tpu.memory_space<semaphore_mem>>
      %dma_wait3A_459 = arith.constant 0 : i32
      %dma_wait3A_460 = tpu.memref_slice %arg4[%add3A_449, %dma_wait3A_459] : memref<512x25600xf32, #tpu.memory_space<hbm>> -> memref<1x25600xf32, #tpu.memory_space<hbm>>
      %dma_wait3A_461 = arith.constant 0 : i32
      %dma_wait3A_462 = arith.constant 0 : i32
      %dma_wait3A_463 = tpu.memref_slice %arg6[%dma_wait3A, %dma_wait3A_461, %dma_wait3A_462] : memref<4x1x25600xf32, #tpu.memory_space<vmem>> -> memref<1x1x25600xf32, #tpu.memory_space<vmem>>
      %dma_wait3A_464 = tpu.memref_squeeze %dma_wait3A_463 : memref<1x1x25600xf32, #tpu.memory_space<vmem>> -> memref<1x25600xf32, #tpu.memory_space<vmem>>
      tpu.wait_dma2 semaphore(%dma_wait3A_458 : memref<!tpu.dma_semaphore, #tpu.memory_space<semaphore_mem>>) src(%dma_wait3A_464 : memref<1x25600xf32, #tpu.memory_space<vmem>>) dst(%dma_wait3A_460 : memref<1x25600xf32, #tpu.memory_space<hbm>>)
    } else {
    }
    %add3A_175 = arith.constant 8 : i32
    %add3A_176 = arith.addi %mul3A_2, %add3A_175 : i32
    %lt3A_177 = arith.constant 512 : i32
    %lt3A_178 = arith.cmpi slt, %add3A_176, %lt3A_177 : i32
    %convert_element_type3A_179 = arith.extui %lt3A_178 : i1 to i32
    %cond3A_180 = arith.constant 0 : i32
    %cond3A_181 = arith.cmpi ne, %convert_element_type3A_179, %cond3A_180 : i32
    scf.if %cond3A_181 {
      %dma_start3A = arith.constant 8 : i32
      %dma_start3A_448 = arith.constant 0 : i32
      %dma_start3A_449 = arith.constant 0 : i32
      %dma_start3A_450 = arith.constant 0 : i32
      %dma_start3A_451 = arith.constant 0 : i32
      %dma_start3A_452 = tpu.memref_slice %arg6[%dma_start3A_448, %dma_start3A_450, %dma_start3A_451] : memref<4x1x25600xf32, #tpu.memory_space<vmem>> -> memref<1x1x25600xf32, #tpu.memory_space<vmem>>
      %dma_start3A_453 = tpu.memref_squeeze %dma_start3A_452 : memref<1x1x25600xf32, #tpu.memory_space<vmem>> -> memref<1x25600xf32, #tpu.memory_space<vmem>>
      %dma_start3A_454 = arith.constant 0 : i32
      %dma_start3A_455 = tpu.memref_slice %arg5[%dma_start3A, %dma_start3A_454] : memref<16x1xi32, #tpu.memory_space<vmem>> -> memref<1x1xi32, #tpu.memory_space<vmem>>
      %dma_start3A_456 = tpu.memref_squeeze %dma_start3A_455 : memref<1x1xi32, #tpu.memory_space<vmem>> -> memref<1xi32, #tpu.memory_space<vmem>>
      %dma_start3A_457 = arith.constant 0 : i32
      %dma_start3A_458 = arith.constant 0 : i32
      %dma_start3A_459 = tpu.memref_slice %arg2[%dma_start3A_457, %dma_start3A_458] : memref<2000x25600xf32, #tpu.memory_space<hbm>> -> memref<2000x25600xf32, #tpu.memory_space<hbm>>
      %dma_start3A_460 = tpu.memref_slice %arg7[%dma_start3A_449] : memref<4x!tpu.dma_semaphore, #tpu.memory_space<semaphore_mem>> -> memref<1x!tpu.dma_semaphore, #tpu.memory_space<semaphore_mem>>
      %dma_start3A_461 = tpu.memref_squeeze %dma_start3A_460 : memref<1x!tpu.dma_semaphore, #tpu.memory_space<semaphore_mem>> -> memref<!tpu.dma_semaphore, #tpu.memory_space<semaphore_mem>>
      tpu.enqueue_indirect_dma source(%dma_start3A_459 : memref<2000x25600xf32, #tpu.memory_space<hbm>>) target(%dma_start3A_453 : memref<1x25600xf32, #tpu.memory_space<vmem>>) offsets(%dma_start3A_456 : memref<1xi32, #tpu.memory_space<vmem>>) semaphore(%dma_start3A_461 : memref<!tpu.dma_semaphore, #tpu.memory_space<semaphore_mem>>)
    } else {
    }
    %add3A_182 = arith.constant 6 : i32
    %add3A_183 = arith.addi %mul3A_2, %add3A_182 : i32
    %lt3A_184 = arith.constant 512 : i32
    %lt3A_185 = arith.cmpi slt, %add3A_183, %lt3A_184 : i32
    %convert_element_type3A_186 = arith.extui %lt3A_185 : i1 to i32
    %cond3A_187 = arith.constant 0 : i32
    %cond3A_188 = arith.cmpi ne, %convert_element_type3A_186, %cond3A_187 : i32
    scf.if %cond3A_188 {
      %dma_wait3A = arith.constant 6 : i32
      %dma_wait3A_448 = arith.constant 2 : i32
      %dma_wait3A_449 = arith.constant 2 : i32
      %dma_wait3A_450 = arith.constant 0 : i32
      %dma_wait3A_451 = arith.constant 0 : i32
      %dma_wait3A_452 = tpu.memref_slice %arg6[%dma_wait3A_448, %dma_wait3A_450, %dma_wait3A_451] : memref<4x1x25600xf32, #tpu.memory_space<vmem>> -> memref<1x1x25600xf32, #tpu.memory_space<vmem>>
      %dma_wait3A_453 = tpu.memref_squeeze %dma_wait3A_452 : memref<1x1x25600xf32, #tpu.memory_space<vmem>> -> memref<1x25600xf32, #tpu.memory_space<vmem>>
      %dma_wait3A_454 = arith.constant 0 : i32
      %dma_wait3A_455 = tpu.memref_slice %arg5[%dma_wait3A, %dma_wait3A_454] : memref<16x1xi32, #tpu.memory_space<vmem>> -> memref<1x1xi32, #tpu.memory_space<vmem>>
      %dma_wait3A_456 = tpu.memref_squeeze %dma_wait3A_455 : memref<1x1xi32, #tpu.memory_space<vmem>> -> memref<1xi32, #tpu.memory_space<vmem>>
      %dma_wait3A_457 = arith.constant 0 : i32
      %dma_wait3A_458 = arith.constant 0 : i32
      %dma_wait3A_459 = tpu.memref_slice %arg2[%dma_wait3A_457, %dma_wait3A_458] : memref<2000x25600xf32, #tpu.memory_space<hbm>> -> memref<2000x25600xf32, #tpu.memory_space<hbm>>
      %dma_wait3A_460 = tpu.memref_slice %arg7[%dma_wait3A_449] : memref<4x!tpu.dma_semaphore, #tpu.memory_space<semaphore_mem>> -> memref<1x!tpu.dma_semaphore, #tpu.memory_space<semaphore_mem>>
      %dma_wait3A_461 = tpu.memref_squeeze %dma_wait3A_460 : memref<1x!tpu.dma_semaphore, #tpu.memory_space<semaphore_mem>> -> memref<!tpu.dma_semaphore, #tpu.memory_space<semaphore_mem>>
      tpu.wait_indirect_dma semaphore(%dma_wait3A_461 : memref<!tpu.dma_semaphore, #tpu.memory_space<semaphore_mem>>) src(%dma_wait3A_459 : memref<2000x25600xf32, #tpu.memory_space<hbm>>) dst(%dma_wait3A_453 : memref<1x25600xf32, #tpu.memory_space<vmem>>)
    } else {
    }
    %add3A_189 = arith.constant 6 : i32
    %add3A_190 = arith.addi %mul3A_2, %add3A_189 : i32
    %lt3A_191 = arith.constant 512 : i32
    %lt3A_192 = arith.cmpi slt, %add3A_190, %lt3A_191 : i32
    %convert_element_type3A_193 = arith.extui %lt3A_192 : i1 to i32
    %cond3A_194 = arith.constant 0 : i32
    %cond3A_195 = arith.cmpi ne, %convert_element_type3A_193, %cond3A_194 : i32
    scf.if %cond3A_195 {
      %add3A_448 = arith.constant 6 : i32
      %add3A_449 = arith.addi %mul3A_2, %add3A_448 : i32
      %dma_start3A = arith.constant 2 : i32
      %dma_start3A_450 = arith.constant 2 : i32
      %dma_start3A_451 = arith.constant 0 : i32
      %dma_start3A_452 = arith.constant 0 : i32
      %dma_start3A_453 = tpu.memref_slice %arg6[%dma_start3A, %dma_start3A_451, %dma_start3A_452] : memref<4x1x25600xf32, #tpu.memory_space<vmem>> -> memref<1x1x25600xf32, #tpu.memory_space<vmem>>
      %dma_start3A_454 = tpu.memref_squeeze %dma_start3A_453 : memref<1x1x25600xf32, #tpu.memory_space<vmem>> -> memref<1x25600xf32, #tpu.memory_space<vmem>>
      %dma_start3A_455 = arith.constant 0 : i32
      %dma_start3A_456 = tpu.memref_slice %arg4[%add3A_449, %dma_start3A_455] : memref<512x25600xf32, #tpu.memory_space<hbm>> -> memref<1x25600xf32, #tpu.memory_space<hbm>>
      %dma_start3A_457 = tpu.memref_slice %arg8[%dma_start3A_450] : memref<4x!tpu.dma_semaphore, #tpu.memory_space<semaphore_mem>> -> memref<1x!tpu.dma_semaphore, #tpu.memory_space<semaphore_mem>>
      %dma_start3A_458 = tpu.memref_squeeze %dma_start3A_457 : memref<1x!tpu.dma_semaphore, #tpu.memory_space<semaphore_mem>> -> memref<!tpu.dma_semaphore, #tpu.memory_space<semaphore_mem>>
      %dma_start3A_459 = arith.constant 0 : i32
      %dma_start3A_460 = tpu.memref_slice %arg4[%add3A_449, %dma_start3A_459] : memref<512x25600xf32, #tpu.memory_space<hbm>> -> memref<1x25600xf32, #tpu.memory_space<hbm>>
      %dma_start3A_461 = arith.constant 0 : i32
      %dma_start3A_462 = arith.constant 0 : i32
      %dma_start3A_463 = tpu.memref_slice %arg6[%dma_start3A, %dma_start3A_461, %dma_start3A_462] : memref<4x1x25600xf32, #tpu.memory_space<vmem>> -> memref<1x1x25600xf32, #tpu.memory_space<vmem>>
      %dma_start3A_464 = tpu.memref_squeeze %dma_start3A_463 : memref<1x1x25600xf32, #tpu.memory_space<vmem>> -> memref<1x25600xf32, #tpu.memory_space<vmem>>
      tpu.enqueue_dma source(%dma_start3A_464 : memref<1x25600xf32, #tpu.memory_space<vmem>>) target(%dma_start3A_460 : memref<1x25600xf32, #tpu.memory_space<hbm>>) target_semaphore(%dma_start3A_458 : memref<!tpu.dma_semaphore, #tpu.memory_space<semaphore_mem>>)
    } else {
    }
    %add3A_196 = arith.constant 5 : i32
    %add3A_197 = arith.addi %mul3A_2, %add3A_196 : i32
    %lt3A_198 = arith.constant 512 : i32
    %lt3A_199 = arith.cmpi slt, %add3A_197, %lt3A_198 : i32
    %convert_element_type3A_200 = arith.extui %lt3A_199 : i1 to i32
    %cond3A_201 = arith.constant 0 : i32
    %cond3A_202 = arith.cmpi ne, %convert_element_type3A_200, %cond3A_201 : i32
    scf.if %cond3A_202 {
      %add3A_448 = arith.constant 5 : i32
      %add3A_449 = arith.addi %mul3A_2, %add3A_448 : i32
      %dma_wait3A = arith.constant 1 : i32
      %dma_wait3A_450 = arith.constant 1 : i32
      %dma_wait3A_451 = arith.constant 0 : i32
      %dma_wait3A_452 = arith.constant 0 : i32
      %dma_wait3A_453 = tpu.memref_slice %arg6[%dma_wait3A, %dma_wait3A_451, %dma_wait3A_452] : memref<4x1x25600xf32, #tpu.memory_space<vmem>> -> memref<1x1x25600xf32, #tpu.memory_space<vmem>>
      %dma_wait3A_454 = tpu.memref_squeeze %dma_wait3A_453 : memref<1x1x25600xf32, #tpu.memory_space<vmem>> -> memref<1x25600xf32, #tpu.memory_space<vmem>>
      %dma_wait3A_455 = arith.constant 0 : i32
      %dma_wait3A_456 = tpu.memref_slice %arg4[%add3A_449, %dma_wait3A_455] : memref<512x25600xf32, #tpu.memory_space<hbm>> -> memref<1x25600xf32, #tpu.memory_space<hbm>>
      %dma_wait3A_457 = tpu.memref_slice %arg8[%dma_wait3A_450] : memref<4x!tpu.dma_semaphore, #tpu.memory_space<semaphore_mem>> -> memref<1x!tpu.dma_semaphore, #tpu.memory_space<semaphore_mem>>
      %dma_wait3A_458 = tpu.memref_squeeze %dma_wait3A_457 : memref<1x!tpu.dma_semaphore, #tpu.memory_space<semaphore_mem>> -> memref<!tpu.dma_semaphore, #tpu.memory_space<semaphore_mem>>
      %dma_wait3A_459 = arith.constant 0 : i32
      %dma_wait3A_460 = tpu.memref_slice %arg4[%add3A_449, %dma_wait3A_459] : memref<512x25600xf32, #tpu.memory_space<hbm>> -> memref<1x25600xf32, #tpu.memory_space<hbm>>
      %dma_wait3A_461 = arith.constant 0 : i32
      %dma_wait3A_462 = arith.constant 0 : i32
      %dma_wait3A_463 = tpu.memref_slice %arg6[%dma_wait3A, %dma_wait3A_461, %dma_wait3A_462] : memref<4x1x25600xf32, #tpu.memory_space<vmem>> -> memref<1x1x25600xf32, #tpu.memory_space<vmem>>
      %dma_wait3A_464 = tpu.memref_squeeze %dma_wait3A_463 : memref<1x1x25600xf32, #tpu.memory_space<vmem>> -> memref<1x25600xf32, #tpu.memory_space<vmem>>
      tpu.wait_dma2 semaphore(%dma_wait3A_458 : memref<!tpu.dma_semaphore, #tpu.memory_space<semaphore_mem>>) src(%dma_wait3A_464 : memref<1x25600xf32, #tpu.memory_space<vmem>>) dst(%dma_wait3A_460 : memref<1x25600xf32, #tpu.memory_space<hbm>>)
    } else {
    }
    %add3A_203 = arith.constant 9 : i32
    %add3A_204 = arith.addi %mul3A_2, %add3A_203 : i32
    %lt3A_205 = arith.constant 512 : i32
    %lt3A_206 = arith.cmpi slt, %add3A_204, %lt3A_205 : i32
    %convert_element_type3A_207 = arith.extui %lt3A_206 : i1 to i32
    %cond3A_208 = arith.constant 0 : i32
    %cond3A_209 = arith.cmpi ne, %convert_element_type3A_207, %cond3A_208 : i32
    scf.if %cond3A_209 {
      %dma_start3A = arith.constant 9 : i32
      %dma_start3A_448 = arith.constant 1 : i32
      %dma_start3A_449 = arith.constant 1 : i32
      %dma_start3A_450 = arith.constant 0 : i32
      %dma_start3A_451 = arith.constant 0 : i32
      %dma_start3A_452 = tpu.memref_slice %arg6[%dma_start3A_448, %dma_start3A_450, %dma_start3A_451] : memref<4x1x25600xf32, #tpu.memory_space<vmem>> -> memref<1x1x25600xf32, #tpu.memory_space<vmem>>
      %dma_start3A_453 = tpu.memref_squeeze %dma_start3A_452 : memref<1x1x25600xf32, #tpu.memory_space<vmem>> -> memref<1x25600xf32, #tpu.memory_space<vmem>>
      %dma_start3A_454 = arith.constant 0 : i32
      %dma_start3A_455 = tpu.memref_slice %arg5[%dma_start3A, %dma_start3A_454] : memref<16x1xi32, #tpu.memory_space<vmem>> -> memref<1x1xi32, #tpu.memory_space<vmem>>
      %dma_start3A_456 = tpu.memref_squeeze %dma_start3A_455 : memref<1x1xi32, #tpu.memory_space<vmem>> -> memref<1xi32, #tpu.memory_space<vmem>>
      %dma_start3A_457 = arith.constant 0 : i32
      %dma_start3A_458 = arith.constant 0 : i32
      %dma_start3A_459 = tpu.memref_slice %arg2[%dma_start3A_457, %dma_start3A_458] : memref<2000x25600xf32, #tpu.memory_space<hbm>> -> memref<2000x25600xf32, #tpu.memory_space<hbm>>
      %dma_start3A_460 = tpu.memref_slice %arg7[%dma_start3A_449] : memref<4x!tpu.dma_semaphore, #tpu.memory_space<semaphore_mem>> -> memref<1x!tpu.dma_semaphore, #tpu.memory_space<semaphore_mem>>
      %dma_start3A_461 = tpu.memref_squeeze %dma_start3A_460 : memref<1x!tpu.dma_semaphore, #tpu.memory_space<semaphore_mem>> -> memref<!tpu.dma_semaphore, #tpu.memory_space<semaphore_mem>>
      tpu.enqueue_indirect_dma source(%dma_start3A_459 : memref<2000x25600xf32, #tpu.memory_space<hbm>>) target(%dma_start3A_453 : memref<1x25600xf32, #tpu.memory_space<vmem>>) offsets(%dma_start3A_456 : memref<1xi32, #tpu.memory_space<vmem>>) semaphore(%dma_start3A_461 : memref<!tpu.dma_semaphore, #tpu.memory_space<semaphore_mem>>)
    } else {
    }
    %add3A_210 = arith.constant 7 : i32
    %add3A_211 = arith.addi %mul3A_2, %add3A_210 : i32
    %lt3A_212 = arith.constant 512 : i32
    %lt3A_213 = arith.cmpi slt, %add3A_211, %lt3A_212 : i32
    %convert_element_type3A_214 = arith.extui %lt3A_213 : i1 to i32
    %cond3A_215 = arith.constant 0 : i32
    %cond3A_216 = arith.cmpi ne, %convert_element_type3A_214, %cond3A_215 : i32
    scf.if %cond3A_216 {
      %dma_wait3A = arith.constant 7 : i32
      %dma_wait3A_448 = arith.constant 3 : i32
      %dma_wait3A_449 = arith.constant 3 : i32
      %dma_wait3A_450 = arith.constant 0 : i32
      %dma_wait3A_451 = arith.constant 0 : i32
      %dma_wait3A_452 = tpu.memref_slice %arg6[%dma_wait3A_448, %dma_wait3A_450, %dma_wait3A_451] : memref<4x1x25600xf32, #tpu.memory_space<vmem>> -> memref<1x1x25600xf32, #tpu.memory_space<vmem>>
      %dma_wait3A_453 = tpu.memref_squeeze %dma_wait3A_452 : memref<1x1x25600xf32, #tpu.memory_space<vmem>> -> memref<1x25600xf32, #tpu.memory_space<vmem>>
      %dma_wait3A_454 = arith.constant 0 : i32
      %dma_wait3A_455 = tpu.memref_slice %arg5[%dma_wait3A, %dma_wait3A_454] : memref<16x1xi32, #tpu.memory_space<vmem>> -> memref<1x1xi32, #tpu.memory_space<vmem>>
      %dma_wait3A_456 = tpu.memref_squeeze %dma_wait3A_455 : memref<1x1xi32, #tpu.memory_space<vmem>> -> memref<1xi32, #tpu.memory_space<vmem>>
      %dma_wait3A_457 = arith.constant 0 : i32
      %dma_wait3A_458 = arith.constant 0 : i32
      %dma_wait3A_459 = tpu.memref_slice %arg2[%dma_wait3A_457, %dma_wait3A_458] : memref<2000x25600xf32, #tpu.memory_space<hbm>> -> memref<2000x25600xf32, #tpu.memory_space<hbm>>
      %dma_wait3A_460 = tpu.memref_slice %arg7[%dma_wait3A_449] : memref<4x!tpu.dma_semaphore, #tpu.memory_space<semaphore_mem>> -> memref<1x!tpu.dma_semaphore, #tpu.memory_space<semaphore_mem>>
      %dma_wait3A_461 = tpu.memref_squeeze %dma_wait3A_460 : memref<1x!tpu.dma_semaphore, #tpu.memory_space<semaphore_mem>> -> memref<!tpu.dma_semaphore, #tpu.memory_space<semaphore_mem>>
      tpu.wait_indirect_dma semaphore(%dma_wait3A_461 : memref<!tpu.dma_semaphore, #tpu.memory_space<semaphore_mem>>) src(%dma_wait3A_459 : memref<2000x25600xf32, #tpu.memory_space<hbm>>) dst(%dma_wait3A_453 : memref<1x25600xf32, #tpu.memory_space<vmem>>)
    } else {
    }
    %add3A_217 = arith.constant 7 : i32
    %add3A_218 = arith.addi %mul3A_2, %add3A_217 : i32
    %lt3A_219 = arith.constant 512 : i32
    %lt3A_220 = arith.cmpi slt, %add3A_218, %lt3A_219 : i32
    %convert_element_type3A_221 = arith.extui %lt3A_220 : i1 to i32
    %cond3A_222 = arith.constant 0 : i32
    %cond3A_223 = arith.cmpi ne, %convert_element_type3A_221, %cond3A_222 : i32
    scf.if %cond3A_223 {
      %add3A_448 = arith.constant 7 : i32
      %add3A_449 = arith.addi %mul3A_2, %add3A_448 : i32
      %dma_start3A = arith.constant 3 : i32
      %dma_start3A_450 = arith.constant 3 : i32
      %dma_start3A_451 = arith.constant 0 : i32
      %dma_start3A_452 = arith.constant 0 : i32
      %dma_start3A_453 = tpu.memref_slice %arg6[%dma_start3A, %dma_start3A_451, %dma_start3A_452] : memref<4x1x25600xf32, #tpu.memory_space<vmem>> -> memref<1x1x25600xf32, #tpu.memory_space<vmem>>
      %dma_start3A_454 = tpu.memref_squeeze %dma_start3A_453 : memref<1x1x25600xf32, #tpu.memory_space<vmem>> -> memref<1x25600xf32, #tpu.memory_space<vmem>>
      %dma_start3A_455 = arith.constant 0 : i32
      %dma_start3A_456 = tpu.memref_slice %arg4[%add3A_449, %dma_start3A_455] : memref<512x25600xf32, #tpu.memory_space<hbm>> -> memref<1x25600xf32, #tpu.memory_space<hbm>>
      %dma_start3A_457 = tpu.memref_slice %arg8[%dma_start3A_450] : memref<4x!tpu.dma_semaphore, #tpu.memory_space<semaphore_mem>> -> memref<1x!tpu.dma_semaphore, #tpu.memory_space<semaphore_mem>>
      %dma_start3A_458 = tpu.memref_squeeze %dma_start3A_457 : memref<1x!tpu.dma_semaphore, #tpu.memory_space<semaphore_mem>> -> memref<!tpu.dma_semaphore, #tpu.memory_space<semaphore_mem>>
      %dma_start3A_459 = arith.constant 0 : i32
      %dma_start3A_460 = tpu.memref_slice %arg4[%add3A_449, %dma_start3A_459] : memref<512x25600xf32, #tpu.memory_space<hbm>> -> memref<1x25600xf32, #tpu.memory_space<hbm>>
      %dma_start3A_461 = arith.constant 0 : i32
      %dma_start3A_462 = arith.constant 0 : i32
      %dma_start3A_463 = tpu.memref_slice %arg6[%dma_start3A, %dma_start3A_461, %dma_start3A_462] : memref<4x1x25600xf32, #tpu.memory_space<vmem>> -> memref<1x1x25600xf32, #tpu.memory_space<vmem>>
      %dma_start3A_464 = tpu.memref_squeeze %dma_start3A_463 : memref<1x1x25600xf32, #tpu.memory_space<vmem>> -> memref<1x25600xf32, #tpu.memory_space<vmem>>
      tpu.enqueue_dma source(%dma_start3A_464 : memref<1x25600xf32, #tpu.memory_space<vmem>>) target(%dma_start3A_460 : memref<1x25600xf32, #tpu.memory_space<hbm>>) target_semaphore(%dma_start3A_458 : memref<!tpu.dma_semaphore, #tpu.memory_space<semaphore_mem>>)
    } else {
    }
    %add3A_224 = arith.constant 6 : i32
    %add3A_225 = arith.addi %mul3A_2, %add3A_224 : i32
    %lt3A_226 = arith.constant 512 : i32
    %lt3A_227 = arith.cmpi slt, %add3A_225, %lt3A_226 : i32
    %convert_element_type3A_228 = arith.extui %lt3A_227 : i1 to i32
    %cond3A_229 = arith.constant 0 : i32
    %cond3A_230 = arith.cmpi ne, %convert_element_type3A_228, %cond3A_229 : i32
    scf.if %cond3A_230 {
      %add3A_448 = arith.constant 6 : i32
      %add3A_449 = arith.addi %mul3A_2, %add3A_448 : i32
      %dma_wait3A = arith.constant 2 : i32
      %dma_wait3A_450 = arith.constant 2 : i32
      %dma_wait3A_451 = arith.constant 0 : i32
      %dma_wait3A_452 = arith.constant 0 : i32
      %dma_wait3A_453 = tpu.memref_slice %arg6[%dma_wait3A, %dma_wait3A_451, %dma_wait3A_452] : memref<4x1x25600xf32, #tpu.memory_space<vmem>> -> memref<1x1x25600xf32, #tpu.memory_space<vmem>>
      %dma_wait3A_454 = tpu.memref_squeeze %dma_wait3A_453 : memref<1x1x25600xf32, #tpu.memory_space<vmem>> -> memref<1x25600xf32, #tpu.memory_space<vmem>>
      %dma_wait3A_455 = arith.constant 0 : i32
      %dma_wait3A_456 = tpu.memref_slice %arg4[%add3A_449, %dma_wait3A_455] : memref<512x25600xf32, #tpu.memory_space<hbm>> -> memref<1x25600xf32, #tpu.memory_space<hbm>>
      %dma_wait3A_457 = tpu.memref_slice %arg8[%dma_wait3A_450] : memref<4x!tpu.dma_semaphore, #tpu.memory_space<semaphore_mem>> -> memref<1x!tpu.dma_semaphore, #tpu.memory_space<semaphore_mem>>
      %dma_wait3A_458 = tpu.memref_squeeze %dma_wait3A_457 : memref<1x!tpu.dma_semaphore, #tpu.memory_space<semaphore_mem>> -> memref<!tpu.dma_semaphore, #tpu.memory_space<semaphore_mem>>
      %dma_wait3A_459 = arith.constant 0 : i32
      %dma_wait3A_460 = tpu.memref_slice %arg4[%add3A_449, %dma_wait3A_459] : memref<512x25600xf32, #tpu.memory_space<hbm>> -> memref<1x25600xf32, #tpu.memory_space<hbm>>
      %dma_wait3A_461 = arith.constant 0 : i32
      %dma_wait3A_462 = arith.constant 0 : i32
      %dma_wait3A_463 = tpu.memref_slice %arg6[%dma_wait3A, %dma_wait3A_461, %dma_wait3A_462] : memref<4x1x25600xf32, #tpu.memory_space<vmem>> -> memref<1x1x25600xf32, #tpu.memory_space<vmem>>
      %dma_wait3A_464 = tpu.memref_squeeze %dma_wait3A_463 : memref<1x1x25600xf32, #tpu.memory_space<vmem>> -> memref<1x25600xf32, #tpu.memory_space<vmem>>
      tpu.wait_dma2 semaphore(%dma_wait3A_458 : memref<!tpu.dma_semaphore, #tpu.memory_space<semaphore_mem>>) src(%dma_wait3A_464 : memref<1x25600xf32, #tpu.memory_space<vmem>>) dst(%dma_wait3A_460 : memref<1x25600xf32, #tpu.memory_space<hbm>>)
    } else {
    }
    %add3A_231 = arith.constant 10 : i32
    %add3A_232 = arith.addi %mul3A_2, %add3A_231 : i32
    %lt3A_233 = arith.constant 512 : i32
    %lt3A_234 = arith.cmpi slt, %add3A_232, %lt3A_233 : i32
    %convert_element_type3A_235 = arith.extui %lt3A_234 : i1 to i32
    %cond3A_236 = arith.constant 0 : i32
    %cond3A_237 = arith.cmpi ne, %convert_element_type3A_235, %cond3A_236 : i32
    scf.if %cond3A_237 {
      %dma_start3A = arith.constant 10 : i32
      %dma_start3A_448 = arith.constant 2 : i32
      %dma_start3A_449 = arith.constant 2 : i32
      %dma_start3A_450 = arith.constant 0 : i32
      %dma_start3A_451 = arith.constant 0 : i32
      %dma_start3A_452 = tpu.memref_slice %arg6[%dma_start3A_448, %dma_start3A_450, %dma_start3A_451] : memref<4x1x25600xf32, #tpu.memory_space<vmem>> -> memref<1x1x25600xf32, #tpu.memory_space<vmem>>
      %dma_start3A_453 = tpu.memref_squeeze %dma_start3A_452 : memref<1x1x25600xf32, #tpu.memory_space<vmem>> -> memref<1x25600xf32, #tpu.memory_space<vmem>>
      %dma_start3A_454 = arith.constant 0 : i32
      %dma_start3A_455 = tpu.memref_slice %arg5[%dma_start3A, %dma_start3A_454] : memref<16x1xi32, #tpu.memory_space<vmem>> -> memref<1x1xi32, #tpu.memory_space<vmem>>
      %dma_start3A_456 = tpu.memref_squeeze %dma_start3A_455 : memref<1x1xi32, #tpu.memory_space<vmem>> -> memref<1xi32, #tpu.memory_space<vmem>>
      %dma_start3A_457 = arith.constant 0 : i32
      %dma_start3A_458 = arith.constant 0 : i32
      %dma_start3A_459 = tpu.memref_slice %arg2[%dma_start3A_457, %dma_start3A_458] : memref<2000x25600xf32, #tpu.memory_space<hbm>> -> memref<2000x25600xf32, #tpu.memory_space<hbm>>
      %dma_start3A_460 = tpu.memref_slice %arg7[%dma_start3A_449] : memref<4x!tpu.dma_semaphore, #tpu.memory_space<semaphore_mem>> -> memref<1x!tpu.dma_semaphore, #tpu.memory_space<semaphore_mem>>
      %dma_start3A_461 = tpu.memref_squeeze %dma_start3A_460 : memref<1x!tpu.dma_semaphore, #tpu.memory_space<semaphore_mem>> -> memref<!tpu.dma_semaphore, #tpu.memory_space<semaphore_mem>>
      tpu.enqueue_indirect_dma source(%dma_start3A_459 : memref<2000x25600xf32, #tpu.memory_space<hbm>>) target(%dma_start3A_453 : memref<1x25600xf32, #tpu.memory_space<vmem>>) offsets(%dma_start3A_456 : memref<1xi32, #tpu.memory_space<vmem>>) semaphore(%dma_start3A_461 : memref<!tpu.dma_semaphore, #tpu.memory_space<semaphore_mem>>)
    } else {
    }
    %add3A_238 = arith.constant 8 : i32
    %add3A_239 = arith.addi %mul3A_2, %add3A_238 : i32
    %lt3A_240 = arith.constant 512 : i32
    %lt3A_241 = arith.cmpi slt, %add3A_239, %lt3A_240 : i32
    %convert_element_type3A_242 = arith.extui %lt3A_241 : i1 to i32
    %cond3A_243 = arith.constant 0 : i32
    %cond3A_244 = arith.cmpi ne, %convert_element_type3A_242, %cond3A_243 : i32
    scf.if %cond3A_244 {
      %dma_wait3A = arith.constant 8 : i32
      %dma_wait3A_448 = arith.constant 0 : i32
      %dma_wait3A_449 = arith.constant 0 : i32
      %dma_wait3A_450 = arith.constant 0 : i32
      %dma_wait3A_451 = arith.constant 0 : i32
      %dma_wait3A_452 = tpu.memref_slice %arg6[%dma_wait3A_448, %dma_wait3A_450, %dma_wait3A_451] : memref<4x1x25600xf32, #tpu.memory_space<vmem>> -> memref<1x1x25600xf32, #tpu.memory_space<vmem>>
      %dma_wait3A_453 = tpu.memref_squeeze %dma_wait3A_452 : memref<1x1x25600xf32, #tpu.memory_space<vmem>> -> memref<1x25600xf32, #tpu.memory_space<vmem>>
      %dma_wait3A_454 = arith.constant 0 : i32
      %dma_wait3A_455 = tpu.memref_slice %arg5[%dma_wait3A, %dma_wait3A_454] : memref<16x1xi32, #tpu.memory_space<vmem>> -> memref<1x1xi32, #tpu.memory_space<vmem>>
      %dma_wait3A_456 = tpu.memref_squeeze %dma_wait3A_455 : memref<1x1xi32, #tpu.memory_space<vmem>> -> memref<1xi32, #tpu.memory_space<vmem>>
      %dma_wait3A_457 = arith.constant 0 : i32
      %dma_wait3A_458 = arith.constant 0 : i32
      %dma_wait3A_459 = tpu.memref_slice %arg2[%dma_wait3A_457, %dma_wait3A_458] : memref<2000x25600xf32, #tpu.memory_space<hbm>> -> memref<2000x25600xf32, #tpu.memory_space<hbm>>
      %dma_wait3A_460 = tpu.memref_slice %arg7[%dma_wait3A_449] : memref<4x!tpu.dma_semaphore, #tpu.memory_space<semaphore_mem>> -> memref<1x!tpu.dma_semaphore, #tpu.memory_space<semaphore_mem>>
      %dma_wait3A_461 = tpu.memref_squeeze %dma_wait3A_460 : memref<1x!tpu.dma_semaphore, #tpu.memory_space<semaphore_mem>> -> memref<!tpu.dma_semaphore, #tpu.memory_space<semaphore_mem>>
      tpu.wait_indirect_dma semaphore(%dma_wait3A_461 : memref<!tpu.dma_semaphore, #tpu.memory_space<semaphore_mem>>) src(%dma_wait3A_459 : memref<2000x25600xf32, #tpu.memory_space<hbm>>) dst(%dma_wait3A_453 : memref<1x25600xf32, #tpu.memory_space<vmem>>)
    } else {
    }
    %add3A_245 = arith.constant 8 : i32
    %add3A_246 = arith.addi %mul3A_2, %add3A_245 : i32
    %lt3A_247 = arith.constant 512 : i32
    %lt3A_248 = arith.cmpi slt, %add3A_246, %lt3A_247 : i32
    %convert_element_type3A_249 = arith.extui %lt3A_248 : i1 to i32
    %cond3A_250 = arith.constant 0 : i32
    %cond3A_251 = arith.cmpi ne, %convert_element_type3A_249, %cond3A_250 : i32
    scf.if %cond3A_251 {
      %add3A_448 = arith.constant 8 : i32
      %add3A_449 = arith.addi %mul3A_2, %add3A_448 : i32
      %dma_start3A = arith.constant 0 : i32
      %dma_start3A_450 = arith.constant 0 : i32
      %dma_start3A_451 = arith.constant 0 : i32
      %dma_start3A_452 = arith.constant 0 : i32
      %dma_start3A_453 = tpu.memref_slice %arg6[%dma_start3A, %dma_start3A_451, %dma_start3A_452] : memref<4x1x25600xf32, #tpu.memory_space<vmem>> -> memref<1x1x25600xf32, #tpu.memory_space<vmem>>
      %dma_start3A_454 = tpu.memref_squeeze %dma_start3A_453 : memref<1x1x25600xf32, #tpu.memory_space<vmem>> -> memref<1x25600xf32, #tpu.memory_space<vmem>>
      %dma_start3A_455 = arith.constant 0 : i32
      %dma_start3A_456 = tpu.memref_slice %arg4[%add3A_449, %dma_start3A_455] : memref<512x25600xf32, #tpu.memory_space<hbm>> -> memref<1x25600xf32, #tpu.memory_space<hbm>>
      %dma_start3A_457 = tpu.memref_slice %arg8[%dma_start3A_450] : memref<4x!tpu.dma_semaphore, #tpu.memory_space<semaphore_mem>> -> memref<1x!tpu.dma_semaphore, #tpu.memory_space<semaphore_mem>>
      %dma_start3A_458 = tpu.memref_squeeze %dma_start3A_457 : memref<1x!tpu.dma_semaphore, #tpu.memory_space<semaphore_mem>> -> memref<!tpu.dma_semaphore, #tpu.memory_space<semaphore_mem>>
      %dma_start3A_459 = arith.constant 0 : i32
      %dma_start3A_460 = tpu.memref_slice %arg4[%add3A_449, %dma_start3A_459] : memref<512x25600xf32, #tpu.memory_space<hbm>> -> memref<1x25600xf32, #tpu.memory_space<hbm>>
      %dma_start3A_461 = arith.constant 0 : i32
      %dma_start3A_462 = arith.constant 0 : i32
      %dma_start3A_463 = tpu.memref_slice %arg6[%dma_start3A, %dma_start3A_461, %dma_start3A_462] : memref<4x1x25600xf32, #tpu.memory_space<vmem>> -> memref<1x1x25600xf32, #tpu.memory_space<vmem>>
      %dma_start3A_464 = tpu.memref_squeeze %dma_start3A_463 : memref<1x1x25600xf32, #tpu.memory_space<vmem>> -> memref<1x25600xf32, #tpu.memory_space<vmem>>
      tpu.enqueue_dma source(%dma_start3A_464 : memref<1x25600xf32, #tpu.memory_space<vmem>>) target(%dma_start3A_460 : memref<1x25600xf32, #tpu.memory_space<hbm>>) target_semaphore(%dma_start3A_458 : memref<!tpu.dma_semaphore, #tpu.memory_space<semaphore_mem>>)
    } else {
    }
    %add3A_252 = arith.constant 7 : i32
    %add3A_253 = arith.addi %mul3A_2, %add3A_252 : i32
    %lt3A_254 = arith.constant 512 : i32
    %lt3A_255 = arith.cmpi slt, %add3A_253, %lt3A_254 : i32
    %convert_element_type3A_256 = arith.extui %lt3A_255 : i1 to i32
    %cond3A_257 = arith.constant 0 : i32
    %cond3A_258 = arith.cmpi ne, %convert_element_type3A_256, %cond3A_257 : i32
    scf.if %cond3A_258 {
      %add3A_448 = arith.constant 7 : i32
      %add3A_449 = arith.addi %mul3A_2, %add3A_448 : i32
      %dma_wait3A = arith.constant 3 : i32
      %dma_wait3A_450 = arith.constant 3 : i32
      %dma_wait3A_451 = arith.constant 0 : i32
      %dma_wait3A_452 = arith.constant 0 : i32
      %dma_wait3A_453 = tpu.memref_slice %arg6[%dma_wait3A, %dma_wait3A_451, %dma_wait3A_452] : memref<4x1x25600xf32, #tpu.memory_space<vmem>> -> memref<1x1x25600xf32, #tpu.memory_space<vmem>>
      %dma_wait3A_454 = tpu.memref_squeeze %dma_wait3A_453 : memref<1x1x25600xf32, #tpu.memory_space<vmem>> -> memref<1x25600xf32, #tpu.memory_space<vmem>>
      %dma_wait3A_455 = arith.constant 0 : i32
      %dma_wait3A_456 = tpu.memref_slice %arg4[%add3A_449, %dma_wait3A_455] : memref<512x25600xf32, #tpu.memory_space<hbm>> -> memref<1x25600xf32, #tpu.memory_space<hbm>>
      %dma_wait3A_457 = tpu.memref_slice %arg8[%dma_wait3A_450] : memref<4x!tpu.dma_semaphore, #tpu.memory_space<semaphore_mem>> -> memref<1x!tpu.dma_semaphore, #tpu.memory_space<semaphore_mem>>
      %dma_wait3A_458 = tpu.memref_squeeze %dma_wait3A_457 : memref<1x!tpu.dma_semaphore, #tpu.memory_space<semaphore_mem>> -> memref<!tpu.dma_semaphore, #tpu.memory_space<semaphore_mem>>
      %dma_wait3A_459 = arith.constant 0 : i32
      %dma_wait3A_460 = tpu.memref_slice %arg4[%add3A_449, %dma_wait3A_459] : memref<512x25600xf32, #tpu.memory_space<hbm>> -> memref<1x25600xf32, #tpu.memory_space<hbm>>
      %dma_wait3A_461 = arith.constant 0 : i32
      %dma_wait3A_462 = arith.constant 0 : i32
      %dma_wait3A_463 = tpu.memref_slice %arg6[%dma_wait3A, %dma_wait3A_461, %dma_wait3A_462] : memref<4x1x25600xf32, #tpu.memory_space<vmem>> -> memref<1x1x25600xf32, #tpu.memory_space<vmem>>
      %dma_wait3A_464 = tpu.memref_squeeze %dma_wait3A_463 : memref<1x1x25600xf32, #tpu.memory_space<vmem>> -> memref<1x25600xf32, #tpu.memory_space<vmem>>
      tpu.wait_dma2 semaphore(%dma_wait3A_458 : memref<!tpu.dma_semaphore, #tpu.memory_space<semaphore_mem>>) src(%dma_wait3A_464 : memref<1x25600xf32, #tpu.memory_space<vmem>>) dst(%dma_wait3A_460 : memref<1x25600xf32, #tpu.memory_space<hbm>>)
    } else {
    }
    %add3A_259 = arith.constant 11 : i32
    %add3A_260 = arith.addi %mul3A_2, %add3A_259 : i32
    %lt3A_261 = arith.constant 512 : i32
    %lt3A_262 = arith.cmpi slt, %add3A_260, %lt3A_261 : i32
    %convert_element_type3A_263 = arith.extui %lt3A_262 : i1 to i32
    %cond3A_264 = arith.constant 0 : i32
    %cond3A_265 = arith.cmpi ne, %convert_element_type3A_263, %cond3A_264 : i32
    scf.if %cond3A_265 {
      %dma_start3A = arith.constant 11 : i32
      %dma_start3A_448 = arith.constant 3 : i32
      %dma_start3A_449 = arith.constant 3 : i32
      %dma_start3A_450 = arith.constant 0 : i32
      %dma_start3A_451 = arith.constant 0 : i32
      %dma_start3A_452 = tpu.memref_slice %arg6[%dma_start3A_448, %dma_start3A_450, %dma_start3A_451] : memref<4x1x25600xf32, #tpu.memory_space<vmem>> -> memref<1x1x25600xf32, #tpu.memory_space<vmem>>
      %dma_start3A_453 = tpu.memref_squeeze %dma_start3A_452 : memref<1x1x25600xf32, #tpu.memory_space<vmem>> -> memref<1x25600xf32, #tpu.memory_space<vmem>>
      %dma_start3A_454 = arith.constant 0 : i32
      %dma_start3A_455 = tpu.memref_slice %arg5[%dma_start3A, %dma_start3A_454] : memref<16x1xi32, #tpu.memory_space<vmem>> -> memref<1x1xi32, #tpu.memory_space<vmem>>
      %dma_start3A_456 = tpu.memref_squeeze %dma_start3A_455 : memref<1x1xi32, #tpu.memory_space<vmem>> -> memref<1xi32, #tpu.memory_space<vmem>>
      %dma_start3A_457 = arith.constant 0 : i32
      %dma_start3A_458 = arith.constant 0 : i32
      %dma_start3A_459 = tpu.memref_slice %arg2[%dma_start3A_457, %dma_start3A_458] : memref<2000x25600xf32, #tpu.memory_space<hbm>> -> memref<2000x25600xf32, #tpu.memory_space<hbm>>
      %dma_start3A_460 = tpu.memref_slice %arg7[%dma_start3A_449] : memref<4x!tpu.dma_semaphore, #tpu.memory_space<semaphore_mem>> -> memref<1x!tpu.dma_semaphore, #tpu.memory_space<semaphore_mem>>
      %dma_start3A_461 = tpu.memref_squeeze %dma_start3A_460 : memref<1x!tpu.dma_semaphore, #tpu.memory_space<semaphore_mem>> -> memref<!tpu.dma_semaphore, #tpu.memory_space<semaphore_mem>>
      tpu.enqueue_indirect_dma source(%dma_start3A_459 : memref<2000x25600xf32, #tpu.memory_space<hbm>>) target(%dma_start3A_453 : memref<1x25600xf32, #tpu.memory_space<vmem>>) offsets(%dma_start3A_456 : memref<1xi32, #tpu.memory_space<vmem>>) semaphore(%dma_start3A_461 : memref<!tpu.dma_semaphore, #tpu.memory_space<semaphore_mem>>)
    } else {
    }
    %add3A_266 = arith.constant 9 : i32
    %add3A_267 = arith.addi %mul3A_2, %add3A_266 : i32
    %lt3A_268 = arith.constant 512 : i32
    %lt3A_269 = arith.cmpi slt, %add3A_267, %lt3A_268 : i32
    %convert_element_type3A_270 = arith.extui %lt3A_269 : i1 to i32
    %cond3A_271 = arith.constant 0 : i32
    %cond3A_272 = arith.cmpi ne, %convert_element_type3A_270, %cond3A_271 : i32
    scf.if %cond3A_272 {
      %dma_wait3A = arith.constant 9 : i32
      %dma_wait3A_448 = arith.constant 1 : i32
      %dma_wait3A_449 = arith.constant 1 : i32
      %dma_wait3A_450 = arith.constant 0 : i32
      %dma_wait3A_451 = arith.constant 0 : i32
      %dma_wait3A_452 = tpu.memref_slice %arg6[%dma_wait3A_448, %dma_wait3A_450, %dma_wait3A_451] : memref<4x1x25600xf32, #tpu.memory_space<vmem>> -> memref<1x1x25600xf32, #tpu.memory_space<vmem>>
      %dma_wait3A_453 = tpu.memref_squeeze %dma_wait3A_452 : memref<1x1x25600xf32, #tpu.memory_space<vmem>> -> memref<1x25600xf32, #tpu.memory_space<vmem>>
      %dma_wait3A_454 = arith.constant 0 : i32
      %dma_wait3A_455 = tpu.memref_slice %arg5[%dma_wait3A, %dma_wait3A_454] : memref<16x1xi32, #tpu.memory_space<vmem>> -> memref<1x1xi32, #tpu.memory_space<vmem>>
      %dma_wait3A_456 = tpu.memref_squeeze %dma_wait3A_455 : memref<1x1xi32, #tpu.memory_space<vmem>> -> memref<1xi32, #tpu.memory_space<vmem>>
      %dma_wait3A_457 = arith.constant 0 : i32
      %dma_wait3A_458 = arith.constant 0 : i32
      %dma_wait3A_459 = tpu.memref_slice %arg2[%dma_wait3A_457, %dma_wait3A_458] : memref<2000x25600xf32, #tpu.memory_space<hbm>> -> memref<2000x25600xf32, #tpu.memory_space<hbm>>
      %dma_wait3A_460 = tpu.memref_slice %arg7[%dma_wait3A_449] : memref<4x!tpu.dma_semaphore, #tpu.memory_space<semaphore_mem>> -> memref<1x!tpu.dma_semaphore, #tpu.memory_space<semaphore_mem>>
      %dma_wait3A_461 = tpu.memref_squeeze %dma_wait3A_460 : memref<1x!tpu.dma_semaphore, #tpu.memory_space<semaphore_mem>> -> memref<!tpu.dma_semaphore, #tpu.memory_space<semaphore_mem>>
      tpu.wait_indirect_dma semaphore(%dma_wait3A_461 : memref<!tpu.dma_semaphore, #tpu.memory_space<semaphore_mem>>) src(%dma_wait3A_459 : memref<2000x25600xf32, #tpu.memory_space<hbm>>) dst(%dma_wait3A_453 : memref<1x25600xf32, #tpu.memory_space<vmem>>)
    } else {
    }
    %add3A_273 = arith.constant 9 : i32
    %add3A_274 = arith.addi %mul3A_2, %add3A_273 : i32
    %lt3A_275 = arith.constant 512 : i32
    %lt3A_276 = arith.cmpi slt, %add3A_274, %lt3A_275 : i32
    %convert_element_type3A_277 = arith.extui %lt3A_276 : i1 to i32
    %cond3A_278 = arith.constant 0 : i32
    %cond3A_279 = arith.cmpi ne, %convert_element_type3A_277, %cond3A_278 : i32
    scf.if %cond3A_279 {
      %add3A_448 = arith.constant 9 : i32
      %add3A_449 = arith.addi %mul3A_2, %add3A_448 : i32
      %dma_start3A = arith.constant 1 : i32
      %dma_start3A_450 = arith.constant 1 : i32
      %dma_start3A_451 = arith.constant 0 : i32
      %dma_start3A_452 = arith.constant 0 : i32
      %dma_start3A_453 = tpu.memref_slice %arg6[%dma_start3A, %dma_start3A_451, %dma_start3A_452] : memref<4x1x25600xf32, #tpu.memory_space<vmem>> -> memref<1x1x25600xf32, #tpu.memory_space<vmem>>
      %dma_start3A_454 = tpu.memref_squeeze %dma_start3A_453 : memref<1x1x25600xf32, #tpu.memory_space<vmem>> -> memref<1x25600xf32, #tpu.memory_space<vmem>>
      %dma_start3A_455 = arith.constant 0 : i32
      %dma_start3A_456 = tpu.memref_slice %arg4[%add3A_449, %dma_start3A_455] : memref<512x25600xf32, #tpu.memory_space<hbm>> -> memref<1x25600xf32, #tpu.memory_space<hbm>>
      %dma_start3A_457 = tpu.memref_slice %arg8[%dma_start3A_450] : memref<4x!tpu.dma_semaphore, #tpu.memory_space<semaphore_mem>> -> memref<1x!tpu.dma_semaphore, #tpu.memory_space<semaphore_mem>>
      %dma_start3A_458 = tpu.memref_squeeze %dma_start3A_457 : memref<1x!tpu.dma_semaphore, #tpu.memory_space<semaphore_mem>> -> memref<!tpu.dma_semaphore, #tpu.memory_space<semaphore_mem>>
      %dma_start3A_459 = arith.constant 0 : i32
      %dma_start3A_460 = tpu.memref_slice %arg4[%add3A_449, %dma_start3A_459] : memref<512x25600xf32, #tpu.memory_space<hbm>> -> memref<1x25600xf32, #tpu.memory_space<hbm>>
      %dma_start3A_461 = arith.constant 0 : i32
      %dma_start3A_462 = arith.constant 0 : i32
      %dma_start3A_463 = tpu.memref_slice %arg6[%dma_start3A, %dma_start3A_461, %dma_start3A_462] : memref<4x1x25600xf32, #tpu.memory_space<vmem>> -> memref<1x1x25600xf32, #tpu.memory_space<vmem>>
      %dma_start3A_464 = tpu.memref_squeeze %dma_start3A_463 : memref<1x1x25600xf32, #tpu.memory_space<vmem>> -> memref<1x25600xf32, #tpu.memory_space<vmem>>
      tpu.enqueue_dma source(%dma_start3A_464 : memref<1x25600xf32, #tpu.memory_space<vmem>>) target(%dma_start3A_460 : memref<1x25600xf32, #tpu.memory_space<hbm>>) target_semaphore(%dma_start3A_458 : memref<!tpu.dma_semaphore, #tpu.memory_space<semaphore_mem>>)
    } else {
    }
    %add3A_280 = arith.constant 8 : i32
    %add3A_281 = arith.addi %mul3A_2, %add3A_280 : i32
    %lt3A_282 = arith.constant 512 : i32
    %lt3A_283 = arith.cmpi slt, %add3A_281, %lt3A_282 : i32
    %convert_element_type3A_284 = arith.extui %lt3A_283 : i1 to i32
    %cond3A_285 = arith.constant 0 : i32
    %cond3A_286 = arith.cmpi ne, %convert_element_type3A_284, %cond3A_285 : i32
    scf.if %cond3A_286 {
      %add3A_448 = arith.constant 8 : i32
      %add3A_449 = arith.addi %mul3A_2, %add3A_448 : i32
      %dma_wait3A = arith.constant 0 : i32
      %dma_wait3A_450 = arith.constant 0 : i32
      %dma_wait3A_451 = arith.constant 0 : i32
      %dma_wait3A_452 = arith.constant 0 : i32
      %dma_wait3A_453 = tpu.memref_slice %arg6[%dma_wait3A, %dma_wait3A_451, %dma_wait3A_452] : memref<4x1x25600xf32, #tpu.memory_space<vmem>> -> memref<1x1x25600xf32, #tpu.memory_space<vmem>>
      %dma_wait3A_454 = tpu.memref_squeeze %dma_wait3A_453 : memref<1x1x25600xf32, #tpu.memory_space<vmem>> -> memref<1x25600xf32, #tpu.memory_space<vmem>>
      %dma_wait3A_455 = arith.constant 0 : i32
      %dma_wait3A_456 = tpu.memref_slice %arg4[%add3A_449, %dma_wait3A_455] : memref<512x25600xf32, #tpu.memory_space<hbm>> -> memref<1x25600xf32, #tpu.memory_space<hbm>>
      %dma_wait3A_457 = tpu.memref_slice %arg8[%dma_wait3A_450] : memref<4x!tpu.dma_semaphore, #tpu.memory_space<semaphore_mem>> -> memref<1x!tpu.dma_semaphore, #tpu.memory_space<semaphore_mem>>
      %dma_wait3A_458 = tpu.memref_squeeze %dma_wait3A_457 : memref<1x!tpu.dma_semaphore, #tpu.memory_space<semaphore_mem>> -> memref<!tpu.dma_semaphore, #tpu.memory_space<semaphore_mem>>
      %dma_wait3A_459 = arith.constant 0 : i32
      %dma_wait3A_460 = tpu.memref_slice %arg4[%add3A_449, %dma_wait3A_459] : memref<512x25600xf32, #tpu.memory_space<hbm>> -> memref<1x25600xf32, #tpu.memory_space<hbm>>
      %dma_wait3A_461 = arith.constant 0 : i32
      %dma_wait3A_462 = arith.constant 0 : i32
      %dma_wait3A_463 = tpu.memref_slice %arg6[%dma_wait3A, %dma_wait3A_461, %dma_wait3A_462] : memref<4x1x25600xf32, #tpu.memory_space<vmem>> -> memref<1x1x25600xf32, #tpu.memory_space<vmem>>
      %dma_wait3A_464 = tpu.memref_squeeze %dma_wait3A_463 : memref<1x1x25600xf32, #tpu.memory_space<vmem>> -> memref<1x25600xf32, #tpu.memory_space<vmem>>
      tpu.wait_dma2 semaphore(%dma_wait3A_458 : memref<!tpu.dma_semaphore, #tpu.memory_space<semaphore_mem>>) src(%dma_wait3A_464 : memref<1x25600xf32, #tpu.memory_space<vmem>>) dst(%dma_wait3A_460 : memref<1x25600xf32, #tpu.memory_space<hbm>>)
    } else {
    }
    %add3A_287 = arith.constant 12 : i32
    %add3A_288 = arith.addi %mul3A_2, %add3A_287 : i32
    %lt3A_289 = arith.constant 512 : i32
    %lt3A_290 = arith.cmpi slt, %add3A_288, %lt3A_289 : i32
    %convert_element_type3A_291 = arith.extui %lt3A_290 : i1 to i32
    %cond3A_292 = arith.constant 0 : i32
    %cond3A_293 = arith.cmpi ne, %convert_element_type3A_291, %cond3A_292 : i32
    scf.if %cond3A_293 {
      %dma_start3A = arith.constant 12 : i32
      %dma_start3A_448 = arith.constant 0 : i32
      %dma_start3A_449 = arith.constant 0 : i32
      %dma_start3A_450 = arith.constant 0 : i32
      %dma_start3A_451 = arith.constant 0 : i32
      %dma_start3A_452 = tpu.memref_slice %arg6[%dma_start3A_448, %dma_start3A_450, %dma_start3A_451] : memref<4x1x25600xf32, #tpu.memory_space<vmem>> -> memref<1x1x25600xf32, #tpu.memory_space<vmem>>
      %dma_start3A_453 = tpu.memref_squeeze %dma_start3A_452 : memref<1x1x25600xf32, #tpu.memory_space<vmem>> -> memref<1x25600xf32, #tpu.memory_space<vmem>>
      %dma_start3A_454 = arith.constant 0 : i32
      %dma_start3A_455 = tpu.memref_slice %arg5[%dma_start3A, %dma_start3A_454] : memref<16x1xi32, #tpu.memory_space<vmem>> -> memref<1x1xi32, #tpu.memory_space<vmem>>
      %dma_start3A_456 = tpu.memref_squeeze %dma_start3A_455 : memref<1x1xi32, #tpu.memory_space<vmem>> -> memref<1xi32, #tpu.memory_space<vmem>>
      %dma_start3A_457 = arith.constant 0 : i32
      %dma_start3A_458 = arith.constant 0 : i32
      %dma_start3A_459 = tpu.memref_slice %arg2[%dma_start3A_457, %dma_start3A_458] : memref<2000x25600xf32, #tpu.memory_space<hbm>> -> memref<2000x25600xf32, #tpu.memory_space<hbm>>
      %dma_start3A_460 = tpu.memref_slice %arg7[%dma_start3A_449] : memref<4x!tpu.dma_semaphore, #tpu.memory_space<semaphore_mem>> -> memref<1x!tpu.dma_semaphore, #tpu.memory_space<semaphore_mem>>
      %dma_start3A_461 = tpu.memref_squeeze %dma_start3A_460 : memref<1x!tpu.dma_semaphore, #tpu.memory_space<semaphore_mem>> -> memref<!tpu.dma_semaphore, #tpu.memory_space<semaphore_mem>>
      tpu.enqueue_indirect_dma source(%dma_start3A_459 : memref<2000x25600xf32, #tpu.memory_space<hbm>>) target(%dma_start3A_453 : memref<1x25600xf32, #tpu.memory_space<vmem>>) offsets(%dma_start3A_456 : memref<1xi32, #tpu.memory_space<vmem>>) semaphore(%dma_start3A_461 : memref<!tpu.dma_semaphore, #tpu.memory_space<semaphore_mem>>)
    } else {
    }
    %add3A_294 = arith.constant 10 : i32
    %add3A_295 = arith.addi %mul3A_2, %add3A_294 : i32
    %lt3A_296 = arith.constant 512 : i32
    %lt3A_297 = arith.cmpi slt, %add3A_295, %lt3A_296 : i32
    %convert_element_type3A_298 = arith.extui %lt3A_297 : i1 to i32
    %cond3A_299 = arith.constant 0 : i32
    %cond3A_300 = arith.cmpi ne, %convert_element_type3A_298, %cond3A_299 : i32
    scf.if %cond3A_300 {
      %dma_wait3A = arith.constant 10 : i32
      %dma_wait3A_448 = arith.constant 2 : i32
      %dma_wait3A_449 = arith.constant 2 : i32
      %dma_wait3A_450 = arith.constant 0 : i32
      %dma_wait3A_451 = arith.constant 0 : i32
      %dma_wait3A_452 = tpu.memref_slice %arg6[%dma_wait3A_448, %dma_wait3A_450, %dma_wait3A_451] : memref<4x1x25600xf32, #tpu.memory_space<vmem>> -> memref<1x1x25600xf32, #tpu.memory_space<vmem>>
      %dma_wait3A_453 = tpu.memref_squeeze %dma_wait3A_452 : memref<1x1x25600xf32, #tpu.memory_space<vmem>> -> memref<1x25600xf32, #tpu.memory_space<vmem>>
      %dma_wait3A_454 = arith.constant 0 : i32
      %dma_wait3A_455 = tpu.memref_slice %arg5[%dma_wait3A, %dma_wait3A_454] : memref<16x1xi32, #tpu.memory_space<vmem>> -> memref<1x1xi32, #tpu.memory_space<vmem>>
      %dma_wait3A_456 = tpu.memref_squeeze %dma_wait3A_455 : memref<1x1xi32, #tpu.memory_space<vmem>> -> memref<1xi32, #tpu.memory_space<vmem>>
      %dma_wait3A_457 = arith.constant 0 : i32
      %dma_wait3A_458 = arith.constant 0 : i32
      %dma_wait3A_459 = tpu.memref_slice %arg2[%dma_wait3A_457, %dma_wait3A_458] : memref<2000x25600xf32, #tpu.memory_space<hbm>> -> memref<2000x25600xf32, #tpu.memory_space<hbm>>
      %dma_wait3A_460 = tpu.memref_slice %arg7[%dma_wait3A_449] : memref<4x!tpu.dma_semaphore, #tpu.memory_space<semaphore_mem>> -> memref<1x!tpu.dma_semaphore, #tpu.memory_space<semaphore_mem>>
      %dma_wait3A_461 = tpu.memref_squeeze %dma_wait3A_460 : memref<1x!tpu.dma_semaphore, #tpu.memory_space<semaphore_mem>> -> memref<!tpu.dma_semaphore, #tpu.memory_space<semaphore_mem>>
      tpu.wait_indirect_dma semaphore(%dma_wait3A_461 : memref<!tpu.dma_semaphore, #tpu.memory_space<semaphore_mem>>) src(%dma_wait3A_459 : memref<2000x25600xf32, #tpu.memory_space<hbm>>) dst(%dma_wait3A_453 : memref<1x25600xf32, #tpu.memory_space<vmem>>)
    } else {
    }
    %add3A_301 = arith.constant 10 : i32
    %add3A_302 = arith.addi %mul3A_2, %add3A_301 : i32
    %lt3A_303 = arith.constant 512 : i32
    %lt3A_304 = arith.cmpi slt, %add3A_302, %lt3A_303 : i32
    %convert_element_type3A_305 = arith.extui %lt3A_304 : i1 to i32
    %cond3A_306 = arith.constant 0 : i32
    %cond3A_307 = arith.cmpi ne, %convert_element_type3A_305, %cond3A_306 : i32
    scf.if %cond3A_307 {
      %add3A_448 = arith.constant 10 : i32
      %add3A_449 = arith.addi %mul3A_2, %add3A_448 : i32
      %dma_start3A = arith.constant 2 : i32
      %dma_start3A_450 = arith.constant 2 : i32
      %dma_start3A_451 = arith.constant 0 : i32
      %dma_start3A_452 = arith.constant 0 : i32
      %dma_start3A_453 = tpu.memref_slice %arg6[%dma_start3A, %dma_start3A_451, %dma_start3A_452] : memref<4x1x25600xf32, #tpu.memory_space<vmem>> -> memref<1x1x25600xf32, #tpu.memory_space<vmem>>
      %dma_start3A_454 = tpu.memref_squeeze %dma_start3A_453 : memref<1x1x25600xf32, #tpu.memory_space<vmem>> -> memref<1x25600xf32, #tpu.memory_space<vmem>>
      %dma_start3A_455 = arith.constant 0 : i32
      %dma_start3A_456 = tpu.memref_slice %arg4[%add3A_449, %dma_start3A_455] : memref<512x25600xf32, #tpu.memory_space<hbm>> -> memref<1x25600xf32, #tpu.memory_space<hbm>>
      %dma_start3A_457 = tpu.memref_slice %arg8[%dma_start3A_450] : memref<4x!tpu.dma_semaphore, #tpu.memory_space<semaphore_mem>> -> memref<1x!tpu.dma_semaphore, #tpu.memory_space<semaphore_mem>>
      %dma_start3A_458 = tpu.memref_squeeze %dma_start3A_457 : memref<1x!tpu.dma_semaphore, #tpu.memory_space<semaphore_mem>> -> memref<!tpu.dma_semaphore, #tpu.memory_space<semaphore_mem>>
      %dma_start3A_459 = arith.constant 0 : i32
      %dma_start3A_460 = tpu.memref_slice %arg4[%add3A_449, %dma_start3A_459] : memref<512x25600xf32, #tpu.memory_space<hbm>> -> memref<1x25600xf32, #tpu.memory_space<hbm>>
      %dma_start3A_461 = arith.constant 0 : i32
      %dma_start3A_462 = arith.constant 0 : i32
      %dma_start3A_463 = tpu.memref_slice %arg6[%dma_start3A, %dma_start3A_461, %dma_start3A_462] : memref<4x1x25600xf32, #tpu.memory_space<vmem>> -> memref<1x1x25600xf32, #tpu.memory_space<vmem>>
      %dma_start3A_464 = tpu.memref_squeeze %dma_start3A_463 : memref<1x1x25600xf32, #tpu.memory_space<vmem>> -> memref<1x25600xf32, #tpu.memory_space<vmem>>
      tpu.enqueue_dma source(%dma_start3A_464 : memref<1x25600xf32, #tpu.memory_space<vmem>>) target(%dma_start3A_460 : memref<1x25600xf32, #tpu.memory_space<hbm>>) target_semaphore(%dma_start3A_458 : memref<!tpu.dma_semaphore, #tpu.memory_space<semaphore_mem>>)
    } else {
    }
    %add3A_308 = arith.constant 9 : i32
    %add3A_309 = arith.addi %mul3A_2, %add3A_308 : i32
    %lt3A_310 = arith.constant 512 : i32
    %lt3A_311 = arith.cmpi slt, %add3A_309, %lt3A_310 : i32
    %convert_element_type3A_312 = arith.extui %lt3A_311 : i1 to i32
    %cond3A_313 = arith.constant 0 : i32
    %cond3A_314 = arith.cmpi ne, %convert_element_type3A_312, %cond3A_313 : i32
    scf.if %cond3A_314 {
      %add3A_448 = arith.constant 9 : i32
      %add3A_449 = arith.addi %mul3A_2, %add3A_448 : i32
      %dma_wait3A = arith.constant 1 : i32
      %dma_wait3A_450 = arith.constant 1 : i32
      %dma_wait3A_451 = arith.constant 0 : i32
      %dma_wait3A_452 = arith.constant 0 : i32
      %dma_wait3A_453 = tpu.memref_slice %arg6[%dma_wait3A, %dma_wait3A_451, %dma_wait3A_452] : memref<4x1x25600xf32, #tpu.memory_space<vmem>> -> memref<1x1x25600xf32, #tpu.memory_space<vmem>>
      %dma_wait3A_454 = tpu.memref_squeeze %dma_wait3A_453 : memref<1x1x25600xf32, #tpu.memory_space<vmem>> -> memref<1x25600xf32, #tpu.memory_space<vmem>>
      %dma_wait3A_455 = arith.constant 0 : i32
      %dma_wait3A_456 = tpu.memref_slice %arg4[%add3A_449, %dma_wait3A_455] : memref<512x25600xf32, #tpu.memory_space<hbm>> -> memref<1x25600xf32, #tpu.memory_space<hbm>>
      %dma_wait3A_457 = tpu.memref_slice %arg8[%dma_wait3A_450] : memref<4x!tpu.dma_semaphore, #tpu.memory_space<semaphore_mem>> -> memref<1x!tpu.dma_semaphore, #tpu.memory_space<semaphore_mem>>
      %dma_wait3A_458 = tpu.memref_squeeze %dma_wait3A_457 : memref<1x!tpu.dma_semaphore, #tpu.memory_space<semaphore_mem>> -> memref<!tpu.dma_semaphore, #tpu.memory_space<semaphore_mem>>
      %dma_wait3A_459 = arith.constant 0 : i32
      %dma_wait3A_460 = tpu.memref_slice %arg4[%add3A_449, %dma_wait3A_459] : memref<512x25600xf32, #tpu.memory_space<hbm>> -> memref<1x25600xf32, #tpu.memory_space<hbm>>
      %dma_wait3A_461 = arith.constant 0 : i32
      %dma_wait3A_462 = arith.constant 0 : i32
      %dma_wait3A_463 = tpu.memref_slice %arg6[%dma_wait3A, %dma_wait3A_461, %dma_wait3A_462] : memref<4x1x25600xf32, #tpu.memory_space<vmem>> -> memref<1x1x25600xf32, #tpu.memory_space<vmem>>
      %dma_wait3A_464 = tpu.memref_squeeze %dma_wait3A_463 : memref<1x1x25600xf32, #tpu.memory_space<vmem>> -> memref<1x25600xf32, #tpu.memory_space<vmem>>
      tpu.wait_dma2 semaphore(%dma_wait3A_458 : memref<!tpu.dma_semaphore, #tpu.memory_space<semaphore_mem>>) src(%dma_wait3A_464 : memref<1x25600xf32, #tpu.memory_space<vmem>>) dst(%dma_wait3A_460 : memref<1x25600xf32, #tpu.memory_space<hbm>>)
    } else {
    }
    %add3A_315 = arith.constant 13 : i32
    %add3A_316 = arith.addi %mul3A_2, %add3A_315 : i32
    %lt3A_317 = arith.constant 512 : i32
    %lt3A_318 = arith.cmpi slt, %add3A_316, %lt3A_317 : i32
    %convert_element_type3A_319 = arith.extui %lt3A_318 : i1 to i32
    %cond3A_320 = arith.constant 0 : i32
    %cond3A_321 = arith.cmpi ne, %convert_element_type3A_319, %cond3A_320 : i32
    scf.if %cond3A_321 {
      %dma_start3A = arith.constant 13 : i32
      %dma_start3A_448 = arith.constant 1 : i32
      %dma_start3A_449 = arith.constant 1 : i32
      %dma_start3A_450 = arith.constant 0 : i32
      %dma_start3A_451 = arith.constant 0 : i32
      %dma_start3A_452 = tpu.memref_slice %arg6[%dma_start3A_448, %dma_start3A_450, %dma_start3A_451] : memref<4x1x25600xf32, #tpu.memory_space<vmem>> -> memref<1x1x25600xf32, #tpu.memory_space<vmem>>
      %dma_start3A_453 = tpu.memref_squeeze %dma_start3A_452 : memref<1x1x25600xf32, #tpu.memory_space<vmem>> -> memref<1x25600xf32, #tpu.memory_space<vmem>>
      %dma_start3A_454 = arith.constant 0 : i32
      %dma_start3A_455 = tpu.memref_slice %arg5[%dma_start3A, %dma_start3A_454] : memref<16x1xi32, #tpu.memory_space<vmem>> -> memref<1x1xi32, #tpu.memory_space<vmem>>
      %dma_start3A_456 = tpu.memref_squeeze %dma_start3A_455 : memref<1x1xi32, #tpu.memory_space<vmem>> -> memref<1xi32, #tpu.memory_space<vmem>>
      %dma_start3A_457 = arith.constant 0 : i32
      %dma_start3A_458 = arith.constant 0 : i32
      %dma_start3A_459 = tpu.memref_slice %arg2[%dma_start3A_457, %dma_start3A_458] : memref<2000x25600xf32, #tpu.memory_space<hbm>> -> memref<2000x25600xf32, #tpu.memory_space<hbm>>
      %dma_start3A_460 = tpu.memref_slice %arg7[%dma_start3A_449] : memref<4x!tpu.dma_semaphore, #tpu.memory_space<semaphore_mem>> -> memref<1x!tpu.dma_semaphore, #tpu.memory_space<semaphore_mem>>
      %dma_start3A_461 = tpu.memref_squeeze %dma_start3A_460 : memref<1x!tpu.dma_semaphore, #tpu.memory_space<semaphore_mem>> -> memref<!tpu.dma_semaphore, #tpu.memory_space<semaphore_mem>>
      tpu.enqueue_indirect_dma source(%dma_start3A_459 : memref<2000x25600xf32, #tpu.memory_space<hbm>>) target(%dma_start3A_453 : memref<1x25600xf32, #tpu.memory_space<vmem>>) offsets(%dma_start3A_456 : memref<1xi32, #tpu.memory_space<vmem>>) semaphore(%dma_start3A_461 : memref<!tpu.dma_semaphore, #tpu.memory_space<semaphore_mem>>)
    } else {
    }
    %add3A_322 = arith.constant 11 : i32
    %add3A_323 = arith.addi %mul3A_2, %add3A_322 : i32
    %lt3A_324 = arith.constant 512 : i32
    %lt3A_325 = arith.cmpi slt, %add3A_323, %lt3A_324 : i32
    %convert_element_type3A_326 = arith.extui %lt3A_325 : i1 to i32
    %cond3A_327 = arith.constant 0 : i32
    %cond3A_328 = arith.cmpi ne, %convert_element_type3A_326, %cond3A_327 : i32
    scf.if %cond3A_328 {
      %dma_wait3A = arith.constant 11 : i32
      %dma_wait3A_448 = arith.constant 3 : i32
      %dma_wait3A_449 = arith.constant 3 : i32
      %dma_wait3A_450 = arith.constant 0 : i32
      %dma_wait3A_451 = arith.constant 0 : i32
      %dma_wait3A_452 = tpu.memref_slice %arg6[%dma_wait3A_448, %dma_wait3A_450, %dma_wait3A_451] : memref<4x1x25600xf32, #tpu.memory_space<vmem>> -> memref<1x1x25600xf32, #tpu.memory_space<vmem>>
      %dma_wait3A_453 = tpu.memref_squeeze %dma_wait3A_452 : memref<1x1x25600xf32, #tpu.memory_space<vmem>> -> memref<1x25600xf32, #tpu.memory_space<vmem>>
      %dma_wait3A_454 = arith.constant 0 : i32
      %dma_wait3A_455 = tpu.memref_slice %arg5[%dma_wait3A, %dma_wait3A_454] : memref<16x1xi32, #tpu.memory_space<vmem>> -> memref<1x1xi32, #tpu.memory_space<vmem>>
      %dma_wait3A_456 = tpu.memref_squeeze %dma_wait3A_455 : memref<1x1xi32, #tpu.memory_space<vmem>> -> memref<1xi32, #tpu.memory_space<vmem>>
      %dma_wait3A_457 = arith.constant 0 : i32
      %dma_wait3A_458 = arith.constant 0 : i32
      %dma_wait3A_459 = tpu.memref_slice %arg2[%dma_wait3A_457, %dma_wait3A_458] : memref<2000x25600xf32, #tpu.memory_space<hbm>> -> memref<2000x25600xf32, #tpu.memory_space<hbm>>
      %dma_wait3A_460 = tpu.memref_slice %arg7[%dma_wait3A_449] : memref<4x!tpu.dma_semaphore, #tpu.memory_space<semaphore_mem>> -> memref<1x!tpu.dma_semaphore, #tpu.memory_space<semaphore_mem>>
      %dma_wait3A_461 = tpu.memref_squeeze %dma_wait3A_460 : memref<1x!tpu.dma_semaphore, #tpu.memory_space<semaphore_mem>> -> memref<!tpu.dma_semaphore, #tpu.memory_space<semaphore_mem>>
      tpu.wait_indirect_dma semaphore(%dma_wait3A_461 : memref<!tpu.dma_semaphore, #tpu.memory_space<semaphore_mem>>) src(%dma_wait3A_459 : memref<2000x25600xf32, #tpu.memory_space<hbm>>) dst(%dma_wait3A_453 : memref<1x25600xf32, #tpu.memory_space<vmem>>)
    } else {
    }
    %add3A_329 = arith.constant 11 : i32
    %add3A_330 = arith.addi %mul3A_2, %add3A_329 : i32
    %lt3A_331 = arith.constant 512 : i32
    %lt3A_332 = arith.cmpi slt, %add3A_330, %lt3A_331 : i32
    %convert_element_type3A_333 = arith.extui %lt3A_332 : i1 to i32
    %cond3A_334 = arith.constant 0 : i32
    %cond3A_335 = arith.cmpi ne, %convert_element_type3A_333, %cond3A_334 : i32
    scf.if %cond3A_335 {
      %add3A_448 = arith.constant 11 : i32
      %add3A_449 = arith.addi %mul3A_2, %add3A_448 : i32
      %dma_start3A = arith.constant 3 : i32
      %dma_start3A_450 = arith.constant 3 : i32
      %dma_start3A_451 = arith.constant 0 : i32
      %dma_start3A_452 = arith.constant 0 : i32
      %dma_start3A_453 = tpu.memref_slice %arg6[%dma_start3A, %dma_start3A_451, %dma_start3A_452] : memref<4x1x25600xf32, #tpu.memory_space<vmem>> -> memref<1x1x25600xf32, #tpu.memory_space<vmem>>
      %dma_start3A_454 = tpu.memref_squeeze %dma_start3A_453 : memref<1x1x25600xf32, #tpu.memory_space<vmem>> -> memref<1x25600xf32, #tpu.memory_space<vmem>>
      %dma_start3A_455 = arith.constant 0 : i32
      %dma_start3A_456 = tpu.memref_slice %arg4[%add3A_449, %dma_start3A_455] : memref<512x25600xf32, #tpu.memory_space<hbm>> -> memref<1x25600xf32, #tpu.memory_space<hbm>>
      %dma_start3A_457 = tpu.memref_slice %arg8[%dma_start3A_450] : memref<4x!tpu.dma_semaphore, #tpu.memory_space<semaphore_mem>> -> memref<1x!tpu.dma_semaphore, #tpu.memory_space<semaphore_mem>>
      %dma_start3A_458 = tpu.memref_squeeze %dma_start3A_457 : memref<1x!tpu.dma_semaphore, #tpu.memory_space<semaphore_mem>> -> memref<!tpu.dma_semaphore, #tpu.memory_space<semaphore_mem>>
      %dma_start3A_459 = arith.constant 0 : i32
      %dma_start3A_460 = tpu.memref_slice %arg4[%add3A_449, %dma_start3A_459] : memref<512x25600xf32, #tpu.memory_space<hbm>> -> memref<1x25600xf32, #tpu.memory_space<hbm>>
      %dma_start3A_461 = arith.constant 0 : i32
      %dma_start3A_462 = arith.constant 0 : i32
      %dma_start3A_463 = tpu.memref_slice %arg6[%dma_start3A, %dma_start3A_461, %dma_start3A_462] : memref<4x1x25600xf32, #tpu.memory_space<vmem>> -> memref<1x1x25600xf32, #tpu.memory_space<vmem>>
      %dma_start3A_464 = tpu.memref_squeeze %dma_start3A_463 : memref<1x1x25600xf32, #tpu.memory_space<vmem>> -> memref<1x25600xf32, #tpu.memory_space<vmem>>
      tpu.enqueue_dma source(%dma_start3A_464 : memref<1x25600xf32, #tpu.memory_space<vmem>>) target(%dma_start3A_460 : memref<1x25600xf32, #tpu.memory_space<hbm>>) target_semaphore(%dma_start3A_458 : memref<!tpu.dma_semaphore, #tpu.memory_space<semaphore_mem>>)
    } else {
    }
    %add3A_336 = arith.constant 10 : i32
    %add3A_337 = arith.addi %mul3A_2, %add3A_336 : i32
    %lt3A_338 = arith.constant 512 : i32
    %lt3A_339 = arith.cmpi slt, %add3A_337, %lt3A_338 : i32
    %convert_element_type3A_340 = arith.extui %lt3A_339 : i1 to i32
    %cond3A_341 = arith.constant 0 : i32
    %cond3A_342 = arith.cmpi ne, %convert_element_type3A_340, %cond3A_341 : i32
    scf.if %cond3A_342 {
      %add3A_448 = arith.constant 10 : i32
      %add3A_449 = arith.addi %mul3A_2, %add3A_448 : i32
      %dma_wait3A = arith.constant 2 : i32
      %dma_wait3A_450 = arith.constant 2 : i32
      %dma_wait3A_451 = arith.constant 0 : i32
      %dma_wait3A_452 = arith.constant 0 : i32
      %dma_wait3A_453 = tpu.memref_slice %arg6[%dma_wait3A, %dma_wait3A_451, %dma_wait3A_452] : memref<4x1x25600xf32, #tpu.memory_space<vmem>> -> memref<1x1x25600xf32, #tpu.memory_space<vmem>>
      %dma_wait3A_454 = tpu.memref_squeeze %dma_wait3A_453 : memref<1x1x25600xf32, #tpu.memory_space<vmem>> -> memref<1x25600xf32, #tpu.memory_space<vmem>>
      %dma_wait3A_455 = arith.constant 0 : i32
      %dma_wait3A_456 = tpu.memref_slice %arg4[%add3A_449, %dma_wait3A_455] : memref<512x25600xf32, #tpu.memory_space<hbm>> -> memref<1x25600xf32, #tpu.memory_space<hbm>>
      %dma_wait3A_457 = tpu.memref_slice %arg8[%dma_wait3A_450] : memref<4x!tpu.dma_semaphore, #tpu.memory_space<semaphore_mem>> -> memref<1x!tpu.dma_semaphore, #tpu.memory_space<semaphore_mem>>
      %dma_wait3A_458 = tpu.memref_squeeze %dma_wait3A_457 : memref<1x!tpu.dma_semaphore, #tpu.memory_space<semaphore_mem>> -> memref<!tpu.dma_semaphore, #tpu.memory_space<semaphore_mem>>
      %dma_wait3A_459 = arith.constant 0 : i32
      %dma_wait3A_460 = tpu.memref_slice %arg4[%add3A_449, %dma_wait3A_459] : memref<512x25600xf32, #tpu.memory_space<hbm>> -> memref<1x25600xf32, #tpu.memory_space<hbm>>
      %dma_wait3A_461 = arith.constant 0 : i32
      %dma_wait3A_462 = arith.constant 0 : i32
      %dma_wait3A_463 = tpu.memref_slice %arg6[%dma_wait3A, %dma_wait3A_461, %dma_wait3A_462] : memref<4x1x25600xf32, #tpu.memory_space<vmem>> -> memref<1x1x25600xf32, #tpu.memory_space<vmem>>
      %dma_wait3A_464 = tpu.memref_squeeze %dma_wait3A_463 : memref<1x1x25600xf32, #tpu.memory_space<vmem>> -> memref<1x25600xf32, #tpu.memory_space<vmem>>
      tpu.wait_dma2 semaphore(%dma_wait3A_458 : memref<!tpu.dma_semaphore, #tpu.memory_space<semaphore_mem>>) src(%dma_wait3A_464 : memref<1x25600xf32, #tpu.memory_space<vmem>>) dst(%dma_wait3A_460 : memref<1x25600xf32, #tpu.memory_space<hbm>>)
    } else {
    }
    %add3A_343 = arith.constant 14 : i32
    %add3A_344 = arith.addi %mul3A_2, %add3A_343 : i32
    %lt3A_345 = arith.constant 512 : i32
    %lt3A_346 = arith.cmpi slt, %add3A_344, %lt3A_345 : i32
    %convert_element_type3A_347 = arith.extui %lt3A_346 : i1 to i32
    %cond3A_348 = arith.constant 0 : i32
    %cond3A_349 = arith.cmpi ne, %convert_element_type3A_347, %cond3A_348 : i32
    scf.if %cond3A_349 {
      %dma_start3A = arith.constant 14 : i32
      %dma_start3A_448 = arith.constant 2 : i32
      %dma_start3A_449 = arith.constant 2 : i32
      %dma_start3A_450 = arith.constant 0 : i32
      %dma_start3A_451 = arith.constant 0 : i32
      %dma_start3A_452 = tpu.memref_slice %arg6[%dma_start3A_448, %dma_start3A_450, %dma_start3A_451] : memref<4x1x25600xf32, #tpu.memory_space<vmem>> -> memref<1x1x25600xf32, #tpu.memory_space<vmem>>
      %dma_start3A_453 = tpu.memref_squeeze %dma_start3A_452 : memref<1x1x25600xf32, #tpu.memory_space<vmem>> -> memref<1x25600xf32, #tpu.memory_space<vmem>>
      %dma_start3A_454 = arith.constant 0 : i32
      %dma_start3A_455 = tpu.memref_slice %arg5[%dma_start3A, %dma_start3A_454] : memref<16x1xi32, #tpu.memory_space<vmem>> -> memref<1x1xi32, #tpu.memory_space<vmem>>
      %dma_start3A_456 = tpu.memref_squeeze %dma_start3A_455 : memref<1x1xi32, #tpu.memory_space<vmem>> -> memref<1xi32, #tpu.memory_space<vmem>>
      %dma_start3A_457 = arith.constant 0 : i32
      %dma_start3A_458 = arith.constant 0 : i32
      %dma_start3A_459 = tpu.memref_slice %arg2[%dma_start3A_457, %dma_start3A_458] : memref<2000x25600xf32, #tpu.memory_space<hbm>> -> memref<2000x25600xf32, #tpu.memory_space<hbm>>
      %dma_start3A_460 = tpu.memref_slice %arg7[%dma_start3A_449] : memref<4x!tpu.dma_semaphore, #tpu.memory_space<semaphore_mem>> -> memref<1x!tpu.dma_semaphore, #tpu.memory_space<semaphore_mem>>
      %dma_start3A_461 = tpu.memref_squeeze %dma_start3A_460 : memref<1x!tpu.dma_semaphore, #tpu.memory_space<semaphore_mem>> -> memref<!tpu.dma_semaphore, #tpu.memory_space<semaphore_mem>>
      tpu.enqueue_indirect_dma source(%dma_start3A_459 : memref<2000x25600xf32, #tpu.memory_space<hbm>>) target(%dma_start3A_453 : memref<1x25600xf32, #tpu.memory_space<vmem>>) offsets(%dma_start3A_456 : memref<1xi32, #tpu.memory_space<vmem>>) semaphore(%dma_start3A_461 : memref<!tpu.dma_semaphore, #tpu.memory_space<semaphore_mem>>)
    } else {
    }
    %add3A_350 = arith.constant 12 : i32
    %add3A_351 = arith.addi %mul3A_2, %add3A_350 : i32
    %lt3A_352 = arith.constant 512 : i32
    %lt3A_353 = arith.cmpi slt, %add3A_351, %lt3A_352 : i32
    %convert_element_type3A_354 = arith.extui %lt3A_353 : i1 to i32
    %cond3A_355 = arith.constant 0 : i32
    %cond3A_356 = arith.cmpi ne, %convert_element_type3A_354, %cond3A_355 : i32
    scf.if %cond3A_356 {
      %dma_wait3A = arith.constant 12 : i32
      %dma_wait3A_448 = arith.constant 0 : i32
      %dma_wait3A_449 = arith.constant 0 : i32
      %dma_wait3A_450 = arith.constant 0 : i32
      %dma_wait3A_451 = arith.constant 0 : i32
      %dma_wait3A_452 = tpu.memref_slice %arg6[%dma_wait3A_448, %dma_wait3A_450, %dma_wait3A_451] : memref<4x1x25600xf32, #tpu.memory_space<vmem>> -> memref<1x1x25600xf32, #tpu.memory_space<vmem>>
      %dma_wait3A_453 = tpu.memref_squeeze %dma_wait3A_452 : memref<1x1x25600xf32, #tpu.memory_space<vmem>> -> memref<1x25600xf32, #tpu.memory_space<vmem>>
      %dma_wait3A_454 = arith.constant 0 : i32
      %dma_wait3A_455 = tpu.memref_slice %arg5[%dma_wait3A, %dma_wait3A_454] : memref<16x1xi32, #tpu.memory_space<vmem>> -> memref<1x1xi32, #tpu.memory_space<vmem>>
      %dma_wait3A_456 = tpu.memref_squeeze %dma_wait3A_455 : memref<1x1xi32, #tpu.memory_space<vmem>> -> memref<1xi32, #tpu.memory_space<vmem>>
      %dma_wait3A_457 = arith.constant 0 : i32
      %dma_wait3A_458 = arith.constant 0 : i32
      %dma_wait3A_459 = tpu.memref_slice %arg2[%dma_wait3A_457, %dma_wait3A_458] : memref<2000x25600xf32, #tpu.memory_space<hbm>> -> memref<2000x25600xf32, #tpu.memory_space<hbm>>
      %dma_wait3A_460 = tpu.memref_slice %arg7[%dma_wait3A_449] : memref<4x!tpu.dma_semaphore, #tpu.memory_space<semaphore_mem>> -> memref<1x!tpu.dma_semaphore, #tpu.memory_space<semaphore_mem>>
      %dma_wait3A_461 = tpu.memref_squeeze %dma_wait3A_460 : memref<1x!tpu.dma_semaphore, #tpu.memory_space<semaphore_mem>> -> memref<!tpu.dma_semaphore, #tpu.memory_space<semaphore_mem>>
      tpu.wait_indirect_dma semaphore(%dma_wait3A_461 : memref<!tpu.dma_semaphore, #tpu.memory_space<semaphore_mem>>) src(%dma_wait3A_459 : memref<2000x25600xf32, #tpu.memory_space<hbm>>) dst(%dma_wait3A_453 : memref<1x25600xf32, #tpu.memory_space<vmem>>)
    } else {
    }
    %add3A_357 = arith.constant 12 : i32
    %add3A_358 = arith.addi %mul3A_2, %add3A_357 : i32
    %lt3A_359 = arith.constant 512 : i32
    %lt3A_360 = arith.cmpi slt, %add3A_358, %lt3A_359 : i32
    %convert_element_type3A_361 = arith.extui %lt3A_360 : i1 to i32
    %cond3A_362 = arith.constant 0 : i32
    %cond3A_363 = arith.cmpi ne, %convert_element_type3A_361, %cond3A_362 : i32
    scf.if %cond3A_363 {
      %add3A_448 = arith.constant 12 : i32
      %add3A_449 = arith.addi %mul3A_2, %add3A_448 : i32
      %dma_start3A = arith.constant 0 : i32
      %dma_start3A_450 = arith.constant 0 : i32
      %dma_start3A_451 = arith.constant 0 : i32
      %dma_start3A_452 = arith.constant 0 : i32
      %dma_start3A_453 = tpu.memref_slice %arg6[%dma_start3A, %dma_start3A_451, %dma_start3A_452] : memref<4x1x25600xf32, #tpu.memory_space<vmem>> -> memref<1x1x25600xf32, #tpu.memory_space<vmem>>
      %dma_start3A_454 = tpu.memref_squeeze %dma_start3A_453 : memref<1x1x25600xf32, #tpu.memory_space<vmem>> -> memref<1x25600xf32, #tpu.memory_space<vmem>>
      %dma_start3A_455 = arith.constant 0 : i32
      %dma_start3A_456 = tpu.memref_slice %arg4[%add3A_449, %dma_start3A_455] : memref<512x25600xf32, #tpu.memory_space<hbm>> -> memref<1x25600xf32, #tpu.memory_space<hbm>>
      %dma_start3A_457 = tpu.memref_slice %arg8[%dma_start3A_450] : memref<4x!tpu.dma_semaphore, #tpu.memory_space<semaphore_mem>> -> memref<1x!tpu.dma_semaphore, #tpu.memory_space<semaphore_mem>>
      %dma_start3A_458 = tpu.memref_squeeze %dma_start3A_457 : memref<1x!tpu.dma_semaphore, #tpu.memory_space<semaphore_mem>> -> memref<!tpu.dma_semaphore, #tpu.memory_space<semaphore_mem>>
      %dma_start3A_459 = arith.constant 0 : i32
      %dma_start3A_460 = tpu.memref_slice %arg4[%add3A_449, %dma_start3A_459] : memref<512x25600xf32, #tpu.memory_space<hbm>> -> memref<1x25600xf32, #tpu.memory_space<hbm>>
      %dma_start3A_461 = arith.constant 0 : i32
      %dma_start3A_462 = arith.constant 0 : i32
      %dma_start3A_463 = tpu.memref_slice %arg6[%dma_start3A, %dma_start3A_461, %dma_start3A_462] : memref<4x1x25600xf32, #tpu.memory_space<vmem>> -> memref<1x1x25600xf32, #tpu.memory_space<vmem>>
      %dma_start3A_464 = tpu.memref_squeeze %dma_start3A_463 : memref<1x1x25600xf32, #tpu.memory_space<vmem>> -> memref<1x25600xf32, #tpu.memory_space<vmem>>
      tpu.enqueue_dma source(%dma_start3A_464 : memref<1x25600xf32, #tpu.memory_space<vmem>>) target(%dma_start3A_460 : memref<1x25600xf32, #tpu.memory_space<hbm>>) target_semaphore(%dma_start3A_458 : memref<!tpu.dma_semaphore, #tpu.memory_space<semaphore_mem>>)
    } else {
    }
    %add3A_364 = arith.constant 11 : i32
    %add3A_365 = arith.addi %mul3A_2, %add3A_364 : i32
    %lt3A_366 = arith.constant 512 : i32
    %lt3A_367 = arith.cmpi slt, %add3A_365, %lt3A_366 : i32
    %convert_element_type3A_368 = arith.extui %lt3A_367 : i1 to i32
    %cond3A_369 = arith.constant 0 : i32
    %cond3A_370 = arith.cmpi ne, %convert_element_type3A_368, %cond3A_369 : i32
    scf.if %cond3A_370 {
      %add3A_448 = arith.constant 11 : i32
      %add3A_449 = arith.addi %mul3A_2, %add3A_448 : i32
      %dma_wait3A = arith.constant 3 : i32
      %dma_wait3A_450 = arith.constant 3 : i32
      %dma_wait3A_451 = arith.constant 0 : i32
      %dma_wait3A_452 = arith.constant 0 : i32
      %dma_wait3A_453 = tpu.memref_slice %arg6[%dma_wait3A, %dma_wait3A_451, %dma_wait3A_452] : memref<4x1x25600xf32, #tpu.memory_space<vmem>> -> memref<1x1x25600xf32, #tpu.memory_space<vmem>>
      %dma_wait3A_454 = tpu.memref_squeeze %dma_wait3A_453 : memref<1x1x25600xf32, #tpu.memory_space<vmem>> -> memref<1x25600xf32, #tpu.memory_space<vmem>>
      %dma_wait3A_455 = arith.constant 0 : i32
      %dma_wait3A_456 = tpu.memref_slice %arg4[%add3A_449, %dma_wait3A_455] : memref<512x25600xf32, #tpu.memory_space<hbm>> -> memref<1x25600xf32, #tpu.memory_space<hbm>>
      %dma_wait3A_457 = tpu.memref_slice %arg8[%dma_wait3A_450] : memref<4x!tpu.dma_semaphore, #tpu.memory_space<semaphore_mem>> -> memref<1x!tpu.dma_semaphore, #tpu.memory_space<semaphore_mem>>
      %dma_wait3A_458 = tpu.memref_squeeze %dma_wait3A_457 : memref<1x!tpu.dma_semaphore, #tpu.memory_space<semaphore_mem>> -> memref<!tpu.dma_semaphore, #tpu.memory_space<semaphore_mem>>
      %dma_wait3A_459 = arith.constant 0 : i32
      %dma_wait3A_460 = tpu.memref_slice %arg4[%add3A_449, %dma_wait3A_459] : memref<512x25600xf32, #tpu.memory_space<hbm>> -> memref<1x25600xf32, #tpu.memory_space<hbm>>
      %dma_wait3A_461 = arith.constant 0 : i32
      %dma_wait3A_462 = arith.constant 0 : i32
      %dma_wait3A_463 = tpu.memref_slice %arg6[%dma_wait3A, %dma_wait3A_461, %dma_wait3A_462] : memref<4x1x25600xf32, #tpu.memory_space<vmem>> -> memref<1x1x25600xf32, #tpu.memory_space<vmem>>
      %dma_wait3A_464 = tpu.memref_squeeze %dma_wait3A_463 : memref<1x1x25600xf32, #tpu.memory_space<vmem>> -> memref<1x25600xf32, #tpu.memory_space<vmem>>
      tpu.wait_dma2 semaphore(%dma_wait3A_458 : memref<!tpu.dma_semaphore, #tpu.memory_space<semaphore_mem>>) src(%dma_wait3A_464 : memref<1x25600xf32, #tpu.memory_space<vmem>>) dst(%dma_wait3A_460 : memref<1x25600xf32, #tpu.memory_space<hbm>>)
    } else {
    }
    %add3A_371 = arith.constant 15 : i32
    %add3A_372 = arith.addi %mul3A_2, %add3A_371 : i32
    %lt3A_373 = arith.constant 512 : i32
    %lt3A_374 = arith.cmpi slt, %add3A_372, %lt3A_373 : i32
    %convert_element_type3A_375 = arith.extui %lt3A_374 : i1 to i32
    %cond3A_376 = arith.constant 0 : i32
    %cond3A_377 = arith.cmpi ne, %convert_element_type3A_375, %cond3A_376 : i32
    scf.if %cond3A_377 {
      %dma_start3A = arith.constant 15 : i32
      %dma_start3A_448 = arith.constant 3 : i32
      %dma_start3A_449 = arith.constant 3 : i32
      %dma_start3A_450 = arith.constant 0 : i32
      %dma_start3A_451 = arith.constant 0 : i32
      %dma_start3A_452 = tpu.memref_slice %arg6[%dma_start3A_448, %dma_start3A_450, %dma_start3A_451] : memref<4x1x25600xf32, #tpu.memory_space<vmem>> -> memref<1x1x25600xf32, #tpu.memory_space<vmem>>
      %dma_start3A_453 = tpu.memref_squeeze %dma_start3A_452 : memref<1x1x25600xf32, #tpu.memory_space<vmem>> -> memref<1x25600xf32, #tpu.memory_space<vmem>>
      %dma_start3A_454 = arith.constant 0 : i32
      %dma_start3A_455 = tpu.memref_slice %arg5[%dma_start3A, %dma_start3A_454] : memref<16x1xi32, #tpu.memory_space<vmem>> -> memref<1x1xi32, #tpu.memory_space<vmem>>
      %dma_start3A_456 = tpu.memref_squeeze %dma_start3A_455 : memref<1x1xi32, #tpu.memory_space<vmem>> -> memref<1xi32, #tpu.memory_space<vmem>>
      %dma_start3A_457 = arith.constant 0 : i32
      %dma_start3A_458 = arith.constant 0 : i32
      %dma_start3A_459 = tpu.memref_slice %arg2[%dma_start3A_457, %dma_start3A_458] : memref<2000x25600xf32, #tpu.memory_space<hbm>> -> memref<2000x25600xf32, #tpu.memory_space<hbm>>
      %dma_start3A_460 = tpu.memref_slice %arg7[%dma_start3A_449] : memref<4x!tpu.dma_semaphore, #tpu.memory_space<semaphore_mem>> -> memref<1x!tpu.dma_semaphore, #tpu.memory_space<semaphore_mem>>
      %dma_start3A_461 = tpu.memref_squeeze %dma_start3A_460 : memref<1x!tpu.dma_semaphore, #tpu.memory_space<semaphore_mem>> -> memref<!tpu.dma_semaphore, #tpu.memory_space<semaphore_mem>>
      tpu.enqueue_indirect_dma source(%dma_start3A_459 : memref<2000x25600xf32, #tpu.memory_space<hbm>>) target(%dma_start3A_453 : memref<1x25600xf32, #tpu.memory_space<vmem>>) offsets(%dma_start3A_456 : memref<1xi32, #tpu.memory_space<vmem>>) semaphore(%dma_start3A_461 : memref<!tpu.dma_semaphore, #tpu.memory_space<semaphore_mem>>)
    } else {
    }
    %add3A_378 = arith.constant 13 : i32
    %add3A_379 = arith.addi %mul3A_2, %add3A_378 : i32
    %lt3A_380 = arith.constant 512 : i32
    %lt3A_381 = arith.cmpi slt, %add3A_379, %lt3A_380 : i32
    %convert_element_type3A_382 = arith.extui %lt3A_381 : i1 to i32
    %cond3A_383 = arith.constant 0 : i32
    %cond3A_384 = arith.cmpi ne, %convert_element_type3A_382, %cond3A_383 : i32
    scf.if %cond3A_384 {
      %dma_wait3A = arith.constant 13 : i32
      %dma_wait3A_448 = arith.constant 1 : i32
      %dma_wait3A_449 = arith.constant 1 : i32
      %dma_wait3A_450 = arith.constant 0 : i32
      %dma_wait3A_451 = arith.constant 0 : i32
      %dma_wait3A_452 = tpu.memref_slice %arg6[%dma_wait3A_448, %dma_wait3A_450, %dma_wait3A_451] : memref<4x1x25600xf32, #tpu.memory_space<vmem>> -> memref<1x1x25600xf32, #tpu.memory_space<vmem>>
      %dma_wait3A_453 = tpu.memref_squeeze %dma_wait3A_452 : memref<1x1x25600xf32, #tpu.memory_space<vmem>> -> memref<1x25600xf32, #tpu.memory_space<vmem>>
      %dma_wait3A_454 = arith.constant 0 : i32
      %dma_wait3A_455 = tpu.memref_slice %arg5[%dma_wait3A, %dma_wait3A_454] : memref<16x1xi32, #tpu.memory_space<vmem>> -> memref<1x1xi32, #tpu.memory_space<vmem>>
      %dma_wait3A_456 = tpu.memref_squeeze %dma_wait3A_455 : memref<1x1xi32, #tpu.memory_space<vmem>> -> memref<1xi32, #tpu.memory_space<vmem>>
      %dma_wait3A_457 = arith.constant 0 : i32
      %dma_wait3A_458 = arith.constant 0 : i32
      %dma_wait3A_459 = tpu.memref_slice %arg2[%dma_wait3A_457, %dma_wait3A_458] : memref<2000x25600xf32, #tpu.memory_space<hbm>> -> memref<2000x25600xf32, #tpu.memory_space<hbm>>
      %dma_wait3A_460 = tpu.memref_slice %arg7[%dma_wait3A_449] : memref<4x!tpu.dma_semaphore, #tpu.memory_space<semaphore_mem>> -> memref<1x!tpu.dma_semaphore, #tpu.memory_space<semaphore_mem>>
      %dma_wait3A_461 = tpu.memref_squeeze %dma_wait3A_460 : memref<1x!tpu.dma_semaphore, #tpu.memory_space<semaphore_mem>> -> memref<!tpu.dma_semaphore, #tpu.memory_space<semaphore_mem>>
      tpu.wait_indirect_dma semaphore(%dma_wait3A_461 : memref<!tpu.dma_semaphore, #tpu.memory_space<semaphore_mem>>) src(%dma_wait3A_459 : memref<2000x25600xf32, #tpu.memory_space<hbm>>) dst(%dma_wait3A_453 : memref<1x25600xf32, #tpu.memory_space<vmem>>)
    } else {
    }
    %add3A_385 = arith.constant 13 : i32
    %add3A_386 = arith.addi %mul3A_2, %add3A_385 : i32
    %lt3A_387 = arith.constant 512 : i32
    %lt3A_388 = arith.cmpi slt, %add3A_386, %lt3A_387 : i32
    %convert_element_type3A_389 = arith.extui %lt3A_388 : i1 to i32
    %cond3A_390 = arith.constant 0 : i32
    %cond3A_391 = arith.cmpi ne, %convert_element_type3A_389, %cond3A_390 : i32
    scf.if %cond3A_391 {
      %add3A_448 = arith.constant 13 : i32
      %add3A_449 = arith.addi %mul3A_2, %add3A_448 : i32
      %dma_start3A = arith.constant 1 : i32
      %dma_start3A_450 = arith.constant 1 : i32
      %dma_start3A_451 = arith.constant 0 : i32
      %dma_start3A_452 = arith.constant 0 : i32
      %dma_start3A_453 = tpu.memref_slice %arg6[%dma_start3A, %dma_start3A_451, %dma_start3A_452] : memref<4x1x25600xf32, #tpu.memory_space<vmem>> -> memref<1x1x25600xf32, #tpu.memory_space<vmem>>
      %dma_start3A_454 = tpu.memref_squeeze %dma_start3A_453 : memref<1x1x25600xf32, #tpu.memory_space<vmem>> -> memref<1x25600xf32, #tpu.memory_space<vmem>>
      %dma_start3A_455 = arith.constant 0 : i32
      %dma_start3A_456 = tpu.memref_slice %arg4[%add3A_449, %dma_start3A_455] : memref<512x25600xf32, #tpu.memory_space<hbm>> -> memref<1x25600xf32, #tpu.memory_space<hbm>>
      %dma_start3A_457 = tpu.memref_slice %arg8[%dma_start3A_450] : memref<4x!tpu.dma_semaphore, #tpu.memory_space<semaphore_mem>> -> memref<1x!tpu.dma_semaphore, #tpu.memory_space<semaphore_mem>>
      %dma_start3A_458 = tpu.memref_squeeze %dma_start3A_457 : memref<1x!tpu.dma_semaphore, #tpu.memory_space<semaphore_mem>> -> memref<!tpu.dma_semaphore, #tpu.memory_space<semaphore_mem>>
      %dma_start3A_459 = arith.constant 0 : i32
      %dma_start3A_460 = tpu.memref_slice %arg4[%add3A_449, %dma_start3A_459] : memref<512x25600xf32, #tpu.memory_space<hbm>> -> memref<1x25600xf32, #tpu.memory_space<hbm>>
      %dma_start3A_461 = arith.constant 0 : i32
      %dma_start3A_462 = arith.constant 0 : i32
      %dma_start3A_463 = tpu.memref_slice %arg6[%dma_start3A, %dma_start3A_461, %dma_start3A_462] : memref<4x1x25600xf32, #tpu.memory_space<vmem>> -> memref<1x1x25600xf32, #tpu.memory_space<vmem>>
      %dma_start3A_464 = tpu.memref_squeeze %dma_start3A_463 : memref<1x1x25600xf32, #tpu.memory_space<vmem>> -> memref<1x25600xf32, #tpu.memory_space<vmem>>
      tpu.enqueue_dma source(%dma_start3A_464 : memref<1x25600xf32, #tpu.memory_space<vmem>>) target(%dma_start3A_460 : memref<1x25600xf32, #tpu.memory_space<hbm>>) target_semaphore(%dma_start3A_458 : memref<!tpu.dma_semaphore, #tpu.memory_space<semaphore_mem>>)
    } else {
    }
    %add3A_392 = arith.constant 14 : i32
    %add3A_393 = arith.addi %mul3A_2, %add3A_392 : i32
    %lt3A_394 = arith.constant 512 : i32
    %lt3A_395 = arith.cmpi slt, %add3A_393, %lt3A_394 : i32
    %convert_element_type3A_396 = arith.extui %lt3A_395 : i1 to i32
    %cond3A_397 = arith.constant 0 : i32
    %cond3A_398 = arith.cmpi ne, %convert_element_type3A_396, %cond3A_397 : i32
    scf.if %cond3A_398 {
      %dma_wait3A = arith.constant 14 : i32
      %dma_wait3A_448 = arith.constant 2 : i32
      %dma_wait3A_449 = arith.constant 2 : i32
      %dma_wait3A_450 = arith.constant 0 : i32
      %dma_wait3A_451 = arith.constant 0 : i32
      %dma_wait3A_452 = tpu.memref_slice %arg6[%dma_wait3A_448, %dma_wait3A_450, %dma_wait3A_451] : memref<4x1x25600xf32, #tpu.memory_space<vmem>> -> memref<1x1x25600xf32, #tpu.memory_space<vmem>>
      %dma_wait3A_453 = tpu.memref_squeeze %dma_wait3A_452 : memref<1x1x25600xf32, #tpu.memory_space<vmem>> -> memref<1x25600xf32, #tpu.memory_space<vmem>>
      %dma_wait3A_454 = arith.constant 0 : i32
      %dma_wait3A_455 = tpu.memref_slice %arg5[%dma_wait3A, %dma_wait3A_454] : memref<16x1xi32, #tpu.memory_space<vmem>> -> memref<1x1xi32, #tpu.memory_space<vmem>>
      %dma_wait3A_456 = tpu.memref_squeeze %dma_wait3A_455 : memref<1x1xi32, #tpu.memory_space<vmem>> -> memref<1xi32, #tpu.memory_space<vmem>>
      %dma_wait3A_457 = arith.constant 0 : i32
      %dma_wait3A_458 = arith.constant 0 : i32
      %dma_wait3A_459 = tpu.memref_slice %arg2[%dma_wait3A_457, %dma_wait3A_458] : memref<2000x25600xf32, #tpu.memory_space<hbm>> -> memref<2000x25600xf32, #tpu.memory_space<hbm>>
      %dma_wait3A_460 = tpu.memref_slice %arg7[%dma_wait3A_449] : memref<4x!tpu.dma_semaphore, #tpu.memory_space<semaphore_mem>> -> memref<1x!tpu.dma_semaphore, #tpu.memory_space<semaphore_mem>>
      %dma_wait3A_461 = tpu.memref_squeeze %dma_wait3A_460 : memref<1x!tpu.dma_semaphore, #tpu.memory_space<semaphore_mem>> -> memref<!tpu.dma_semaphore, #tpu.memory_space<semaphore_mem>>
      tpu.wait_indirect_dma semaphore(%dma_wait3A_461 : memref<!tpu.dma_semaphore, #tpu.memory_space<semaphore_mem>>) src(%dma_wait3A_459 : memref<2000x25600xf32, #tpu.memory_space<hbm>>) dst(%dma_wait3A_453 : memref<1x25600xf32, #tpu.memory_space<vmem>>)
    } else {
    }
    %add3A_399 = arith.constant 14 : i32
    %add3A_400 = arith.addi %mul3A_2, %add3A_399 : i32
    %lt3A_401 = arith.constant 512 : i32
    %lt3A_402 = arith.cmpi slt, %add3A_400, %lt3A_401 : i32
    %convert_element_type3A_403 = arith.extui %lt3A_402 : i1 to i32
    %cond3A_404 = arith.constant 0 : i32
    %cond3A_405 = arith.cmpi ne, %convert_element_type3A_403, %cond3A_404 : i32
    scf.if %cond3A_405 {
      %add3A_448 = arith.constant 14 : i32
      %add3A_449 = arith.addi %mul3A_2, %add3A_448 : i32
      %dma_start3A = arith.constant 2 : i32
      %dma_start3A_450 = arith.constant 2 : i32
      %dma_start3A_451 = arith.constant 0 : i32
      %dma_start3A_452 = arith.constant 0 : i32
      %dma_start3A_453 = tpu.memref_slice %arg6[%dma_start3A, %dma_start3A_451, %dma_start3A_452] : memref<4x1x25600xf32, #tpu.memory_space<vmem>> -> memref<1x1x25600xf32, #tpu.memory_space<vmem>>
      %dma_start3A_454 = tpu.memref_squeeze %dma_start3A_453 : memref<1x1x25600xf32, #tpu.memory_space<vmem>> -> memref<1x25600xf32, #tpu.memory_space<vmem>>
      %dma_start3A_455 = arith.constant 0 : i32
      %dma_start3A_456 = tpu.memref_slice %arg4[%add3A_449, %dma_start3A_455] : memref<512x25600xf32, #tpu.memory_space<hbm>> -> memref<1x25600xf32, #tpu.memory_space<hbm>>
      %dma_start3A_457 = tpu.memref_slice %arg8[%dma_start3A_450] : memref<4x!tpu.dma_semaphore, #tpu.memory_space<semaphore_mem>> -> memref<1x!tpu.dma_semaphore, #tpu.memory_space<semaphore_mem>>
      %dma_start3A_458 = tpu.memref_squeeze %dma_start3A_457 : memref<1x!tpu.dma_semaphore, #tpu.memory_space<semaphore_mem>> -> memref<!tpu.dma_semaphore, #tpu.memory_space<semaphore_mem>>
      %dma_start3A_459 = arith.constant 0 : i32
      %dma_start3A_460 = tpu.memref_slice %arg4[%add3A_449, %dma_start3A_459] : memref<512x25600xf32, #tpu.memory_space<hbm>> -> memref<1x25600xf32, #tpu.memory_space<hbm>>
      %dma_start3A_461 = arith.constant 0 : i32
      %dma_start3A_462 = arith.constant 0 : i32
      %dma_start3A_463 = tpu.memref_slice %arg6[%dma_start3A, %dma_start3A_461, %dma_start3A_462] : memref<4x1x25600xf32, #tpu.memory_space<vmem>> -> memref<1x1x25600xf32, #tpu.memory_space<vmem>>
      %dma_start3A_464 = tpu.memref_squeeze %dma_start3A_463 : memref<1x1x25600xf32, #tpu.memory_space<vmem>> -> memref<1x25600xf32, #tpu.memory_space<vmem>>
      tpu.enqueue_dma source(%dma_start3A_464 : memref<1x25600xf32, #tpu.memory_space<vmem>>) target(%dma_start3A_460 : memref<1x25600xf32, #tpu.memory_space<hbm>>) target_semaphore(%dma_start3A_458 : memref<!tpu.dma_semaphore, #tpu.memory_space<semaphore_mem>>)
    } else {
    }
    %add3A_406 = arith.constant 15 : i32
    %add3A_407 = arith.addi %mul3A_2, %add3A_406 : i32
    %lt3A_408 = arith.constant 512 : i32
    %lt3A_409 = arith.cmpi slt, %add3A_407, %lt3A_408 : i32
    %convert_element_type3A_410 = arith.extui %lt3A_409 : i1 to i32
    %cond3A_411 = arith.constant 0 : i32
    %cond3A_412 = arith.cmpi ne, %convert_element_type3A_410, %cond3A_411 : i32
    scf.if %cond3A_412 {
      %dma_wait3A = arith.constant 15 : i32
      %dma_wait3A_448 = arith.constant 3 : i32
      %dma_wait3A_449 = arith.constant 3 : i32
      %dma_wait3A_450 = arith.constant 0 : i32
      %dma_wait3A_451 = arith.constant 0 : i32
      %dma_wait3A_452 = tpu.memref_slice %arg6[%dma_wait3A_448, %dma_wait3A_450, %dma_wait3A_451] : memref<4x1x25600xf32, #tpu.memory_space<vmem>> -> memref<1x1x25600xf32, #tpu.memory_space<vmem>>
      %dma_wait3A_453 = tpu.memref_squeeze %dma_wait3A_452 : memref<1x1x25600xf32, #tpu.memory_space<vmem>> -> memref<1x25600xf32, #tpu.memory_space<vmem>>
      %dma_wait3A_454 = arith.constant 0 : i32
      %dma_wait3A_455 = tpu.memref_slice %arg5[%dma_wait3A, %dma_wait3A_454] : memref<16x1xi32, #tpu.memory_space<vmem>> -> memref<1x1xi32, #tpu.memory_space<vmem>>
      %dma_wait3A_456 = tpu.memref_squeeze %dma_wait3A_455 : memref<1x1xi32, #tpu.memory_space<vmem>> -> memref<1xi32, #tpu.memory_space<vmem>>
      %dma_wait3A_457 = arith.constant 0 : i32
      %dma_wait3A_458 = arith.constant 0 : i32
      %dma_wait3A_459 = tpu.memref_slice %arg2[%dma_wait3A_457, %dma_wait3A_458] : memref<2000x25600xf32, #tpu.memory_space<hbm>> -> memref<2000x25600xf32, #tpu.memory_space<hbm>>
      %dma_wait3A_460 = tpu.memref_slice %arg7[%dma_wait3A_449] : memref<4x!tpu.dma_semaphore, #tpu.memory_space<semaphore_mem>> -> memref<1x!tpu.dma_semaphore, #tpu.memory_space<semaphore_mem>>
      %dma_wait3A_461 = tpu.memref_squeeze %dma_wait3A_460 : memref<1x!tpu.dma_semaphore, #tpu.memory_space<semaphore_mem>> -> memref<!tpu.dma_semaphore, #tpu.memory_space<semaphore_mem>>
      tpu.wait_indirect_dma semaphore(%dma_wait3A_461 : memref<!tpu.dma_semaphore, #tpu.memory_space<semaphore_mem>>) src(%dma_wait3A_459 : memref<2000x25600xf32, #tpu.memory_space<hbm>>) dst(%dma_wait3A_453 : memref<1x25600xf32, #tpu.memory_space<vmem>>)
    } else {
    }
    %add3A_413 = arith.constant 15 : i32
    %add3A_414 = arith.addi %mul3A_2, %add3A_413 : i32
    %lt3A_415 = arith.constant 512 : i32
    %lt3A_416 = arith.cmpi slt, %add3A_414, %lt3A_415 : i32
    %convert_element_type3A_417 = arith.extui %lt3A_416 : i1 to i32
    %cond3A_418 = arith.constant 0 : i32
    %cond3A_419 = arith.cmpi ne, %convert_element_type3A_417, %cond3A_418 : i32
    scf.if %cond3A_419 {
      %add3A_448 = arith.constant 15 : i32
      %add3A_449 = arith.addi %mul3A_2, %add3A_448 : i32
      %dma_start3A = arith.constant 3 : i32
      %dma_start3A_450 = arith.constant 3 : i32
      %dma_start3A_451 = arith.constant 0 : i32
      %dma_start3A_452 = arith.constant 0 : i32
      %dma_start3A_453 = tpu.memref_slice %arg6[%dma_start3A, %dma_start3A_451, %dma_start3A_452] : memref<4x1x25600xf32, #tpu.memory_space<vmem>> -> memref<1x1x25600xf32, #tpu.memory_space<vmem>>
      %dma_start3A_454 = tpu.memref_squeeze %dma_start3A_453 : memref<1x1x25600xf32, #tpu.memory_space<vmem>> -> memref<1x25600xf32, #tpu.memory_space<vmem>>
      %dma_start3A_455 = arith.constant 0 : i32
      %dma_start3A_456 = tpu.memref_slice %arg4[%add3A_449, %dma_start3A_455] : memref<512x25600xf32, #tpu.memory_space<hbm>> -> memref<1x25600xf32, #tpu.memory_space<hbm>>
      %dma_start3A_457 = tpu.memref_slice %arg8[%dma_start3A_450] : memref<4x!tpu.dma_semaphore, #tpu.memory_space<semaphore_mem>> -> memref<1x!tpu.dma_semaphore, #tpu.memory_space<semaphore_mem>>
      %dma_start3A_458 = tpu.memref_squeeze %dma_start3A_457 : memref<1x!tpu.dma_semaphore, #tpu.memory_space<semaphore_mem>> -> memref<!tpu.dma_semaphore, #tpu.memory_space<semaphore_mem>>
      %dma_start3A_459 = arith.constant 0 : i32
      %dma_start3A_460 = tpu.memref_slice %arg4[%add3A_449, %dma_start3A_459] : memref<512x25600xf32, #tpu.memory_space<hbm>> -> memref<1x25600xf32, #tpu.memory_space<hbm>>
      %dma_start3A_461 = arith.constant 0 : i32
      %dma_start3A_462 = arith.constant 0 : i32
      %dma_start3A_463 = tpu.memref_slice %arg6[%dma_start3A, %dma_start3A_461, %dma_start3A_462] : memref<4x1x25600xf32, #tpu.memory_space<vmem>> -> memref<1x1x25600xf32, #tpu.memory_space<vmem>>
      %dma_start3A_464 = tpu.memref_squeeze %dma_start3A_463 : memref<1x1x25600xf32, #tpu.memory_space<vmem>> -> memref<1x25600xf32, #tpu.memory_space<vmem>>
      tpu.enqueue_dma source(%dma_start3A_464 : memref<1x25600xf32, #tpu.memory_space<vmem>>) target(%dma_start3A_460 : memref<1x25600xf32, #tpu.memory_space<hbm>>) target_semaphore(%dma_start3A_458 : memref<!tpu.dma_semaphore, #tpu.memory_space<semaphore_mem>>)
    } else {
    }
    %add3A_420 = arith.constant 12 : i32
    %add3A_421 = arith.addi %mul3A_2, %add3A_420 : i32
    %lt3A_422 = arith.constant 512 : i32
    %lt3A_423 = arith.cmpi slt, %add3A_421, %lt3A_422 : i32
    %convert_element_type3A_424 = arith.extui %lt3A_423 : i1 to i32
    %cond3A_425 = arith.constant 0 : i32
    %cond3A_426 = arith.cmpi ne, %convert_element_type3A_424, %cond3A_425 : i32
    scf.if %cond3A_426 {
      %add3A_448 = arith.constant 12 : i32
      %add3A_449 = arith.addi %mul3A_2, %add3A_448 : i32
      %dma_wait3A = arith.constant 0 : i32
      %dma_wait3A_450 = arith.constant 0 : i32
      %dma_wait3A_451 = arith.constant 0 : i32
      %dma_wait3A_452 = arith.constant 0 : i32
      %dma_wait3A_453 = tpu.memref_slice %arg6[%dma_wait3A, %dma_wait3A_451, %dma_wait3A_452] : memref<4x1x25600xf32, #tpu.memory_space<vmem>> -> memref<1x1x25600xf32, #tpu.memory_space<vmem>>
      %dma_wait3A_454 = tpu.memref_squeeze %dma_wait3A_453 : memref<1x1x25600xf32, #tpu.memory_space<vmem>> -> memref<1x25600xf32, #tpu.memory_space<vmem>>
      %dma_wait3A_455 = arith.constant 0 : i32
      %dma_wait3A_456 = tpu.memref_slice %arg4[%add3A_449, %dma_wait3A_455] : memref<512x25600xf32, #tpu.memory_space<hbm>> -> memref<1x25600xf32, #tpu.memory_space<hbm>>
      %dma_wait3A_457 = tpu.memref_slice %arg8[%dma_wait3A_450] : memref<4x!tpu.dma_semaphore, #tpu.memory_space<semaphore_mem>> -> memref<1x!tpu.dma_semaphore, #tpu.memory_space<semaphore_mem>>
      %dma_wait3A_458 = tpu.memref_squeeze %dma_wait3A_457 : memref<1x!tpu.dma_semaphore, #tpu.memory_space<semaphore_mem>> -> memref<!tpu.dma_semaphore, #tpu.memory_space<semaphore_mem>>
      %dma_wait3A_459 = arith.constant 0 : i32
      %dma_wait3A_460 = tpu.memref_slice %arg4[%add3A_449, %dma_wait3A_459] : memref<512x25600xf32, #tpu.memory_space<hbm>> -> memref<1x25600xf32, #tpu.memory_space<hbm>>
      %dma_wait3A_461 = arith.constant 0 : i32
      %dma_wait3A_462 = arith.constant 0 : i32
      %dma_wait3A_463 = tpu.memref_slice %arg6[%dma_wait3A, %dma_wait3A_461, %dma_wait3A_462] : memref<4x1x25600xf32, #tpu.memory_space<vmem>> -> memref<1x1x25600xf32, #tpu.memory_space<vmem>>
      %dma_wait3A_464 = tpu.memref_squeeze %dma_wait3A_463 : memref<1x1x25600xf32, #tpu.memory_space<vmem>> -> memref<1x25600xf32, #tpu.memory_space<vmem>>
      tpu.wait_dma2 semaphore(%dma_wait3A_458 : memref<!tpu.dma_semaphore, #tpu.memory_space<semaphore_mem>>) src(%dma_wait3A_464 : memref<1x25600xf32, #tpu.memory_space<vmem>>) dst(%dma_wait3A_460 : memref<1x25600xf32, #tpu.memory_space<hbm>>)
    } else {
    }
    %add3A_427 = arith.constant 13 : i32
    %add3A_428 = arith.addi %mul3A_2, %add3A_427 : i32
    %lt3A_429 = arith.constant 512 : i32
    %lt3A_430 = arith.cmpi slt, %add3A_428, %lt3A_429 : i32
    %convert_element_type3A_431 = arith.extui %lt3A_430 : i1 to i32
    %cond3A_432 = arith.constant 0 : i32
    %cond3A_433 = arith.cmpi ne, %convert_element_type3A_431, %cond3A_432 : i32
    scf.if %cond3A_433 {
      %add3A_448 = arith.constant 13 : i32
      %add3A_449 = arith.addi %mul3A_2, %add3A_448 : i32
      %dma_wait3A = arith.constant 1 : i32
      %dma_wait3A_450 = arith.constant 1 : i32
      %dma_wait3A_451 = arith.constant 0 : i32
      %dma_wait3A_452 = arith.constant 0 : i32
      %dma_wait3A_453 = tpu.memref_slice %arg6[%dma_wait3A, %dma_wait3A_451, %dma_wait3A_452] : memref<4x1x25600xf32, #tpu.memory_space<vmem>> -> memref<1x1x25600xf32, #tpu.memory_space<vmem>>
      %dma_wait3A_454 = tpu.memref_squeeze %dma_wait3A_453 : memref<1x1x25600xf32, #tpu.memory_space<vmem>> -> memref<1x25600xf32, #tpu.memory_space<vmem>>
      %dma_wait3A_455 = arith.constant 0 : i32
      %dma_wait3A_456 = tpu.memref_slice %arg4[%add3A_449, %dma_wait3A_455] : memref<512x25600xf32, #tpu.memory_space<hbm>> -> memref<1x25600xf32, #tpu.memory_space<hbm>>
      %dma_wait3A_457 = tpu.memref_slice %arg8[%dma_wait3A_450] : memref<4x!tpu.dma_semaphore, #tpu.memory_space<semaphore_mem>> -> memref<1x!tpu.dma_semaphore, #tpu.memory_space<semaphore_mem>>
      %dma_wait3A_458 = tpu.memref_squeeze %dma_wait3A_457 : memref<1x!tpu.dma_semaphore, #tpu.memory_space<semaphore_mem>> -> memref<!tpu.dma_semaphore, #tpu.memory_space<semaphore_mem>>
      %dma_wait3A_459 = arith.constant 0 : i32
      %dma_wait3A_460 = tpu.memref_slice %arg4[%add3A_449, %dma_wait3A_459] : memref<512x25600xf32, #tpu.memory_space<hbm>> -> memref<1x25600xf32, #tpu.memory_space<hbm>>
      %dma_wait3A_461 = arith.constant 0 : i32
      %dma_wait3A_462 = arith.constant 0 : i32
      %dma_wait3A_463 = tpu.memref_slice %arg6[%dma_wait3A, %dma_wait3A_461, %dma_wait3A_462] : memref<4x1x25600xf32, #tpu.memory_space<vmem>> -> memref<1x1x25600xf32, #tpu.memory_space<vmem>>
      %dma_wait3A_464 = tpu.memref_squeeze %dma_wait3A_463 : memref<1x1x25600xf32, #tpu.memory_space<vmem>> -> memref<1x25600xf32, #tpu.memory_space<vmem>>
      tpu.wait_dma2 semaphore(%dma_wait3A_458 : memref<!tpu.dma_semaphore, #tpu.memory_space<semaphore_mem>>) src(%dma_wait3A_464 : memref<1x25600xf32, #tpu.memory_space<vmem>>) dst(%dma_wait3A_460 : memref<1x25600xf32, #tpu.memory_space<hbm>>)
    } else {
    }
    %add3A_434 = arith.constant 14 : i32
    %add3A_435 = arith.addi %mul3A_2, %add3A_434 : i32
    %lt3A_436 = arith.constant 512 : i32
    %lt3A_437 = arith.cmpi slt, %add3A_435, %lt3A_436 : i32
    %convert_element_type3A_438 = arith.extui %lt3A_437 : i1 to i32
    %cond3A_439 = arith.constant 0 : i32
    %cond3A_440 = arith.cmpi ne, %convert_element_type3A_438, %cond3A_439 : i32
    scf.if %cond3A_440 {
      %add3A_448 = arith.constant 14 : i32
      %add3A_449 = arith.addi %mul3A_2, %add3A_448 : i32
      %dma_wait3A = arith.constant 2 : i32
      %dma_wait3A_450 = arith.constant 2 : i32
      %dma_wait3A_451 = arith.constant 0 : i32
      %dma_wait3A_452 = arith.constant 0 : i32
      %dma_wait3A_453 = tpu.memref_slice %arg6[%dma_wait3A, %dma_wait3A_451, %dma_wait3A_452] : memref<4x1x25600xf32, #tpu.memory_space<vmem>> -> memref<1x1x25600xf32, #tpu.memory_space<vmem>>
      %dma_wait3A_454 = tpu.memref_squeeze %dma_wait3A_453 : memref<1x1x25600xf32, #tpu.memory_space<vmem>> -> memref<1x25600xf32, #tpu.memory_space<vmem>>
      %dma_wait3A_455 = arith.constant 0 : i32
      %dma_wait3A_456 = tpu.memref_slice %arg4[%add3A_449, %dma_wait3A_455] : memref<512x25600xf32, #tpu.memory_space<hbm>> -> memref<1x25600xf32, #tpu.memory_space<hbm>>
      %dma_wait3A_457 = tpu.memref_slice %arg8[%dma_wait3A_450] : memref<4x!tpu.dma_semaphore, #tpu.memory_space<semaphore_mem>> -> memref<1x!tpu.dma_semaphore, #tpu.memory_space<semaphore_mem>>
      %dma_wait3A_458 = tpu.memref_squeeze %dma_wait3A_457 : memref<1x!tpu.dma_semaphore, #tpu.memory_space<semaphore_mem>> -> memref<!tpu.dma_semaphore, #tpu.memory_space<semaphore_mem>>
      %dma_wait3A_459 = arith.constant 0 : i32
      %dma_wait3A_460 = tpu.memref_slice %arg4[%add3A_449, %dma_wait3A_459] : memref<512x25600xf32, #tpu.memory_space<hbm>> -> memref<1x25600xf32, #tpu.memory_space<hbm>>
      %dma_wait3A_461 = arith.constant 0 : i32
      %dma_wait3A_462 = arith.constant 0 : i32
      %dma_wait3A_463 = tpu.memref_slice %arg6[%dma_wait3A, %dma_wait3A_461, %dma_wait3A_462] : memref<4x1x25600xf32, #tpu.memory_space<vmem>> -> memref<1x1x25600xf32, #tpu.memory_space<vmem>>
      %dma_wait3A_464 = tpu.memref_squeeze %dma_wait3A_463 : memref<1x1x25600xf32, #tpu.memory_space<vmem>> -> memref<1x25600xf32, #tpu.memory_space<vmem>>
      tpu.wait_dma2 semaphore(%dma_wait3A_458 : memref<!tpu.dma_semaphore, #tpu.memory_space<semaphore_mem>>) src(%dma_wait3A_464 : memref<1x25600xf32, #tpu.memory_space<vmem>>) dst(%dma_wait3A_460 : memref<1x25600xf32, #tpu.memory_space<hbm>>)
    } else {
    }
    %add3A_441 = arith.constant 15 : i32
    %add3A_442 = arith.addi %mul3A_2, %add3A_441 : i32
    %lt3A_443 = arith.constant 512 : i32
    %lt3A_444 = arith.cmpi slt, %add3A_442, %lt3A_443 : i32
    %convert_element_type3A_445 = arith.extui %lt3A_444 : i1 to i32
    %cond3A_446 = arith.constant 0 : i32
    %cond3A_447 = arith.cmpi ne, %convert_element_type3A_445, %cond3A_446 : i32
    scf.if %cond3A_447 {
      %add3A_448 = arith.constant 15 : i32
      %add3A_449 = arith.addi %mul3A_2, %add3A_448 : i32
      %dma_wait3A = arith.constant 3 : i32
      %dma_wait3A_450 = arith.constant 3 : i32
      %dma_wait3A_451 = arith.constant 0 : i32
      %dma_wait3A_452 = arith.constant 0 : i32
      %dma_wait3A_453 = tpu.memref_slice %arg6[%dma_wait3A, %dma_wait3A_451, %dma_wait3A_452] : memref<4x1x25600xf32, #tpu.memory_space<vmem>> -> memref<1x1x25600xf32, #tpu.memory_space<vmem>>
      %dma_wait3A_454 = tpu.memref_squeeze %dma_wait3A_453 : memref<1x1x25600xf32, #tpu.memory_space<vmem>> -> memref<1x25600xf32, #tpu.memory_space<vmem>>
      %dma_wait3A_455 = arith.constant 0 : i32
      %dma_wait3A_456 = tpu.memref_slice %arg4[%add3A_449, %dma_wait3A_455] : memref<512x25600xf32, #tpu.memory_space<hbm>> -> memref<1x25600xf32, #tpu.memory_space<hbm>>
      %dma_wait3A_457 = tpu.memref_slice %arg8[%dma_wait3A_450] : memref<4x!tpu.dma_semaphore, #tpu.memory_space<semaphore_mem>> -> memref<1x!tpu.dma_semaphore, #tpu.memory_space<semaphore_mem>>
      %dma_wait3A_458 = tpu.memref_squeeze %dma_wait3A_457 : memref<1x!tpu.dma_semaphore, #tpu.memory_space<semaphore_mem>> -> memref<!tpu.dma_semaphore, #tpu.memory_space<semaphore_mem>>
      %dma_wait3A_459 = arith.constant 0 : i32
      %dma_wait3A_460 = tpu.memref_slice %arg4[%add3A_449, %dma_wait3A_459] : memref<512x25600xf32, #tpu.memory_space<hbm>> -> memref<1x25600xf32, #tpu.memory_space<hbm>>
      %dma_wait3A_461 = arith.constant 0 : i32
      %dma_wait3A_462 = arith.constant 0 : i32
      %dma_wait3A_463 = tpu.memref_slice %arg6[%dma_wait3A, %dma_wait3A_461, %dma_wait3A_462] : memref<4x1x25600xf32, #tpu.memory_space<vmem>> -> memref<1x1x25600xf32, #tpu.memory_space<vmem>>
      %dma_wait3A_464 = tpu.memref_squeeze %dma_wait3A_463 : memref<1x1x25600xf32, #tpu.memory_space<vmem>> -> memref<1x25600xf32, #tpu.memory_space<vmem>>
      tpu.wait_dma2 semaphore(%dma_wait3A_458 : memref<!tpu.dma_semaphore, #tpu.memory_space<semaphore_mem>>) src(%dma_wait3A_464 : memref<1x25600xf32, #tpu.memory_space<vmem>>) dst(%dma_wait3A_460 : memref<1x25600xf32, #tpu.memory_space<hbm>>)
    } else {
    }
    return
  }
}

#map = affine_map<(d0, d1) -> (0, 0)>
module attributes {stable_mosaic.version = 14 : i64} {
  func.func @body(%arg0: i32, %arg1: i32, %arg2: memref<2000x25600xf32, #tpu.memory_space<hbm>>, %arg3: memref<512x1xi32, #tpu.memory_space<hbm>>, %arg4: memref<500x25600xf32, #tpu.memory_space<hbm>>, %arg5: memref<16x1xi32, #tpu.memory_space<vmem>>, %arg6: memref<4x1x25600xf32, #tpu.memory_space<vmem>>, %arg7: memref<4x!tpu.dma_semaphore, #tpu.memory_space<semaphore_mem>>, %arg8: memref<4x!tpu.dma_semaphore, #tpu.memory_space<semaphore_mem>>) attributes {dimension_semantics = [#tpu.dimension_semantics<core_parallel>, #tpu.dimension_semantics<subcore_parallel>], iteration_bounds = array<i64: 2, 16>, scalar_prefetch = 0 : i64, scratch_operands = 4 : i64, tpu.core_type = #tpu.core_type<sc_vector_subcore>, window_params = [{transform_indices = #map}, {transform_indices = #map}, {transform_indices = #map}]} {
    %mul3A = arith.constant 2 : i32
    %mul3A_0 = arith.muli %arg1, %mul3A : i32
    %add3A = arith.addi %mul3A_0, %arg0 : i32
    %mul3A_1 = arith.constant 16 : i32
    %mul3A_2 = arith.muli %add3A, %mul3A_1 : i32
    "tpu.region"() ({
      %run_scoped3A = tpu.sem_alloc : memref<!tpu.dma_semaphore, #tpu.memory_space<semaphore_mem>>
      %dma_start3A = arith.constant 0 : i32
      %dma_start3A_448 = tpu.memref_slice %arg3[%mul3A_2, %dma_start3A] : memref<512x1xi32, #tpu.memory_space<hbm>> -> memref<16x1xi32, #tpu.memory_space<hbm>>
      %dma_start3A_449 = arith.constant 0 : i32
      %dma_start3A_450 = tpu.memref_slice %arg3[%mul3A_2, %dma_start3A_449] : memref<512x1xi32, #tpu.memory_space<hbm>> -> memref<16x1xi32, #tpu.memory_space<hbm>>
      tpu.enqueue_dma source(%dma_start3A_450 : memref<16x1xi32, #tpu.memory_space<hbm>>) target(%arg5 : memref<16x1xi32, #tpu.memory_space<vmem>>) target_semaphore(%run_scoped3A : memref<!tpu.dma_semaphore, #tpu.memory_space<semaphore_mem>>)
      %dma_wait3A = arith.constant 0 : i32
      %dma_wait3A_451 = tpu.memref_slice %arg3[%mul3A_2, %dma_wait3A] : memref<512x1xi32, #tpu.memory_space<hbm>> -> memref<16x1xi32, #tpu.memory_space<hbm>>
      %dma_wait3A_452 = arith.constant 0 : i32
      %dma_wait3A_453 = tpu.memref_slice %arg3[%mul3A_2, %dma_wait3A_452] : memref<512x1xi32, #tpu.memory_space<hbm>> -> memref<16x1xi32, #tpu.memory_space<hbm>>
      tpu.wait_dma2 semaphore(%run_scoped3A : memref<!tpu.dma_semaphore, #tpu.memory_space<semaphore_mem>>) src(%dma_wait3A_453 : memref<16x1xi32, #tpu.memory_space<hbm>>) dst(%arg5 : memref<16x1xi32, #tpu.memory_space<vmem>>)
      tpu.yield
    }) : () -> ()
    %add3A_3 = arith.constant 0 : i32
    %add3A_4 = arith.addi %mul3A_2, %add3A_3 : i32
    %lt3A = arith.constant 500 : i32
    %lt3A_5 = arith.cmpi slt, %add3A_4, %lt3A : i32
    %convert_element_type3A = arith.extui %lt3A_5 : i1 to i32
    %cond3A = arith.constant 0 : i32
    %cond3A_6 = arith.cmpi ne, %convert_element_type3A, %cond3A : i32
    scf.if %cond3A_6 {
      %dma_start3A = arith.constant 0 : i32
      %dma_start3A_448 = arith.constant 0 : i32
      %dma_start3A_449 = arith.constant 0 : i32
      %dma_start3A_450 = arith.constant 0 : i32
      %dma_start3A_451 = arith.constant 0 : i32
      %dma_start3A_452 = tpu.memref_slice %arg6[%dma_start3A_448, %dma_start3A_450, %dma_start3A_451] : memref<4x1x25600xf32, #tpu.memory_space<vmem>> -> memref<1x1x25600xf32, #tpu.memory_space<vmem>>
      %dma_start3A_453 = tpu.memref_squeeze %dma_start3A_452 : memref<1x1x25600xf32, #tpu.memory_space<vmem>> -> memref<1x25600xf32, #tpu.memory_space<vmem>>
      %dma_start3A_454 = arith.constant 0 : i32
      %dma_start3A_455 = tpu.memref_slice %arg5[%dma_start3A, %dma_start3A_454] : memref<16x1xi32, #tpu.memory_space<vmem>> -> memref<1x1xi32, #tpu.memory_space<vmem>>
      %dma_start3A_456 = tpu.memref_squeeze %dma_start3A_455 : memref<1x1xi32, #tpu.memory_space<vmem>> -> memref<1xi32, #tpu.memory_space<vmem>>
      %dma_start3A_457 = arith.constant 0 : i32
      %dma_start3A_458 = arith.constant 0 : i32
      %dma_start3A_459 = tpu.memref_slice %arg2[%dma_start3A_457, %dma_start3A_458] : memref<2000x25600xf32, #tpu.memory_space<hbm>> -> memref<2000x25600xf32, #tpu.memory_space<hbm>>
      %dma_start3A_460 = tpu.memref_slice %arg7[%dma_start3A_449] : memref<4x!tpu.dma_semaphore, #tpu.memory_space<semaphore_mem>> -> memref<1x!tpu.dma_semaphore, #tpu.memory_space<semaphore_mem>>
      %dma_start3A_461 = tpu.memref_squeeze %dma_start3A_460 : memref<1x!tpu.dma_semaphore, #tpu.memory_space<semaphore_mem>> -> memref<!tpu.dma_semaphore, #tpu.memory_space<semaphore_mem>>
      tpu.enqueue_indirect_dma source(%dma_start3A_459 : memref<2000x25600xf32, #tpu.memory_space<hbm>>) target(%dma_start3A_453 : memref<1x25600xf32, #tpu.memory_space<vmem>>) offsets(%dma_start3A_456 : memref<1xi32, #tpu.memory_space<vmem>>) semaphore(%dma_start3A_461 : memref<!tpu.dma_semaphore, #tpu.memory_space<semaphore_mem>>)
    } else {
    }
    %add3A_7 = arith.constant 1 : i32
    %add3A_8 = arith.addi %mul3A_2, %add3A_7 : i32
    %lt3A_9 = arith.constant 500 : i32
    %lt3A_10 = arith.cmpi slt, %add3A_8, %lt3A_9 : i32
    %convert_element_type3A_11 = arith.extui %lt3A_10 : i1 to i32
    %cond3A_12 = arith.constant 0 : i32
    %cond3A_13 = arith.cmpi ne, %convert_element_type3A_11, %cond3A_12 : i32
    scf.if %cond3A_13 {
      %dma_start3A = arith.constant 1 : i32
      %dma_start3A_448 = arith.constant 1 : i32
      %dma_start3A_449 = arith.constant 1 : i32
      %dma_start3A_450 = arith.constant 0 : i32
      %dma_start3A_451 = arith.constant 0 : i32
      %dma_start3A_452 = tpu.memref_slice %arg6[%dma_start3A_448, %dma_start3A_450, %dma_start3A_451] : memref<4x1x25600xf32, #tpu.memory_space<vmem>> -> memref<1x1x25600xf32, #tpu.memory_space<vmem>>
      %dma_start3A_453 = tpu.memref_squeeze %dma_start3A_452 : memref<1x1x25600xf32, #tpu.memory_space<vmem>> -> memref<1x25600xf32, #tpu.memory_space<vmem>>
      %dma_start3A_454 = arith.constant 0 : i32
      %dma_start3A_455 = tpu.memref_slice %arg5[%dma_start3A, %dma_start3A_454] : memref<16x1xi32, #tpu.memory_space<vmem>> -> memref<1x1xi32, #tpu.memory_space<vmem>>
      %dma_start3A_456 = tpu.memref_squeeze %dma_start3A_455 : memref<1x1xi32, #tpu.memory_space<vmem>> -> memref<1xi32, #tpu.memory_space<vmem>>
      %dma_start3A_457 = arith.constant 0 : i32
      %dma_start3A_458 = arith.constant 0 : i32
      %dma_start3A_459 = tpu.memref_slice %arg2[%dma_start3A_457, %dma_start3A_458] : memref<2000x25600xf32, #tpu.memory_space<hbm>> -> memref<2000x25600xf32, #tpu.memory_space<hbm>>
      %dma_start3A_460 = tpu.memref_slice %arg7[%dma_start3A_449] : memref<4x!tpu.dma_semaphore, #tpu.memory_space<semaphore_mem>> -> memref<1x!tpu.dma_semaphore, #tpu.memory_space<semaphore_mem>>
      %dma_start3A_461 = tpu.memref_squeeze %dma_start3A_460 : memref<1x!tpu.dma_semaphore, #tpu.memory_space<semaphore_mem>> -> memref<!tpu.dma_semaphore, #tpu.memory_space<semaphore_mem>>
      tpu.enqueue_indirect_dma source(%dma_start3A_459 : memref<2000x25600xf32, #tpu.memory_space<hbm>>) target(%dma_start3A_453 : memref<1x25600xf32, #tpu.memory_space<vmem>>) offsets(%dma_start3A_456 : memref<1xi32, #tpu.memory_space<vmem>>) semaphore(%dma_start3A_461 : memref<!tpu.dma_semaphore, #tpu.memory_space<semaphore_mem>>)
    } else {
    }
    %add3A_14 = arith.constant 2 : i32
    %add3A_15 = arith.addi %mul3A_2, %add3A_14 : i32
    %lt3A_16 = arith.constant 500 : i32
    %lt3A_17 = arith.cmpi slt, %add3A_15, %lt3A_16 : i32
    %convert_element_type3A_18 = arith.extui %lt3A_17 : i1 to i32
    %cond3A_19 = arith.constant 0 : i32
    %cond3A_20 = arith.cmpi ne, %convert_element_type3A_18, %cond3A_19 : i32
    scf.if %cond3A_20 {
      %dma_start3A = arith.constant 2 : i32
      %dma_start3A_448 = arith.constant 2 : i32
      %dma_start3A_449 = arith.constant 2 : i32
      %dma_start3A_450 = arith.constant 0 : i32
      %dma_start3A_451 = arith.constant 0 : i32
      %dma_start3A_452 = tpu.memref_slice %arg6[%dma_start3A_448, %dma_start3A_450, %dma_start3A_451] : memref<4x1x25600xf32, #tpu.memory_space<vmem>> -> memref<1x1x25600xf32, #tpu.memory_space<vmem>>
      %dma_start3A_453 = tpu.memref_squeeze %dma_start3A_452 : memref<1x1x25600xf32, #tpu.memory_space<vmem>> -> memref<1x25600xf32, #tpu.memory_space<vmem>>
      %dma_start3A_454 = arith.constant 0 : i32
      %dma_start3A_455 = tpu.memref_slice %arg5[%dma_start3A, %dma_start3A_454] : memref<16x1xi32, #tpu.memory_space<vmem>> -> memref<1x1xi32, #tpu.memory_space<vmem>>
      %dma_start3A_456 = tpu.memref_squeeze %dma_start3A_455 : memref<1x1xi32, #tpu.memory_space<vmem>> -> memref<1xi32, #tpu.memory_space<vmem>>
      %dma_start3A_457 = arith.constant 0 : i32
      %dma_start3A_458 = arith.constant 0 : i32
      %dma_start3A_459 = tpu.memref_slice %arg2[%dma_start3A_457, %dma_start3A_458] : memref<2000x25600xf32, #tpu.memory_space<hbm>> -> memref<2000x25600xf32, #tpu.memory_space<hbm>>
      %dma_start3A_460 = tpu.memref_slice %arg7[%dma_start3A_449] : memref<4x!tpu.dma_semaphore, #tpu.memory_space<semaphore_mem>> -> memref<1x!tpu.dma_semaphore, #tpu.memory_space<semaphore_mem>>
      %dma_start3A_461 = tpu.memref_squeeze %dma_start3A_460 : memref<1x!tpu.dma_semaphore, #tpu.memory_space<semaphore_mem>> -> memref<!tpu.dma_semaphore, #tpu.memory_space<semaphore_mem>>
      tpu.enqueue_indirect_dma source(%dma_start3A_459 : memref<2000x25600xf32, #tpu.memory_space<hbm>>) target(%dma_start3A_453 : memref<1x25600xf32, #tpu.memory_space<vmem>>) offsets(%dma_start3A_456 : memref<1xi32, #tpu.memory_space<vmem>>) semaphore(%dma_start3A_461 : memref<!tpu.dma_semaphore, #tpu.memory_space<semaphore_mem>>)
    } else {
    }
    %add3A_21 = arith.constant 0 : i32
    %add3A_22 = arith.addi %mul3A_2, %add3A_21 : i32
    %lt3A_23 = arith.constant 500 : i32
    %lt3A_24 = arith.cmpi slt, %add3A_22, %lt3A_23 : i32
    %convert_element_type3A_25 = arith.extui %lt3A_24 : i1 to i32
    %cond3A_26 = arith.constant 0 : i32
    %cond3A_27 = arith.cmpi ne, %convert_element_type3A_25, %cond3A_26 : i32
    scf.if %cond3A_27 {
      %dma_wait3A = arith.constant 0 : i32
      %dma_wait3A_448 = arith.constant 0 : i32
      %dma_wait3A_449 = arith.constant 0 : i32
      %dma_wait3A_450 = arith.constant 0 : i32
      %dma_wait3A_451 = arith.constant 0 : i32
      %dma_wait3A_452 = tpu.memref_slice %arg6[%dma_wait3A_448, %dma_wait3A_450, %dma_wait3A_451] : memref<4x1x25600xf32, #tpu.memory_space<vmem>> -> memref<1x1x25600xf32, #tpu.memory_space<vmem>>
      %dma_wait3A_453 = tpu.memref_squeeze %dma_wait3A_452 : memref<1x1x25600xf32, #tpu.memory_space<vmem>> -> memref<1x25600xf32, #tpu.memory_space<vmem>>
      %dma_wait3A_454 = arith.constant 0 : i32
      %dma_wait3A_455 = tpu.memref_slice %arg5[%dma_wait3A, %dma_wait3A_454] : memref<16x1xi32, #tpu.memory_space<vmem>> -> memref<1x1xi32, #tpu.memory_space<vmem>>
      %dma_wait3A_456 = tpu.memref_squeeze %dma_wait3A_455 : memref<1x1xi32, #tpu.memory_space<vmem>> -> memref<1xi32, #tpu.memory_space<vmem>>
      %dma_wait3A_457 = arith.constant 0 : i32
      %dma_wait3A_458 = arith.constant 0 : i32
      %dma_wait3A_459 = tpu.memref_slice %arg2[%dma_wait3A_457, %dma_wait3A_458] : memref<2000x25600xf32, #tpu.memory_space<hbm>> -> memref<2000x25600xf32, #tpu.memory_space<hbm>>
      %dma_wait3A_460 = tpu.memref_slice %arg7[%dma_wait3A_449] : memref<4x!tpu.dma_semaphore, #tpu.memory_space<semaphore_mem>> -> memref<1x!tpu.dma_semaphore, #tpu.memory_space<semaphore_mem>>
      %dma_wait3A_461 = tpu.memref_squeeze %dma_wait3A_460 : memref<1x!tpu.dma_semaphore, #tpu.memory_space<semaphore_mem>> -> memref<!tpu.dma_semaphore, #tpu.memory_space<semaphore_mem>>
      tpu.wait_indirect_dma semaphore(%dma_wait3A_461 : memref<!tpu.dma_semaphore, #tpu.memory_space<semaphore_mem>>) src(%dma_wait3A_459 : memref<2000x25600xf32, #tpu.memory_space<hbm>>) dst(%dma_wait3A_453 : memref<1x25600xf32, #tpu.memory_space<vmem>>)
    } else {
    }
    %add3A_28 = arith.constant 0 : i32
    %add3A_29 = arith.addi %mul3A_2, %add3A_28 : i32
    %lt3A_30 = arith.constant 500 : i32
    %lt3A_31 = arith.cmpi slt, %add3A_29, %lt3A_30 : i32
    %convert_element_type3A_32 = arith.extui %lt3A_31 : i1 to i32
    %cond3A_33 = arith.constant 0 : i32
    %cond3A_34 = arith.cmpi ne, %convert_element_type3A_32, %cond3A_33 : i32
    scf.if %cond3A_34 {
      %add3A_448 = arith.constant 0 : i32
      %add3A_449 = arith.addi %mul3A_2, %add3A_448 : i32
      %dma_start3A = arith.constant 0 : i32
      %dma_start3A_450 = arith.constant 0 : i32
      %dma_start3A_451 = arith.constant 0 : i32
      %dma_start3A_452 = arith.constant 0 : i32
      %dma_start3A_453 = tpu.memref_slice %arg6[%dma_start3A, %dma_start3A_451, %dma_start3A_452] : memref<4x1x25600xf32, #tpu.memory_space<vmem>> -> memref<1x1x25600xf32, #tpu.memory_space<vmem>>
      %dma_start3A_454 = tpu.memref_squeeze %dma_start3A_453 : memref<1x1x25600xf32, #tpu.memory_space<vmem>> -> memref<1x25600xf32, #tpu.memory_space<vmem>>
      %dma_start3A_455 = arith.constant 0 : i32
      %dma_start3A_456 = tpu.memref_slice %arg4[%add3A_449, %dma_start3A_455] : memref<500x25600xf32, #tpu.memory_space<hbm>> -> memref<1x25600xf32, #tpu.memory_space<hbm>>
      %dma_start3A_457 = tpu.memref_slice %arg8[%dma_start3A_450] : memref<4x!tpu.dma_semaphore, #tpu.memory_space<semaphore_mem>> -> memref<1x!tpu.dma_semaphore, #tpu.memory_space<semaphore_mem>>
      %dma_start3A_458 = tpu.memref_squeeze %dma_start3A_457 : memref<1x!tpu.dma_semaphore, #tpu.memory_space<semaphore_mem>> -> memref<!tpu.dma_semaphore, #tpu.memory_space<semaphore_mem>>
      %dma_start3A_459 = arith.constant 0 : i32
      %dma_start3A_460 = tpu.memref_slice %arg4[%add3A_449, %dma_start3A_459] : memref<500x25600xf32, #tpu.memory_space<hbm>> -> memref<1x25600xf32, #tpu.memory_space<hbm>>
      %dma_start3A_461 = arith.constant 0 : i32
      %dma_start3A_462 = arith.constant 0 : i32
      %dma_start3A_463 = tpu.memref_slice %arg6[%dma_start3A, %dma_start3A_461, %dma_start3A_462] : memref<4x1x25600xf32, #tpu.memory_space<vmem>> -> memref<1x1x25600xf32, #tpu.memory_space<vmem>>
      %dma_start3A_464 = tpu.memref_squeeze %dma_start3A_463 : memref<1x1x25600xf32, #tpu.memory_space<vmem>> -> memref<1x25600xf32, #tpu.memory_space<vmem>>
      tpu.enqueue_dma source(%dma_start3A_464 : memref<1x25600xf32, #tpu.memory_space<vmem>>) target(%dma_start3A_460 : memref<1x25600xf32, #tpu.memory_space<hbm>>) target_semaphore(%dma_start3A_458 : memref<!tpu.dma_semaphore, #tpu.memory_space<semaphore_mem>>)
    } else {
    }
    %add3A_35 = arith.constant 3 : i32
    %add3A_36 = arith.addi %mul3A_2, %add3A_35 : i32
    %lt3A_37 = arith.constant 500 : i32
    %lt3A_38 = arith.cmpi slt, %add3A_36, %lt3A_37 : i32
    %convert_element_type3A_39 = arith.extui %lt3A_38 : i1 to i32
    %cond3A_40 = arith.constant 0 : i32
    %cond3A_41 = arith.cmpi ne, %convert_element_type3A_39, %cond3A_40 : i32
    scf.if %cond3A_41 {
      %dma_start3A = arith.constant 3 : i32
      %dma_start3A_448 = arith.constant 3 : i32
      %dma_start3A_449 = arith.constant 3 : i32
      %dma_start3A_450 = arith.constant 0 : i32
      %dma_start3A_451 = arith.constant 0 : i32
      %dma_start3A_452 = tpu.memref_slice %arg6[%dma_start3A_448, %dma_start3A_450, %dma_start3A_451] : memref<4x1x25600xf32, #tpu.memory_space<vmem>> -> memref<1x1x25600xf32, #tpu.memory_space<vmem>>
      %dma_start3A_453 = tpu.memref_squeeze %dma_start3A_452 : memref<1x1x25600xf32, #tpu.memory_space<vmem>> -> memref<1x25600xf32, #tpu.memory_space<vmem>>
      %dma_start3A_454 = arith.constant 0 : i32
      %dma_start3A_455 = tpu.memref_slice %arg5[%dma_start3A, %dma_start3A_454] : memref<16x1xi32, #tpu.memory_space<vmem>> -> memref<1x1xi32, #tpu.memory_space<vmem>>
      %dma_start3A_456 = tpu.memref_squeeze %dma_start3A_455 : memref<1x1xi32, #tpu.memory_space<vmem>> -> memref<1xi32, #tpu.memory_space<vmem>>
      %dma_start3A_457 = arith.constant 0 : i32
      %dma_start3A_458 = arith.constant 0 : i32
      %dma_start3A_459 = tpu.memref_slice %arg2[%dma_start3A_457, %dma_start3A_458] : memref<2000x25600xf32, #tpu.memory_space<hbm>> -> memref<2000x25600xf32, #tpu.memory_space<hbm>>
      %dma_start3A_460 = tpu.memref_slice %arg7[%dma_start3A_449] : memref<4x!tpu.dma_semaphore, #tpu.memory_space<semaphore_mem>> -> memref<1x!tpu.dma_semaphore, #tpu.memory_space<semaphore_mem>>
      %dma_start3A_461 = tpu.memref_squeeze %dma_start3A_460 : memref<1x!tpu.dma_semaphore, #tpu.memory_space<semaphore_mem>> -> memref<!tpu.dma_semaphore, #tpu.memory_space<semaphore_mem>>
      tpu.enqueue_indirect_dma source(%dma_start3A_459 : memref<2000x25600xf32, #tpu.memory_space<hbm>>) target(%dma_start3A_453 : memref<1x25600xf32, #tpu.memory_space<vmem>>) offsets(%dma_start3A_456 : memref<1xi32, #tpu.memory_space<vmem>>) semaphore(%dma_start3A_461 : memref<!tpu.dma_semaphore, #tpu.memory_space<semaphore_mem>>)
    } else {
    }
    %add3A_42 = arith.constant 1 : i32
    %add3A_43 = arith.addi %mul3A_2, %add3A_42 : i32
    %lt3A_44 = arith.constant 500 : i32
    %lt3A_45 = arith.cmpi slt, %add3A_43, %lt3A_44 : i32
    %convert_element_type3A_46 = arith.extui %lt3A_45 : i1 to i32
    %cond3A_47 = arith.constant 0 : i32
    %cond3A_48 = arith.cmpi ne, %convert_element_type3A_46, %cond3A_47 : i32
    scf.if %cond3A_48 {
      %dma_wait3A = arith.constant 1 : i32
      %dma_wait3A_448 = arith.constant 1 : i32
      %dma_wait3A_449 = arith.constant 1 : i32
      %dma_wait3A_450 = arith.constant 0 : i32
      %dma_wait3A_451 = arith.constant 0 : i32
      %dma_wait3A_452 = tpu.memref_slice %arg6[%dma_wait3A_448, %dma_wait3A_450, %dma_wait3A_451] : memref<4x1x25600xf32, #tpu.memory_space<vmem>> -> memref<1x1x25600xf32, #tpu.memory_space<vmem>>
      %dma_wait3A_453 = tpu.memref_squeeze %dma_wait3A_452 : memref<1x1x25600xf32, #tpu.memory_space<vmem>> -> memref<1x25600xf32, #tpu.memory_space<vmem>>
      %dma_wait3A_454 = arith.constant 0 : i32
      %dma_wait3A_455 = tpu.memref_slice %arg5[%dma_wait3A, %dma_wait3A_454] : memref<16x1xi32, #tpu.memory_space<vmem>> -> memref<1x1xi32, #tpu.memory_space<vmem>>
      %dma_wait3A_456 = tpu.memref_squeeze %dma_wait3A_455 : memref<1x1xi32, #tpu.memory_space<vmem>> -> memref<1xi32, #tpu.memory_space<vmem>>
      %dma_wait3A_457 = arith.constant 0 : i32
      %dma_wait3A_458 = arith.constant 0 : i32
      %dma_wait3A_459 = tpu.memref_slice %arg2[%dma_wait3A_457, %dma_wait3A_458] : memref<2000x25600xf32, #tpu.memory_space<hbm>> -> memref<2000x25600xf32, #tpu.memory_space<hbm>>
      %dma_wait3A_460 = tpu.memref_slice %arg7[%dma_wait3A_449] : memref<4x!tpu.dma_semaphore, #tpu.memory_space<semaphore_mem>> -> memref<1x!tpu.dma_semaphore, #tpu.memory_space<semaphore_mem>>
      %dma_wait3A_461 = tpu.memref_squeeze %dma_wait3A_460 : memref<1x!tpu.dma_semaphore, #tpu.memory_space<semaphore_mem>> -> memref<!tpu.dma_semaphore, #tpu.memory_space<semaphore_mem>>
      tpu.wait_indirect_dma semaphore(%dma_wait3A_461 : memref<!tpu.dma_semaphore, #tpu.memory_space<semaphore_mem>>) src(%dma_wait3A_459 : memref<2000x25600xf32, #tpu.memory_space<hbm>>) dst(%dma_wait3A_453 : memref<1x25600xf32, #tpu.memory_space<vmem>>)
    } else {
    }
    %add3A_49 = arith.constant 1 : i32
    %add3A_50 = arith.addi %mul3A_2, %add3A_49 : i32
    %lt3A_51 = arith.constant 500 : i32
    %lt3A_52 = arith.cmpi slt, %add3A_50, %lt3A_51 : i32
    %convert_element_type3A_53 = arith.extui %lt3A_52 : i1 to i32
    %cond3A_54 = arith.constant 0 : i32
    %cond3A_55 = arith.cmpi ne, %convert_element_type3A_53, %cond3A_54 : i32
    scf.if %cond3A_55 {
      %add3A_448 = arith.constant 1 : i32
      %add3A_449 = arith.addi %mul3A_2, %add3A_448 : i32
      %dma_start3A = arith.constant 1 : i32
      %dma_start3A_450 = arith.constant 1 : i32
      %dma_start3A_451 = arith.constant 0 : i32
      %dma_start3A_452 = arith.constant 0 : i32
      %dma_start3A_453 = tpu.memref_slice %arg6[%dma_start3A, %dma_start3A_451, %dma_start3A_452] : memref<4x1x25600xf32, #tpu.memory_space<vmem>> -> memref<1x1x25600xf32, #tpu.memory_space<vmem>>
      %dma_start3A_454 = tpu.memref_squeeze %dma_start3A_453 : memref<1x1x25600xf32, #tpu.memory_space<vmem>> -> memref<1x25600xf32, #tpu.memory_space<vmem>>
      %dma_start3A_455 = arith.constant 0 : i32
      %dma_start3A_456 = tpu.memref_slice %arg4[%add3A_449, %dma_start3A_455] : memref<500x25600xf32, #tpu.memory_space<hbm>> -> memref<1x25600xf32, #tpu.memory_space<hbm>>
      %dma_start3A_457 = tpu.memref_slice %arg8[%dma_start3A_450] : memref<4x!tpu.dma_semaphore, #tpu.memory_space<semaphore_mem>> -> memref<1x!tpu.dma_semaphore, #tpu.memory_space<semaphore_mem>>
      %dma_start3A_458 = tpu.memref_squeeze %dma_start3A_457 : memref<1x!tpu.dma_semaphore, #tpu.memory_space<semaphore_mem>> -> memref<!tpu.dma_semaphore, #tpu.memory_space<semaphore_mem>>
      %dma_start3A_459 = arith.constant 0 : i32
      %dma_start3A_460 = tpu.memref_slice %arg4[%add3A_449, %dma_start3A_459] : memref<500x25600xf32, #tpu.memory_space<hbm>> -> memref<1x25600xf32, #tpu.memory_space<hbm>>
      %dma_start3A_461 = arith.constant 0 : i32
      %dma_start3A_462 = arith.constant 0 : i32
      %dma_start3A_463 = tpu.memref_slice %arg6[%dma_start3A, %dma_start3A_461, %dma_start3A_462] : memref<4x1x25600xf32, #tpu.memory_space<vmem>> -> memref<1x1x25600xf32, #tpu.memory_space<vmem>>
      %dma_start3A_464 = tpu.memref_squeeze %dma_start3A_463 : memref<1x1x25600xf32, #tpu.memory_space<vmem>> -> memref<1x25600xf32, #tpu.memory_space<vmem>>
      tpu.enqueue_dma source(%dma_start3A_464 : memref<1x25600xf32, #tpu.memory_space<vmem>>) target(%dma_start3A_460 : memref<1x25600xf32, #tpu.memory_space<hbm>>) target_semaphore(%dma_start3A_458 : memref<!tpu.dma_semaphore, #tpu.memory_space<semaphore_mem>>)
    } else {
    }
    %add3A_56 = arith.constant 0 : i32
    %add3A_57 = arith.addi %mul3A_2, %add3A_56 : i32
    %lt3A_58 = arith.constant 500 : i32
    %lt3A_59 = arith.cmpi slt, %add3A_57, %lt3A_58 : i32
    %convert_element_type3A_60 = arith.extui %lt3A_59 : i1 to i32
    %cond3A_61 = arith.constant 0 : i32
    %cond3A_62 = arith.cmpi ne, %convert_element_type3A_60, %cond3A_61 : i32
    scf.if %cond3A_62 {
      %add3A_448 = arith.constant 0 : i32
      %add3A_449 = arith.addi %mul3A_2, %add3A_448 : i32
      %dma_wait3A = arith.constant 0 : i32
      %dma_wait3A_450 = arith.constant 0 : i32
      %dma_wait3A_451 = arith.constant 0 : i32
      %dma_wait3A_452 = arith.constant 0 : i32
      %dma_wait3A_453 = tpu.memref_slice %arg6[%dma_wait3A, %dma_wait3A_451, %dma_wait3A_452] : memref<4x1x25600xf32, #tpu.memory_space<vmem>> -> memref<1x1x25600xf32, #tpu.memory_space<vmem>>
      %dma_wait3A_454 = tpu.memref_squeeze %dma_wait3A_453 : memref<1x1x25600xf32, #tpu.memory_space<vmem>> -> memref<1x25600xf32, #tpu.memory_space<vmem>>
      %dma_wait3A_455 = arith.constant 0 : i32
      %dma_wait3A_456 = tpu.memref_slice %arg4[%add3A_449, %dma_wait3A_455] : memref<500x25600xf32, #tpu.memory_space<hbm>> -> memref<1x25600xf32, #tpu.memory_space<hbm>>
      %dma_wait3A_457 = tpu.memref_slice %arg8[%dma_wait3A_450] : memref<4x!tpu.dma_semaphore, #tpu.memory_space<semaphore_mem>> -> memref<1x!tpu.dma_semaphore, #tpu.memory_space<semaphore_mem>>
      %dma_wait3A_458 = tpu.memref_squeeze %dma_wait3A_457 : memref<1x!tpu.dma_semaphore, #tpu.memory_space<semaphore_mem>> -> memref<!tpu.dma_semaphore, #tpu.memory_space<semaphore_mem>>
      %dma_wait3A_459 = arith.constant 0 : i32
      %dma_wait3A_460 = tpu.memref_slice %arg4[%add3A_449, %dma_wait3A_459] : memref<500x25600xf32, #tpu.memory_space<hbm>> -> memref<1x25600xf32, #tpu.memory_space<hbm>>
      %dma_wait3A_461 = arith.constant 0 : i32
      %dma_wait3A_462 = arith.constant 0 : i32
      %dma_wait3A_463 = tpu.memref_slice %arg6[%dma_wait3A, %dma_wait3A_461, %dma_wait3A_462] : memref<4x1x25600xf32, #tpu.memory_space<vmem>> -> memref<1x1x25600xf32, #tpu.memory_space<vmem>>
      %dma_wait3A_464 = tpu.memref_squeeze %dma_wait3A_463 : memref<1x1x25600xf32, #tpu.memory_space<vmem>> -> memref<1x25600xf32, #tpu.memory_space<vmem>>
      tpu.wait_dma2 semaphore(%dma_wait3A_458 : memref<!tpu.dma_semaphore, #tpu.memory_space<semaphore_mem>>) src(%dma_wait3A_464 : memref<1x25600xf32, #tpu.memory_space<vmem>>) dst(%dma_wait3A_460 : memref<1x25600xf32, #tpu.memory_space<hbm>>)
    } else {
    }
    %add3A_63 = arith.constant 4 : i32
    %add3A_64 = arith.addi %mul3A_2, %add3A_63 : i32
    %lt3A_65 = arith.constant 500 : i32
    %lt3A_66 = arith.cmpi slt, %add3A_64, %lt3A_65 : i32
    %convert_element_type3A_67 = arith.extui %lt3A_66 : i1 to i32
    %cond3A_68 = arith.constant 0 : i32
    %cond3A_69 = arith.cmpi ne, %convert_element_type3A_67, %cond3A_68 : i32
    scf.if %cond3A_69 {
      %dma_start3A = arith.constant 4 : i32
      %dma_start3A_448 = arith.constant 0 : i32
      %dma_start3A_449 = arith.constant 0 : i32
      %dma_start3A_450 = arith.constant 0 : i32
      %dma_start3A_451 = arith.constant 0 : i32
      %dma_start3A_452 = tpu.memref_slice %arg6[%dma_start3A_448, %dma_start3A_450, %dma_start3A_451] : memref<4x1x25600xf32, #tpu.memory_space<vmem>> -> memref<1x1x25600xf32, #tpu.memory_space<vmem>>
      %dma_start3A_453 = tpu.memref_squeeze %dma_start3A_452 : memref<1x1x25600xf32, #tpu.memory_space<vmem>> -> memref<1x25600xf32, #tpu.memory_space<vmem>>
      %dma_start3A_454 = arith.constant 0 : i32
      %dma_start3A_455 = tpu.memref_slice %arg5[%dma_start3A, %dma_start3A_454] : memref<16x1xi32, #tpu.memory_space<vmem>> -> memref<1x1xi32, #tpu.memory_space<vmem>>
      %dma_start3A_456 = tpu.memref_squeeze %dma_start3A_455 : memref<1x1xi32, #tpu.memory_space<vmem>> -> memref<1xi32, #tpu.memory_space<vmem>>
      %dma_start3A_457 = arith.constant 0 : i32
      %dma_start3A_458 = arith.constant 0 : i32
      %dma_start3A_459 = tpu.memref_slice %arg2[%dma_start3A_457, %dma_start3A_458] : memref<2000x25600xf32, #tpu.memory_space<hbm>> -> memref<2000x25600xf32, #tpu.memory_space<hbm>>
      %dma_start3A_460 = tpu.memref_slice %arg7[%dma_start3A_449] : memref<4x!tpu.dma_semaphore, #tpu.memory_space<semaphore_mem>> -> memref<1x!tpu.dma_semaphore, #tpu.memory_space<semaphore_mem>>
      %dma_start3A_461 = tpu.memref_squeeze %dma_start3A_460 : memref<1x!tpu.dma_semaphore, #tpu.memory_space<semaphore_mem>> -> memref<!tpu.dma_semaphore, #tpu.memory_space<semaphore_mem>>
      tpu.enqueue_indirect_dma source(%dma_start3A_459 : memref<2000x25600xf32, #tpu.memory_space<hbm>>) target(%dma_start3A_453 : memref<1x25600xf32, #tpu.memory_space<vmem>>) offsets(%dma_start3A_456 : memref<1xi32, #tpu.memory_space<vmem>>) semaphore(%dma_start3A_461 : memref<!tpu.dma_semaphore, #tpu.memory_space<semaphore_mem>>)
    } else {
    }
    %add3A_70 = arith.constant 2 : i32
    %add3A_71 = arith.addi %mul3A_2, %add3A_70 : i32
    %lt3A_72 = arith.constant 500 : i32
    %lt3A_73 = arith.cmpi slt, %add3A_71, %lt3A_72 : i32
    %convert_element_type3A_74 = arith.extui %lt3A_73 : i1 to i32
    %cond3A_75 = arith.constant 0 : i32
    %cond3A_76 = arith.cmpi ne, %convert_element_type3A_74, %cond3A_75 : i32
    scf.if %cond3A_76 {
      %dma_wait3A = arith.constant 2 : i32
      %dma_wait3A_448 = arith.constant 2 : i32
      %dma_wait3A_449 = arith.constant 2 : i32
      %dma_wait3A_450 = arith.constant 0 : i32
      %dma_wait3A_451 = arith.constant 0 : i32
      %dma_wait3A_452 = tpu.memref_slice %arg6[%dma_wait3A_448, %dma_wait3A_450, %dma_wait3A_451] : memref<4x1x25600xf32, #tpu.memory_space<vmem>> -> memref<1x1x25600xf32, #tpu.memory_space<vmem>>
      %dma_wait3A_453 = tpu.memref_squeeze %dma_wait3A_452 : memref<1x1x25600xf32, #tpu.memory_space<vmem>> -> memref<1x25600xf32, #tpu.memory_space<vmem>>
      %dma_wait3A_454 = arith.constant 0 : i32
      %dma_wait3A_455 = tpu.memref_slice %arg5[%dma_wait3A, %dma_wait3A_454] : memref<16x1xi32, #tpu.memory_space<vmem>> -> memref<1x1xi32, #tpu.memory_space<vmem>>
      %dma_wait3A_456 = tpu.memref_squeeze %dma_wait3A_455 : memref<1x1xi32, #tpu.memory_space<vmem>> -> memref<1xi32, #tpu.memory_space<vmem>>
      %dma_wait3A_457 = arith.constant 0 : i32
      %dma_wait3A_458 = arith.constant 0 : i32
      %dma_wait3A_459 = tpu.memref_slice %arg2[%dma_wait3A_457, %dma_wait3A_458] : memref<2000x25600xf32, #tpu.memory_space<hbm>> -> memref<2000x25600xf32, #tpu.memory_space<hbm>>
      %dma_wait3A_460 = tpu.memref_slice %arg7[%dma_wait3A_449] : memref<4x!tpu.dma_semaphore, #tpu.memory_space<semaphore_mem>> -> memref<1x!tpu.dma_semaphore, #tpu.memory_space<semaphore_mem>>
      %dma_wait3A_461 = tpu.memref_squeeze %dma_wait3A_460 : memref<1x!tpu.dma_semaphore, #tpu.memory_space<semaphore_mem>> -> memref<!tpu.dma_semaphore, #tpu.memory_space<semaphore_mem>>
      tpu.wait_indirect_dma semaphore(%dma_wait3A_461 : memref<!tpu.dma_semaphore, #tpu.memory_space<semaphore_mem>>) src(%dma_wait3A_459 : memref<2000x25600xf32, #tpu.memory_space<hbm>>) dst(%dma_wait3A_453 : memref<1x25600xf32, #tpu.memory_space<vmem>>)
    } else {
    }
    %add3A_77 = arith.constant 2 : i32
    %add3A_78 = arith.addi %mul3A_2, %add3A_77 : i32
    %lt3A_79 = arith.constant 500 : i32
    %lt3A_80 = arith.cmpi slt, %add3A_78, %lt3A_79 : i32
    %convert_element_type3A_81 = arith.extui %lt3A_80 : i1 to i32
    %cond3A_82 = arith.constant 0 : i32
    %cond3A_83 = arith.cmpi ne, %convert_element_type3A_81, %cond3A_82 : i32
    scf.if %cond3A_83 {
      %add3A_448 = arith.constant 2 : i32
      %add3A_449 = arith.addi %mul3A_2, %add3A_448 : i32
      %dma_start3A = arith.constant 2 : i32
      %dma_start3A_450 = arith.constant 2 : i32
      %dma_start3A_451 = arith.constant 0 : i32
      %dma_start3A_452 = arith.constant 0 : i32
      %dma_start3A_453 = tpu.memref_slice %arg6[%dma_start3A, %dma_start3A_451, %dma_start3A_452] : memref<4x1x25600xf32, #tpu.memory_space<vmem>> -> memref<1x1x25600xf32, #tpu.memory_space<vmem>>
      %dma_start3A_454 = tpu.memref_squeeze %dma_start3A_453 : memref<1x1x25600xf32, #tpu.memory_space<vmem>> -> memref<1x25600xf32, #tpu.memory_space<vmem>>
      %dma_start3A_455 = arith.constant 0 : i32
      %dma_start3A_456 = tpu.memref_slice %arg4[%add3A_449, %dma_start3A_455] : memref<500x25600xf32, #tpu.memory_space<hbm>> -> memref<1x25600xf32, #tpu.memory_space<hbm>>
      %dma_start3A_457 = tpu.memref_slice %arg8[%dma_start3A_450] : memref<4x!tpu.dma_semaphore, #tpu.memory_space<semaphore_mem>> -> memref<1x!tpu.dma_semaphore, #tpu.memory_space<semaphore_mem>>
      %dma_start3A_458 = tpu.memref_squeeze %dma_start3A_457 : memref<1x!tpu.dma_semaphore, #tpu.memory_space<semaphore_mem>> -> memref<!tpu.dma_semaphore, #tpu.memory_space<semaphore_mem>>
      %dma_start3A_459 = arith.constant 0 : i32
      %dma_start3A_460 = tpu.memref_slice %arg4[%add3A_449, %dma_start3A_459] : memref<500x25600xf32, #tpu.memory_space<hbm>> -> memref<1x25600xf32, #tpu.memory_space<hbm>>
      %dma_start3A_461 = arith.constant 0 : i32
      %dma_start3A_462 = arith.constant 0 : i32
      %dma_start3A_463 = tpu.memref_slice %arg6[%dma_start3A, %dma_start3A_461, %dma_start3A_462] : memref<4x1x25600xf32, #tpu.memory_space<vmem>> -> memref<1x1x25600xf32, #tpu.memory_space<vmem>>
      %dma_start3A_464 = tpu.memref_squeeze %dma_start3A_463 : memref<1x1x25600xf32, #tpu.memory_space<vmem>> -> memref<1x25600xf32, #tpu.memory_space<vmem>>
      tpu.enqueue_dma source(%dma_start3A_464 : memref<1x25600xf32, #tpu.memory_space<vmem>>) target(%dma_start3A_460 : memref<1x25600xf32, #tpu.memory_space<hbm>>) target_semaphore(%dma_start3A_458 : memref<!tpu.dma_semaphore, #tpu.memory_space<semaphore_mem>>)
    } else {
    }
    %add3A_84 = arith.constant 1 : i32
    %add3A_85 = arith.addi %mul3A_2, %add3A_84 : i32
    %lt3A_86 = arith.constant 500 : i32
    %lt3A_87 = arith.cmpi slt, %add3A_85, %lt3A_86 : i32
    %convert_element_type3A_88 = arith.extui %lt3A_87 : i1 to i32
    %cond3A_89 = arith.constant 0 : i32
    %cond3A_90 = arith.cmpi ne, %convert_element_type3A_88, %cond3A_89 : i32
    scf.if %cond3A_90 {
      %add3A_448 = arith.constant 1 : i32
      %add3A_449 = arith.addi %mul3A_2, %add3A_448 : i32
      %dma_wait3A = arith.constant 1 : i32
      %dma_wait3A_450 = arith.constant 1 : i32
      %dma_wait3A_451 = arith.constant 0 : i32
      %dma_wait3A_452 = arith.constant 0 : i32
      %dma_wait3A_453 = tpu.memref_slice %arg6[%dma_wait3A, %dma_wait3A_451, %dma_wait3A_452] : memref<4x1x25600xf32, #tpu.memory_space<vmem>> -> memref<1x1x25600xf32, #tpu.memory_space<vmem>>
      %dma_wait3A_454 = tpu.memref_squeeze %dma_wait3A_453 : memref<1x1x25600xf32, #tpu.memory_space<vmem>> -> memref<1x25600xf32, #tpu.memory_space<vmem>>
      %dma_wait3A_455 = arith.constant 0 : i32
      %dma_wait3A_456 = tpu.memref_slice %arg4[%add3A_449, %dma_wait3A_455] : memref<500x25600xf32, #tpu.memory_space<hbm>> -> memref<1x25600xf32, #tpu.memory_space<hbm>>
      %dma_wait3A_457 = tpu.memref_slice %arg8[%dma_wait3A_450] : memref<4x!tpu.dma_semaphore, #tpu.memory_space<semaphore_mem>> -> memref<1x!tpu.dma_semaphore, #tpu.memory_space<semaphore_mem>>
      %dma_wait3A_458 = tpu.memref_squeeze %dma_wait3A_457 : memref<1x!tpu.dma_semaphore, #tpu.memory_space<semaphore_mem>> -> memref<!tpu.dma_semaphore, #tpu.memory_space<semaphore_mem>>
      %dma_wait3A_459 = arith.constant 0 : i32
      %dma_wait3A_460 = tpu.memref_slice %arg4[%add3A_449, %dma_wait3A_459] : memref<500x25600xf32, #tpu.memory_space<hbm>> -> memref<1x25600xf32, #tpu.memory_space<hbm>>
      %dma_wait3A_461 = arith.constant 0 : i32
      %dma_wait3A_462 = arith.constant 0 : i32
      %dma_wait3A_463 = tpu.memref_slice %arg6[%dma_wait3A, %dma_wait3A_461, %dma_wait3A_462] : memref<4x1x25600xf32, #tpu.memory_space<vmem>> -> memref<1x1x25600xf32, #tpu.memory_space<vmem>>
      %dma_wait3A_464 = tpu.memref_squeeze %dma_wait3A_463 : memref<1x1x25600xf32, #tpu.memory_space<vmem>> -> memref<1x25600xf32, #tpu.memory_space<vmem>>
      tpu.wait_dma2 semaphore(%dma_wait3A_458 : memref<!tpu.dma_semaphore, #tpu.memory_space<semaphore_mem>>) src(%dma_wait3A_464 : memref<1x25600xf32, #tpu.memory_space<vmem>>) dst(%dma_wait3A_460 : memref<1x25600xf32, #tpu.memory_space<hbm>>)
    } else {
    }
    %add3A_91 = arith.constant 5 : i32
    %add3A_92 = arith.addi %mul3A_2, %add3A_91 : i32
    %lt3A_93 = arith.constant 500 : i32
    %lt3A_94 = arith.cmpi slt, %add3A_92, %lt3A_93 : i32
    %convert_element_type3A_95 = arith.extui %lt3A_94 : i1 to i32
    %cond3A_96 = arith.constant 0 : i32
    %cond3A_97 = arith.cmpi ne, %convert_element_type3A_95, %cond3A_96 : i32
    scf.if %cond3A_97 {
      %dma_start3A = arith.constant 5 : i32
      %dma_start3A_448 = arith.constant 1 : i32
      %dma_start3A_449 = arith.constant 1 : i32
      %dma_start3A_450 = arith.constant 0 : i32
      %dma_start3A_451 = arith.constant 0 : i32
      %dma_start3A_452 = tpu.memref_slice %arg6[%dma_start3A_448, %dma_start3A_450, %dma_start3A_451] : memref<4x1x25600xf32, #tpu.memory_space<vmem>> -> memref<1x1x25600xf32, #tpu.memory_space<vmem>>
      %dma_start3A_453 = tpu.memref_squeeze %dma_start3A_452 : memref<1x1x25600xf32, #tpu.memory_space<vmem>> -> memref<1x25600xf32, #tpu.memory_space<vmem>>
      %dma_start3A_454 = arith.constant 0 : i32
      %dma_start3A_455 = tpu.memref_slice %arg5[%dma_start3A, %dma_start3A_454] : memref<16x1xi32, #tpu.memory_space<vmem>> -> memref<1x1xi32, #tpu.memory_space<vmem>>
      %dma_start3A_456 = tpu.memref_squeeze %dma_start3A_455 : memref<1x1xi32, #tpu.memory_space<vmem>> -> memref<1xi32, #tpu.memory_space<vmem>>
      %dma_start3A_457 = arith.constant 0 : i32
      %dma_start3A_458 = arith.constant 0 : i32
      %dma_start3A_459 = tpu.memref_slice %arg2[%dma_start3A_457, %dma_start3A_458] : memref<2000x25600xf32, #tpu.memory_space<hbm>> -> memref<2000x25600xf32, #tpu.memory_space<hbm>>
      %dma_start3A_460 = tpu.memref_slice %arg7[%dma_start3A_449] : memref<4x!tpu.dma_semaphore, #tpu.memory_space<semaphore_mem>> -> memref<1x!tpu.dma_semaphore, #tpu.memory_space<semaphore_mem>>
      %dma_start3A_461 = tpu.memref_squeeze %dma_start3A_460 : memref<1x!tpu.dma_semaphore, #tpu.memory_space<semaphore_mem>> -> memref<!tpu.dma_semaphore, #tpu.memory_space<semaphore_mem>>
      tpu.enqueue_indirect_dma source(%dma_start3A_459 : memref<2000x25600xf32, #tpu.memory_space<hbm>>) target(%dma_start3A_453 : memref<1x25600xf32, #tpu.memory_space<vmem>>) offsets(%dma_start3A_456 : memref<1xi32, #tpu.memory_space<vmem>>) semaphore(%dma_start3A_461 : memref<!tpu.dma_semaphore, #tpu.memory_space<semaphore_mem>>)
    } else {
    }
    %add3A_98 = arith.constant 3 : i32
    %add3A_99 = arith.addi %mul3A_2, %add3A_98 : i32
    %lt3A_100 = arith.constant 500 : i32
    %lt3A_101 = arith.cmpi slt, %add3A_99, %lt3A_100 : i32
    %convert_element_type3A_102 = arith.extui %lt3A_101 : i1 to i32
    %cond3A_103 = arith.constant 0 : i32
    %cond3A_104 = arith.cmpi ne, %convert_element_type3A_102, %cond3A_103 : i32
    scf.if %cond3A_104 {
      %dma_wait3A = arith.constant 3 : i32
      %dma_wait3A_448 = arith.constant 3 : i32
      %dma_wait3A_449 = arith.constant 3 : i32
      %dma_wait3A_450 = arith.constant 0 : i32
      %dma_wait3A_451 = arith.constant 0 : i32
      %dma_wait3A_452 = tpu.memref_slice %arg6[%dma_wait3A_448, %dma_wait3A_450, %dma_wait3A_451] : memref<4x1x25600xf32, #tpu.memory_space<vmem>> -> memref<1x1x25600xf32, #tpu.memory_space<vmem>>
      %dma_wait3A_453 = tpu.memref_squeeze %dma_wait3A_452 : memref<1x1x25600xf32, #tpu.memory_space<vmem>> -> memref<1x25600xf32, #tpu.memory_space<vmem>>
      %dma_wait3A_454 = arith.constant 0 : i32
      %dma_wait3A_455 = tpu.memref_slice %arg5[%dma_wait3A, %dma_wait3A_454] : memref<16x1xi32, #tpu.memory_space<vmem>> -> memref<1x1xi32, #tpu.memory_space<vmem>>
      %dma_wait3A_456 = tpu.memref_squeeze %dma_wait3A_455 : memref<1x1xi32, #tpu.memory_space<vmem>> -> memref<1xi32, #tpu.memory_space<vmem>>
      %dma_wait3A_457 = arith.constant 0 : i32
      %dma_wait3A_458 = arith.constant 0 : i32
      %dma_wait3A_459 = tpu.memref_slice %arg2[%dma_wait3A_457, %dma_wait3A_458] : memref<2000x25600xf32, #tpu.memory_space<hbm>> -> memref<2000x25600xf32, #tpu.memory_space<hbm>>
      %dma_wait3A_460 = tpu.memref_slice %arg7[%dma_wait3A_449] : memref<4x!tpu.dma_semaphore, #tpu.memory_space<semaphore_mem>> -> memref<1x!tpu.dma_semaphore, #tpu.memory_space<semaphore_mem>>
      %dma_wait3A_461 = tpu.memref_squeeze %dma_wait3A_460 : memref<1x!tpu.dma_semaphore, #tpu.memory_space<semaphore_mem>> -> memref<!tpu.dma_semaphore, #tpu.memory_space<semaphore_mem>>
      tpu.wait_indirect_dma semaphore(%dma_wait3A_461 : memref<!tpu.dma_semaphore, #tpu.memory_space<semaphore_mem>>) src(%dma_wait3A_459 : memref<2000x25600xf32, #tpu.memory_space<hbm>>) dst(%dma_wait3A_453 : memref<1x25600xf32, #tpu.memory_space<vmem>>)
    } else {
    }
    %add3A_105 = arith.constant 3 : i32
    %add3A_106 = arith.addi %mul3A_2, %add3A_105 : i32
    %lt3A_107 = arith.constant 500 : i32
    %lt3A_108 = arith.cmpi slt, %add3A_106, %lt3A_107 : i32
    %convert_element_type3A_109 = arith.extui %lt3A_108 : i1 to i32
    %cond3A_110 = arith.constant 0 : i32
    %cond3A_111 = arith.cmpi ne, %convert_element_type3A_109, %cond3A_110 : i32
    scf.if %cond3A_111 {
      %add3A_448 = arith.constant 3 : i32
      %add3A_449 = arith.addi %mul3A_2, %add3A_448 : i32
      %dma_start3A = arith.constant 3 : i32
      %dma_start3A_450 = arith.constant 3 : i32
      %dma_start3A_451 = arith.constant 0 : i32
      %dma_start3A_452 = arith.constant 0 : i32
      %dma_start3A_453 = tpu.memref_slice %arg6[%dma_start3A, %dma_start3A_451, %dma_start3A_452] : memref<4x1x25600xf32, #tpu.memory_space<vmem>> -> memref<1x1x25600xf32, #tpu.memory_space<vmem>>
      %dma_start3A_454 = tpu.memref_squeeze %dma_start3A_453 : memref<1x1x25600xf32, #tpu.memory_space<vmem>> -> memref<1x25600xf32, #tpu.memory_space<vmem>>
      %dma_start3A_455 = arith.constant 0 : i32
      %dma_start3A_456 = tpu.memref_slice %arg4[%add3A_449, %dma_start3A_455] : memref<500x25600xf32, #tpu.memory_space<hbm>> -> memref<1x25600xf32, #tpu.memory_space<hbm>>
      %dma_start3A_457 = tpu.memref_slice %arg8[%dma_start3A_450] : memref<4x!tpu.dma_semaphore, #tpu.memory_space<semaphore_mem>> -> memref<1x!tpu.dma_semaphore, #tpu.memory_space<semaphore_mem>>
      %dma_start3A_458 = tpu.memref_squeeze %dma_start3A_457 : memref<1x!tpu.dma_semaphore, #tpu.memory_space<semaphore_mem>> -> memref<!tpu.dma_semaphore, #tpu.memory_space<semaphore_mem>>
      %dma_start3A_459 = arith.constant 0 : i32
      %dma_start3A_460 = tpu.memref_slice %arg4[%add3A_449, %dma_start3A_459] : memref<500x25600xf32, #tpu.memory_space<hbm>> -> memref<1x25600xf32, #tpu.memory_space<hbm>>
      %dma_start3A_461 = arith.constant 0 : i32
      %dma_start3A_462 = arith.constant 0 : i32
      %dma_start3A_463 = tpu.memref_slice %arg6[%dma_start3A, %dma_start3A_461, %dma_start3A_462] : memref<4x1x25600xf32, #tpu.memory_space<vmem>> -> memref<1x1x25600xf32, #tpu.memory_space<vmem>>
      %dma_start3A_464 = tpu.memref_squeeze %dma_start3A_463 : memref<1x1x25600xf32, #tpu.memory_space<vmem>> -> memref<1x25600xf32, #tpu.memory_space<vmem>>
      tpu.enqueue_dma source(%dma_start3A_464 : memref<1x25600xf32, #tpu.memory_space<vmem>>) target(%dma_start3A_460 : memref<1x25600xf32, #tpu.memory_space<hbm>>) target_semaphore(%dma_start3A_458 : memref<!tpu.dma_semaphore, #tpu.memory_space<semaphore_mem>>)
    } else {
    }
    %add3A_112 = arith.constant 2 : i32
    %add3A_113 = arith.addi %mul3A_2, %add3A_112 : i32
    %lt3A_114 = arith.constant 500 : i32
    %lt3A_115 = arith.cmpi slt, %add3A_113, %lt3A_114 : i32
    %convert_element_type3A_116 = arith.extui %lt3A_115 : i1 to i32
    %cond3A_117 = arith.constant 0 : i32
    %cond3A_118 = arith.cmpi ne, %convert_element_type3A_116, %cond3A_117 : i32
    scf.if %cond3A_118 {
      %add3A_448 = arith.constant 2 : i32
      %add3A_449 = arith.addi %mul3A_2, %add3A_448 : i32
      %dma_wait3A = arith.constant 2 : i32
      %dma_wait3A_450 = arith.constant 2 : i32
      %dma_wait3A_451 = arith.constant 0 : i32
      %dma_wait3A_452 = arith.constant 0 : i32
      %dma_wait3A_453 = tpu.memref_slice %arg6[%dma_wait3A, %dma_wait3A_451, %dma_wait3A_452] : memref<4x1x25600xf32, #tpu.memory_space<vmem>> -> memref<1x1x25600xf32, #tpu.memory_space<vmem>>
      %dma_wait3A_454 = tpu.memref_squeeze %dma_wait3A_453 : memref<1x1x25600xf32, #tpu.memory_space<vmem>> -> memref<1x25600xf32, #tpu.memory_space<vmem>>
      %dma_wait3A_455 = arith.constant 0 : i32
      %dma_wait3A_456 = tpu.memref_slice %arg4[%add3A_449, %dma_wait3A_455] : memref<500x25600xf32, #tpu.memory_space<hbm>> -> memref<1x25600xf32, #tpu.memory_space<hbm>>
      %dma_wait3A_457 = tpu.memref_slice %arg8[%dma_wait3A_450] : memref<4x!tpu.dma_semaphore, #tpu.memory_space<semaphore_mem>> -> memref<1x!tpu.dma_semaphore, #tpu.memory_space<semaphore_mem>>
      %dma_wait3A_458 = tpu.memref_squeeze %dma_wait3A_457 : memref<1x!tpu.dma_semaphore, #tpu.memory_space<semaphore_mem>> -> memref<!tpu.dma_semaphore, #tpu.memory_space<semaphore_mem>>
      %dma_wait3A_459 = arith.constant 0 : i32
      %dma_wait3A_460 = tpu.memref_slice %arg4[%add3A_449, %dma_wait3A_459] : memref<500x25600xf32, #tpu.memory_space<hbm>> -> memref<1x25600xf32, #tpu.memory_space<hbm>>
      %dma_wait3A_461 = arith.constant 0 : i32
      %dma_wait3A_462 = arith.constant 0 : i32
      %dma_wait3A_463 = tpu.memref_slice %arg6[%dma_wait3A, %dma_wait3A_461, %dma_wait3A_462] : memref<4x1x25600xf32, #tpu.memory_space<vmem>> -> memref<1x1x25600xf32, #tpu.memory_space<vmem>>
      %dma_wait3A_464 = tpu.memref_squeeze %dma_wait3A_463 : memref<1x1x25600xf32, #tpu.memory_space<vmem>> -> memref<1x25600xf32, #tpu.memory_space<vmem>>
      tpu.wait_dma2 semaphore(%dma_wait3A_458 : memref<!tpu.dma_semaphore, #tpu.memory_space<semaphore_mem>>) src(%dma_wait3A_464 : memref<1x25600xf32, #tpu.memory_space<vmem>>) dst(%dma_wait3A_460 : memref<1x25600xf32, #tpu.memory_space<hbm>>)
    } else {
    }
    %add3A_119 = arith.constant 6 : i32
    %add3A_120 = arith.addi %mul3A_2, %add3A_119 : i32
    %lt3A_121 = arith.constant 500 : i32
    %lt3A_122 = arith.cmpi slt, %add3A_120, %lt3A_121 : i32
    %convert_element_type3A_123 = arith.extui %lt3A_122 : i1 to i32
    %cond3A_124 = arith.constant 0 : i32
    %cond3A_125 = arith.cmpi ne, %convert_element_type3A_123, %cond3A_124 : i32
    scf.if %cond3A_125 {
      %dma_start3A = arith.constant 6 : i32
      %dma_start3A_448 = arith.constant 2 : i32
      %dma_start3A_449 = arith.constant 2 : i32
      %dma_start3A_450 = arith.constant 0 : i32
      %dma_start3A_451 = arith.constant 0 : i32
      %dma_start3A_452 = tpu.memref_slice %arg6[%dma_start3A_448, %dma_start3A_450, %dma_start3A_451] : memref<4x1x25600xf32, #tpu.memory_space<vmem>> -> memref<1x1x25600xf32, #tpu.memory_space<vmem>>
      %dma_start3A_453 = tpu.memref_squeeze %dma_start3A_452 : memref<1x1x25600xf32, #tpu.memory_space<vmem>> -> memref<1x25600xf32, #tpu.memory_space<vmem>>
      %dma_start3A_454 = arith.constant 0 : i32
      %dma_start3A_455 = tpu.memref_slice %arg5[%dma_start3A, %dma_start3A_454] : memref<16x1xi32, #tpu.memory_space<vmem>> -> memref<1x1xi32, #tpu.memory_space<vmem>>
      %dma_start3A_456 = tpu.memref_squeeze %dma_start3A_455 : memref<1x1xi32, #tpu.memory_space<vmem>> -> memref<1xi32, #tpu.memory_space<vmem>>
      %dma_start3A_457 = arith.constant 0 : i32
      %dma_start3A_458 = arith.constant 0 : i32
      %dma_start3A_459 = tpu.memref_slice %arg2[%dma_start3A_457, %dma_start3A_458] : memref<2000x25600xf32, #tpu.memory_space<hbm>> -> memref<2000x25600xf32, #tpu.memory_space<hbm>>
      %dma_start3A_460 = tpu.memref_slice %arg7[%dma_start3A_449] : memref<4x!tpu.dma_semaphore, #tpu.memory_space<semaphore_mem>> -> memref<1x!tpu.dma_semaphore, #tpu.memory_space<semaphore_mem>>
      %dma_start3A_461 = tpu.memref_squeeze %dma_start3A_460 : memref<1x!tpu.dma_semaphore, #tpu.memory_space<semaphore_mem>> -> memref<!tpu.dma_semaphore, #tpu.memory_space<semaphore_mem>>
      tpu.enqueue_indirect_dma source(%dma_start3A_459 : memref<2000x25600xf32, #tpu.memory_space<hbm>>) target(%dma_start3A_453 : memref<1x25600xf32, #tpu.memory_space<vmem>>) offsets(%dma_start3A_456 : memref<1xi32, #tpu.memory_space<vmem>>) semaphore(%dma_start3A_461 : memref<!tpu.dma_semaphore, #tpu.memory_space<semaphore_mem>>)
    } else {
    }
    %add3A_126 = arith.constant 4 : i32
    %add3A_127 = arith.addi %mul3A_2, %add3A_126 : i32
    %lt3A_128 = arith.constant 500 : i32
    %lt3A_129 = arith.cmpi slt, %add3A_127, %lt3A_128 : i32
    %convert_element_type3A_130 = arith.extui %lt3A_129 : i1 to i32
    %cond3A_131 = arith.constant 0 : i32
    %cond3A_132 = arith.cmpi ne, %convert_element_type3A_130, %cond3A_131 : i32
    scf.if %cond3A_132 {
      %dma_wait3A = arith.constant 4 : i32
      %dma_wait3A_448 = arith.constant 0 : i32
      %dma_wait3A_449 = arith.constant 0 : i32
      %dma_wait3A_450 = arith.constant 0 : i32
      %dma_wait3A_451 = arith.constant 0 : i32
      %dma_wait3A_452 = tpu.memref_slice %arg6[%dma_wait3A_448, %dma_wait3A_450, %dma_wait3A_451] : memref<4x1x25600xf32, #tpu.memory_space<vmem>> -> memref<1x1x25600xf32, #tpu.memory_space<vmem>>
      %dma_wait3A_453 = tpu.memref_squeeze %dma_wait3A_452 : memref<1x1x25600xf32, #tpu.memory_space<vmem>> -> memref<1x25600xf32, #tpu.memory_space<vmem>>
      %dma_wait3A_454 = arith.constant 0 : i32
      %dma_wait3A_455 = tpu.memref_slice %arg5[%dma_wait3A, %dma_wait3A_454] : memref<16x1xi32, #tpu.memory_space<vmem>> -> memref<1x1xi32, #tpu.memory_space<vmem>>
      %dma_wait3A_456 = tpu.memref_squeeze %dma_wait3A_455 : memref<1x1xi32, #tpu.memory_space<vmem>> -> memref<1xi32, #tpu.memory_space<vmem>>
      %dma_wait3A_457 = arith.constant 0 : i32
      %dma_wait3A_458 = arith.constant 0 : i32
      %dma_wait3A_459 = tpu.memref_slice %arg2[%dma_wait3A_457, %dma_wait3A_458] : memref<2000x25600xf32, #tpu.memory_space<hbm>> -> memref<2000x25600xf32, #tpu.memory_space<hbm>>
      %dma_wait3A_460 = tpu.memref_slice %arg7[%dma_wait3A_449] : memref<4x!tpu.dma_semaphore, #tpu.memory_space<semaphore_mem>> -> memref<1x!tpu.dma_semaphore, #tpu.memory_space<semaphore_mem>>
      %dma_wait3A_461 = tpu.memref_squeeze %dma_wait3A_460 : memref<1x!tpu.dma_semaphore, #tpu.memory_space<semaphore_mem>> -> memref<!tpu.dma_semaphore, #tpu.memory_space<semaphore_mem>>
      tpu.wait_indirect_dma semaphore(%dma_wait3A_461 : memref<!tpu.dma_semaphore, #tpu.memory_space<semaphore_mem>>) src(%dma_wait3A_459 : memref<2000x25600xf32, #tpu.memory_space<hbm>>) dst(%dma_wait3A_453 : memref<1x25600xf32, #tpu.memory_space<vmem>>)
    } else {
    }
    %add3A_133 = arith.constant 4 : i32
    %add3A_134 = arith.addi %mul3A_2, %add3A_133 : i32
    %lt3A_135 = arith.constant 500 : i32
    %lt3A_136 = arith.cmpi slt, %add3A_134, %lt3A_135 : i32
    %convert_element_type3A_137 = arith.extui %lt3A_136 : i1 to i32
    %cond3A_138 = arith.constant 0 : i32
    %cond3A_139 = arith.cmpi ne, %convert_element_type3A_137, %cond3A_138 : i32
    scf.if %cond3A_139 {
      %add3A_448 = arith.constant 4 : i32
      %add3A_449 = arith.addi %mul3A_2, %add3A_448 : i32
      %dma_start3A = arith.constant 0 : i32
      %dma_start3A_450 = arith.constant 0 : i32
      %dma_start3A_451 = arith.constant 0 : i32
      %dma_start3A_452 = arith.constant 0 : i32
      %dma_start3A_453 = tpu.memref_slice %arg6[%dma_start3A, %dma_start3A_451, %dma_start3A_452] : memref<4x1x25600xf32, #tpu.memory_space<vmem>> -> memref<1x1x25600xf32, #tpu.memory_space<vmem>>
      %dma_start3A_454 = tpu.memref_squeeze %dma_start3A_453 : memref<1x1x25600xf32, #tpu.memory_space<vmem>> -> memref<1x25600xf32, #tpu.memory_space<vmem>>
      %dma_start3A_455 = arith.constant 0 : i32
      %dma_start3A_456 = tpu.memref_slice %arg4[%add3A_449, %dma_start3A_455] : memref<500x25600xf32, #tpu.memory_space<hbm>> -> memref<1x25600xf32, #tpu.memory_space<hbm>>
      %dma_start3A_457 = tpu.memref_slice %arg8[%dma_start3A_450] : memref<4x!tpu.dma_semaphore, #tpu.memory_space<semaphore_mem>> -> memref<1x!tpu.dma_semaphore, #tpu.memory_space<semaphore_mem>>
      %dma_start3A_458 = tpu.memref_squeeze %dma_start3A_457 : memref<1x!tpu.dma_semaphore, #tpu.memory_space<semaphore_mem>> -> memref<!tpu.dma_semaphore, #tpu.memory_space<semaphore_mem>>
      %dma_start3A_459 = arith.constant 0 : i32
      %dma_start3A_460 = tpu.memref_slice %arg4[%add3A_449, %dma_start3A_459] : memref<500x25600xf32, #tpu.memory_space<hbm>> -> memref<1x25600xf32, #tpu.memory_space<hbm>>
      %dma_start3A_461 = arith.constant 0 : i32
      %dma_start3A_462 = arith.constant 0 : i32
      %dma_start3A_463 = tpu.memref_slice %arg6[%dma_start3A, %dma_start3A_461, %dma_start3A_462] : memref<4x1x25600xf32, #tpu.memory_space<vmem>> -> memref<1x1x25600xf32, #tpu.memory_space<vmem>>
      %dma_start3A_464 = tpu.memref_squeeze %dma_start3A_463 : memref<1x1x25600xf32, #tpu.memory_space<vmem>> -> memref<1x25600xf32, #tpu.memory_space<vmem>>
      tpu.enqueue_dma source(%dma_start3A_464 : memref<1x25600xf32, #tpu.memory_space<vmem>>) target(%dma_start3A_460 : memref<1x25600xf32, #tpu.memory_space<hbm>>) target_semaphore(%dma_start3A_458 : memref<!tpu.dma_semaphore, #tpu.memory_space<semaphore_mem>>)
    } else {
    }
    %add3A_140 = arith.constant 3 : i32
    %add3A_141 = arith.addi %mul3A_2, %add3A_140 : i32
    %lt3A_142 = arith.constant 500 : i32
    %lt3A_143 = arith.cmpi slt, %add3A_141, %lt3A_142 : i32
    %convert_element_type3A_144 = arith.extui %lt3A_143 : i1 to i32
    %cond3A_145 = arith.constant 0 : i32
    %cond3A_146 = arith.cmpi ne, %convert_element_type3A_144, %cond3A_145 : i32
    scf.if %cond3A_146 {
      %add3A_448 = arith.constant 3 : i32
      %add3A_449 = arith.addi %mul3A_2, %add3A_448 : i32
      %dma_wait3A = arith.constant 3 : i32
      %dma_wait3A_450 = arith.constant 3 : i32
      %dma_wait3A_451 = arith.constant 0 : i32
      %dma_wait3A_452 = arith.constant 0 : i32
      %dma_wait3A_453 = tpu.memref_slice %arg6[%dma_wait3A, %dma_wait3A_451, %dma_wait3A_452] : memref<4x1x25600xf32, #tpu.memory_space<vmem>> -> memref<1x1x25600xf32, #tpu.memory_space<vmem>>
      %dma_wait3A_454 = tpu.memref_squeeze %dma_wait3A_453 : memref<1x1x25600xf32, #tpu.memory_space<vmem>> -> memref<1x25600xf32, #tpu.memory_space<vmem>>
      %dma_wait3A_455 = arith.constant 0 : i32
      %dma_wait3A_456 = tpu.memref_slice %arg4[%add3A_449, %dma_wait3A_455] : memref<500x25600xf32, #tpu.memory_space<hbm>> -> memref<1x25600xf32, #tpu.memory_space<hbm>>
      %dma_wait3A_457 = tpu.memref_slice %arg8[%dma_wait3A_450] : memref<4x!tpu.dma_semaphore, #tpu.memory_space<semaphore_mem>> -> memref<1x!tpu.dma_semaphore, #tpu.memory_space<semaphore_mem>>
      %dma_wait3A_458 = tpu.memref_squeeze %dma_wait3A_457 : memref<1x!tpu.dma_semaphore, #tpu.memory_space<semaphore_mem>> -> memref<!tpu.dma_semaphore, #tpu.memory_space<semaphore_mem>>
      %dma_wait3A_459 = arith.constant 0 : i32
      %dma_wait3A_460 = tpu.memref_slice %arg4[%add3A_449, %dma_wait3A_459] : memref<500x25600xf32, #tpu.memory_space<hbm>> -> memref<1x25600xf32, #tpu.memory_space<hbm>>
      %dma_wait3A_461 = arith.constant 0 : i32
      %dma_wait3A_462 = arith.constant 0 : i32
      %dma_wait3A_463 = tpu.memref_slice %arg6[%dma_wait3A, %dma_wait3A_461, %dma_wait3A_462] : memref<4x1x25600xf32, #tpu.memory_space<vmem>> -> memref<1x1x25600xf32, #tpu.memory_space<vmem>>
      %dma_wait3A_464 = tpu.memref_squeeze %dma_wait3A_463 : memref<1x1x25600xf32, #tpu.memory_space<vmem>> -> memref<1x25600xf32, #tpu.memory_space<vmem>>
      tpu.wait_dma2 semaphore(%dma_wait3A_458 : memref<!tpu.dma_semaphore, #tpu.memory_space<semaphore_mem>>) src(%dma_wait3A_464 : memref<1x25600xf32, #tpu.memory_space<vmem>>) dst(%dma_wait3A_460 : memref<1x25600xf32, #tpu.memory_space<hbm>>)
    } else {
    }
    %add3A_147 = arith.constant 7 : i32
    %add3A_148 = arith.addi %mul3A_2, %add3A_147 : i32
    %lt3A_149 = arith.constant 500 : i32
    %lt3A_150 = arith.cmpi slt, %add3A_148, %lt3A_149 : i32
    %convert_element_type3A_151 = arith.extui %lt3A_150 : i1 to i32
    %cond3A_152 = arith.constant 0 : i32
    %cond3A_153 = arith.cmpi ne, %convert_element_type3A_151, %cond3A_152 : i32
    scf.if %cond3A_153 {
      %dma_start3A = arith.constant 7 : i32
      %dma_start3A_448 = arith.constant 3 : i32
      %dma_start3A_449 = arith.constant 3 : i32
      %dma_start3A_450 = arith.constant 0 : i32
      %dma_start3A_451 = arith.constant 0 : i32
      %dma_start3A_452 = tpu.memref_slice %arg6[%dma_start3A_448, %dma_start3A_450, %dma_start3A_451] : memref<4x1x25600xf32, #tpu.memory_space<vmem>> -> memref<1x1x25600xf32, #tpu.memory_space<vmem>>
      %dma_start3A_453 = tpu.memref_squeeze %dma_start3A_452 : memref<1x1x25600xf32, #tpu.memory_space<vmem>> -> memref<1x25600xf32, #tpu.memory_space<vmem>>
      %dma_start3A_454 = arith.constant 0 : i32
      %dma_start3A_455 = tpu.memref_slice %arg5[%dma_start3A, %dma_start3A_454] : memref<16x1xi32, #tpu.memory_space<vmem>> -> memref<1x1xi32, #tpu.memory_space<vmem>>
      %dma_start3A_456 = tpu.memref_squeeze %dma_start3A_455 : memref<1x1xi32, #tpu.memory_space<vmem>> -> memref<1xi32, #tpu.memory_space<vmem>>
      %dma_start3A_457 = arith.constant 0 : i32
      %dma_start3A_458 = arith.constant 0 : i32
      %dma_start3A_459 = tpu.memref_slice %arg2[%dma_start3A_457, %dma_start3A_458] : memref<2000x25600xf32, #tpu.memory_space<hbm>> -> memref<2000x25600xf32, #tpu.memory_space<hbm>>
      %dma_start3A_460 = tpu.memref_slice %arg7[%dma_start3A_449] : memref<4x!tpu.dma_semaphore, #tpu.memory_space<semaphore_mem>> -> memref<1x!tpu.dma_semaphore, #tpu.memory_space<semaphore_mem>>
      %dma_start3A_461 = tpu.memref_squeeze %dma_start3A_460 : memref<1x!tpu.dma_semaphore, #tpu.memory_space<semaphore_mem>> -> memref<!tpu.dma_semaphore, #tpu.memory_space<semaphore_mem>>
      tpu.enqueue_indirect_dma source(%dma_start3A_459 : memref<2000x25600xf32, #tpu.memory_space<hbm>>) target(%dma_start3A_453 : memref<1x25600xf32, #tpu.memory_space<vmem>>) offsets(%dma_start3A_456 : memref<1xi32, #tpu.memory_space<vmem>>) semaphore(%dma_start3A_461 : memref<!tpu.dma_semaphore, #tpu.memory_space<semaphore_mem>>)
    } else {
    }
    %add3A_154 = arith.constant 5 : i32
    %add3A_155 = arith.addi %mul3A_2, %add3A_154 : i32
    %lt3A_156 = arith.constant 500 : i32
    %lt3A_157 = arith.cmpi slt, %add3A_155, %lt3A_156 : i32
    %convert_element_type3A_158 = arith.extui %lt3A_157 : i1 to i32
    %cond3A_159 = arith.constant 0 : i32
    %cond3A_160 = arith.cmpi ne, %convert_element_type3A_158, %cond3A_159 : i32
    scf.if %cond3A_160 {
      %dma_wait3A = arith.constant 5 : i32
      %dma_wait3A_448 = arith.constant 1 : i32
      %dma_wait3A_449 = arith.constant 1 : i32
      %dma_wait3A_450 = arith.constant 0 : i32
      %dma_wait3A_451 = arith.constant 0 : i32
      %dma_wait3A_452 = tpu.memref_slice %arg6[%dma_wait3A_448, %dma_wait3A_450, %dma_wait3A_451] : memref<4x1x25600xf32, #tpu.memory_space<vmem>> -> memref<1x1x25600xf32, #tpu.memory_space<vmem>>
      %dma_wait3A_453 = tpu.memref_squeeze %dma_wait3A_452 : memref<1x1x25600xf32, #tpu.memory_space<vmem>> -> memref<1x25600xf32, #tpu.memory_space<vmem>>
      %dma_wait3A_454 = arith.constant 0 : i32
      %dma_wait3A_455 = tpu.memref_slice %arg5[%dma_wait3A, %dma_wait3A_454] : memref<16x1xi32, #tpu.memory_space<vmem>> -> memref<1x1xi32, #tpu.memory_space<vmem>>
      %dma_wait3A_456 = tpu.memref_squeeze %dma_wait3A_455 : memref<1x1xi32, #tpu.memory_space<vmem>> -> memref<1xi32, #tpu.memory_space<vmem>>
      %dma_wait3A_457 = arith.constant 0 : i32
      %dma_wait3A_458 = arith.constant 0 : i32
      %dma_wait3A_459 = tpu.memref_slice %arg2[%dma_wait3A_457, %dma_wait3A_458] : memref<2000x25600xf32, #tpu.memory_space<hbm>> -> memref<2000x25600xf32, #tpu.memory_space<hbm>>
      %dma_wait3A_460 = tpu.memref_slice %arg7[%dma_wait3A_449] : memref<4x!tpu.dma_semaphore, #tpu.memory_space<semaphore_mem>> -> memref<1x!tpu.dma_semaphore, #tpu.memory_space<semaphore_mem>>
      %dma_wait3A_461 = tpu.memref_squeeze %dma_wait3A_460 : memref<1x!tpu.dma_semaphore, #tpu.memory_space<semaphore_mem>> -> memref<!tpu.dma_semaphore, #tpu.memory_space<semaphore_mem>>
      tpu.wait_indirect_dma semaphore(%dma_wait3A_461 : memref<!tpu.dma_semaphore, #tpu.memory_space<semaphore_mem>>) src(%dma_wait3A_459 : memref<2000x25600xf32, #tpu.memory_space<hbm>>) dst(%dma_wait3A_453 : memref<1x25600xf32, #tpu.memory_space<vmem>>)
    } else {
    }
    %add3A_161 = arith.constant 5 : i32
    %add3A_162 = arith.addi %mul3A_2, %add3A_161 : i32
    %lt3A_163 = arith.constant 500 : i32
    %lt3A_164 = arith.cmpi slt, %add3A_162, %lt3A_163 : i32
    %convert_element_type3A_165 = arith.extui %lt3A_164 : i1 to i32
    %cond3A_166 = arith.constant 0 : i32
    %cond3A_167 = arith.cmpi ne, %convert_element_type3A_165, %cond3A_166 : i32
    scf.if %cond3A_167 {
      %add3A_448 = arith.constant 5 : i32
      %add3A_449 = arith.addi %mul3A_2, %add3A_448 : i32
      %dma_start3A = arith.constant 1 : i32
      %dma_start3A_450 = arith.constant 1 : i32
      %dma_start3A_451 = arith.constant 0 : i32
      %dma_start3A_452 = arith.constant 0 : i32
      %dma_start3A_453 = tpu.memref_slice %arg6[%dma_start3A, %dma_start3A_451, %dma_start3A_452] : memref<4x1x25600xf32, #tpu.memory_space<vmem>> -> memref<1x1x25600xf32, #tpu.memory_space<vmem>>
      %dma_start3A_454 = tpu.memref_squeeze %dma_start3A_453 : memref<1x1x25600xf32, #tpu.memory_space<vmem>> -> memref<1x25600xf32, #tpu.memory_space<vmem>>
      %dma_start3A_455 = arith.constant 0 : i32
      %dma_start3A_456 = tpu.memref_slice %arg4[%add3A_449, %dma_start3A_455] : memref<500x25600xf32, #tpu.memory_space<hbm>> -> memref<1x25600xf32, #tpu.memory_space<hbm>>
      %dma_start3A_457 = tpu.memref_slice %arg8[%dma_start3A_450] : memref<4x!tpu.dma_semaphore, #tpu.memory_space<semaphore_mem>> -> memref<1x!tpu.dma_semaphore, #tpu.memory_space<semaphore_mem>>
      %dma_start3A_458 = tpu.memref_squeeze %dma_start3A_457 : memref<1x!tpu.dma_semaphore, #tpu.memory_space<semaphore_mem>> -> memref<!tpu.dma_semaphore, #tpu.memory_space<semaphore_mem>>
      %dma_start3A_459 = arith.constant 0 : i32
      %dma_start3A_460 = tpu.memref_slice %arg4[%add3A_449, %dma_start3A_459] : memref<500x25600xf32, #tpu.memory_space<hbm>> -> memref<1x25600xf32, #tpu.memory_space<hbm>>
      %dma_start3A_461 = arith.constant 0 : i32
      %dma_start3A_462 = arith.constant 0 : i32
      %dma_start3A_463 = tpu.memref_slice %arg6[%dma_start3A, %dma_start3A_461, %dma_start3A_462] : memref<4x1x25600xf32, #tpu.memory_space<vmem>> -> memref<1x1x25600xf32, #tpu.memory_space<vmem>>
      %dma_start3A_464 = tpu.memref_squeeze %dma_start3A_463 : memref<1x1x25600xf32, #tpu.memory_space<vmem>> -> memref<1x25600xf32, #tpu.memory_space<vmem>>
      tpu.enqueue_dma source(%dma_start3A_464 : memref<1x25600xf32, #tpu.memory_space<vmem>>) target(%dma_start3A_460 : memref<1x25600xf32, #tpu.memory_space<hbm>>) target_semaphore(%dma_start3A_458 : memref<!tpu.dma_semaphore, #tpu.memory_space<semaphore_mem>>)
    } else {
    }
    %add3A_168 = arith.constant 4 : i32
    %add3A_169 = arith.addi %mul3A_2, %add3A_168 : i32
    %lt3A_170 = arith.constant 500 : i32
    %lt3A_171 = arith.cmpi slt, %add3A_169, %lt3A_170 : i32
    %convert_element_type3A_172 = arith.extui %lt3A_171 : i1 to i32
    %cond3A_173 = arith.constant 0 : i32
    %cond3A_174 = arith.cmpi ne, %convert_element_type3A_172, %cond3A_173 : i32
    scf.if %cond3A_174 {
      %add3A_448 = arith.constant 4 : i32
      %add3A_449 = arith.addi %mul3A_2, %add3A_448 : i32
      %dma_wait3A = arith.constant 0 : i32
      %dma_wait3A_450 = arith.constant 0 : i32
      %dma_wait3A_451 = arith.constant 0 : i32
      %dma_wait3A_452 = arith.constant 0 : i32
      %dma_wait3A_453 = tpu.memref_slice %arg6[%dma_wait3A, %dma_wait3A_451, %dma_wait3A_452] : memref<4x1x25600xf32, #tpu.memory_space<vmem>> -> memref<1x1x25600xf32, #tpu.memory_space<vmem>>
      %dma_wait3A_454 = tpu.memref_squeeze %dma_wait3A_453 : memref<1x1x25600xf32, #tpu.memory_space<vmem>> -> memref<1x25600xf32, #tpu.memory_space<vmem>>
      %dma_wait3A_455 = arith.constant 0 : i32
      %dma_wait3A_456 = tpu.memref_slice %arg4[%add3A_449, %dma_wait3A_455] : memref<500x25600xf32, #tpu.memory_space<hbm>> -> memref<1x25600xf32, #tpu.memory_space<hbm>>
      %dma_wait3A_457 = tpu.memref_slice %arg8[%dma_wait3A_450] : memref<4x!tpu.dma_semaphore, #tpu.memory_space<semaphore_mem>> -> memref<1x!tpu.dma_semaphore, #tpu.memory_space<semaphore_mem>>
      %dma_wait3A_458 = tpu.memref_squeeze %dma_wait3A_457 : memref<1x!tpu.dma_semaphore, #tpu.memory_space<semaphore_mem>> -> memref<!tpu.dma_semaphore, #tpu.memory_space<semaphore_mem>>
      %dma_wait3A_459 = arith.constant 0 : i32
      %dma_wait3A_460 = tpu.memref_slice %arg4[%add3A_449, %dma_wait3A_459] : memref<500x25600xf32, #tpu.memory_space<hbm>> -> memref<1x25600xf32, #tpu.memory_space<hbm>>
      %dma_wait3A_461 = arith.constant 0 : i32
      %dma_wait3A_462 = arith.constant 0 : i32
      %dma_wait3A_463 = tpu.memref_slice %arg6[%dma_wait3A, %dma_wait3A_461, %dma_wait3A_462] : memref<4x1x25600xf32, #tpu.memory_space<vmem>> -> memref<1x1x25600xf32, #tpu.memory_space<vmem>>
      %dma_wait3A_464 = tpu.memref_squeeze %dma_wait3A_463 : memref<1x1x25600xf32, #tpu.memory_space<vmem>> -> memref<1x25600xf32, #tpu.memory_space<vmem>>
      tpu.wait_dma2 semaphore(%dma_wait3A_458 : memref<!tpu.dma_semaphore, #tpu.memory_space<semaphore_mem>>) src(%dma_wait3A_464 : memref<1x25600xf32, #tpu.memory_space<vmem>>) dst(%dma_wait3A_460 : memref<1x25600xf32, #tpu.memory_space<hbm>>)
    } else {
    }
    %add3A_175 = arith.constant 8 : i32
    %add3A_176 = arith.addi %mul3A_2, %add3A_175 : i32
    %lt3A_177 = arith.constant 500 : i32
    %lt3A_178 = arith.cmpi slt, %add3A_176, %lt3A_177 : i32
    %convert_element_type3A_179 = arith.extui %lt3A_178 : i1 to i32
    %cond3A_180 = arith.constant 0 : i32
    %cond3A_181 = arith.cmpi ne, %convert_element_type3A_179, %cond3A_180 : i32
    scf.if %cond3A_181 {
      %dma_start3A = arith.constant 8 : i32
      %dma_start3A_448 = arith.constant 0 : i32
      %dma_start3A_449 = arith.constant 0 : i32
      %dma_start3A_450 = arith.constant 0 : i32
      %dma_start3A_451 = arith.constant 0 : i32
      %dma_start3A_452 = tpu.memref_slice %arg6[%dma_start3A_448, %dma_start3A_450, %dma_start3A_451] : memref<4x1x25600xf32, #tpu.memory_space<vmem>> -> memref<1x1x25600xf32, #tpu.memory_space<vmem>>
      %dma_start3A_453 = tpu.memref_squeeze %dma_start3A_452 : memref<1x1x25600xf32, #tpu.memory_space<vmem>> -> memref<1x25600xf32, #tpu.memory_space<vmem>>
      %dma_start3A_454 = arith.constant 0 : i32
      %dma_start3A_455 = tpu.memref_slice %arg5[%dma_start3A, %dma_start3A_454] : memref<16x1xi32, #tpu.memory_space<vmem>> -> memref<1x1xi32, #tpu.memory_space<vmem>>
      %dma_start3A_456 = tpu.memref_squeeze %dma_start3A_455 : memref<1x1xi32, #tpu.memory_space<vmem>> -> memref<1xi32, #tpu.memory_space<vmem>>
      %dma_start3A_457 = arith.constant 0 : i32
      %dma_start3A_458 = arith.constant 0 : i32
      %dma_start3A_459 = tpu.memref_slice %arg2[%dma_start3A_457, %dma_start3A_458] : memref<2000x25600xf32, #tpu.memory_space<hbm>> -> memref<2000x25600xf32, #tpu.memory_space<hbm>>
      %dma_start3A_460 = tpu.memref_slice %arg7[%dma_start3A_449] : memref<4x!tpu.dma_semaphore, #tpu.memory_space<semaphore_mem>> -> memref<1x!tpu.dma_semaphore, #tpu.memory_space<semaphore_mem>>
      %dma_start3A_461 = tpu.memref_squeeze %dma_start3A_460 : memref<1x!tpu.dma_semaphore, #tpu.memory_space<semaphore_mem>> -> memref<!tpu.dma_semaphore, #tpu.memory_space<semaphore_mem>>
      tpu.enqueue_indirect_dma source(%dma_start3A_459 : memref<2000x25600xf32, #tpu.memory_space<hbm>>) target(%dma_start3A_453 : memref<1x25600xf32, #tpu.memory_space<vmem>>) offsets(%dma_start3A_456 : memref<1xi32, #tpu.memory_space<vmem>>) semaphore(%dma_start3A_461 : memref<!tpu.dma_semaphore, #tpu.memory_space<semaphore_mem>>)
    } else {
    }
    %add3A_182 = arith.constant 6 : i32
    %add3A_183 = arith.addi %mul3A_2, %add3A_182 : i32
    %lt3A_184 = arith.constant 500 : i32
    %lt3A_185 = arith.cmpi slt, %add3A_183, %lt3A_184 : i32
    %convert_element_type3A_186 = arith.extui %lt3A_185 : i1 to i32
    %cond3A_187 = arith.constant 0 : i32
    %cond3A_188 = arith.cmpi ne, %convert_element_type3A_186, %cond3A_187 : i32
    scf.if %cond3A_188 {
      %dma_wait3A = arith.constant 6 : i32
      %dma_wait3A_448 = arith.constant 2 : i32
      %dma_wait3A_449 = arith.constant 2 : i32
      %dma_wait3A_450 = arith.constant 0 : i32
      %dma_wait3A_451 = arith.constant 0 : i32
      %dma_wait3A_452 = tpu.memref_slice %arg6[%dma_wait3A_448, %dma_wait3A_450, %dma_wait3A_451] : memref<4x1x25600xf32, #tpu.memory_space<vmem>> -> memref<1x1x25600xf32, #tpu.memory_space<vmem>>
      %dma_wait3A_453 = tpu.memref_squeeze %dma_wait3A_452 : memref<1x1x25600xf32, #tpu.memory_space<vmem>> -> memref<1x25600xf32, #tpu.memory_space<vmem>>
      %dma_wait3A_454 = arith.constant 0 : i32
      %dma_wait3A_455 = tpu.memref_slice %arg5[%dma_wait3A, %dma_wait3A_454] : memref<16x1xi32, #tpu.memory_space<vmem>> -> memref<1x1xi32, #tpu.memory_space<vmem>>
      %dma_wait3A_456 = tpu.memref_squeeze %dma_wait3A_455 : memref<1x1xi32, #tpu.memory_space<vmem>> -> memref<1xi32, #tpu.memory_space<vmem>>
      %dma_wait3A_457 = arith.constant 0 : i32
      %dma_wait3A_458 = arith.constant 0 : i32
      %dma_wait3A_459 = tpu.memref_slice %arg2[%dma_wait3A_457, %dma_wait3A_458] : memref<2000x25600xf32, #tpu.memory_space<hbm>> -> memref<2000x25600xf32, #tpu.memory_space<hbm>>
      %dma_wait3A_460 = tpu.memref_slice %arg7[%dma_wait3A_449] : memref<4x!tpu.dma_semaphore, #tpu.memory_space<semaphore_mem>> -> memref<1x!tpu.dma_semaphore, #tpu.memory_space<semaphore_mem>>
      %dma_wait3A_461 = tpu.memref_squeeze %dma_wait3A_460 : memref<1x!tpu.dma_semaphore, #tpu.memory_space<semaphore_mem>> -> memref<!tpu.dma_semaphore, #tpu.memory_space<semaphore_mem>>
      tpu.wait_indirect_dma semaphore(%dma_wait3A_461 : memref<!tpu.dma_semaphore, #tpu.memory_space<semaphore_mem>>) src(%dma_wait3A_459 : memref<2000x25600xf32, #tpu.memory_space<hbm>>) dst(%dma_wait3A_453 : memref<1x25600xf32, #tpu.memory_space<vmem>>)
    } else {
    }
    %add3A_189 = arith.constant 6 : i32
    %add3A_190 = arith.addi %mul3A_2, %add3A_189 : i32
    %lt3A_191 = arith.constant 500 : i32
    %lt3A_192 = arith.cmpi slt, %add3A_190, %lt3A_191 : i32
    %convert_element_type3A_193 = arith.extui %lt3A_192 : i1 to i32
    %cond3A_194 = arith.constant 0 : i32
    %cond3A_195 = arith.cmpi ne, %convert_element_type3A_193, %cond3A_194 : i32
    scf.if %cond3A_195 {
      %add3A_448 = arith.constant 6 : i32
      %add3A_449 = arith.addi %mul3A_2, %add3A_448 : i32
      %dma_start3A = arith.constant 2 : i32
      %dma_start3A_450 = arith.constant 2 : i32
      %dma_start3A_451 = arith.constant 0 : i32
      %dma_start3A_452 = arith.constant 0 : i32
      %dma_start3A_453 = tpu.memref_slice %arg6[%dma_start3A, %dma_start3A_451, %dma_start3A_452] : memref<4x1x25600xf32, #tpu.memory_space<vmem>> -> memref<1x1x25600xf32, #tpu.memory_space<vmem>>
      %dma_start3A_454 = tpu.memref_squeeze %dma_start3A_453 : memref<1x1x25600xf32, #tpu.memory_space<vmem>> -> memref<1x25600xf32, #tpu.memory_space<vmem>>
      %dma_start3A_455 = arith.constant 0 : i32
      %dma_start3A_456 = tpu.memref_slice %arg4[%add3A_449, %dma_start3A_455] : memref<500x25600xf32, #tpu.memory_space<hbm>> -> memref<1x25600xf32, #tpu.memory_space<hbm>>
      %dma_start3A_457 = tpu.memref_slice %arg8[%dma_start3A_450] : memref<4x!tpu.dma_semaphore, #tpu.memory_space<semaphore_mem>> -> memref<1x!tpu.dma_semaphore, #tpu.memory_space<semaphore_mem>>
      %dma_start3A_458 = tpu.memref_squeeze %dma_start3A_457 : memref<1x!tpu.dma_semaphore, #tpu.memory_space<semaphore_mem>> -> memref<!tpu.dma_semaphore, #tpu.memory_space<semaphore_mem>>
      %dma_start3A_459 = arith.constant 0 : i32
      %dma_start3A_460 = tpu.memref_slice %arg4[%add3A_449, %dma_start3A_459] : memref<500x25600xf32, #tpu.memory_space<hbm>> -> memref<1x25600xf32, #tpu.memory_space<hbm>>
      %dma_start3A_461 = arith.constant 0 : i32
      %dma_start3A_462 = arith.constant 0 : i32
      %dma_start3A_463 = tpu.memref_slice %arg6[%dma_start3A, %dma_start3A_461, %dma_start3A_462] : memref<4x1x25600xf32, #tpu.memory_space<vmem>> -> memref<1x1x25600xf32, #tpu.memory_space<vmem>>
      %dma_start3A_464 = tpu.memref_squeeze %dma_start3A_463 : memref<1x1x25600xf32, #tpu.memory_space<vmem>> -> memref<1x25600xf32, #tpu.memory_space<vmem>>
      tpu.enqueue_dma source(%dma_start3A_464 : memref<1x25600xf32, #tpu.memory_space<vmem>>) target(%dma_start3A_460 : memref<1x25600xf32, #tpu.memory_space<hbm>>) target_semaphore(%dma_start3A_458 : memref<!tpu.dma_semaphore, #tpu.memory_space<semaphore_mem>>)
    } else {
    }
    %add3A_196 = arith.constant 5 : i32
    %add3A_197 = arith.addi %mul3A_2, %add3A_196 : i32
    %lt3A_198 = arith.constant 500 : i32
    %lt3A_199 = arith.cmpi slt, %add3A_197, %lt3A_198 : i32
    %convert_element_type3A_200 = arith.extui %lt3A_199 : i1 to i32
    %cond3A_201 = arith.constant 0 : i32
    %cond3A_202 = arith.cmpi ne, %convert_element_type3A_200, %cond3A_201 : i32
    scf.if %cond3A_202 {
      %add3A_448 = arith.constant 5 : i32
      %add3A_449 = arith.addi %mul3A_2, %add3A_448 : i32
      %dma_wait3A = arith.constant 1 : i32
      %dma_wait3A_450 = arith.constant 1 : i32
      %dma_wait3A_451 = arith.constant 0 : i32
      %dma_wait3A_452 = arith.constant 0 : i32
      %dma_wait3A_453 = tpu.memref_slice %arg6[%dma_wait3A, %dma_wait3A_451, %dma_wait3A_452] : memref<4x1x25600xf32, #tpu.memory_space<vmem>> -> memref<1x1x25600xf32, #tpu.memory_space<vmem>>
      %dma_wait3A_454 = tpu.memref_squeeze %dma_wait3A_453 : memref<1x1x25600xf32, #tpu.memory_space<vmem>> -> memref<1x25600xf32, #tpu.memory_space<vmem>>
      %dma_wait3A_455 = arith.constant 0 : i32
      %dma_wait3A_456 = tpu.memref_slice %arg4[%add3A_449, %dma_wait3A_455] : memref<500x25600xf32, #tpu.memory_space<hbm>> -> memref<1x25600xf32, #tpu.memory_space<hbm>>
      %dma_wait3A_457 = tpu.memref_slice %arg8[%dma_wait3A_450] : memref<4x!tpu.dma_semaphore, #tpu.memory_space<semaphore_mem>> -> memref<1x!tpu.dma_semaphore, #tpu.memory_space<semaphore_mem>>
      %dma_wait3A_458 = tpu.memref_squeeze %dma_wait3A_457 : memref<1x!tpu.dma_semaphore, #tpu.memory_space<semaphore_mem>> -> memref<!tpu.dma_semaphore, #tpu.memory_space<semaphore_mem>>
      %dma_wait3A_459 = arith.constant 0 : i32
      %dma_wait3A_460 = tpu.memref_slice %arg4[%add3A_449, %dma_wait3A_459] : memref<500x25600xf32, #tpu.memory_space<hbm>> -> memref<1x25600xf32, #tpu.memory_space<hbm>>
      %dma_wait3A_461 = arith.constant 0 : i32
      %dma_wait3A_462 = arith.constant 0 : i32
      %dma_wait3A_463 = tpu.memref_slice %arg6[%dma_wait3A, %dma_wait3A_461, %dma_wait3A_462] : memref<4x1x25600xf32, #tpu.memory_space<vmem>> -> memref<1x1x25600xf32, #tpu.memory_space<vmem>>
      %dma_wait3A_464 = tpu.memref_squeeze %dma_wait3A_463 : memref<1x1x25600xf32, #tpu.memory_space<vmem>> -> memref<1x25600xf32, #tpu.memory_space<vmem>>
      tpu.wait_dma2 semaphore(%dma_wait3A_458 : memref<!tpu.dma_semaphore, #tpu.memory_space<semaphore_mem>>) src(%dma_wait3A_464 : memref<1x25600xf32, #tpu.memory_space<vmem>>) dst(%dma_wait3A_460 : memref<1x25600xf32, #tpu.memory_space<hbm>>)
    } else {
    }
    %add3A_203 = arith.constant 9 : i32
    %add3A_204 = arith.addi %mul3A_2, %add3A_203 : i32
    %lt3A_205 = arith.constant 500 : i32
    %lt3A_206 = arith.cmpi slt, %add3A_204, %lt3A_205 : i32
    %convert_element_type3A_207 = arith.extui %lt3A_206 : i1 to i32
    %cond3A_208 = arith.constant 0 : i32
    %cond3A_209 = arith.cmpi ne, %convert_element_type3A_207, %cond3A_208 : i32
    scf.if %cond3A_209 {
      %dma_start3A = arith.constant 9 : i32
      %dma_start3A_448 = arith.constant 1 : i32
      %dma_start3A_449 = arith.constant 1 : i32
      %dma_start3A_450 = arith.constant 0 : i32
      %dma_start3A_451 = arith.constant 0 : i32
      %dma_start3A_452 = tpu.memref_slice %arg6[%dma_start3A_448, %dma_start3A_450, %dma_start3A_451] : memref<4x1x25600xf32, #tpu.memory_space<vmem>> -> memref<1x1x25600xf32, #tpu.memory_space<vmem>>
      %dma_start3A_453 = tpu.memref_squeeze %dma_start3A_452 : memref<1x1x25600xf32, #tpu.memory_space<vmem>> -> memref<1x25600xf32, #tpu.memory_space<vmem>>
      %dma_start3A_454 = arith.constant 0 : i32
      %dma_start3A_455 = tpu.memref_slice %arg5[%dma_start3A, %dma_start3A_454] : memref<16x1xi32, #tpu.memory_space<vmem>> -> memref<1x1xi32, #tpu.memory_space<vmem>>
      %dma_start3A_456 = tpu.memref_squeeze %dma_start3A_455 : memref<1x1xi32, #tpu.memory_space<vmem>> -> memref<1xi32, #tpu.memory_space<vmem>>
      %dma_start3A_457 = arith.constant 0 : i32
      %dma_start3A_458 = arith.constant 0 : i32
      %dma_start3A_459 = tpu.memref_slice %arg2[%dma_start3A_457, %dma_start3A_458] : memref<2000x25600xf32, #tpu.memory_space<hbm>> -> memref<2000x25600xf32, #tpu.memory_space<hbm>>
      %dma_start3A_460 = tpu.memref_slice %arg7[%dma_start3A_449] : memref<4x!tpu.dma_semaphore, #tpu.memory_space<semaphore_mem>> -> memref<1x!tpu.dma_semaphore, #tpu.memory_space<semaphore_mem>>
      %dma_start3A_461 = tpu.memref_squeeze %dma_start3A_460 : memref<1x!tpu.dma_semaphore, #tpu.memory_space<semaphore_mem>> -> memref<!tpu.dma_semaphore, #tpu.memory_space<semaphore_mem>>
      tpu.enqueue_indirect_dma source(%dma_start3A_459 : memref<2000x25600xf32, #tpu.memory_space<hbm>>) target(%dma_start3A_453 : memref<1x25600xf32, #tpu.memory_space<vmem>>) offsets(%dma_start3A_456 : memref<1xi32, #tpu.memory_space<vmem>>) semaphore(%dma_start3A_461 : memref<!tpu.dma_semaphore, #tpu.memory_space<semaphore_mem>>)
    } else {
    }
    %add3A_210 = arith.constant 7 : i32
    %add3A_211 = arith.addi %mul3A_2, %add3A_210 : i32
    %lt3A_212 = arith.constant 500 : i32
    %lt3A_213 = arith.cmpi slt, %add3A_211, %lt3A_212 : i32
    %convert_element_type3A_214 = arith.extui %lt3A_213 : i1 to i32
    %cond3A_215 = arith.constant 0 : i32
    %cond3A_216 = arith.cmpi ne, %convert_element_type3A_214, %cond3A_215 : i32
    scf.if %cond3A_216 {
      %dma_wait3A = arith.constant 7 : i32
      %dma_wait3A_448 = arith.constant 3 : i32
      %dma_wait3A_449 = arith.constant 3 : i32
      %dma_wait3A_450 = arith.constant 0 : i32
      %dma_wait3A_451 = arith.constant 0 : i32
      %dma_wait3A_452 = tpu.memref_slice %arg6[%dma_wait3A_448, %dma_wait3A_450, %dma_wait3A_451] : memref<4x1x25600xf32, #tpu.memory_space<vmem>> -> memref<1x1x25600xf32, #tpu.memory_space<vmem>>
      %dma_wait3A_453 = tpu.memref_squeeze %dma_wait3A_452 : memref<1x1x25600xf32, #tpu.memory_space<vmem>> -> memref<1x25600xf32, #tpu.memory_space<vmem>>
      %dma_wait3A_454 = arith.constant 0 : i32
      %dma_wait3A_455 = tpu.memref_slice %arg5[%dma_wait3A, %dma_wait3A_454] : memref<16x1xi32, #tpu.memory_space<vmem>> -> memref<1x1xi32, #tpu.memory_space<vmem>>
      %dma_wait3A_456 = tpu.memref_squeeze %dma_wait3A_455 : memref<1x1xi32, #tpu.memory_space<vmem>> -> memref<1xi32, #tpu.memory_space<vmem>>
      %dma_wait3A_457 = arith.constant 0 : i32
      %dma_wait3A_458 = arith.constant 0 : i32
      %dma_wait3A_459 = tpu.memref_slice %arg2[%dma_wait3A_457, %dma_wait3A_458] : memref<2000x25600xf32, #tpu.memory_space<hbm>> -> memref<2000x25600xf32, #tpu.memory_space<hbm>>
      %dma_wait3A_460 = tpu.memref_slice %arg7[%dma_wait3A_449] : memref<4x!tpu.dma_semaphore, #tpu.memory_space<semaphore_mem>> -> memref<1x!tpu.dma_semaphore, #tpu.memory_space<semaphore_mem>>
      %dma_wait3A_461 = tpu.memref_squeeze %dma_wait3A_460 : memref<1x!tpu.dma_semaphore, #tpu.memory_space<semaphore_mem>> -> memref<!tpu.dma_semaphore, #tpu.memory_space<semaphore_mem>>
      tpu.wait_indirect_dma semaphore(%dma_wait3A_461 : memref<!tpu.dma_semaphore, #tpu.memory_space<semaphore_mem>>) src(%dma_wait3A_459 : memref<2000x25600xf32, #tpu.memory_space<hbm>>) dst(%dma_wait3A_453 : memref<1x25600xf32, #tpu.memory_space<vmem>>)
    } else {
    }
    %add3A_217 = arith.constant 7 : i32
    %add3A_218 = arith.addi %mul3A_2, %add3A_217 : i32
    %lt3A_219 = arith.constant 500 : i32
    %lt3A_220 = arith.cmpi slt, %add3A_218, %lt3A_219 : i32
    %convert_element_type3A_221 = arith.extui %lt3A_220 : i1 to i32
    %cond3A_222 = arith.constant 0 : i32
    %cond3A_223 = arith.cmpi ne, %convert_element_type3A_221, %cond3A_222 : i32
    scf.if %cond3A_223 {
      %add3A_448 = arith.constant 7 : i32
      %add3A_449 = arith.addi %mul3A_2, %add3A_448 : i32
      %dma_start3A = arith.constant 3 : i32
      %dma_start3A_450 = arith.constant 3 : i32
      %dma_start3A_451 = arith.constant 0 : i32
      %dma_start3A_452 = arith.constant 0 : i32
      %dma_start3A_453 = tpu.memref_slice %arg6[%dma_start3A, %dma_start3A_451, %dma_start3A_452] : memref<4x1x25600xf32, #tpu.memory_space<vmem>> -> memref<1x1x25600xf32, #tpu.memory_space<vmem>>
      %dma_start3A_454 = tpu.memref_squeeze %dma_start3A_453 : memref<1x1x25600xf32, #tpu.memory_space<vmem>> -> memref<1x25600xf32, #tpu.memory_space<vmem>>
      %dma_start3A_455 = arith.constant 0 : i32
      %dma_start3A_456 = tpu.memref_slice %arg4[%add3A_449, %dma_start3A_455] : memref<500x25600xf32, #tpu.memory_space<hbm>> -> memref<1x25600xf32, #tpu.memory_space<hbm>>
      %dma_start3A_457 = tpu.memref_slice %arg8[%dma_start3A_450] : memref<4x!tpu.dma_semaphore, #tpu.memory_space<semaphore_mem>> -> memref<1x!tpu.dma_semaphore, #tpu.memory_space<semaphore_mem>>
      %dma_start3A_458 = tpu.memref_squeeze %dma_start3A_457 : memref<1x!tpu.dma_semaphore, #tpu.memory_space<semaphore_mem>> -> memref<!tpu.dma_semaphore, #tpu.memory_space<semaphore_mem>>
      %dma_start3A_459 = arith.constant 0 : i32
      %dma_start3A_460 = tpu.memref_slice %arg4[%add3A_449, %dma_start3A_459] : memref<500x25600xf32, #tpu.memory_space<hbm>> -> memref<1x25600xf32, #tpu.memory_space<hbm>>
      %dma_start3A_461 = arith.constant 0 : i32
      %dma_start3A_462 = arith.constant 0 : i32
      %dma_start3A_463 = tpu.memref_slice %arg6[%dma_start3A, %dma_start3A_461, %dma_start3A_462] : memref<4x1x25600xf32, #tpu.memory_space<vmem>> -> memref<1x1x25600xf32, #tpu.memory_space<vmem>>
      %dma_start3A_464 = tpu.memref_squeeze %dma_start3A_463 : memref<1x1x25600xf32, #tpu.memory_space<vmem>> -> memref<1x25600xf32, #tpu.memory_space<vmem>>
      tpu.enqueue_dma source(%dma_start3A_464 : memref<1x25600xf32, #tpu.memory_space<vmem>>) target(%dma_start3A_460 : memref<1x25600xf32, #tpu.memory_space<hbm>>) target_semaphore(%dma_start3A_458 : memref<!tpu.dma_semaphore, #tpu.memory_space<semaphore_mem>>)
    } else {
    }
    %add3A_224 = arith.constant 6 : i32
    %add3A_225 = arith.addi %mul3A_2, %add3A_224 : i32
    %lt3A_226 = arith.constant 500 : i32
    %lt3A_227 = arith.cmpi slt, %add3A_225, %lt3A_226 : i32
    %convert_element_type3A_228 = arith.extui %lt3A_227 : i1 to i32
    %cond3A_229 = arith.constant 0 : i32
    %cond3A_230 = arith.cmpi ne, %convert_element_type3A_228, %cond3A_229 : i32
    scf.if %cond3A_230 {
      %add3A_448 = arith.constant 6 : i32
      %add3A_449 = arith.addi %mul3A_2, %add3A_448 : i32
      %dma_wait3A = arith.constant 2 : i32
      %dma_wait3A_450 = arith.constant 2 : i32
      %dma_wait3A_451 = arith.constant 0 : i32
      %dma_wait3A_452 = arith.constant 0 : i32
      %dma_wait3A_453 = tpu.memref_slice %arg6[%dma_wait3A, %dma_wait3A_451, %dma_wait3A_452] : memref<4x1x25600xf32, #tpu.memory_space<vmem>> -> memref<1x1x25600xf32, #tpu.memory_space<vmem>>
      %dma_wait3A_454 = tpu.memref_squeeze %dma_wait3A_453 : memref<1x1x25600xf32, #tpu.memory_space<vmem>> -> memref<1x25600xf32, #tpu.memory_space<vmem>>
      %dma_wait3A_455 = arith.constant 0 : i32
      %dma_wait3A_456 = tpu.memref_slice %arg4[%add3A_449, %dma_wait3A_455] : memref<500x25600xf32, #tpu.memory_space<hbm>> -> memref<1x25600xf32, #tpu.memory_space<hbm>>
      %dma_wait3A_457 = tpu.memref_slice %arg8[%dma_wait3A_450] : memref<4x!tpu.dma_semaphore, #tpu.memory_space<semaphore_mem>> -> memref<1x!tpu.dma_semaphore, #tpu.memory_space<semaphore_mem>>
      %dma_wait3A_458 = tpu.memref_squeeze %dma_wait3A_457 : memref<1x!tpu.dma_semaphore, #tpu.memory_space<semaphore_mem>> -> memref<!tpu.dma_semaphore, #tpu.memory_space<semaphore_mem>>
      %dma_wait3A_459 = arith.constant 0 : i32
      %dma_wait3A_460 = tpu.memref_slice %arg4[%add3A_449, %dma_wait3A_459] : memref<500x25600xf32, #tpu.memory_space<hbm>> -> memref<1x25600xf32, #tpu.memory_space<hbm>>
      %dma_wait3A_461 = arith.constant 0 : i32
      %dma_wait3A_462 = arith.constant 0 : i32
      %dma_wait3A_463 = tpu.memref_slice %arg6[%dma_wait3A, %dma_wait3A_461, %dma_wait3A_462] : memref<4x1x25600xf32, #tpu.memory_space<vmem>> -> memref<1x1x25600xf32, #tpu.memory_space<vmem>>
      %dma_wait3A_464 = tpu.memref_squeeze %dma_wait3A_463 : memref<1x1x25600xf32, #tpu.memory_space<vmem>> -> memref<1x25600xf32, #tpu.memory_space<vmem>>
      tpu.wait_dma2 semaphore(%dma_wait3A_458 : memref<!tpu.dma_semaphore, #tpu.memory_space<semaphore_mem>>) src(%dma_wait3A_464 : memref<1x25600xf32, #tpu.memory_space<vmem>>) dst(%dma_wait3A_460 : memref<1x25600xf32, #tpu.memory_space<hbm>>)
    } else {
    }
    %add3A_231 = arith.constant 10 : i32
    %add3A_232 = arith.addi %mul3A_2, %add3A_231 : i32
    %lt3A_233 = arith.constant 500 : i32
    %lt3A_234 = arith.cmpi slt, %add3A_232, %lt3A_233 : i32
    %convert_element_type3A_235 = arith.extui %lt3A_234 : i1 to i32
    %cond3A_236 = arith.constant 0 : i32
    %cond3A_237 = arith.cmpi ne, %convert_element_type3A_235, %cond3A_236 : i32
    scf.if %cond3A_237 {
      %dma_start3A = arith.constant 10 : i32
      %dma_start3A_448 = arith.constant 2 : i32
      %dma_start3A_449 = arith.constant 2 : i32
      %dma_start3A_450 = arith.constant 0 : i32
      %dma_start3A_451 = arith.constant 0 : i32
      %dma_start3A_452 = tpu.memref_slice %arg6[%dma_start3A_448, %dma_start3A_450, %dma_start3A_451] : memref<4x1x25600xf32, #tpu.memory_space<vmem>> -> memref<1x1x25600xf32, #tpu.memory_space<vmem>>
      %dma_start3A_453 = tpu.memref_squeeze %dma_start3A_452 : memref<1x1x25600xf32, #tpu.memory_space<vmem>> -> memref<1x25600xf32, #tpu.memory_space<vmem>>
      %dma_start3A_454 = arith.constant 0 : i32
      %dma_start3A_455 = tpu.memref_slice %arg5[%dma_start3A, %dma_start3A_454] : memref<16x1xi32, #tpu.memory_space<vmem>> -> memref<1x1xi32, #tpu.memory_space<vmem>>
      %dma_start3A_456 = tpu.memref_squeeze %dma_start3A_455 : memref<1x1xi32, #tpu.memory_space<vmem>> -> memref<1xi32, #tpu.memory_space<vmem>>
      %dma_start3A_457 = arith.constant 0 : i32
      %dma_start3A_458 = arith.constant 0 : i32
      %dma_start3A_459 = tpu.memref_slice %arg2[%dma_start3A_457, %dma_start3A_458] : memref<2000x25600xf32, #tpu.memory_space<hbm>> -> memref<2000x25600xf32, #tpu.memory_space<hbm>>
      %dma_start3A_460 = tpu.memref_slice %arg7[%dma_start3A_449] : memref<4x!tpu.dma_semaphore, #tpu.memory_space<semaphore_mem>> -> memref<1x!tpu.dma_semaphore, #tpu.memory_space<semaphore_mem>>
      %dma_start3A_461 = tpu.memref_squeeze %dma_start3A_460 : memref<1x!tpu.dma_semaphore, #tpu.memory_space<semaphore_mem>> -> memref<!tpu.dma_semaphore, #tpu.memory_space<semaphore_mem>>
      tpu.enqueue_indirect_dma source(%dma_start3A_459 : memref<2000x25600xf32, #tpu.memory_space<hbm>>) target(%dma_start3A_453 : memref<1x25600xf32, #tpu.memory_space<vmem>>) offsets(%dma_start3A_456 : memref<1xi32, #tpu.memory_space<vmem>>) semaphore(%dma_start3A_461 : memref<!tpu.dma_semaphore, #tpu.memory_space<semaphore_mem>>)
    } else {
    }
    %add3A_238 = arith.constant 8 : i32
    %add3A_239 = arith.addi %mul3A_2, %add3A_238 : i32
    %lt3A_240 = arith.constant 500 : i32
    %lt3A_241 = arith.cmpi slt, %add3A_239, %lt3A_240 : i32
    %convert_element_type3A_242 = arith.extui %lt3A_241 : i1 to i32
    %cond3A_243 = arith.constant 0 : i32
    %cond3A_244 = arith.cmpi ne, %convert_element_type3A_242, %cond3A_243 : i32
    scf.if %cond3A_244 {
      %dma_wait3A = arith.constant 8 : i32
      %dma_wait3A_448 = arith.constant 0 : i32
      %dma_wait3A_449 = arith.constant 0 : i32
      %dma_wait3A_450 = arith.constant 0 : i32
      %dma_wait3A_451 = arith.constant 0 : i32
      %dma_wait3A_452 = tpu.memref_slice %arg6[%dma_wait3A_448, %dma_wait3A_450, %dma_wait3A_451] : memref<4x1x25600xf32, #tpu.memory_space<vmem>> -> memref<1x1x25600xf32, #tpu.memory_space<vmem>>
      %dma_wait3A_453 = tpu.memref_squeeze %dma_wait3A_452 : memref<1x1x25600xf32, #tpu.memory_space<vmem>> -> memref<1x25600xf32, #tpu.memory_space<vmem>>
      %dma_wait3A_454 = arith.constant 0 : i32
      %dma_wait3A_455 = tpu.memref_slice %arg5[%dma_wait3A, %dma_wait3A_454] : memref<16x1xi32, #tpu.memory_space<vmem>> -> memref<1x1xi32, #tpu.memory_space<vmem>>
      %dma_wait3A_456 = tpu.memref_squeeze %dma_wait3A_455 : memref<1x1xi32, #tpu.memory_space<vmem>> -> memref<1xi32, #tpu.memory_space<vmem>>
      %dma_wait3A_457 = arith.constant 0 : i32
      %dma_wait3A_458 = arith.constant 0 : i32
      %dma_wait3A_459 = tpu.memref_slice %arg2[%dma_wait3A_457, %dma_wait3A_458] : memref<2000x25600xf32, #tpu.memory_space<hbm>> -> memref<2000x25600xf32, #tpu.memory_space<hbm>>
      %dma_wait3A_460 = tpu.memref_slice %arg7[%dma_wait3A_449] : memref<4x!tpu.dma_semaphore, #tpu.memory_space<semaphore_mem>> -> memref<1x!tpu.dma_semaphore, #tpu.memory_space<semaphore_mem>>
      %dma_wait3A_461 = tpu.memref_squeeze %dma_wait3A_460 : memref<1x!tpu.dma_semaphore, #tpu.memory_space<semaphore_mem>> -> memref<!tpu.dma_semaphore, #tpu.memory_space<semaphore_mem>>
      tpu.wait_indirect_dma semaphore(%dma_wait3A_461 : memref<!tpu.dma_semaphore, #tpu.memory_space<semaphore_mem>>) src(%dma_wait3A_459 : memref<2000x25600xf32, #tpu.memory_space<hbm>>) dst(%dma_wait3A_453 : memref<1x25600xf32, #tpu.memory_space<vmem>>)
    } else {
    }
    %add3A_245 = arith.constant 8 : i32
    %add3A_246 = arith.addi %mul3A_2, %add3A_245 : i32
    %lt3A_247 = arith.constant 500 : i32
    %lt3A_248 = arith.cmpi slt, %add3A_246, %lt3A_247 : i32
    %convert_element_type3A_249 = arith.extui %lt3A_248 : i1 to i32
    %cond3A_250 = arith.constant 0 : i32
    %cond3A_251 = arith.cmpi ne, %convert_element_type3A_249, %cond3A_250 : i32
    scf.if %cond3A_251 {
      %add3A_448 = arith.constant 8 : i32
      %add3A_449 = arith.addi %mul3A_2, %add3A_448 : i32
      %dma_start3A = arith.constant 0 : i32
      %dma_start3A_450 = arith.constant 0 : i32
      %dma_start3A_451 = arith.constant 0 : i32
      %dma_start3A_452 = arith.constant 0 : i32
      %dma_start3A_453 = tpu.memref_slice %arg6[%dma_start3A, %dma_start3A_451, %dma_start3A_452] : memref<4x1x25600xf32, #tpu.memory_space<vmem>> -> memref<1x1x25600xf32, #tpu.memory_space<vmem>>
      %dma_start3A_454 = tpu.memref_squeeze %dma_start3A_453 : memref<1x1x25600xf32, #tpu.memory_space<vmem>> -> memref<1x25600xf32, #tpu.memory_space<vmem>>
      %dma_start3A_455 = arith.constant 0 : i32
      %dma_start3A_456 = tpu.memref_slice %arg4[%add3A_449, %dma_start3A_455] : memref<500x25600xf32, #tpu.memory_space<hbm>> -> memref<1x25600xf32, #tpu.memory_space<hbm>>
      %dma_start3A_457 = tpu.memref_slice %arg8[%dma_start3A_450] : memref<4x!tpu.dma_semaphore, #tpu.memory_space<semaphore_mem>> -> memref<1x!tpu.dma_semaphore, #tpu.memory_space<semaphore_mem>>
      %dma_start3A_458 = tpu.memref_squeeze %dma_start3A_457 : memref<1x!tpu.dma_semaphore, #tpu.memory_space<semaphore_mem>> -> memref<!tpu.dma_semaphore, #tpu.memory_space<semaphore_mem>>
      %dma_start3A_459 = arith.constant 0 : i32
      %dma_start3A_460 = tpu.memref_slice %arg4[%add3A_449, %dma_start3A_459] : memref<500x25600xf32, #tpu.memory_space<hbm>> -> memref<1x25600xf32, #tpu.memory_space<hbm>>
      %dma_start3A_461 = arith.constant 0 : i32
      %dma_start3A_462 = arith.constant 0 : i32
      %dma_start3A_463 = tpu.memref_slice %arg6[%dma_start3A, %dma_start3A_461, %dma_start3A_462] : memref<4x1x25600xf32, #tpu.memory_space<vmem>> -> memref<1x1x25600xf32, #tpu.memory_space<vmem>>
      %dma_start3A_464 = tpu.memref_squeeze %dma_start3A_463 : memref<1x1x25600xf32, #tpu.memory_space<vmem>> -> memref<1x25600xf32, #tpu.memory_space<vmem>>
      tpu.enqueue_dma source(%dma_start3A_464 : memref<1x25600xf32, #tpu.memory_space<vmem>>) target(%dma_start3A_460 : memref<1x25600xf32, #tpu.memory_space<hbm>>) target_semaphore(%dma_start3A_458 : memref<!tpu.dma_semaphore, #tpu.memory_space<semaphore_mem>>)
    } else {
    }
    %add3A_252 = arith.constant 7 : i32
    %add3A_253 = arith.addi %mul3A_2, %add3A_252 : i32
    %lt3A_254 = arith.constant 500 : i32
    %lt3A_255 = arith.cmpi slt, %add3A_253, %lt3A_254 : i32
    %convert_element_type3A_256 = arith.extui %lt3A_255 : i1 to i32
    %cond3A_257 = arith.constant 0 : i32
    %cond3A_258 = arith.cmpi ne, %convert_element_type3A_256, %cond3A_257 : i32
    scf.if %cond3A_258 {
      %add3A_448 = arith.constant 7 : i32
      %add3A_449 = arith.addi %mul3A_2, %add3A_448 : i32
      %dma_wait3A = arith.constant 3 : i32
      %dma_wait3A_450 = arith.constant 3 : i32
      %dma_wait3A_451 = arith.constant 0 : i32
      %dma_wait3A_452 = arith.constant 0 : i32
      %dma_wait3A_453 = tpu.memref_slice %arg6[%dma_wait3A, %dma_wait3A_451, %dma_wait3A_452] : memref<4x1x25600xf32, #tpu.memory_space<vmem>> -> memref<1x1x25600xf32, #tpu.memory_space<vmem>>
      %dma_wait3A_454 = tpu.memref_squeeze %dma_wait3A_453 : memref<1x1x25600xf32, #tpu.memory_space<vmem>> -> memref<1x25600xf32, #tpu.memory_space<vmem>>
      %dma_wait3A_455 = arith.constant 0 : i32
      %dma_wait3A_456 = tpu.memref_slice %arg4[%add3A_449, %dma_wait3A_455] : memref<500x25600xf32, #tpu.memory_space<hbm>> -> memref<1x25600xf32, #tpu.memory_space<hbm>>
      %dma_wait3A_457 = tpu.memref_slice %arg8[%dma_wait3A_450] : memref<4x!tpu.dma_semaphore, #tpu.memory_space<semaphore_mem>> -> memref<1x!tpu.dma_semaphore, #tpu.memory_space<semaphore_mem>>
      %dma_wait3A_458 = tpu.memref_squeeze %dma_wait3A_457 : memref<1x!tpu.dma_semaphore, #tpu.memory_space<semaphore_mem>> -> memref<!tpu.dma_semaphore, #tpu.memory_space<semaphore_mem>>
      %dma_wait3A_459 = arith.constant 0 : i32
      %dma_wait3A_460 = tpu.memref_slice %arg4[%add3A_449, %dma_wait3A_459] : memref<500x25600xf32, #tpu.memory_space<hbm>> -> memref<1x25600xf32, #tpu.memory_space<hbm>>
      %dma_wait3A_461 = arith.constant 0 : i32
      %dma_wait3A_462 = arith.constant 0 : i32
      %dma_wait3A_463 = tpu.memref_slice %arg6[%dma_wait3A, %dma_wait3A_461, %dma_wait3A_462] : memref<4x1x25600xf32, #tpu.memory_space<vmem>> -> memref<1x1x25600xf32, #tpu.memory_space<vmem>>
      %dma_wait3A_464 = tpu.memref_squeeze %dma_wait3A_463 : memref<1x1x25600xf32, #tpu.memory_space<vmem>> -> memref<1x25600xf32, #tpu.memory_space<vmem>>
      tpu.wait_dma2 semaphore(%dma_wait3A_458 : memref<!tpu.dma_semaphore, #tpu.memory_space<semaphore_mem>>) src(%dma_wait3A_464 : memref<1x25600xf32, #tpu.memory_space<vmem>>) dst(%dma_wait3A_460 : memref<1x25600xf32, #tpu.memory_space<hbm>>)
    } else {
    }
    %add3A_259 = arith.constant 11 : i32
    %add3A_260 = arith.addi %mul3A_2, %add3A_259 : i32
    %lt3A_261 = arith.constant 500 : i32
    %lt3A_262 = arith.cmpi slt, %add3A_260, %lt3A_261 : i32
    %convert_element_type3A_263 = arith.extui %lt3A_262 : i1 to i32
    %cond3A_264 = arith.constant 0 : i32
    %cond3A_265 = arith.cmpi ne, %convert_element_type3A_263, %cond3A_264 : i32
    scf.if %cond3A_265 {
      %dma_start3A = arith.constant 11 : i32
      %dma_start3A_448 = arith.constant 3 : i32
      %dma_start3A_449 = arith.constant 3 : i32
      %dma_start3A_450 = arith.constant 0 : i32
      %dma_start3A_451 = arith.constant 0 : i32
      %dma_start3A_452 = tpu.memref_slice %arg6[%dma_start3A_448, %dma_start3A_450, %dma_start3A_451] : memref<4x1x25600xf32, #tpu.memory_space<vmem>> -> memref<1x1x25600xf32, #tpu.memory_space<vmem>>
      %dma_start3A_453 = tpu.memref_squeeze %dma_start3A_452 : memref<1x1x25600xf32, #tpu.memory_space<vmem>> -> memref<1x25600xf32, #tpu.memory_space<vmem>>
      %dma_start3A_454 = arith.constant 0 : i32
      %dma_start3A_455 = tpu.memref_slice %arg5[%dma_start3A, %dma_start3A_454] : memref<16x1xi32, #tpu.memory_space<vmem>> -> memref<1x1xi32, #tpu.memory_space<vmem>>
      %dma_start3A_456 = tpu.memref_squeeze %dma_start3A_455 : memref<1x1xi32, #tpu.memory_space<vmem>> -> memref<1xi32, #tpu.memory_space<vmem>>
      %dma_start3A_457 = arith.constant 0 : i32
      %dma_start3A_458 = arith.constant 0 : i32
      %dma_start3A_459 = tpu.memref_slice %arg2[%dma_start3A_457, %dma_start3A_458] : memref<2000x25600xf32, #tpu.memory_space<hbm>> -> memref<2000x25600xf32, #tpu.memory_space<hbm>>
      %dma_start3A_460 = tpu.memref_slice %arg7[%dma_start3A_449] : memref<4x!tpu.dma_semaphore, #tpu.memory_space<semaphore_mem>> -> memref<1x!tpu.dma_semaphore, #tpu.memory_space<semaphore_mem>>
      %dma_start3A_461 = tpu.memref_squeeze %dma_start3A_460 : memref<1x!tpu.dma_semaphore, #tpu.memory_space<semaphore_mem>> -> memref<!tpu.dma_semaphore, #tpu.memory_space<semaphore_mem>>
      tpu.enqueue_indirect_dma source(%dma_start3A_459 : memref<2000x25600xf32, #tpu.memory_space<hbm>>) target(%dma_start3A_453 : memref<1x25600xf32, #tpu.memory_space<vmem>>) offsets(%dma_start3A_456 : memref<1xi32, #tpu.memory_space<vmem>>) semaphore(%dma_start3A_461 : memref<!tpu.dma_semaphore, #tpu.memory_space<semaphore_mem>>)
    } else {
    }
    %add3A_266 = arith.constant 9 : i32
    %add3A_267 = arith.addi %mul3A_2, %add3A_266 : i32
    %lt3A_268 = arith.constant 500 : i32
    %lt3A_269 = arith.cmpi slt, %add3A_267, %lt3A_268 : i32
    %convert_element_type3A_270 = arith.extui %lt3A_269 : i1 to i32
    %cond3A_271 = arith.constant 0 : i32
    %cond3A_272 = arith.cmpi ne, %convert_element_type3A_270, %cond3A_271 : i32
    scf.if %cond3A_272 {
      %dma_wait3A = arith.constant 9 : i32
      %dma_wait3A_448 = arith.constant 1 : i32
      %dma_wait3A_449 = arith.constant 1 : i32
      %dma_wait3A_450 = arith.constant 0 : i32
      %dma_wait3A_451 = arith.constant 0 : i32
      %dma_wait3A_452 = tpu.memref_slice %arg6[%dma_wait3A_448, %dma_wait3A_450, %dma_wait3A_451] : memref<4x1x25600xf32, #tpu.memory_space<vmem>> -> memref<1x1x25600xf32, #tpu.memory_space<vmem>>
      %dma_wait3A_453 = tpu.memref_squeeze %dma_wait3A_452 : memref<1x1x25600xf32, #tpu.memory_space<vmem>> -> memref<1x25600xf32, #tpu.memory_space<vmem>>
      %dma_wait3A_454 = arith.constant 0 : i32
      %dma_wait3A_455 = tpu.memref_slice %arg5[%dma_wait3A, %dma_wait3A_454] : memref<16x1xi32, #tpu.memory_space<vmem>> -> memref<1x1xi32, #tpu.memory_space<vmem>>
      %dma_wait3A_456 = tpu.memref_squeeze %dma_wait3A_455 : memref<1x1xi32, #tpu.memory_space<vmem>> -> memref<1xi32, #tpu.memory_space<vmem>>
      %dma_wait3A_457 = arith.constant 0 : i32
      %dma_wait3A_458 = arith.constant 0 : i32
      %dma_wait3A_459 = tpu.memref_slice %arg2[%dma_wait3A_457, %dma_wait3A_458] : memref<2000x25600xf32, #tpu.memory_space<hbm>> -> memref<2000x25600xf32, #tpu.memory_space<hbm>>
      %dma_wait3A_460 = tpu.memref_slice %arg7[%dma_wait3A_449] : memref<4x!tpu.dma_semaphore, #tpu.memory_space<semaphore_mem>> -> memref<1x!tpu.dma_semaphore, #tpu.memory_space<semaphore_mem>>
      %dma_wait3A_461 = tpu.memref_squeeze %dma_wait3A_460 : memref<1x!tpu.dma_semaphore, #tpu.memory_space<semaphore_mem>> -> memref<!tpu.dma_semaphore, #tpu.memory_space<semaphore_mem>>
      tpu.wait_indirect_dma semaphore(%dma_wait3A_461 : memref<!tpu.dma_semaphore, #tpu.memory_space<semaphore_mem>>) src(%dma_wait3A_459 : memref<2000x25600xf32, #tpu.memory_space<hbm>>) dst(%dma_wait3A_453 : memref<1x25600xf32, #tpu.memory_space<vmem>>)
    } else {
    }
    %add3A_273 = arith.constant 9 : i32
    %add3A_274 = arith.addi %mul3A_2, %add3A_273 : i32
    %lt3A_275 = arith.constant 500 : i32
    %lt3A_276 = arith.cmpi slt, %add3A_274, %lt3A_275 : i32
    %convert_element_type3A_277 = arith.extui %lt3A_276 : i1 to i32
    %cond3A_278 = arith.constant 0 : i32
    %cond3A_279 = arith.cmpi ne, %convert_element_type3A_277, %cond3A_278 : i32
    scf.if %cond3A_279 {
      %add3A_448 = arith.constant 9 : i32
      %add3A_449 = arith.addi %mul3A_2, %add3A_448 : i32
      %dma_start3A = arith.constant 1 : i32
      %dma_start3A_450 = arith.constant 1 : i32
      %dma_start3A_451 = arith.constant 0 : i32
      %dma_start3A_452 = arith.constant 0 : i32
      %dma_start3A_453 = tpu.memref_slice %arg6[%dma_start3A, %dma_start3A_451, %dma_start3A_452] : memref<4x1x25600xf32, #tpu.memory_space<vmem>> -> memref<1x1x25600xf32, #tpu.memory_space<vmem>>
      %dma_start3A_454 = tpu.memref_squeeze %dma_start3A_453 : memref<1x1x25600xf32, #tpu.memory_space<vmem>> -> memref<1x25600xf32, #tpu.memory_space<vmem>>
      %dma_start3A_455 = arith.constant 0 : i32
      %dma_start3A_456 = tpu.memref_slice %arg4[%add3A_449, %dma_start3A_455] : memref<500x25600xf32, #tpu.memory_space<hbm>> -> memref<1x25600xf32, #tpu.memory_space<hbm>>
      %dma_start3A_457 = tpu.memref_slice %arg8[%dma_start3A_450] : memref<4x!tpu.dma_semaphore, #tpu.memory_space<semaphore_mem>> -> memref<1x!tpu.dma_semaphore, #tpu.memory_space<semaphore_mem>>
      %dma_start3A_458 = tpu.memref_squeeze %dma_start3A_457 : memref<1x!tpu.dma_semaphore, #tpu.memory_space<semaphore_mem>> -> memref<!tpu.dma_semaphore, #tpu.memory_space<semaphore_mem>>
      %dma_start3A_459 = arith.constant 0 : i32
      %dma_start3A_460 = tpu.memref_slice %arg4[%add3A_449, %dma_start3A_459] : memref<500x25600xf32, #tpu.memory_space<hbm>> -> memref<1x25600xf32, #tpu.memory_space<hbm>>
      %dma_start3A_461 = arith.constant 0 : i32
      %dma_start3A_462 = arith.constant 0 : i32
      %dma_start3A_463 = tpu.memref_slice %arg6[%dma_start3A, %dma_start3A_461, %dma_start3A_462] : memref<4x1x25600xf32, #tpu.memory_space<vmem>> -> memref<1x1x25600xf32, #tpu.memory_space<vmem>>
      %dma_start3A_464 = tpu.memref_squeeze %dma_start3A_463 : memref<1x1x25600xf32, #tpu.memory_space<vmem>> -> memref<1x25600xf32, #tpu.memory_space<vmem>>
      tpu.enqueue_dma source(%dma_start3A_464 : memref<1x25600xf32, #tpu.memory_space<vmem>>) target(%dma_start3A_460 : memref<1x25600xf32, #tpu.memory_space<hbm>>) target_semaphore(%dma_start3A_458 : memref<!tpu.dma_semaphore, #tpu.memory_space<semaphore_mem>>)
    } else {
    }
    %add3A_280 = arith.constant 8 : i32
    %add3A_281 = arith.addi %mul3A_2, %add3A_280 : i32
    %lt3A_282 = arith.constant 500 : i32
    %lt3A_283 = arith.cmpi slt, %add3A_281, %lt3A_282 : i32
    %convert_element_type3A_284 = arith.extui %lt3A_283 : i1 to i32
    %cond3A_285 = arith.constant 0 : i32
    %cond3A_286 = arith.cmpi ne, %convert_element_type3A_284, %cond3A_285 : i32
    scf.if %cond3A_286 {
      %add3A_448 = arith.constant 8 : i32
      %add3A_449 = arith.addi %mul3A_2, %add3A_448 : i32
      %dma_wait3A = arith.constant 0 : i32
      %dma_wait3A_450 = arith.constant 0 : i32
      %dma_wait3A_451 = arith.constant 0 : i32
      %dma_wait3A_452 = arith.constant 0 : i32
      %dma_wait3A_453 = tpu.memref_slice %arg6[%dma_wait3A, %dma_wait3A_451, %dma_wait3A_452] : memref<4x1x25600xf32, #tpu.memory_space<vmem>> -> memref<1x1x25600xf32, #tpu.memory_space<vmem>>
      %dma_wait3A_454 = tpu.memref_squeeze %dma_wait3A_453 : memref<1x1x25600xf32, #tpu.memory_space<vmem>> -> memref<1x25600xf32, #tpu.memory_space<vmem>>
      %dma_wait3A_455 = arith.constant 0 : i32
      %dma_wait3A_456 = tpu.memref_slice %arg4[%add3A_449, %dma_wait3A_455] : memref<500x25600xf32, #tpu.memory_space<hbm>> -> memref<1x25600xf32, #tpu.memory_space<hbm>>
      %dma_wait3A_457 = tpu.memref_slice %arg8[%dma_wait3A_450] : memref<4x!tpu.dma_semaphore, #tpu.memory_space<semaphore_mem>> -> memref<1x!tpu.dma_semaphore, #tpu.memory_space<semaphore_mem>>
      %dma_wait3A_458 = tpu.memref_squeeze %dma_wait3A_457 : memref<1x!tpu.dma_semaphore, #tpu.memory_space<semaphore_mem>> -> memref<!tpu.dma_semaphore, #tpu.memory_space<semaphore_mem>>
      %dma_wait3A_459 = arith.constant 0 : i32
      %dma_wait3A_460 = tpu.memref_slice %arg4[%add3A_449, %dma_wait3A_459] : memref<500x25600xf32, #tpu.memory_space<hbm>> -> memref<1x25600xf32, #tpu.memory_space<hbm>>
      %dma_wait3A_461 = arith.constant 0 : i32
      %dma_wait3A_462 = arith.constant 0 : i32
      %dma_wait3A_463 = tpu.memref_slice %arg6[%dma_wait3A, %dma_wait3A_461, %dma_wait3A_462] : memref<4x1x25600xf32, #tpu.memory_space<vmem>> -> memref<1x1x25600xf32, #tpu.memory_space<vmem>>
      %dma_wait3A_464 = tpu.memref_squeeze %dma_wait3A_463 : memref<1x1x25600xf32, #tpu.memory_space<vmem>> -> memref<1x25600xf32, #tpu.memory_space<vmem>>
      tpu.wait_dma2 semaphore(%dma_wait3A_458 : memref<!tpu.dma_semaphore, #tpu.memory_space<semaphore_mem>>) src(%dma_wait3A_464 : memref<1x25600xf32, #tpu.memory_space<vmem>>) dst(%dma_wait3A_460 : memref<1x25600xf32, #tpu.memory_space<hbm>>)
    } else {
    }
    %add3A_287 = arith.constant 12 : i32
    %add3A_288 = arith.addi %mul3A_2, %add3A_287 : i32
    %lt3A_289 = arith.constant 500 : i32
    %lt3A_290 = arith.cmpi slt, %add3A_288, %lt3A_289 : i32
    %convert_element_type3A_291 = arith.extui %lt3A_290 : i1 to i32
    %cond3A_292 = arith.constant 0 : i32
    %cond3A_293 = arith.cmpi ne, %convert_element_type3A_291, %cond3A_292 : i32
    scf.if %cond3A_293 {
      %dma_start3A = arith.constant 12 : i32
      %dma_start3A_448 = arith.constant 0 : i32
      %dma_start3A_449 = arith.constant 0 : i32
      %dma_start3A_450 = arith.constant 0 : i32
      %dma_start3A_451 = arith.constant 0 : i32
      %dma_start3A_452 = tpu.memref_slice %arg6[%dma_start3A_448, %dma_start3A_450, %dma_start3A_451] : memref<4x1x25600xf32, #tpu.memory_space<vmem>> -> memref<1x1x25600xf32, #tpu.memory_space<vmem>>
      %dma_start3A_453 = tpu.memref_squeeze %dma_start3A_452 : memref<1x1x25600xf32, #tpu.memory_space<vmem>> -> memref<1x25600xf32, #tpu.memory_space<vmem>>
      %dma_start3A_454 = arith.constant 0 : i32
      %dma_start3A_455 = tpu.memref_slice %arg5[%dma_start3A, %dma_start3A_454] : memref<16x1xi32, #tpu.memory_space<vmem>> -> memref<1x1xi32, #tpu.memory_space<vmem>>
      %dma_start3A_456 = tpu.memref_squeeze %dma_start3A_455 : memref<1x1xi32, #tpu.memory_space<vmem>> -> memref<1xi32, #tpu.memory_space<vmem>>
      %dma_start3A_457 = arith.constant 0 : i32
      %dma_start3A_458 = arith.constant 0 : i32
      %dma_start3A_459 = tpu.memref_slice %arg2[%dma_start3A_457, %dma_start3A_458] : memref<2000x25600xf32, #tpu.memory_space<hbm>> -> memref<2000x25600xf32, #tpu.memory_space<hbm>>
      %dma_start3A_460 = tpu.memref_slice %arg7[%dma_start3A_449] : memref<4x!tpu.dma_semaphore, #tpu.memory_space<semaphore_mem>> -> memref<1x!tpu.dma_semaphore, #tpu.memory_space<semaphore_mem>>
      %dma_start3A_461 = tpu.memref_squeeze %dma_start3A_460 : memref<1x!tpu.dma_semaphore, #tpu.memory_space<semaphore_mem>> -> memref<!tpu.dma_semaphore, #tpu.memory_space<semaphore_mem>>
      tpu.enqueue_indirect_dma source(%dma_start3A_459 : memref<2000x25600xf32, #tpu.memory_space<hbm>>) target(%dma_start3A_453 : memref<1x25600xf32, #tpu.memory_space<vmem>>) offsets(%dma_start3A_456 : memref<1xi32, #tpu.memory_space<vmem>>) semaphore(%dma_start3A_461 : memref<!tpu.dma_semaphore, #tpu.memory_space<semaphore_mem>>)
    } else {
    }
    %add3A_294 = arith.constant 10 : i32
    %add3A_295 = arith.addi %mul3A_2, %add3A_294 : i32
    %lt3A_296 = arith.constant 500 : i32
    %lt3A_297 = arith.cmpi slt, %add3A_295, %lt3A_296 : i32
    %convert_element_type3A_298 = arith.extui %lt3A_297 : i1 to i32
    %cond3A_299 = arith.constant 0 : i32
    %cond3A_300 = arith.cmpi ne, %convert_element_type3A_298, %cond3A_299 : i32
    scf.if %cond3A_300 {
      %dma_wait3A = arith.constant 10 : i32
      %dma_wait3A_448 = arith.constant 2 : i32
      %dma_wait3A_449 = arith.constant 2 : i32
      %dma_wait3A_450 = arith.constant 0 : i32
      %dma_wait3A_451 = arith.constant 0 : i32
      %dma_wait3A_452 = tpu.memref_slice %arg6[%dma_wait3A_448, %dma_wait3A_450, %dma_wait3A_451] : memref<4x1x25600xf32, #tpu.memory_space<vmem>> -> memref<1x1x25600xf32, #tpu.memory_space<vmem>>
      %dma_wait3A_453 = tpu.memref_squeeze %dma_wait3A_452 : memref<1x1x25600xf32, #tpu.memory_space<vmem>> -> memref<1x25600xf32, #tpu.memory_space<vmem>>
      %dma_wait3A_454 = arith.constant 0 : i32
      %dma_wait3A_455 = tpu.memref_slice %arg5[%dma_wait3A, %dma_wait3A_454] : memref<16x1xi32, #tpu.memory_space<vmem>> -> memref<1x1xi32, #tpu.memory_space<vmem>>
      %dma_wait3A_456 = tpu.memref_squeeze %dma_wait3A_455 : memref<1x1xi32, #tpu.memory_space<vmem>> -> memref<1xi32, #tpu.memory_space<vmem>>
      %dma_wait3A_457 = arith.constant 0 : i32
      %dma_wait3A_458 = arith.constant 0 : i32
      %dma_wait3A_459 = tpu.memref_slice %arg2[%dma_wait3A_457, %dma_wait3A_458] : memref<2000x25600xf32, #tpu.memory_space<hbm>> -> memref<2000x25600xf32, #tpu.memory_space<hbm>>
      %dma_wait3A_460 = tpu.memref_slice %arg7[%dma_wait3A_449] : memref<4x!tpu.dma_semaphore, #tpu.memory_space<semaphore_mem>> -> memref<1x!tpu.dma_semaphore, #tpu.memory_space<semaphore_mem>>
      %dma_wait3A_461 = tpu.memref_squeeze %dma_wait3A_460 : memref<1x!tpu.dma_semaphore, #tpu.memory_space<semaphore_mem>> -> memref<!tpu.dma_semaphore, #tpu.memory_space<semaphore_mem>>
      tpu.wait_indirect_dma semaphore(%dma_wait3A_461 : memref<!tpu.dma_semaphore, #tpu.memory_space<semaphore_mem>>) src(%dma_wait3A_459 : memref<2000x25600xf32, #tpu.memory_space<hbm>>) dst(%dma_wait3A_453 : memref<1x25600xf32, #tpu.memory_space<vmem>>)
    } else {
    }
    %add3A_301 = arith.constant 10 : i32
    %add3A_302 = arith.addi %mul3A_2, %add3A_301 : i32
    %lt3A_303 = arith.constant 500 : i32
    %lt3A_304 = arith.cmpi slt, %add3A_302, %lt3A_303 : i32
    %convert_element_type3A_305 = arith.extui %lt3A_304 : i1 to i32
    %cond3A_306 = arith.constant 0 : i32
    %cond3A_307 = arith.cmpi ne, %convert_element_type3A_305, %cond3A_306 : i32
    scf.if %cond3A_307 {
      %add3A_448 = arith.constant 10 : i32
      %add3A_449 = arith.addi %mul3A_2, %add3A_448 : i32
      %dma_start3A = arith.constant 2 : i32
      %dma_start3A_450 = arith.constant 2 : i32
      %dma_start3A_451 = arith.constant 0 : i32
      %dma_start3A_452 = arith.constant 0 : i32
      %dma_start3A_453 = tpu.memref_slice %arg6[%dma_start3A, %dma_start3A_451, %dma_start3A_452] : memref<4x1x25600xf32, #tpu.memory_space<vmem>> -> memref<1x1x25600xf32, #tpu.memory_space<vmem>>
      %dma_start3A_454 = tpu.memref_squeeze %dma_start3A_453 : memref<1x1x25600xf32, #tpu.memory_space<vmem>> -> memref<1x25600xf32, #tpu.memory_space<vmem>>
      %dma_start3A_455 = arith.constant 0 : i32
      %dma_start3A_456 = tpu.memref_slice %arg4[%add3A_449, %dma_start3A_455] : memref<500x25600xf32, #tpu.memory_space<hbm>> -> memref<1x25600xf32, #tpu.memory_space<hbm>>
      %dma_start3A_457 = tpu.memref_slice %arg8[%dma_start3A_450] : memref<4x!tpu.dma_semaphore, #tpu.memory_space<semaphore_mem>> -> memref<1x!tpu.dma_semaphore, #tpu.memory_space<semaphore_mem>>
      %dma_start3A_458 = tpu.memref_squeeze %dma_start3A_457 : memref<1x!tpu.dma_semaphore, #tpu.memory_space<semaphore_mem>> -> memref<!tpu.dma_semaphore, #tpu.memory_space<semaphore_mem>>
      %dma_start3A_459 = arith.constant 0 : i32
      %dma_start3A_460 = tpu.memref_slice %arg4[%add3A_449, %dma_start3A_459] : memref<500x25600xf32, #tpu.memory_space<hbm>> -> memref<1x25600xf32, #tpu.memory_space<hbm>>
      %dma_start3A_461 = arith.constant 0 : i32
      %dma_start3A_462 = arith.constant 0 : i32
      %dma_start3A_463 = tpu.memref_slice %arg6[%dma_start3A, %dma_start3A_461, %dma_start3A_462] : memref<4x1x25600xf32, #tpu.memory_space<vmem>> -> memref<1x1x25600xf32, #tpu.memory_space<vmem>>
      %dma_start3A_464 = tpu.memref_squeeze %dma_start3A_463 : memref<1x1x25600xf32, #tpu.memory_space<vmem>> -> memref<1x25600xf32, #tpu.memory_space<vmem>>
      tpu.enqueue_dma source(%dma_start3A_464 : memref<1x25600xf32, #tpu.memory_space<vmem>>) target(%dma_start3A_460 : memref<1x25600xf32, #tpu.memory_space<hbm>>) target_semaphore(%dma_start3A_458 : memref<!tpu.dma_semaphore, #tpu.memory_space<semaphore_mem>>)
    } else {
    }
    %add3A_308 = arith.constant 9 : i32
    %add3A_309 = arith.addi %mul3A_2, %add3A_308 : i32
    %lt3A_310 = arith.constant 500 : i32
    %lt3A_311 = arith.cmpi slt, %add3A_309, %lt3A_310 : i32
    %convert_element_type3A_312 = arith.extui %lt3A_311 : i1 to i32
    %cond3A_313 = arith.constant 0 : i32
    %cond3A_314 = arith.cmpi ne, %convert_element_type3A_312, %cond3A_313 : i32
    scf.if %cond3A_314 {
      %add3A_448 = arith.constant 9 : i32
      %add3A_449 = arith.addi %mul3A_2, %add3A_448 : i32
      %dma_wait3A = arith.constant 1 : i32
      %dma_wait3A_450 = arith.constant 1 : i32
      %dma_wait3A_451 = arith.constant 0 : i32
      %dma_wait3A_452 = arith.constant 0 : i32
      %dma_wait3A_453 = tpu.memref_slice %arg6[%dma_wait3A, %dma_wait3A_451, %dma_wait3A_452] : memref<4x1x25600xf32, #tpu.memory_space<vmem>> -> memref<1x1x25600xf32, #tpu.memory_space<vmem>>
      %dma_wait3A_454 = tpu.memref_squeeze %dma_wait3A_453 : memref<1x1x25600xf32, #tpu.memory_space<vmem>> -> memref<1x25600xf32, #tpu.memory_space<vmem>>
      %dma_wait3A_455 = arith.constant 0 : i32
      %dma_wait3A_456 = tpu.memref_slice %arg4[%add3A_449, %dma_wait3A_455] : memref<500x25600xf32, #tpu.memory_space<hbm>> -> memref<1x25600xf32, #tpu.memory_space<hbm>>
      %dma_wait3A_457 = tpu.memref_slice %arg8[%dma_wait3A_450] : memref<4x!tpu.dma_semaphore, #tpu.memory_space<semaphore_mem>> -> memref<1x!tpu.dma_semaphore, #tpu.memory_space<semaphore_mem>>
      %dma_wait3A_458 = tpu.memref_squeeze %dma_wait3A_457 : memref<1x!tpu.dma_semaphore, #tpu.memory_space<semaphore_mem>> -> memref<!tpu.dma_semaphore, #tpu.memory_space<semaphore_mem>>
      %dma_wait3A_459 = arith.constant 0 : i32
      %dma_wait3A_460 = tpu.memref_slice %arg4[%add3A_449, %dma_wait3A_459] : memref<500x25600xf32, #tpu.memory_space<hbm>> -> memref<1x25600xf32, #tpu.memory_space<hbm>>
      %dma_wait3A_461 = arith.constant 0 : i32
      %dma_wait3A_462 = arith.constant 0 : i32
      %dma_wait3A_463 = tpu.memref_slice %arg6[%dma_wait3A, %dma_wait3A_461, %dma_wait3A_462] : memref<4x1x25600xf32, #tpu.memory_space<vmem>> -> memref<1x1x25600xf32, #tpu.memory_space<vmem>>
      %dma_wait3A_464 = tpu.memref_squeeze %dma_wait3A_463 : memref<1x1x25600xf32, #tpu.memory_space<vmem>> -> memref<1x25600xf32, #tpu.memory_space<vmem>>
      tpu.wait_dma2 semaphore(%dma_wait3A_458 : memref<!tpu.dma_semaphore, #tpu.memory_space<semaphore_mem>>) src(%dma_wait3A_464 : memref<1x25600xf32, #tpu.memory_space<vmem>>) dst(%dma_wait3A_460 : memref<1x25600xf32, #tpu.memory_space<hbm>>)
    } else {
    }
    %add3A_315 = arith.constant 13 : i32
    %add3A_316 = arith.addi %mul3A_2, %add3A_315 : i32
    %lt3A_317 = arith.constant 500 : i32
    %lt3A_318 = arith.cmpi slt, %add3A_316, %lt3A_317 : i32
    %convert_element_type3A_319 = arith.extui %lt3A_318 : i1 to i32
    %cond3A_320 = arith.constant 0 : i32
    %cond3A_321 = arith.cmpi ne, %convert_element_type3A_319, %cond3A_320 : i32
    scf.if %cond3A_321 {
      %dma_start3A = arith.constant 13 : i32
      %dma_start3A_448 = arith.constant 1 : i32
      %dma_start3A_449 = arith.constant 1 : i32
      %dma_start3A_450 = arith.constant 0 : i32
      %dma_start3A_451 = arith.constant 0 : i32
      %dma_start3A_452 = tpu.memref_slice %arg6[%dma_start3A_448, %dma_start3A_450, %dma_start3A_451] : memref<4x1x25600xf32, #tpu.memory_space<vmem>> -> memref<1x1x25600xf32, #tpu.memory_space<vmem>>
      %dma_start3A_453 = tpu.memref_squeeze %dma_start3A_452 : memref<1x1x25600xf32, #tpu.memory_space<vmem>> -> memref<1x25600xf32, #tpu.memory_space<vmem>>
      %dma_start3A_454 = arith.constant 0 : i32
      %dma_start3A_455 = tpu.memref_slice %arg5[%dma_start3A, %dma_start3A_454] : memref<16x1xi32, #tpu.memory_space<vmem>> -> memref<1x1xi32, #tpu.memory_space<vmem>>
      %dma_start3A_456 = tpu.memref_squeeze %dma_start3A_455 : memref<1x1xi32, #tpu.memory_space<vmem>> -> memref<1xi32, #tpu.memory_space<vmem>>
      %dma_start3A_457 = arith.constant 0 : i32
      %dma_start3A_458 = arith.constant 0 : i32
      %dma_start3A_459 = tpu.memref_slice %arg2[%dma_start3A_457, %dma_start3A_458] : memref<2000x25600xf32, #tpu.memory_space<hbm>> -> memref<2000x25600xf32, #tpu.memory_space<hbm>>
      %dma_start3A_460 = tpu.memref_slice %arg7[%dma_start3A_449] : memref<4x!tpu.dma_semaphore, #tpu.memory_space<semaphore_mem>> -> memref<1x!tpu.dma_semaphore, #tpu.memory_space<semaphore_mem>>
      %dma_start3A_461 = tpu.memref_squeeze %dma_start3A_460 : memref<1x!tpu.dma_semaphore, #tpu.memory_space<semaphore_mem>> -> memref<!tpu.dma_semaphore, #tpu.memory_space<semaphore_mem>>
      tpu.enqueue_indirect_dma source(%dma_start3A_459 : memref<2000x25600xf32, #tpu.memory_space<hbm>>) target(%dma_start3A_453 : memref<1x25600xf32, #tpu.memory_space<vmem>>) offsets(%dma_start3A_456 : memref<1xi32, #tpu.memory_space<vmem>>) semaphore(%dma_start3A_461 : memref<!tpu.dma_semaphore, #tpu.memory_space<semaphore_mem>>)
    } else {
    }
    %add3A_322 = arith.constant 11 : i32
    %add3A_323 = arith.addi %mul3A_2, %add3A_322 : i32
    %lt3A_324 = arith.constant 500 : i32
    %lt3A_325 = arith.cmpi slt, %add3A_323, %lt3A_324 : i32
    %convert_element_type3A_326 = arith.extui %lt3A_325 : i1 to i32
    %cond3A_327 = arith.constant 0 : i32
    %cond3A_328 = arith.cmpi ne, %convert_element_type3A_326, %cond3A_327 : i32
    scf.if %cond3A_328 {
      %dma_wait3A = arith.constant 11 : i32
      %dma_wait3A_448 = arith.constant 3 : i32
      %dma_wait3A_449 = arith.constant 3 : i32
      %dma_wait3A_450 = arith.constant 0 : i32
      %dma_wait3A_451 = arith.constant 0 : i32
      %dma_wait3A_452 = tpu.memref_slice %arg6[%dma_wait3A_448, %dma_wait3A_450, %dma_wait3A_451] : memref<4x1x25600xf32, #tpu.memory_space<vmem>> -> memref<1x1x25600xf32, #tpu.memory_space<vmem>>
      %dma_wait3A_453 = tpu.memref_squeeze %dma_wait3A_452 : memref<1x1x25600xf32, #tpu.memory_space<vmem>> -> memref<1x25600xf32, #tpu.memory_space<vmem>>
      %dma_wait3A_454 = arith.constant 0 : i32
      %dma_wait3A_455 = tpu.memref_slice %arg5[%dma_wait3A, %dma_wait3A_454] : memref<16x1xi32, #tpu.memory_space<vmem>> -> memref<1x1xi32, #tpu.memory_space<vmem>>
      %dma_wait3A_456 = tpu.memref_squeeze %dma_wait3A_455 : memref<1x1xi32, #tpu.memory_space<vmem>> -> memref<1xi32, #tpu.memory_space<vmem>>
      %dma_wait3A_457 = arith.constant 0 : i32
      %dma_wait3A_458 = arith.constant 0 : i32
      %dma_wait3A_459 = tpu.memref_slice %arg2[%dma_wait3A_457, %dma_wait3A_458] : memref<2000x25600xf32, #tpu.memory_space<hbm>> -> memref<2000x25600xf32, #tpu.memory_space<hbm>>
      %dma_wait3A_460 = tpu.memref_slice %arg7[%dma_wait3A_449] : memref<4x!tpu.dma_semaphore, #tpu.memory_space<semaphore_mem>> -> memref<1x!tpu.dma_semaphore, #tpu.memory_space<semaphore_mem>>
      %dma_wait3A_461 = tpu.memref_squeeze %dma_wait3A_460 : memref<1x!tpu.dma_semaphore, #tpu.memory_space<semaphore_mem>> -> memref<!tpu.dma_semaphore, #tpu.memory_space<semaphore_mem>>
      tpu.wait_indirect_dma semaphore(%dma_wait3A_461 : memref<!tpu.dma_semaphore, #tpu.memory_space<semaphore_mem>>) src(%dma_wait3A_459 : memref<2000x25600xf32, #tpu.memory_space<hbm>>) dst(%dma_wait3A_453 : memref<1x25600xf32, #tpu.memory_space<vmem>>)
    } else {
    }
    %add3A_329 = arith.constant 11 : i32
    %add3A_330 = arith.addi %mul3A_2, %add3A_329 : i32
    %lt3A_331 = arith.constant 500 : i32
    %lt3A_332 = arith.cmpi slt, %add3A_330, %lt3A_331 : i32
    %convert_element_type3A_333 = arith.extui %lt3A_332 : i1 to i32
    %cond3A_334 = arith.constant 0 : i32
    %cond3A_335 = arith.cmpi ne, %convert_element_type3A_333, %cond3A_334 : i32
    scf.if %cond3A_335 {
      %add3A_448 = arith.constant 11 : i32
      %add3A_449 = arith.addi %mul3A_2, %add3A_448 : i32
      %dma_start3A = arith.constant 3 : i32
      %dma_start3A_450 = arith.constant 3 : i32
      %dma_start3A_451 = arith.constant 0 : i32
      %dma_start3A_452 = arith.constant 0 : i32
      %dma_start3A_453 = tpu.memref_slice %arg6[%dma_start3A, %dma_start3A_451, %dma_start3A_452] : memref<4x1x25600xf32, #tpu.memory_space<vmem>> -> memref<1x1x25600xf32, #tpu.memory_space<vmem>>
      %dma_start3A_454 = tpu.memref_squeeze %dma_start3A_453 : memref<1x1x25600xf32, #tpu.memory_space<vmem>> -> memref<1x25600xf32, #tpu.memory_space<vmem>>
      %dma_start3A_455 = arith.constant 0 : i32
      %dma_start3A_456 = tpu.memref_slice %arg4[%add3A_449, %dma_start3A_455] : memref<500x25600xf32, #tpu.memory_space<hbm>> -> memref<1x25600xf32, #tpu.memory_space<hbm>>
      %dma_start3A_457 = tpu.memref_slice %arg8[%dma_start3A_450] : memref<4x!tpu.dma_semaphore, #tpu.memory_space<semaphore_mem>> -> memref<1x!tpu.dma_semaphore, #tpu.memory_space<semaphore_mem>>
      %dma_start3A_458 = tpu.memref_squeeze %dma_start3A_457 : memref<1x!tpu.dma_semaphore, #tpu.memory_space<semaphore_mem>> -> memref<!tpu.dma_semaphore, #tpu.memory_space<semaphore_mem>>
      %dma_start3A_459 = arith.constant 0 : i32
      %dma_start3A_460 = tpu.memref_slice %arg4[%add3A_449, %dma_start3A_459] : memref<500x25600xf32, #tpu.memory_space<hbm>> -> memref<1x25600xf32, #tpu.memory_space<hbm>>
      %dma_start3A_461 = arith.constant 0 : i32
      %dma_start3A_462 = arith.constant 0 : i32
      %dma_start3A_463 = tpu.memref_slice %arg6[%dma_start3A, %dma_start3A_461, %dma_start3A_462] : memref<4x1x25600xf32, #tpu.memory_space<vmem>> -> memref<1x1x25600xf32, #tpu.memory_space<vmem>>
      %dma_start3A_464 = tpu.memref_squeeze %dma_start3A_463 : memref<1x1x25600xf32, #tpu.memory_space<vmem>> -> memref<1x25600xf32, #tpu.memory_space<vmem>>
      tpu.enqueue_dma source(%dma_start3A_464 : memref<1x25600xf32, #tpu.memory_space<vmem>>) target(%dma_start3A_460 : memref<1x25600xf32, #tpu.memory_space<hbm>>) target_semaphore(%dma_start3A_458 : memref<!tpu.dma_semaphore, #tpu.memory_space<semaphore_mem>>)
    } else {
    }
    %add3A_336 = arith.constant 10 : i32
    %add3A_337 = arith.addi %mul3A_2, %add3A_336 : i32
    %lt3A_338 = arith.constant 500 : i32
    %lt3A_339 = arith.cmpi slt, %add3A_337, %lt3A_338 : i32
    %convert_element_type3A_340 = arith.extui %lt3A_339 : i1 to i32
    %cond3A_341 = arith.constant 0 : i32
    %cond3A_342 = arith.cmpi ne, %convert_element_type3A_340, %cond3A_341 : i32
    scf.if %cond3A_342 {
      %add3A_448 = arith.constant 10 : i32
      %add3A_449 = arith.addi %mul3A_2, %add3A_448 : i32
      %dma_wait3A = arith.constant 2 : i32
      %dma_wait3A_450 = arith.constant 2 : i32
      %dma_wait3A_451 = arith.constant 0 : i32
      %dma_wait3A_452 = arith.constant 0 : i32
      %dma_wait3A_453 = tpu.memref_slice %arg6[%dma_wait3A, %dma_wait3A_451, %dma_wait3A_452] : memref<4x1x25600xf32, #tpu.memory_space<vmem>> -> memref<1x1x25600xf32, #tpu.memory_space<vmem>>
      %dma_wait3A_454 = tpu.memref_squeeze %dma_wait3A_453 : memref<1x1x25600xf32, #tpu.memory_space<vmem>> -> memref<1x25600xf32, #tpu.memory_space<vmem>>
      %dma_wait3A_455 = arith.constant 0 : i32
      %dma_wait3A_456 = tpu.memref_slice %arg4[%add3A_449, %dma_wait3A_455] : memref<500x25600xf32, #tpu.memory_space<hbm>> -> memref<1x25600xf32, #tpu.memory_space<hbm>>
      %dma_wait3A_457 = tpu.memref_slice %arg8[%dma_wait3A_450] : memref<4x!tpu.dma_semaphore, #tpu.memory_space<semaphore_mem>> -> memref<1x!tpu.dma_semaphore, #tpu.memory_space<semaphore_mem>>
      %dma_wait3A_458 = tpu.memref_squeeze %dma_wait3A_457 : memref<1x!tpu.dma_semaphore, #tpu.memory_space<semaphore_mem>> -> memref<!tpu.dma_semaphore, #tpu.memory_space<semaphore_mem>>
      %dma_wait3A_459 = arith.constant 0 : i32
      %dma_wait3A_460 = tpu.memref_slice %arg4[%add3A_449, %dma_wait3A_459] : memref<500x25600xf32, #tpu.memory_space<hbm>> -> memref<1x25600xf32, #tpu.memory_space<hbm>>
      %dma_wait3A_461 = arith.constant 0 : i32
      %dma_wait3A_462 = arith.constant 0 : i32
      %dma_wait3A_463 = tpu.memref_slice %arg6[%dma_wait3A, %dma_wait3A_461, %dma_wait3A_462] : memref<4x1x25600xf32, #tpu.memory_space<vmem>> -> memref<1x1x25600xf32, #tpu.memory_space<vmem>>
      %dma_wait3A_464 = tpu.memref_squeeze %dma_wait3A_463 : memref<1x1x25600xf32, #tpu.memory_space<vmem>> -> memref<1x25600xf32, #tpu.memory_space<vmem>>
      tpu.wait_dma2 semaphore(%dma_wait3A_458 : memref<!tpu.dma_semaphore, #tpu.memory_space<semaphore_mem>>) src(%dma_wait3A_464 : memref<1x25600xf32, #tpu.memory_space<vmem>>) dst(%dma_wait3A_460 : memref<1x25600xf32, #tpu.memory_space<hbm>>)
    } else {
    }
    %add3A_343 = arith.constant 14 : i32
    %add3A_344 = arith.addi %mul3A_2, %add3A_343 : i32
    %lt3A_345 = arith.constant 500 : i32
    %lt3A_346 = arith.cmpi slt, %add3A_344, %lt3A_345 : i32
    %convert_element_type3A_347 = arith.extui %lt3A_346 : i1 to i32
    %cond3A_348 = arith.constant 0 : i32
    %cond3A_349 = arith.cmpi ne, %convert_element_type3A_347, %cond3A_348 : i32
    scf.if %cond3A_349 {
      %dma_start3A = arith.constant 14 : i32
      %dma_start3A_448 = arith.constant 2 : i32
      %dma_start3A_449 = arith.constant 2 : i32
      %dma_start3A_450 = arith.constant 0 : i32
      %dma_start3A_451 = arith.constant 0 : i32
      %dma_start3A_452 = tpu.memref_slice %arg6[%dma_start3A_448, %dma_start3A_450, %dma_start3A_451] : memref<4x1x25600xf32, #tpu.memory_space<vmem>> -> memref<1x1x25600xf32, #tpu.memory_space<vmem>>
      %dma_start3A_453 = tpu.memref_squeeze %dma_start3A_452 : memref<1x1x25600xf32, #tpu.memory_space<vmem>> -> memref<1x25600xf32, #tpu.memory_space<vmem>>
      %dma_start3A_454 = arith.constant 0 : i32
      %dma_start3A_455 = tpu.memref_slice %arg5[%dma_start3A, %dma_start3A_454] : memref<16x1xi32, #tpu.memory_space<vmem>> -> memref<1x1xi32, #tpu.memory_space<vmem>>
      %dma_start3A_456 = tpu.memref_squeeze %dma_start3A_455 : memref<1x1xi32, #tpu.memory_space<vmem>> -> memref<1xi32, #tpu.memory_space<vmem>>
      %dma_start3A_457 = arith.constant 0 : i32
      %dma_start3A_458 = arith.constant 0 : i32
      %dma_start3A_459 = tpu.memref_slice %arg2[%dma_start3A_457, %dma_start3A_458] : memref<2000x25600xf32, #tpu.memory_space<hbm>> -> memref<2000x25600xf32, #tpu.memory_space<hbm>>
      %dma_start3A_460 = tpu.memref_slice %arg7[%dma_start3A_449] : memref<4x!tpu.dma_semaphore, #tpu.memory_space<semaphore_mem>> -> memref<1x!tpu.dma_semaphore, #tpu.memory_space<semaphore_mem>>
      %dma_start3A_461 = tpu.memref_squeeze %dma_start3A_460 : memref<1x!tpu.dma_semaphore, #tpu.memory_space<semaphore_mem>> -> memref<!tpu.dma_semaphore, #tpu.memory_space<semaphore_mem>>
      tpu.enqueue_indirect_dma source(%dma_start3A_459 : memref<2000x25600xf32, #tpu.memory_space<hbm>>) target(%dma_start3A_453 : memref<1x25600xf32, #tpu.memory_space<vmem>>) offsets(%dma_start3A_456 : memref<1xi32, #tpu.memory_space<vmem>>) semaphore(%dma_start3A_461 : memref<!tpu.dma_semaphore, #tpu.memory_space<semaphore_mem>>)
    } else {
    }
    %add3A_350 = arith.constant 12 : i32
    %add3A_351 = arith.addi %mul3A_2, %add3A_350 : i32
    %lt3A_352 = arith.constant 500 : i32
    %lt3A_353 = arith.cmpi slt, %add3A_351, %lt3A_352 : i32
    %convert_element_type3A_354 = arith.extui %lt3A_353 : i1 to i32
    %cond3A_355 = arith.constant 0 : i32
    %cond3A_356 = arith.cmpi ne, %convert_element_type3A_354, %cond3A_355 : i32
    scf.if %cond3A_356 {
      %dma_wait3A = arith.constant 12 : i32
      %dma_wait3A_448 = arith.constant 0 : i32
      %dma_wait3A_449 = arith.constant 0 : i32
      %dma_wait3A_450 = arith.constant 0 : i32
      %dma_wait3A_451 = arith.constant 0 : i32
      %dma_wait3A_452 = tpu.memref_slice %arg6[%dma_wait3A_448, %dma_wait3A_450, %dma_wait3A_451] : memref<4x1x25600xf32, #tpu.memory_space<vmem>> -> memref<1x1x25600xf32, #tpu.memory_space<vmem>>
      %dma_wait3A_453 = tpu.memref_squeeze %dma_wait3A_452 : memref<1x1x25600xf32, #tpu.memory_space<vmem>> -> memref<1x25600xf32, #tpu.memory_space<vmem>>
      %dma_wait3A_454 = arith.constant 0 : i32
      %dma_wait3A_455 = tpu.memref_slice %arg5[%dma_wait3A, %dma_wait3A_454] : memref<16x1xi32, #tpu.memory_space<vmem>> -> memref<1x1xi32, #tpu.memory_space<vmem>>
      %dma_wait3A_456 = tpu.memref_squeeze %dma_wait3A_455 : memref<1x1xi32, #tpu.memory_space<vmem>> -> memref<1xi32, #tpu.memory_space<vmem>>
      %dma_wait3A_457 = arith.constant 0 : i32
      %dma_wait3A_458 = arith.constant 0 : i32
      %dma_wait3A_459 = tpu.memref_slice %arg2[%dma_wait3A_457, %dma_wait3A_458] : memref<2000x25600xf32, #tpu.memory_space<hbm>> -> memref<2000x25600xf32, #tpu.memory_space<hbm>>
      %dma_wait3A_460 = tpu.memref_slice %arg7[%dma_wait3A_449] : memref<4x!tpu.dma_semaphore, #tpu.memory_space<semaphore_mem>> -> memref<1x!tpu.dma_semaphore, #tpu.memory_space<semaphore_mem>>
      %dma_wait3A_461 = tpu.memref_squeeze %dma_wait3A_460 : memref<1x!tpu.dma_semaphore, #tpu.memory_space<semaphore_mem>> -> memref<!tpu.dma_semaphore, #tpu.memory_space<semaphore_mem>>
      tpu.wait_indirect_dma semaphore(%dma_wait3A_461 : memref<!tpu.dma_semaphore, #tpu.memory_space<semaphore_mem>>) src(%dma_wait3A_459 : memref<2000x25600xf32, #tpu.memory_space<hbm>>) dst(%dma_wait3A_453 : memref<1x25600xf32, #tpu.memory_space<vmem>>)
    } else {
    }
    %add3A_357 = arith.constant 12 : i32
    %add3A_358 = arith.addi %mul3A_2, %add3A_357 : i32
    %lt3A_359 = arith.constant 500 : i32
    %lt3A_360 = arith.cmpi slt, %add3A_358, %lt3A_359 : i32
    %convert_element_type3A_361 = arith.extui %lt3A_360 : i1 to i32
    %cond3A_362 = arith.constant 0 : i32
    %cond3A_363 = arith.cmpi ne, %convert_element_type3A_361, %cond3A_362 : i32
    scf.if %cond3A_363 {
      %add3A_448 = arith.constant 12 : i32
      %add3A_449 = arith.addi %mul3A_2, %add3A_448 : i32
      %dma_start3A = arith.constant 0 : i32
      %dma_start3A_450 = arith.constant 0 : i32
      %dma_start3A_451 = arith.constant 0 : i32
      %dma_start3A_452 = arith.constant 0 : i32
      %dma_start3A_453 = tpu.memref_slice %arg6[%dma_start3A, %dma_start3A_451, %dma_start3A_452] : memref<4x1x25600xf32, #tpu.memory_space<vmem>> -> memref<1x1x25600xf32, #tpu.memory_space<vmem>>
      %dma_start3A_454 = tpu.memref_squeeze %dma_start3A_453 : memref<1x1x25600xf32, #tpu.memory_space<vmem>> -> memref<1x25600xf32, #tpu.memory_space<vmem>>
      %dma_start3A_455 = arith.constant 0 : i32
      %dma_start3A_456 = tpu.memref_slice %arg4[%add3A_449, %dma_start3A_455] : memref<500x25600xf32, #tpu.memory_space<hbm>> -> memref<1x25600xf32, #tpu.memory_space<hbm>>
      %dma_start3A_457 = tpu.memref_slice %arg8[%dma_start3A_450] : memref<4x!tpu.dma_semaphore, #tpu.memory_space<semaphore_mem>> -> memref<1x!tpu.dma_semaphore, #tpu.memory_space<semaphore_mem>>
      %dma_start3A_458 = tpu.memref_squeeze %dma_start3A_457 : memref<1x!tpu.dma_semaphore, #tpu.memory_space<semaphore_mem>> -> memref<!tpu.dma_semaphore, #tpu.memory_space<semaphore_mem>>
      %dma_start3A_459 = arith.constant 0 : i32
      %dma_start3A_460 = tpu.memref_slice %arg4[%add3A_449, %dma_start3A_459] : memref<500x25600xf32, #tpu.memory_space<hbm>> -> memref<1x25600xf32, #tpu.memory_space<hbm>>
      %dma_start3A_461 = arith.constant 0 : i32
      %dma_start3A_462 = arith.constant 0 : i32
      %dma_start3A_463 = tpu.memref_slice %arg6[%dma_start3A, %dma_start3A_461, %dma_start3A_462] : memref<4x1x25600xf32, #tpu.memory_space<vmem>> -> memref<1x1x25600xf32, #tpu.memory_space<vmem>>
      %dma_start3A_464 = tpu.memref_squeeze %dma_start3A_463 : memref<1x1x25600xf32, #tpu.memory_space<vmem>> -> memref<1x25600xf32, #tpu.memory_space<vmem>>
      tpu.enqueue_dma source(%dma_start3A_464 : memref<1x25600xf32, #tpu.memory_space<vmem>>) target(%dma_start3A_460 : memref<1x25600xf32, #tpu.memory_space<hbm>>) target_semaphore(%dma_start3A_458 : memref<!tpu.dma_semaphore, #tpu.memory_space<semaphore_mem>>)
    } else {
    }
    %add3A_364 = arith.constant 11 : i32
    %add3A_365 = arith.addi %mul3A_2, %add3A_364 : i32
    %lt3A_366 = arith.constant 500 : i32
    %lt3A_367 = arith.cmpi slt, %add3A_365, %lt3A_366 : i32
    %convert_element_type3A_368 = arith.extui %lt3A_367 : i1 to i32
    %cond3A_369 = arith.constant 0 : i32
    %cond3A_370 = arith.cmpi ne, %convert_element_type3A_368, %cond3A_369 : i32
    scf.if %cond3A_370 {
      %add3A_448 = arith.constant 11 : i32
      %add3A_449 = arith.addi %mul3A_2, %add3A_448 : i32
      %dma_wait3A = arith.constant 3 : i32
      %dma_wait3A_450 = arith.constant 3 : i32
      %dma_wait3A_451 = arith.constant 0 : i32
      %dma_wait3A_452 = arith.constant 0 : i32
      %dma_wait3A_453 = tpu.memref_slice %arg6[%dma_wait3A, %dma_wait3A_451, %dma_wait3A_452] : memref<4x1x25600xf32, #tpu.memory_space<vmem>> -> memref<1x1x25600xf32, #tpu.memory_space<vmem>>
      %dma_wait3A_454 = tpu.memref_squeeze %dma_wait3A_453 : memref<1x1x25600xf32, #tpu.memory_space<vmem>> -> memref<1x25600xf32, #tpu.memory_space<vmem>>
      %dma_wait3A_455 = arith.constant 0 : i32
      %dma_wait3A_456 = tpu.memref_slice %arg4[%add3A_449, %dma_wait3A_455] : memref<500x25600xf32, #tpu.memory_space<hbm>> -> memref<1x25600xf32, #tpu.memory_space<hbm>>
      %dma_wait3A_457 = tpu.memref_slice %arg8[%dma_wait3A_450] : memref<4x!tpu.dma_semaphore, #tpu.memory_space<semaphore_mem>> -> memref<1x!tpu.dma_semaphore, #tpu.memory_space<semaphore_mem>>
      %dma_wait3A_458 = tpu.memref_squeeze %dma_wait3A_457 : memref<1x!tpu.dma_semaphore, #tpu.memory_space<semaphore_mem>> -> memref<!tpu.dma_semaphore, #tpu.memory_space<semaphore_mem>>
      %dma_wait3A_459 = arith.constant 0 : i32
      %dma_wait3A_460 = tpu.memref_slice %arg4[%add3A_449, %dma_wait3A_459] : memref<500x25600xf32, #tpu.memory_space<hbm>> -> memref<1x25600xf32, #tpu.memory_space<hbm>>
      %dma_wait3A_461 = arith.constant 0 : i32
      %dma_wait3A_462 = arith.constant 0 : i32
      %dma_wait3A_463 = tpu.memref_slice %arg6[%dma_wait3A, %dma_wait3A_461, %dma_wait3A_462] : memref<4x1x25600xf32, #tpu.memory_space<vmem>> -> memref<1x1x25600xf32, #tpu.memory_space<vmem>>
      %dma_wait3A_464 = tpu.memref_squeeze %dma_wait3A_463 : memref<1x1x25600xf32, #tpu.memory_space<vmem>> -> memref<1x25600xf32, #tpu.memory_space<vmem>>
      tpu.wait_dma2 semaphore(%dma_wait3A_458 : memref<!tpu.dma_semaphore, #tpu.memory_space<semaphore_mem>>) src(%dma_wait3A_464 : memref<1x25600xf32, #tpu.memory_space<vmem>>) dst(%dma_wait3A_460 : memref<1x25600xf32, #tpu.memory_space<hbm>>)
    } else {
    }
    %add3A_371 = arith.constant 15 : i32
    %add3A_372 = arith.addi %mul3A_2, %add3A_371 : i32
    %lt3A_373 = arith.constant 500 : i32
    %lt3A_374 = arith.cmpi slt, %add3A_372, %lt3A_373 : i32
    %convert_element_type3A_375 = arith.extui %lt3A_374 : i1 to i32
    %cond3A_376 = arith.constant 0 : i32
    %cond3A_377 = arith.cmpi ne, %convert_element_type3A_375, %cond3A_376 : i32
    scf.if %cond3A_377 {
      %dma_start3A = arith.constant 15 : i32
      %dma_start3A_448 = arith.constant 3 : i32
      %dma_start3A_449 = arith.constant 3 : i32
      %dma_start3A_450 = arith.constant 0 : i32
      %dma_start3A_451 = arith.constant 0 : i32
      %dma_start3A_452 = tpu.memref_slice %arg6[%dma_start3A_448, %dma_start3A_450, %dma_start3A_451] : memref<4x1x25600xf32, #tpu.memory_space<vmem>> -> memref<1x1x25600xf32, #tpu.memory_space<vmem>>
      %dma_start3A_453 = tpu.memref_squeeze %dma_start3A_452 : memref<1x1x25600xf32, #tpu.memory_space<vmem>> -> memref<1x25600xf32, #tpu.memory_space<vmem>>
      %dma_start3A_454 = arith.constant 0 : i32
      %dma_start3A_455 = tpu.memref_slice %arg5[%dma_start3A, %dma_start3A_454] : memref<16x1xi32, #tpu.memory_space<vmem>> -> memref<1x1xi32, #tpu.memory_space<vmem>>
      %dma_start3A_456 = tpu.memref_squeeze %dma_start3A_455 : memref<1x1xi32, #tpu.memory_space<vmem>> -> memref<1xi32, #tpu.memory_space<vmem>>
      %dma_start3A_457 = arith.constant 0 : i32
      %dma_start3A_458 = arith.constant 0 : i32
      %dma_start3A_459 = tpu.memref_slice %arg2[%dma_start3A_457, %dma_start3A_458] : memref<2000x25600xf32, #tpu.memory_space<hbm>> -> memref<2000x25600xf32, #tpu.memory_space<hbm>>
      %dma_start3A_460 = tpu.memref_slice %arg7[%dma_start3A_449] : memref<4x!tpu.dma_semaphore, #tpu.memory_space<semaphore_mem>> -> memref<1x!tpu.dma_semaphore, #tpu.memory_space<semaphore_mem>>
      %dma_start3A_461 = tpu.memref_squeeze %dma_start3A_460 : memref<1x!tpu.dma_semaphore, #tpu.memory_space<semaphore_mem>> -> memref<!tpu.dma_semaphore, #tpu.memory_space<semaphore_mem>>
      tpu.enqueue_indirect_dma source(%dma_start3A_459 : memref<2000x25600xf32, #tpu.memory_space<hbm>>) target(%dma_start3A_453 : memref<1x25600xf32, #tpu.memory_space<vmem>>) offsets(%dma_start3A_456 : memref<1xi32, #tpu.memory_space<vmem>>) semaphore(%dma_start3A_461 : memref<!tpu.dma_semaphore, #tpu.memory_space<semaphore_mem>>)
    } else {
    }
    %add3A_378 = arith.constant 13 : i32
    %add3A_379 = arith.addi %mul3A_2, %add3A_378 : i32
    %lt3A_380 = arith.constant 500 : i32
    %lt3A_381 = arith.cmpi slt, %add3A_379, %lt3A_380 : i32
    %convert_element_type3A_382 = arith.extui %lt3A_381 : i1 to i32
    %cond3A_383 = arith.constant 0 : i32
    %cond3A_384 = arith.cmpi ne, %convert_element_type3A_382, %cond3A_383 : i32
    scf.if %cond3A_384 {
      %dma_wait3A = arith.constant 13 : i32
      %dma_wait3A_448 = arith.constant 1 : i32
      %dma_wait3A_449 = arith.constant 1 : i32
      %dma_wait3A_450 = arith.constant 0 : i32
      %dma_wait3A_451 = arith.constant 0 : i32
      %dma_wait3A_452 = tpu.memref_slice %arg6[%dma_wait3A_448, %dma_wait3A_450, %dma_wait3A_451] : memref<4x1x25600xf32, #tpu.memory_space<vmem>> -> memref<1x1x25600xf32, #tpu.memory_space<vmem>>
      %dma_wait3A_453 = tpu.memref_squeeze %dma_wait3A_452 : memref<1x1x25600xf32, #tpu.memory_space<vmem>> -> memref<1x25600xf32, #tpu.memory_space<vmem>>
      %dma_wait3A_454 = arith.constant 0 : i32
      %dma_wait3A_455 = tpu.memref_slice %arg5[%dma_wait3A, %dma_wait3A_454] : memref<16x1xi32, #tpu.memory_space<vmem>> -> memref<1x1xi32, #tpu.memory_space<vmem>>
      %dma_wait3A_456 = tpu.memref_squeeze %dma_wait3A_455 : memref<1x1xi32, #tpu.memory_space<vmem>> -> memref<1xi32, #tpu.memory_space<vmem>>
      %dma_wait3A_457 = arith.constant 0 : i32
      %dma_wait3A_458 = arith.constant 0 : i32
      %dma_wait3A_459 = tpu.memref_slice %arg2[%dma_wait3A_457, %dma_wait3A_458] : memref<2000x25600xf32, #tpu.memory_space<hbm>> -> memref<2000x25600xf32, #tpu.memory_space<hbm>>
      %dma_wait3A_460 = tpu.memref_slice %arg7[%dma_wait3A_449] : memref<4x!tpu.dma_semaphore, #tpu.memory_space<semaphore_mem>> -> memref<1x!tpu.dma_semaphore, #tpu.memory_space<semaphore_mem>>
      %dma_wait3A_461 = tpu.memref_squeeze %dma_wait3A_460 : memref<1x!tpu.dma_semaphore, #tpu.memory_space<semaphore_mem>> -> memref<!tpu.dma_semaphore, #tpu.memory_space<semaphore_mem>>
      tpu.wait_indirect_dma semaphore(%dma_wait3A_461 : memref<!tpu.dma_semaphore, #tpu.memory_space<semaphore_mem>>) src(%dma_wait3A_459 : memref<2000x25600xf32, #tpu.memory_space<hbm>>) dst(%dma_wait3A_453 : memref<1x25600xf32, #tpu.memory_space<vmem>>)
    } else {
    }
    %add3A_385 = arith.constant 13 : i32
    %add3A_386 = arith.addi %mul3A_2, %add3A_385 : i32
    %lt3A_387 = arith.constant 500 : i32
    %lt3A_388 = arith.cmpi slt, %add3A_386, %lt3A_387 : i32
    %convert_element_type3A_389 = arith.extui %lt3A_388 : i1 to i32
    %cond3A_390 = arith.constant 0 : i32
    %cond3A_391 = arith.cmpi ne, %convert_element_type3A_389, %cond3A_390 : i32
    scf.if %cond3A_391 {
      %add3A_448 = arith.constant 13 : i32
      %add3A_449 = arith.addi %mul3A_2, %add3A_448 : i32
      %dma_start3A = arith.constant 1 : i32
      %dma_start3A_450 = arith.constant 1 : i32
      %dma_start3A_451 = arith.constant 0 : i32
      %dma_start3A_452 = arith.constant 0 : i32
      %dma_start3A_453 = tpu.memref_slice %arg6[%dma_start3A, %dma_start3A_451, %dma_start3A_452] : memref<4x1x25600xf32, #tpu.memory_space<vmem>> -> memref<1x1x25600xf32, #tpu.memory_space<vmem>>
      %dma_start3A_454 = tpu.memref_squeeze %dma_start3A_453 : memref<1x1x25600xf32, #tpu.memory_space<vmem>> -> memref<1x25600xf32, #tpu.memory_space<vmem>>
      %dma_start3A_455 = arith.constant 0 : i32
      %dma_start3A_456 = tpu.memref_slice %arg4[%add3A_449, %dma_start3A_455] : memref<500x25600xf32, #tpu.memory_space<hbm>> -> memref<1x25600xf32, #tpu.memory_space<hbm>>
      %dma_start3A_457 = tpu.memref_slice %arg8[%dma_start3A_450] : memref<4x!tpu.dma_semaphore, #tpu.memory_space<semaphore_mem>> -> memref<1x!tpu.dma_semaphore, #tpu.memory_space<semaphore_mem>>
      %dma_start3A_458 = tpu.memref_squeeze %dma_start3A_457 : memref<1x!tpu.dma_semaphore, #tpu.memory_space<semaphore_mem>> -> memref<!tpu.dma_semaphore, #tpu.memory_space<semaphore_mem>>
      %dma_start3A_459 = arith.constant 0 : i32
      %dma_start3A_460 = tpu.memref_slice %arg4[%add3A_449, %dma_start3A_459] : memref<500x25600xf32, #tpu.memory_space<hbm>> -> memref<1x25600xf32, #tpu.memory_space<hbm>>
      %dma_start3A_461 = arith.constant 0 : i32
      %dma_start3A_462 = arith.constant 0 : i32
      %dma_start3A_463 = tpu.memref_slice %arg6[%dma_start3A, %dma_start3A_461, %dma_start3A_462] : memref<4x1x25600xf32, #tpu.memory_space<vmem>> -> memref<1x1x25600xf32, #tpu.memory_space<vmem>>
      %dma_start3A_464 = tpu.memref_squeeze %dma_start3A_463 : memref<1x1x25600xf32, #tpu.memory_space<vmem>> -> memref<1x25600xf32, #tpu.memory_space<vmem>>
      tpu.enqueue_dma source(%dma_start3A_464 : memref<1x25600xf32, #tpu.memory_space<vmem>>) target(%dma_start3A_460 : memref<1x25600xf32, #tpu.memory_space<hbm>>) target_semaphore(%dma_start3A_458 : memref<!tpu.dma_semaphore, #tpu.memory_space<semaphore_mem>>)
    } else {
    }
    %add3A_392 = arith.constant 14 : i32
    %add3A_393 = arith.addi %mul3A_2, %add3A_392 : i32
    %lt3A_394 = arith.constant 500 : i32
    %lt3A_395 = arith.cmpi slt, %add3A_393, %lt3A_394 : i32
    %convert_element_type3A_396 = arith.extui %lt3A_395 : i1 to i32
    %cond3A_397 = arith.constant 0 : i32
    %cond3A_398 = arith.cmpi ne, %convert_element_type3A_396, %cond3A_397 : i32
    scf.if %cond3A_398 {
      %dma_wait3A = arith.constant 14 : i32
      %dma_wait3A_448 = arith.constant 2 : i32
      %dma_wait3A_449 = arith.constant 2 : i32
      %dma_wait3A_450 = arith.constant 0 : i32
      %dma_wait3A_451 = arith.constant 0 : i32
      %dma_wait3A_452 = tpu.memref_slice %arg6[%dma_wait3A_448, %dma_wait3A_450, %dma_wait3A_451] : memref<4x1x25600xf32, #tpu.memory_space<vmem>> -> memref<1x1x25600xf32, #tpu.memory_space<vmem>>
      %dma_wait3A_453 = tpu.memref_squeeze %dma_wait3A_452 : memref<1x1x25600xf32, #tpu.memory_space<vmem>> -> memref<1x25600xf32, #tpu.memory_space<vmem>>
      %dma_wait3A_454 = arith.constant 0 : i32
      %dma_wait3A_455 = tpu.memref_slice %arg5[%dma_wait3A, %dma_wait3A_454] : memref<16x1xi32, #tpu.memory_space<vmem>> -> memref<1x1xi32, #tpu.memory_space<vmem>>
      %dma_wait3A_456 = tpu.memref_squeeze %dma_wait3A_455 : memref<1x1xi32, #tpu.memory_space<vmem>> -> memref<1xi32, #tpu.memory_space<vmem>>
      %dma_wait3A_457 = arith.constant 0 : i32
      %dma_wait3A_458 = arith.constant 0 : i32
      %dma_wait3A_459 = tpu.memref_slice %arg2[%dma_wait3A_457, %dma_wait3A_458] : memref<2000x25600xf32, #tpu.memory_space<hbm>> -> memref<2000x25600xf32, #tpu.memory_space<hbm>>
      %dma_wait3A_460 = tpu.memref_slice %arg7[%dma_wait3A_449] : memref<4x!tpu.dma_semaphore, #tpu.memory_space<semaphore_mem>> -> memref<1x!tpu.dma_semaphore, #tpu.memory_space<semaphore_mem>>
      %dma_wait3A_461 = tpu.memref_squeeze %dma_wait3A_460 : memref<1x!tpu.dma_semaphore, #tpu.memory_space<semaphore_mem>> -> memref<!tpu.dma_semaphore, #tpu.memory_space<semaphore_mem>>
      tpu.wait_indirect_dma semaphore(%dma_wait3A_461 : memref<!tpu.dma_semaphore, #tpu.memory_space<semaphore_mem>>) src(%dma_wait3A_459 : memref<2000x25600xf32, #tpu.memory_space<hbm>>) dst(%dma_wait3A_453 : memref<1x25600xf32, #tpu.memory_space<vmem>>)
    } else {
    }
    %add3A_399 = arith.constant 14 : i32
    %add3A_400 = arith.addi %mul3A_2, %add3A_399 : i32
    %lt3A_401 = arith.constant 500 : i32
    %lt3A_402 = arith.cmpi slt, %add3A_400, %lt3A_401 : i32
    %convert_element_type3A_403 = arith.extui %lt3A_402 : i1 to i32
    %cond3A_404 = arith.constant 0 : i32
    %cond3A_405 = arith.cmpi ne, %convert_element_type3A_403, %cond3A_404 : i32
    scf.if %cond3A_405 {
      %add3A_448 = arith.constant 14 : i32
      %add3A_449 = arith.addi %mul3A_2, %add3A_448 : i32
      %dma_start3A = arith.constant 2 : i32
      %dma_start3A_450 = arith.constant 2 : i32
      %dma_start3A_451 = arith.constant 0 : i32
      %dma_start3A_452 = arith.constant 0 : i32
      %dma_start3A_453 = tpu.memref_slice %arg6[%dma_start3A, %dma_start3A_451, %dma_start3A_452] : memref<4x1x25600xf32, #tpu.memory_space<vmem>> -> memref<1x1x25600xf32, #tpu.memory_space<vmem>>
      %dma_start3A_454 = tpu.memref_squeeze %dma_start3A_453 : memref<1x1x25600xf32, #tpu.memory_space<vmem>> -> memref<1x25600xf32, #tpu.memory_space<vmem>>
      %dma_start3A_455 = arith.constant 0 : i32
      %dma_start3A_456 = tpu.memref_slice %arg4[%add3A_449, %dma_start3A_455] : memref<500x25600xf32, #tpu.memory_space<hbm>> -> memref<1x25600xf32, #tpu.memory_space<hbm>>
      %dma_start3A_457 = tpu.memref_slice %arg8[%dma_start3A_450] : memref<4x!tpu.dma_semaphore, #tpu.memory_space<semaphore_mem>> -> memref<1x!tpu.dma_semaphore, #tpu.memory_space<semaphore_mem>>
      %dma_start3A_458 = tpu.memref_squeeze %dma_start3A_457 : memref<1x!tpu.dma_semaphore, #tpu.memory_space<semaphore_mem>> -> memref<!tpu.dma_semaphore, #tpu.memory_space<semaphore_mem>>
      %dma_start3A_459 = arith.constant 0 : i32
      %dma_start3A_460 = tpu.memref_slice %arg4[%add3A_449, %dma_start3A_459] : memref<500x25600xf32, #tpu.memory_space<hbm>> -> memref<1x25600xf32, #tpu.memory_space<hbm>>
      %dma_start3A_461 = arith.constant 0 : i32
      %dma_start3A_462 = arith.constant 0 : i32
      %dma_start3A_463 = tpu.memref_slice %arg6[%dma_start3A, %dma_start3A_461, %dma_start3A_462] : memref<4x1x25600xf32, #tpu.memory_space<vmem>> -> memref<1x1x25600xf32, #tpu.memory_space<vmem>>
      %dma_start3A_464 = tpu.memref_squeeze %dma_start3A_463 : memref<1x1x25600xf32, #tpu.memory_space<vmem>> -> memref<1x25600xf32, #tpu.memory_space<vmem>>
      tpu.enqueue_dma source(%dma_start3A_464 : memref<1x25600xf32, #tpu.memory_space<vmem>>) target(%dma_start3A_460 : memref<1x25600xf32, #tpu.memory_space<hbm>>) target_semaphore(%dma_start3A_458 : memref<!tpu.dma_semaphore, #tpu.memory_space<semaphore_mem>>)
    } else {
    }
    %add3A_406 = arith.constant 15 : i32
    %add3A_407 = arith.addi %mul3A_2, %add3A_406 : i32
    %lt3A_408 = arith.constant 500 : i32
    %lt3A_409 = arith.cmpi slt, %add3A_407, %lt3A_408 : i32
    %convert_element_type3A_410 = arith.extui %lt3A_409 : i1 to i32
    %cond3A_411 = arith.constant 0 : i32
    %cond3A_412 = arith.cmpi ne, %convert_element_type3A_410, %cond3A_411 : i32
    scf.if %cond3A_412 {
      %dma_wait3A = arith.constant 15 : i32
      %dma_wait3A_448 = arith.constant 3 : i32
      %dma_wait3A_449 = arith.constant 3 : i32
      %dma_wait3A_450 = arith.constant 0 : i32
      %dma_wait3A_451 = arith.constant 0 : i32
      %dma_wait3A_452 = tpu.memref_slice %arg6[%dma_wait3A_448, %dma_wait3A_450, %dma_wait3A_451] : memref<4x1x25600xf32, #tpu.memory_space<vmem>> -> memref<1x1x25600xf32, #tpu.memory_space<vmem>>
      %dma_wait3A_453 = tpu.memref_squeeze %dma_wait3A_452 : memref<1x1x25600xf32, #tpu.memory_space<vmem>> -> memref<1x25600xf32, #tpu.memory_space<vmem>>
      %dma_wait3A_454 = arith.constant 0 : i32
      %dma_wait3A_455 = tpu.memref_slice %arg5[%dma_wait3A, %dma_wait3A_454] : memref<16x1xi32, #tpu.memory_space<vmem>> -> memref<1x1xi32, #tpu.memory_space<vmem>>
      %dma_wait3A_456 = tpu.memref_squeeze %dma_wait3A_455 : memref<1x1xi32, #tpu.memory_space<vmem>> -> memref<1xi32, #tpu.memory_space<vmem>>
      %dma_wait3A_457 = arith.constant 0 : i32
      %dma_wait3A_458 = arith.constant 0 : i32
      %dma_wait3A_459 = tpu.memref_slice %arg2[%dma_wait3A_457, %dma_wait3A_458] : memref<2000x25600xf32, #tpu.memory_space<hbm>> -> memref<2000x25600xf32, #tpu.memory_space<hbm>>
      %dma_wait3A_460 = tpu.memref_slice %arg7[%dma_wait3A_449] : memref<4x!tpu.dma_semaphore, #tpu.memory_space<semaphore_mem>> -> memref<1x!tpu.dma_semaphore, #tpu.memory_space<semaphore_mem>>
      %dma_wait3A_461 = tpu.memref_squeeze %dma_wait3A_460 : memref<1x!tpu.dma_semaphore, #tpu.memory_space<semaphore_mem>> -> memref<!tpu.dma_semaphore, #tpu.memory_space<semaphore_mem>>
      tpu.wait_indirect_dma semaphore(%dma_wait3A_461 : memref<!tpu.dma_semaphore, #tpu.memory_space<semaphore_mem>>) src(%dma_wait3A_459 : memref<2000x25600xf32, #tpu.memory_space<hbm>>) dst(%dma_wait3A_453 : memref<1x25600xf32, #tpu.memory_space<vmem>>)
    } else {
    }
    %add3A_413 = arith.constant 15 : i32
    %add3A_414 = arith.addi %mul3A_2, %add3A_413 : i32
    %lt3A_415 = arith.constant 500 : i32
    %lt3A_416 = arith.cmpi slt, %add3A_414, %lt3A_415 : i32
    %convert_element_type3A_417 = arith.extui %lt3A_416 : i1 to i32
    %cond3A_418 = arith.constant 0 : i32
    %cond3A_419 = arith.cmpi ne, %convert_element_type3A_417, %cond3A_418 : i32
    scf.if %cond3A_419 {
      %add3A_448 = arith.constant 15 : i32
      %add3A_449 = arith.addi %mul3A_2, %add3A_448 : i32
      %dma_start3A = arith.constant 3 : i32
      %dma_start3A_450 = arith.constant 3 : i32
      %dma_start3A_451 = arith.constant 0 : i32
      %dma_start3A_452 = arith.constant 0 : i32
      %dma_start3A_453 = tpu.memref_slice %arg6[%dma_start3A, %dma_start3A_451, %dma_start3A_452] : memref<4x1x25600xf32, #tpu.memory_space<vmem>> -> memref<1x1x25600xf32, #tpu.memory_space<vmem>>
      %dma_start3A_454 = tpu.memref_squeeze %dma_start3A_453 : memref<1x1x25600xf32, #tpu.memory_space<vmem>> -> memref<1x25600xf32, #tpu.memory_space<vmem>>
      %dma_start3A_455 = arith.constant 0 : i32
      %dma_start3A_456 = tpu.memref_slice %arg4[%add3A_449, %dma_start3A_455] : memref<500x25600xf32, #tpu.memory_space<hbm>> -> memref<1x25600xf32, #tpu.memory_space<hbm>>
      %dma_start3A_457 = tpu.memref_slice %arg8[%dma_start3A_450] : memref<4x!tpu.dma_semaphore, #tpu.memory_space<semaphore_mem>> -> memref<1x!tpu.dma_semaphore, #tpu.memory_space<semaphore_mem>>
      %dma_start3A_458 = tpu.memref_squeeze %dma_start3A_457 : memref<1x!tpu.dma_semaphore, #tpu.memory_space<semaphore_mem>> -> memref<!tpu.dma_semaphore, #tpu.memory_space<semaphore_mem>>
      %dma_start3A_459 = arith.constant 0 : i32
      %dma_start3A_460 = tpu.memref_slice %arg4[%add3A_449, %dma_start3A_459] : memref<500x25600xf32, #tpu.memory_space<hbm>> -> memref<1x25600xf32, #tpu.memory_space<hbm>>
      %dma_start3A_461 = arith.constant 0 : i32
      %dma_start3A_462 = arith.constant 0 : i32
      %dma_start3A_463 = tpu.memref_slice %arg6[%dma_start3A, %dma_start3A_461, %dma_start3A_462] : memref<4x1x25600xf32, #tpu.memory_space<vmem>> -> memref<1x1x25600xf32, #tpu.memory_space<vmem>>
      %dma_start3A_464 = tpu.memref_squeeze %dma_start3A_463 : memref<1x1x25600xf32, #tpu.memory_space<vmem>> -> memref<1x25600xf32, #tpu.memory_space<vmem>>
      tpu.enqueue_dma source(%dma_start3A_464 : memref<1x25600xf32, #tpu.memory_space<vmem>>) target(%dma_start3A_460 : memref<1x25600xf32, #tpu.memory_space<hbm>>) target_semaphore(%dma_start3A_458 : memref<!tpu.dma_semaphore, #tpu.memory_space<semaphore_mem>>)
    } else {
    }
    %add3A_420 = arith.constant 12 : i32
    %add3A_421 = arith.addi %mul3A_2, %add3A_420 : i32
    %lt3A_422 = arith.constant 500 : i32
    %lt3A_423 = arith.cmpi slt, %add3A_421, %lt3A_422 : i32
    %convert_element_type3A_424 = arith.extui %lt3A_423 : i1 to i32
    %cond3A_425 = arith.constant 0 : i32
    %cond3A_426 = arith.cmpi ne, %convert_element_type3A_424, %cond3A_425 : i32
    scf.if %cond3A_426 {
      %add3A_448 = arith.constant 12 : i32
      %add3A_449 = arith.addi %mul3A_2, %add3A_448 : i32
      %dma_wait3A = arith.constant 0 : i32
      %dma_wait3A_450 = arith.constant 0 : i32
      %dma_wait3A_451 = arith.constant 0 : i32
      %dma_wait3A_452 = arith.constant 0 : i32
      %dma_wait3A_453 = tpu.memref_slice %arg6[%dma_wait3A, %dma_wait3A_451, %dma_wait3A_452] : memref<4x1x25600xf32, #tpu.memory_space<vmem>> -> memref<1x1x25600xf32, #tpu.memory_space<vmem>>
      %dma_wait3A_454 = tpu.memref_squeeze %dma_wait3A_453 : memref<1x1x25600xf32, #tpu.memory_space<vmem>> -> memref<1x25600xf32, #tpu.memory_space<vmem>>
      %dma_wait3A_455 = arith.constant 0 : i32
      %dma_wait3A_456 = tpu.memref_slice %arg4[%add3A_449, %dma_wait3A_455] : memref<500x25600xf32, #tpu.memory_space<hbm>> -> memref<1x25600xf32, #tpu.memory_space<hbm>>
      %dma_wait3A_457 = tpu.memref_slice %arg8[%dma_wait3A_450] : memref<4x!tpu.dma_semaphore, #tpu.memory_space<semaphore_mem>> -> memref<1x!tpu.dma_semaphore, #tpu.memory_space<semaphore_mem>>
      %dma_wait3A_458 = tpu.memref_squeeze %dma_wait3A_457 : memref<1x!tpu.dma_semaphore, #tpu.memory_space<semaphore_mem>> -> memref<!tpu.dma_semaphore, #tpu.memory_space<semaphore_mem>>
      %dma_wait3A_459 = arith.constant 0 : i32
      %dma_wait3A_460 = tpu.memref_slice %arg4[%add3A_449, %dma_wait3A_459] : memref<500x25600xf32, #tpu.memory_space<hbm>> -> memref<1x25600xf32, #tpu.memory_space<hbm>>
      %dma_wait3A_461 = arith.constant 0 : i32
      %dma_wait3A_462 = arith.constant 0 : i32
      %dma_wait3A_463 = tpu.memref_slice %arg6[%dma_wait3A, %dma_wait3A_461, %dma_wait3A_462] : memref<4x1x25600xf32, #tpu.memory_space<vmem>> -> memref<1x1x25600xf32, #tpu.memory_space<vmem>>
      %dma_wait3A_464 = tpu.memref_squeeze %dma_wait3A_463 : memref<1x1x25600xf32, #tpu.memory_space<vmem>> -> memref<1x25600xf32, #tpu.memory_space<vmem>>
      tpu.wait_dma2 semaphore(%dma_wait3A_458 : memref<!tpu.dma_semaphore, #tpu.memory_space<semaphore_mem>>) src(%dma_wait3A_464 : memref<1x25600xf32, #tpu.memory_space<vmem>>) dst(%dma_wait3A_460 : memref<1x25600xf32, #tpu.memory_space<hbm>>)
    } else {
    }
    %add3A_427 = arith.constant 13 : i32
    %add3A_428 = arith.addi %mul3A_2, %add3A_427 : i32
    %lt3A_429 = arith.constant 500 : i32
    %lt3A_430 = arith.cmpi slt, %add3A_428, %lt3A_429 : i32
    %convert_element_type3A_431 = arith.extui %lt3A_430 : i1 to i32
    %cond3A_432 = arith.constant 0 : i32
    %cond3A_433 = arith.cmpi ne, %convert_element_type3A_431, %cond3A_432 : i32
    scf.if %cond3A_433 {
      %add3A_448 = arith.constant 13 : i32
      %add3A_449 = arith.addi %mul3A_2, %add3A_448 : i32
      %dma_wait3A = arith.constant 1 : i32
      %dma_wait3A_450 = arith.constant 1 : i32
      %dma_wait3A_451 = arith.constant 0 : i32
      %dma_wait3A_452 = arith.constant 0 : i32
      %dma_wait3A_453 = tpu.memref_slice %arg6[%dma_wait3A, %dma_wait3A_451, %dma_wait3A_452] : memref<4x1x25600xf32, #tpu.memory_space<vmem>> -> memref<1x1x25600xf32, #tpu.memory_space<vmem>>
      %dma_wait3A_454 = tpu.memref_squeeze %dma_wait3A_453 : memref<1x1x25600xf32, #tpu.memory_space<vmem>> -> memref<1x25600xf32, #tpu.memory_space<vmem>>
      %dma_wait3A_455 = arith.constant 0 : i32
      %dma_wait3A_456 = tpu.memref_slice %arg4[%add3A_449, %dma_wait3A_455] : memref<500x25600xf32, #tpu.memory_space<hbm>> -> memref<1x25600xf32, #tpu.memory_space<hbm>>
      %dma_wait3A_457 = tpu.memref_slice %arg8[%dma_wait3A_450] : memref<4x!tpu.dma_semaphore, #tpu.memory_space<semaphore_mem>> -> memref<1x!tpu.dma_semaphore, #tpu.memory_space<semaphore_mem>>
      %dma_wait3A_458 = tpu.memref_squeeze %dma_wait3A_457 : memref<1x!tpu.dma_semaphore, #tpu.memory_space<semaphore_mem>> -> memref<!tpu.dma_semaphore, #tpu.memory_space<semaphore_mem>>
      %dma_wait3A_459 = arith.constant 0 : i32
      %dma_wait3A_460 = tpu.memref_slice %arg4[%add3A_449, %dma_wait3A_459] : memref<500x25600xf32, #tpu.memory_space<hbm>> -> memref<1x25600xf32, #tpu.memory_space<hbm>>
      %dma_wait3A_461 = arith.constant 0 : i32
      %dma_wait3A_462 = arith.constant 0 : i32
      %dma_wait3A_463 = tpu.memref_slice %arg6[%dma_wait3A, %dma_wait3A_461, %dma_wait3A_462] : memref<4x1x25600xf32, #tpu.memory_space<vmem>> -> memref<1x1x25600xf32, #tpu.memory_space<vmem>>
      %dma_wait3A_464 = tpu.memref_squeeze %dma_wait3A_463 : memref<1x1x25600xf32, #tpu.memory_space<vmem>> -> memref<1x25600xf32, #tpu.memory_space<vmem>>
      tpu.wait_dma2 semaphore(%dma_wait3A_458 : memref<!tpu.dma_semaphore, #tpu.memory_space<semaphore_mem>>) src(%dma_wait3A_464 : memref<1x25600xf32, #tpu.memory_space<vmem>>) dst(%dma_wait3A_460 : memref<1x25600xf32, #tpu.memory_space<hbm>>)
    } else {
    }
    %add3A_434 = arith.constant 14 : i32
    %add3A_435 = arith.addi %mul3A_2, %add3A_434 : i32
    %lt3A_436 = arith.constant 500 : i32
    %lt3A_437 = arith.cmpi slt, %add3A_435, %lt3A_436 : i32
    %convert_element_type3A_438 = arith.extui %lt3A_437 : i1 to i32
    %cond3A_439 = arith.constant 0 : i32
    %cond3A_440 = arith.cmpi ne, %convert_element_type3A_438, %cond3A_439 : i32
    scf.if %cond3A_440 {
      %add3A_448 = arith.constant 14 : i32
      %add3A_449 = arith.addi %mul3A_2, %add3A_448 : i32
      %dma_wait3A = arith.constant 2 : i32
      %dma_wait3A_450 = arith.constant 2 : i32
      %dma_wait3A_451 = arith.constant 0 : i32
      %dma_wait3A_452 = arith.constant 0 : i32
      %dma_wait3A_453 = tpu.memref_slice %arg6[%dma_wait3A, %dma_wait3A_451, %dma_wait3A_452] : memref<4x1x25600xf32, #tpu.memory_space<vmem>> -> memref<1x1x25600xf32, #tpu.memory_space<vmem>>
      %dma_wait3A_454 = tpu.memref_squeeze %dma_wait3A_453 : memref<1x1x25600xf32, #tpu.memory_space<vmem>> -> memref<1x25600xf32, #tpu.memory_space<vmem>>
      %dma_wait3A_455 = arith.constant 0 : i32
      %dma_wait3A_456 = tpu.memref_slice %arg4[%add3A_449, %dma_wait3A_455] : memref<500x25600xf32, #tpu.memory_space<hbm>> -> memref<1x25600xf32, #tpu.memory_space<hbm>>
      %dma_wait3A_457 = tpu.memref_slice %arg8[%dma_wait3A_450] : memref<4x!tpu.dma_semaphore, #tpu.memory_space<semaphore_mem>> -> memref<1x!tpu.dma_semaphore, #tpu.memory_space<semaphore_mem>>
      %dma_wait3A_458 = tpu.memref_squeeze %dma_wait3A_457 : memref<1x!tpu.dma_semaphore, #tpu.memory_space<semaphore_mem>> -> memref<!tpu.dma_semaphore, #tpu.memory_space<semaphore_mem>>
      %dma_wait3A_459 = arith.constant 0 : i32
      %dma_wait3A_460 = tpu.memref_slice %arg4[%add3A_449, %dma_wait3A_459] : memref<500x25600xf32, #tpu.memory_space<hbm>> -> memref<1x25600xf32, #tpu.memory_space<hbm>>
      %dma_wait3A_461 = arith.constant 0 : i32
      %dma_wait3A_462 = arith.constant 0 : i32
      %dma_wait3A_463 = tpu.memref_slice %arg6[%dma_wait3A, %dma_wait3A_461, %dma_wait3A_462] : memref<4x1x25600xf32, #tpu.memory_space<vmem>> -> memref<1x1x25600xf32, #tpu.memory_space<vmem>>
      %dma_wait3A_464 = tpu.memref_squeeze %dma_wait3A_463 : memref<1x1x25600xf32, #tpu.memory_space<vmem>> -> memref<1x25600xf32, #tpu.memory_space<vmem>>
      tpu.wait_dma2 semaphore(%dma_wait3A_458 : memref<!tpu.dma_semaphore, #tpu.memory_space<semaphore_mem>>) src(%dma_wait3A_464 : memref<1x25600xf32, #tpu.memory_space<vmem>>) dst(%dma_wait3A_460 : memref<1x25600xf32, #tpu.memory_space<hbm>>)
    } else {
    }
    %add3A_441 = arith.constant 15 : i32
    %add3A_442 = arith.addi %mul3A_2, %add3A_441 : i32
    %lt3A_443 = arith.constant 500 : i32
    %lt3A_444 = arith.cmpi slt, %add3A_442, %lt3A_443 : i32
    %convert_element_type3A_445 = arith.extui %lt3A_444 : i1 to i32
    %cond3A_446 = arith.constant 0 : i32
    %cond3A_447 = arith.cmpi ne, %convert_element_type3A_445, %cond3A_446 : i32
    scf.if %cond3A_447 {
      %add3A_448 = arith.constant 15 : i32
      %add3A_449 = arith.addi %mul3A_2, %add3A_448 : i32
      %dma_wait3A = arith.constant 3 : i32
      %dma_wait3A_450 = arith.constant 3 : i32
      %dma_wait3A_451 = arith.constant 0 : i32
      %dma_wait3A_452 = arith.constant 0 : i32
      %dma_wait3A_453 = tpu.memref_slice %arg6[%dma_wait3A, %dma_wait3A_451, %dma_wait3A_452] : memref<4x1x25600xf32, #tpu.memory_space<vmem>> -> memref<1x1x25600xf32, #tpu.memory_space<vmem>>
      %dma_wait3A_454 = tpu.memref_squeeze %dma_wait3A_453 : memref<1x1x25600xf32, #tpu.memory_space<vmem>> -> memref<1x25600xf32, #tpu.memory_space<vmem>>
      %dma_wait3A_455 = arith.constant 0 : i32
      %dma_wait3A_456 = tpu.memref_slice %arg4[%add3A_449, %dma_wait3A_455] : memref<500x25600xf32, #tpu.memory_space<hbm>> -> memref<1x25600xf32, #tpu.memory_space<hbm>>
      %dma_wait3A_457 = tpu.memref_slice %arg8[%dma_wait3A_450] : memref<4x!tpu.dma_semaphore, #tpu.memory_space<semaphore_mem>> -> memref<1x!tpu.dma_semaphore, #tpu.memory_space<semaphore_mem>>
      %dma_wait3A_458 = tpu.memref_squeeze %dma_wait3A_457 : memref<1x!tpu.dma_semaphore, #tpu.memory_space<semaphore_mem>> -> memref<!tpu.dma_semaphore, #tpu.memory_space<semaphore_mem>>
      %dma_wait3A_459 = arith.constant 0 : i32
      %dma_wait3A_460 = tpu.memref_slice %arg4[%add3A_449, %dma_wait3A_459] : memref<500x25600xf32, #tpu.memory_space<hbm>> -> memref<1x25600xf32, #tpu.memory_space<hbm>>
      %dma_wait3A_461 = arith.constant 0 : i32
      %dma_wait3A_462 = arith.constant 0 : i32
      %dma_wait3A_463 = tpu.memref_slice %arg6[%dma_wait3A, %dma_wait3A_461, %dma_wait3A_462] : memref<4x1x25600xf32, #tpu.memory_space<vmem>> -> memref<1x1x25600xf32, #tpu.memory_space<vmem>>
      %dma_wait3A_464 = tpu.memref_squeeze %dma_wait3A_463 : memref<1x1x25600xf32, #tpu.memory_space<vmem>> -> memref<1x25600xf32, #tpu.memory_space<vmem>>
      tpu.wait_dma2 semaphore(%dma_wait3A_458 : memref<!tpu.dma_semaphore, #tpu.memory_space<semaphore_mem>>) src(%dma_wait3A_464 : memref<1x25600xf32, #tpu.memory_space<vmem>>) dst(%dma_wait3A_460 : memref<1x25600xf32, #tpu.memory_space<hbm>>)
    } else {
    }
    return
  }
}

module attributes {stable_mosaic.version = 14 : i64} {
  func.func @_nms_body(%arg0: i32, %arg1: memref<512x1024xf32, #tpu.memory_space<vmem>>, %arg2: memref<1x512xi32, #tpu.memory_space<vmem>>, %arg3: memref<1x512xf32, #tpu.memory_space<vmem>>, %arg4: memref<1x512xf32, #tpu.memory_space<vmem>>, %arg5: memref<512x512xf32, #tpu.memory_space<vmem>>, %arg6: memref<1x512xf32, #tpu.memory_space<vmem>>) attributes {dimension_semantics = [#tpu.dimension_semantics<arbitrary>], iteration_bounds = array<i64: 25>, scalar_prefetch = 0 : i64, scratch_operands = 2 : i64, tpu.core_type = #tpu.core_type<tc>, window_params = [{transform_indices = @transform_0, window_bounds = array<i64: 512, 1024>}, {pipeline_mode = #tpu.pipeline_mode<synchronous>, transform_indices = @transform_1, window_bounds = array<i64: 1, 512>}, {pipeline_mode = #tpu.pipeline_mode<synchronous>, transform_indices = @transform_2, window_bounds = array<i64: 1, 512>}, {pipeline_mode = #tpu.pipeline_mode<synchronous>, transform_indices = @transform_3, window_bounds = array<i64: 1, 512>}]} {
    %eq3A = arith.constant 0 : i32
    %eq3A_0 = arith.cmpi eq, %arg0, %eq3A : i32
    %convert_element_type3A = arith.extui %eq3A_0 : i1 to i32
    %cond3A = arith.constant 0 : i32
    %cond3A_1 = arith.cmpi ne, %convert_element_type3A, %cond3A : i32
    scf.if %cond3A_1 {
      %broadcast_in_dim3A_23 = arith.constant 0.000000e+00 : f32
      %broadcast_in_dim3A_24 = vector.broadcast %broadcast_in_dim3A_23 : f32 to vector<512x512xf32>
      %swap3A_25 = arith.constant 0 : index
      %swap3A_26 = arith.constant 0 : index
      %swap3A_27 = vector.load %arg5[%swap3A_25, %swap3A_26] : memref<512x512xf32, #tpu.memory_space<vmem>>, vector<512x512xf32>
      tpu.vector_store %arg5[%swap3A_25, %swap3A_26], %broadcast_in_dim3A_24 {strides = array<i32>} : memref<512x512xf32, #tpu.memory_space<vmem>>, vector<512x512xf32>,
      %broadcast_in_dim3A_28 = arith.constant 0.000000e+00 : f32
      %broadcast_in_dim3A_29 = vector.broadcast %broadcast_in_dim3A_28 : f32 to vector<1x512xf32>
      %swap3A_30 = arith.constant 0 : index
      %swap3A_31 = arith.constant 0 : index
      %swap3A_32 = vector.load %arg6[%swap3A_30, %swap3A_31] : memref<1x512xf32, #tpu.memory_space<vmem>>, vector<1x512xf32>
      tpu.vector_store %arg6[%swap3A_30, %swap3A_31], %broadcast_in_dim3A_29 {strides = array<i32>} : memref<1x512xf32, #tpu.memory_space<vmem>>, vector<1x512xf32>,
    } else {
    }
    %get3A = arith.constant 0 : index
    %get3A_2 = arith.constant 0 : index
    %get3A_3 = vector.load %arg1[%get3A, %get3A_2] : memref<512x1024xf32, #tpu.memory_space<vmem>>, vector<512x1024xf32>
    %get3A_4 = arith.constant 0 : index
    %get3A_5 = arith.constant 0 : index
    %get3A_6 = vector.load %arg5[%get3A_4, %get3A_5] : memref<512x512xf32, #tpu.memory_space<vmem>>, vector<512x512xf32>
    %dot_general3A = arith.constant dense<0.000000e+00> : vector<512x512xf32>
    %dot_general3A_7 = tpu.matmul %get3A_3, %get3A_3, %dot_general3A {dimension_numbers = #tpu.dot_dimension_numbers<[1], [1], [0], [0], [0, 0, 1, 0], [], []>, transpose_lhs_hint = false} : vector<512x1024xf32>, vector<512x1024xf32>, vector<512x512xf32> -> vector<512x512xf32>
    %add3A = arith.addf %get3A_6, %dot_general3A_7 : vector<512x512xf32>
    %swap3A = arith.constant 0 : index
    %swap3A_8 = arith.constant 0 : index
    %swap3A_9 = vector.load %arg5[%swap3A, %swap3A_8] : memref<512x512xf32, #tpu.memory_space<vmem>>, vector<512x512xf32>
    tpu.vector_store %arg5[%swap3A, %swap3A_8], %add3A {strides = array<i32>} : memref<512x512xf32, #tpu.memory_space<vmem>>, vector<512x512xf32>,
    %get3A_10 = arith.constant 0 : index
    %get3A_11 = arith.constant 0 : index
    %get3A_12 = vector.load %arg6[%get3A_10, %get3A_11] : memref<1x512xf32, #tpu.memory_space<vmem>>, vector<1x512xf32>
    %reduce_sum3A = arith.constant dense<0.000000e+00> : vector<512xf32>
    %reduce_sum3A_13 = vector.multi_reduction <add>, %get3A_3, %reduce_sum3A [1] : vector<512x1024xf32> to vector<512xf32>
    %broadcast_in_dim3A = vector.shape_cast %reduce_sum3A_13 : vector<512xf32> to vector<512x1xf32>
    %reshape3A = vector.shape_cast %broadcast_in_dim3A : vector<512x1xf32> to vector<1x512xf32>
    %add3A_14 = arith.addf %get3A_12, %reshape3A : vector<1x512xf32>
    %swap3A_15 = arith.constant 0 : index
    %swap3A_16 = arith.constant 0 : index
    %swap3A_17 = vector.load %arg6[%swap3A_15, %swap3A_16] : memref<1x512xf32, #tpu.memory_space<vmem>>, vector<1x512xf32>
    tpu.vector_store %arg6[%swap3A_15, %swap3A_16], %add3A_14 {strides = array<i32>} : memref<1x512xf32, #tpu.memory_space<vmem>>, vector<1x512xf32>,
    %eq3A_18 = arith.constant 24 : i32
    %eq3A_19 = arith.cmpi eq, %arg0, %eq3A_18 : i32
    %convert_element_type3A_20 = arith.extui %eq3A_19 : i1 to i32
    %cond3A_21 = arith.constant 0 : i32
    %cond3A_22 = arith.cmpi ne, %convert_element_type3A_20, %cond3A_21 : i32
    scf.if %cond3A_22 {
      %get3A_23 = arith.constant 0 : index
      %get3A_24 = arith.constant 0 : index
      %get3A_25 = vector.load %arg5[%get3A_23, %get3A_24] : memref<512x512xf32, #tpu.memory_space<vmem>>, vector<512x512xf32>
      %get3A_26 = arith.constant 0 : index
      %get3A_27 = arith.constant 0 : index
      %get3A_28 = vector.load %arg6[%get3A_26, %get3A_27] : memref<1x512xf32, #tpu.memory_space<vmem>>, vector<1x512xf32>
      %transpose3A = tpu.transpose %get3A_28, [1, 0] : vector<1x512xf32> -> vector<512x1xf32>
      %add3A_29 = vector.broadcast %get3A_28 : vector<1x512xf32> to vector<512x512xf32>
      %add3A_30 = vector.broadcast %transpose3A : vector<512x1xf32> to vector<512x512xf32>
      %add3A_31 = arith.addf %add3A_29, %add3A_30 : vector<512x512xf32>
      %sub3A = arith.subf %add3A_31, %get3A_25 : vector<512x512xf32>
      %div3A = arith.divf %get3A_25, %sub3A : vector<512x512xf32>
      %get3A_32 = arith.constant 0 : index
      %get3A_33 = arith.constant 0 : index
      %get3A_34 = vector.load %arg2[%get3A_32, %get3A_33] : memref<1x512xi32, #tpu.memory_space<vmem>>, vector<1x512xi32>
      %transpose3A_35 = tpu.transpose %get3A_34, [1, 0] : vector<1x512xi32> -> vector<512x1xi32>
      %eq3A_36 = vector.broadcast %get3A_34 : vector<1x512xi32> to vector<512x512xi32>
      %eq3A_37 = vector.broadcast %transpose3A_35 : vector<512x1xi32> to vector<512x512xi32>
      %eq3A_38 = arith.cmpi eq, %eq3A_36, %eq3A_37 : vector<512x512xi32>
      %iota3A = tpu.iota {dimensions = array<i32: 0>} : vector<512x512xi32>
      %iota3A_39 = tpu.iota {dimensions = array<i32: 1>} : vector<512x512xi32>
      %gt3A = arith.cmpi sgt, %iota3A_39, %iota3A : vector<512x512xi32>
      %and3A = arith.andi %gt3A, %eq3A_38 : vector<512x512xi1>
      %jit3A = arith.constant 0.000000e+00 : f32
      %broadcast_in_dim3A_40 = vector.broadcast %jit3A : f32 to vector<512x512xf32>
      %select_n3A = arith.select %and3A, %div3A, %broadcast_in_dim3A_40 : vector<512x512xi1>, vector<512x512xf32>
      %reduce_max3A = arith.constant dense<0xFF800000> : vector<512xf32>
      %reduce_max3A_41 = vector.multi_reduction <maximumf>, %select_n3A, %reduce_max3A [0] : vector<512x512xf32> to vector<512xf32>
      %broadcast_in_dim3A_42 = vector.shape_cast %reduce_max3A_41 : vector<512xf32> to vector<512x1xf32>
      %broadcast_in_dim3A_43 = vector.shape_cast %reduce_max3A_41 : vector<512xf32> to vector<512x1xf32>
      %mul3A = arith.mulf %broadcast_in_dim3A_42, %broadcast_in_dim3A_43 : vector<512x1xf32>
      %mul3A_44 = arith.mulf %select_n3A, %select_n3A : vector<512x512xf32>
      %sub3A_45 = vector.broadcast %mul3A : vector<512x1xf32> to vector<512x512xf32>
      %sub3A_46 = arith.subf %sub3A_45, %mul3A_44 : vector<512x512xf32>
      %reduce_min3A = arith.constant dense<0x7F800000> : vector<512xf32>
      %reduce_min3A_47 = vector.multi_reduction <minimumf>, %sub3A_46, %reduce_min3A [0] : vector<512x512xf32> to vector<512xf32>
      %get3A_48 = arith.constant 0 : index
      %get3A_49 = arith.constant 0 : index
      %get3A_50 = vector.load %arg3[%get3A_48, %get3A_49] : memref<1x512xf32, #tpu.memory_space<vmem>>, vector<1x512xf32>
      %mul3A_51 = arith.constant 2.000000e+00 : f32
      %mul3A_52 = vector.broadcast %mul3A_51 : f32 to vector<512xf32>
      %mul3A_53 = arith.mulf %mul3A_52, %reduce_min3A_47 : vector<512xf32>
      %exp3A = math.exp %mul3A_53 : vector<512xf32>
      %broadcast_in_dim3A_54 = vector.shape_cast %exp3A : vector<512xf32> to vector<1x512xf32>
      %mul3A_55 = arith.mulf %get3A_50, %broadcast_in_dim3A_54 : vector<1x512xf32>
      %swap3A_56 = arith.constant 0 : index
      %swap3A_57 = arith.constant 0 : index
      %swap3A_58 = vector.load %arg4[%swap3A_56, %swap3A_57] : memref<1x512xf32, #tpu.memory_space<vmem>>, vector<1x512xf32>
      tpu.vector_store %arg4[%swap3A_56, %swap3A_57], %mul3A_55 {strides = array<i32>} : memref<1x512xf32, #tpu.memory_space<vmem>>, vector<1x512xf32>,
    } else {
    }
    return
  }
  func.func @transform_0(%arg0: i32) -> (i32, i32) {
    %c0_i32 = arith.constant 0 : i32
    %c0_i32_0 = arith.constant 0 : i32
    return %c0_i32, %arg0 : i32, i32
  }
  func.func @transform_1(%arg0: i32) -> (i32, i32) {
    %c0_i32 = arith.constant 0 : i32
    %c0_i32_0 = arith.constant 0 : i32
    %c0_i32_1 = arith.constant 0 : i32
    return %c0_i32, %c0_i32_0 : i32, i32
  }
  func.func @transform_2(%arg0: i32) -> (i32, i32) {
    %c0_i32 = arith.constant 0 : i32
    %c0_i32_0 = arith.constant 0 : i32
    %c0_i32_1 = arith.constant 0 : i32
    return %c0_i32, %c0_i32_0 : i32, i32
  }
  func.func @transform_3(%arg0: i32) -> (i32, i32) {
    %c0_i32 = arith.constant 0 : i32
    %c0_i32_0 = arith.constant 0 : i32
    %c0_i32_1 = arith.constant 0 : i32
    return %c0_i32, %c0_i32_0 : i32, i32
  }
}

</mosaic_0001>

<sc_bundles>
// kernel: kernel.5.cloned.1.call-start
scs
__scs_entry_jumppad:
0x0: {  	(pc) =	sbr.rel $0x88, $3  }
0x1: {  	(tag) =	ssettag $0x0;
	lr =	simm.s32 $0x1  }
0x2: {  	[smem:$0x3F9E] =	sst lr;
	_ =	strace $0xD0000000  }
0x3: {  	_ = 	snop  }
0x4: {  	_ = 	snop  }
0x5: {  	_ = 	snop  }
0x6: {  	_ = 	snop  }
0x7: {  	_ = 	snop  }
__scs_overlays_trampoline_lowered:
0x8: {  	[smem:$0x3FAD] =	sst s0  }
0x9: {  	[smem:$0x3FAE] =	sst s1  }
0xa: {  	[smem:$0x3FAF] =	sst s2  }
0xb: {  	[smem:$0x3FB0] =	sst s3  }
0xc: {  	[smem:$0x3FB1] =	sst s4  }
0xd: {  	[smem:$0x3FB2] =	sst s5  }
0xe: {  	[smem:$0x3FB3] =	sst s6  }
0xf: {  	[smem:$0x3FB4] =	sst s7  }
0x10: {  	[smem:$0x3FB5] =	sst s8  }
0x11: {  	[smem:$0x3FB6] =	sst s9;
	s0 =	simm.s32 @!p0 $0x0  }
0x12: {  	s1 =	sld [smem:$0x3F9C];
	s0 =	simm.s32 @p0 $0x1  }
0x13: {  	[smem:$0x3FB7] =	sst s0;
	s0 =	simm.s32 @!p1 $0x0  }
0x14: {  	s2 =	sld [smem:$0x3F9B];
	s0 =	simm.s32 @p1 $0x1  }
0x15: {  	[smem:$0x3FB8] =	sst s0;
	s0 =	simm.s32 @!p2 $0x0  }
0x16: {  	s3 =	sld [smem:$0x3FDB];
	s0 =	simm.s32 @p2 $0x1  }
0x17: {  	s4 =	simm.s32 $0x1BF5;
	[smem:$0x3FBA] =	sst s0  }
0x18: {  	s0 =	sld [smem:$0x3F9D];
	_ =	swait.ge [sflag:s4], $0x0  }
0x19: {  	s7 =	sld [smem:$0x3F9E]  }
0x1a: {  	s8 =	sadd.s32 $0xFFFFE003, lr  }
0x1b: {  	s9 =	sadd.s32 $0xFFFFFEF7, lr;
	s5 =	simm.s32 $0xFFFFFFFF;
	p2 =	slt.u32 s8, $0xFFFFF086  }
0x1c: {  	p1 =	slt.u32 s9, $0xF7A;
	s5 =	simm.s32 @!p2 $0x0  }
0x1d: {  	s5 =	simm.s32 @p1 $0x1;
	p0 =	seq.s32 s7, s2  }
0x1e: {  	s7 =	smul.u32 @!p0 $0xF7A, s2;
	p2 =	seq.s32 @!p0 s5, $0x0  }
0x1f: {  	s9 =	smul.u32 $0xF7A, s1;
	s8 =	simm.s32 @!p0 $0x1BF5;
	p2 =	por !p2, p0  }
0x20: {  	[sflag:s8] =	ssyncset.s32 @!p0 $0xFFFFF086;
	s6 =	sadd.s32 @!p0 s3, s7;
	s7 =	simm.s32 @!p0 $0x108  }
0x21: {  	s3 =	sadd.s32 s3, s9;
	s6 =	sadd.s32 @!p0 $0x88, s6;
	s7 =	simm.s32 @p2 $0x1082  }
0x22: {  	[simem:s7], [sflag:s8] =	dma.local @!p0 [hbm:s6], $0xF7A  }
0x23: {  	s9 =	sor.u32 $0xD0000000, s2;
	s6 =	simm.s32 $0x108;
	_ =	swait.ge @!p0 [sflag:s8], $0x0  }
0x24: {  	s3 =	sadd.s32 $0x88, s3;
	s6 =	simm.s32 @!p1 $0x1082;
	[sflag:s4] =	ssyncset.s32 $0xFFFFF086  }
0x25: {  	[simem:s6], [sflag:s4] =	dma.local [hbm:s3], $0xF7A  }
0x26: {  	[smem:$0x3F9E] =	sst s1;
	(tag) =	ssettag s2;
	_ =	strace s9  }
0x27: {  	s1 =	sld [smem:$0x3FAE]  }
0x28: {  	s2 =	sld [smem:$0x3FAF]  }
0x29: {  	s4 =	sld [smem:$0x3FB1]  }
0x2a: {  	p0 =	seq.s32 s5, $0x0;
	s5 =	sld [smem:$0x3FB2]  }
0x2b: {  	s6 =	sld [smem:$0x3FB3]  }
0x2c: {  	s7 =	sld [smem:$0x3FB4]  }
0x2d: {  	s3 =	simm.s32 $0x108;
	s8 =	sld [smem:$0x3FB5]  }
0x2e: {  	s3 =	simm.s32 @!p0 $0x1082;
	s9 =	sld [smem:$0x3FB6]  }
0x2f: {  	lr =	sadd.s32 s0, s3;
	s0 =	sld [smem:$0x3FAD]  }
0x30: {  	s3 =	sld [smem:$0x3FB0]  }
0x31: {  	[smem:$0x3FB9] =	sst s10  }
0x32: {  	s10 =	sld [smem:$0x3FB7];
	_ =	sdelay $0x3  }
0x33: {  	p0 =	seq.s32 s10, $0x1;
	s10 =	sld [smem:$0x3FB9];
	_ =	sdelay $0x3  }
0x34: {  	[smem:$0x3FB9] =	sst s10  }
0x35: {  	s10 =	sld [smem:$0x3FB8];
	_ =	sdelay $0x3  }
0x36: {  	p1 =	seq.s32 s10, $0x1;
	s10 =	sld [smem:$0x3FB9];
	_ =	sdelay $0x3  }
0x37: {  	[smem:$0x3FB9] =	sst s10  }
0x38: {  	s10 =	sld [smem:$0x3FBA]  }
0x39: {  	_ = 	snop;
	(pc) =	sbr.ind lr, $3  }
0x3a: {  	_ = 	snop  }
0x3b: {  	_ = 	snop  }
0x3c: {  	p2 =	seq.s32 s10, $0x1;
	s10 =	sld [smem:$0x3FB9]  }
0x3d: {  	_ =	shalt  }
0x3e: {  	_ =	shalt  }
0x3f: {  	_ =	shalt  }
0x40: {  	_ =	shalt  }
0x41: {  	_ =	shalt  }
0x42: {  	_ =	shalt  }
0x43: {  	_ =	shalt  }
0x44: {  	_ =	shalt  }
0x45: {  	_ =	shalt  }
0x46: {  	_ =	shalt  }
0x47: {  	_ =	shalt  }
0x48: {  	_ =	shalt  }
0x49: {  	_ =	shalt  }
0x4a: {  	_ =	shalt  }
0x4b: {  	_ =	shalt  }
0x4c: {  	_ =	shalt  }
0x4d: {  	_ =	shalt  }
0x4e: {  	_ =	shalt  }
0x4f: {  	_ =	shalt  }
0x50: {  	_ =	shalt  }
0x51: {  	_ =	shalt  }
0x52: {  	_ =	shalt  }
0x53: {  	_ =	shalt  }
0x54: {  	_ =	shalt  }
0x55: {  	_ =	shalt  }
0x56: {  	_ =	shalt  }
0x57: {  	_ =	shalt  }
0x58: {  	_ =	shalt  }
0x59: {  	_ =	shalt  }
0x5a: {  	_ =	shalt  }
0x5b: {  	_ =	shalt  }
0x5c: {  	_ =	shalt  }
0x5d: {  	_ =	shalt  }
0x5e: {  	_ =	shalt  }
0x5f: {  	_ =	shalt  }
0x60: {  	_ =	shalt  }
0x61: {  	_ =	shalt  }
0x62: {  	_ =	shalt  }
0x63: {  	_ =	shalt  }
0x64: {  	_ =	shalt  }
0x65: {  	_ =	shalt  }
0x66: {  	_ =	shalt  }
0x67: {  	_ =	shalt  }
0x68: {  	_ =	shalt  }
0x69: {  	_ =	shalt  }
0x6a: {  	_ =	shalt  }
0x6b: {  	_ =	shalt  }
0x6c: {  	_ =	shalt  }
0x6d: {  	_ =	shalt  }
0x6e: {  	_ =	shalt  }
0x6f: {  	_ =	shalt  }
0x70: {  	_ =	shalt  }
0x71: {  	_ =	shalt  }
0x72: {  	_ =	shalt  }
0x73: {  	_ =	shalt  }
0x74: {  	_ =	shalt  }
0x75: {  	_ =	shalt  }
0x76: {  	_ =	shalt  }
0x77: {  	_ =	shalt  }
0x78: {  	_ =	shalt  }
0x79: {  	_ =	shalt  }
0x7a: {  	_ =	shalt  }
0x7b: {  	_ =	shalt  }
0x7c: {  	_ =	shalt  }
0x7d: {  	_ =	shalt  }
0x7e: {  	_ =	shalt  }
0x7f: {  	_ =	shalt  }
0x80: {  	_ =	shalt  }
0x81: {  	_ =	shalt  }
0x82: {  	_ =	shalt  }
0x83: {  	_ =	shalt  }
0x84: {  	_ =	shalt  }
0x85: {  	_ =	shalt  }
0x86: {  	_ =	shalt  }
0x87: {  	_ =	shalt  }
.Lfunc_end0:
.L_simem_size_0:
called_computation_lowered:
.L_overlay_start_0:
0x88: {  	s2 =	sld [smem:$0x3FD9]  }
0x89: {  	s3 =	sld [smem:$0x3FFE];
	_ =	sdelay $0x1  }
0x8a: {  	s1 =	srdreg.scid  }
0x8b: {  	s0 =	sand.u32 $0x1, s1  }
0x8c: {  	s14 =	sshll.u32 s0, $0xA;
	s2 =	sadd.s32 s3, s2  }
0x8d: {  	s2 =	sadd.s32 s2, s14  }
0x8e: {  	[smem:$0x3FC5] =	sst s2  }
0x8f: {  	_ = 	snop  }
0x90: {  	s2 =	sld [smem:$0x3FD0];
	_ =	sdelay $0x2  }
0x91: {  	s15 =	simm.s32 $0xA;
	s4 =	simm.s32 $0x10  }
0x92: {  	[smem:s4], [sflag:s15] =	dma.local [hbm:s2], $0x1  }
0x93: {  	_ =	swait.eq [sflag:s15], $0x1  }
0x94: {  	[sflag:s15] =	ssyncset.done $0x0  }
0x95: {  	[sflag:s15] =	ssyncadd.s32 $0xFFFFFFFF  }
0x96: {  	s16 =	sld [smem:$0x12];
	(tm) =	ssettm $0x1  }
0x97: {  	s17 =	sld [smem:$0x3FFB];
	_ =	sdelay $0x3  }
0x98: {  	_ =	strace s17  }
0x99: {  	s3 =	sld [smem:$0x3FFC];
	_ =	sdelay $0x3  }
0x9a: {  	_ =	strace s3  }
0x9b: {  	s3 =	sld [smem:$0x3FFD];
	_ =	sdelay $0x3  }
0x9c: {  	_ =	strace s3  }
0x9d: {  	_ =	strace $0x8FFFFFFF  }
0x9e: {  	s18 =	sld [smem:$0x3FDB];
	_ =	sdelay $0x1  }
0x9f: {  	s19 =	simm.s32 $_scs_section_size  }
0xa0: {  	s5 =	simm.s32 $_size__tile_overlayer_lowered;
	s6 =	simm.s32 $_tile_overlayer_lowered  }
0xa1: {  	s22 =	simm.s32 $0x1BFF;
	s21 =	sshll.u32 s6, $0x1;
	s3 =	sadd.s32 s19, s18  }
0xa2: {  	s7 =	simm.s32 $0x0;
	s20 =	sshll.u32 s5, $0x1;
	s5 =	sadd.s32 s21, s3  }
0xa3: {  	[timem:s7], [sflag:s22] =	dma.local [hbm:s5], s20  }
0xa4: {  	_ =	swait.ge [sflag:s22], s20  }
0xa5: {  	s4 =	ssub.s32 $0x0, s20;
	[sflag:s22] =	ssyncset.done $0x0  }
0xa6: {  	[sflag:s22] =	ssyncadd.s32 s4;
	_ =	sdelay $0x1  }
0xa7: {  	s23 =	simm.s32 $0x1B8B  }
0xa8: {  	_ =	swait.ge [sflag:s23], $0x1  }
0xa9: {  	[sflag:s23] =	ssyncset.done $0x0  }
0xaa: {  	s25 =	simm.s32 $0x1B8E;
	s24 =	sld [smem:$0x3FFE];
	[sflag:s23] =	ssyncadd.s32 $0xFFFFFFFF  }
0xab: {  	s26 =	simm.s32 $execute0_lowered;
	[smem:$0x3FD2] =	sst s25  }
0xac: {  	s5 =	sshll.u32 s26, $0x1;
	_ =	strace $0x80000046;
	[dreg:$0x1] =	wrdreg $0xFFFFFFFF  }
0xad: {  	s28 =	simm.s32 $_size_execute0_lowered;
	s3 =	sadd.s32 s3, s5;
	[dreg:$0x0] =	wrdreg $0x0  }
0xae: {  	s5 =	sshll.u32 s28, $0x1;
	[dreg:$0x2] =	wrdreg s3  }
0xaf: {  	[dreg:$0x3] =	wrdreg s5  }
0xb0: {  	[dreg:$0x4] =	wrdreg $0xC0  }
0xb1: {  	_ =	task [dreg:s7], $0x5FFFF  }
0xb2: {  	[dreg:$0x1] =	wrdreg $0xFFFFFFFF  }
0xb3: {  	[dreg:$0x0] =	wrdreg $0x60  }
0xb4: {  	[dreg:$0x2] =	wrdreg s24  }
0xb5: {  	[dreg:$0x3] =	wrdreg s16  }
0xb6: {  	[dreg:$0x4] =	wrdreg $0x9  }
0xb7: {  	_ =	task.clear_ibuf [dreg:s7], $0x5FFFF;
	_ =	strace $0x90000046  }
0xb8: {  	s29 =	simm.s32 $0x9;
	_ =	strace $0x80000048  }
0xb9: {  	_ =	swait.ge [sflag:s29], $0x1  }
0xba: {  	[sflag:s29] =	ssyncadd.s32 $0xFFFFFFFF  }
0xbb: {  	_ =	strace $0x90000048  }
0xbc: {  	_ =	sfence  }
0xbd: {  	s30 =	sld [smem:$0x0];
	_ =	sdelay $0x2  }
0xbe: {  	s31 =	sshll.u32 s1, $0xD;
	s1 =	sshrl.u32 s1, $0x2  }
0xbf: {  	s3 =	sand.u32 $0x4000, s31;
	s1 =	sadd.s32 s1, s30  }
0xc0: {  	s0 =	sor.u32 s3, s0;
	s1 =	sshll.u32 s1, $0x11  }
0xc1: {  	s0 =	sor.u32 s1, s0  }
0xc2: {  	s0 =	sadd.s32 $0x8F2B, s0  }
0xc3: {  	[sflag:s0] =	ssyncadd.remote.s32 $0x1  }
0xc4: {  	_ =	sfence.sel $0xFFFF  }
0xc5: {  	[dreg:$0x0] =	wrdreg $0xFFFFFFFF;
	(pc) =	sbr.abs _section_cstart, $3  }
0xc6: {  	[dreg:$0x1] =	wrdreg $0xFFFFFFFF  }
0xc7: {  	_ =	task.clear_ibuf [dreg:s7], $0x2FFFF;
	_ =	strace $0x9FFFFFFF  }
0xc8: {  	(tm) =	ssettm $0x7FFFFFFF  }
0xc9: {  	_ =	shalt  }
tec
execute0_lowered:
.L_overlay_start_1:
0x0: {  	(tag) =	ssettag $0x1  }
0x1: {  	s0 =	rddreg [dreg:$0x0]  }
0x2: {  	s1 =	rddreg [dreg:$0x1]  }
0x3: {  	s2 =	srdreg.scid;
	s3 =	stileid.u32  }
0x4: {  	s29 =	simm.s32 $0x1;
	s31 =	simm.s32 $0x80;
	s28 =	simm.s32 $0x7  }
0x5: {  	s30 =	simm.s32 $0xD000;
	s4 =	sand.u32 $0x1, s2;
	s2 =	simm.s32 $0x0  }
0x6: {  	s3 =	sshll.u32 s3, $0x5;
	s9 =	sadd.s32 $0x10, s1;
	s10 =	sadd.s32 $0x20, s1  }
0x7: {  	s18 =	sadd.s32 $0x60, s1;
	s5 =	sshll.u32 s4, $0x4;
	[smem:$0x7FF] =	sst s2  }
0x8: {  	s4 =	ssub.s32 $0x2, s4;
	s5 =	sor.u32 s5, s3;
	_ =	strace $0x80000047  }
0x9: {  	s3 =	sadd.s32 $0x2200, s0;
	s11 =	sshrl.u32 s4, $0x1;
	s6 =	sshll.u32 s5, $0x4  }
0xa: {  	s7 =	sshrl.u32 s5, $0x3;
	s16 =	ssub.s32 s4, s11;
	s4 =	sadd.s32 $0x2A00, s0  }
0xb: {  	s5 =	sadd.s32 $0x3200, s0;
	s6 =	sadd.s32 s6, s0;
	s8 =	smul.u32 $0x6400, s7  }
0xc: {  	s11 =	sadd.s32 $0x30, s1;
	s7 =	smul.u32 $0x32000, s7;
	s6 =	sadd.s32 $0x200, s6  }
0xd: {  	s16 =	smax.u32 s16, $0x1;
	[dreg:$0x3] =	wrdreg s6;
	s12 =	sadd.s32 s1, s8  }
0xe: {  	s13 =	sadd.s32 s8, s9;
	s14 =	sadd.s32 s8, s10;
	[dreg:$0x4] =	wrdreg s12  }
0xf: {  	s15 =	sadd.s32 s8, s11;
	s6 =	sadd.s32 $0x3A00, s0;
	[dreg:$0x5] =	wrdreg s13  }
0x10: {  	s7 =	sshrl.u32 s7, $0x3;
	[dreg:$0x6] =	wrdreg s14;
	s12 =	sadd.s32 $0x40, s1  }
0x11: {  	[dreg:$0x7] =	wrdreg s15;
	s13 =	sadd.s32 $0x50, s1;
	s15 =	sadd.s32 s8, s18  }
0x12: {  	s19 =	sadd.s32 $0x6400, s7;
	s7 =	sadd.s32 $0x4200, s0;
	s17 =	sadd.s32 s8, s12  }
0x13: {  	s14 =	sadd.s32 s8, s13;
	[dreg:$0xa] =	wrdreg s15;
	s20 =	sadd.s32 s19, s9  }
0x14: {  	s9 =	sadd.s32 $0x5200, s0;
	s21 =	sadd.s32 s19, s10;
	[dreg:$0x8] =	wrdreg s17  }
0x15: {  	s10 =	sadd.s32 $0x5A00, s0;
	s22 =	sadd.s32 s19, s11;
	[dreg:$0x9] =	wrdreg s14  }
0x16: {  	s11 =	sadd.s32 $0x6200, s0;
	s23 =	sadd.s32 s19, s12;
	[dreg:$0xd] =	wrdreg s20  }
0x17: {  	s12 =	sadd.s32 $0x6A00, s0;
	s24 =	sadd.s32 s19, s13;
	[dreg:$0xe] =	wrdreg s21  }
0x18: {  	s13 =	sadd.s32 $0x7200, s0;
	s25 =	sadd.s32 s19, s18;
	[dreg:$0xf] =	wrdreg s22  }
0x19: {  	s15 =	sadd.s32 $0x8200, s0;
	s17 =	sadd.s32 $0x70, s1;
	[dreg:$0x10] =	wrdreg s23  }
0x1a: {  	s1 =	sadd.s32 s1, s19;
	[dreg:$0x11] =	wrdreg s24;
	s14 =	sadd.s32 $0x7A00, s0  }
0x1b: {  	[dreg:$0x12] =	wrdreg s25;
	s22 =	simm.s32 $0x2;
	s23 =	simm.s32 $0x5  }
0x1c: {  	s24 =	simm.s32 $0x3;
	s25 =	simm.s32 $0x6;
	s8 =	sadd.s32 s8, s17  }
0x1d: {  	[dreg:$0xc] =	wrdreg s1;
	s26 =	sadd.s32 s19, s17;
	s1 =	simm.s32 $0x400  }
0x1e: {  	v0 =	vimm.s32 $0x0;
	v1 =	vlaneseq.u32;
	s19 =	simm.s32 $0x8;
	s17 =	simm.s32 $0x13400;
	[dreg:$0xb] =	wrdreg s8  }
0x1f: {  	vm0 =	vmmov $0xffff;
	vm1 =	vmmov $0xff;
	v1 =	vmul.u32 $0x8, v1;
	s8 =	sadd.s32 $0x4A00, s0;
	[dreg:$0x13] =	wrdreg s26;
	s26 =	simm.s32 $0x4  }
.LBB2_1:
0x20: {  	s20 =	rddreg [dreg:$0x3];
	s18 =	simm.s32 $0x9  }
0x21: {  	[tilespmem:s2], [sflag:$0x9] =	stream.linear.gather [hbm4b:s20+s2], $0x800, $0x38;
	[tilespmem:$0x19800] =	vst v63  }
0x22: {  	_ =	swait.ge [sflag:s18], $0x800  }
0x23: {  	[sflag:s18] =	ssyncset.done $0x0  }
0x24: {  	[sflag:s18] =	ssyncadd.s32 $0xFFFFF800  }
0x25: {  	v2 =	vld.msk [tilespmem:$0x0], $0x1;
	_ =	sdelay $0x4  }
0x26: {  	v3 =	vshrl.u32 v2, $0x3  }
0x27: {  	v3 =	vmul.u32 $0x640, v3  }
0x28: {  	v2 =	vand.u32 $0x7, v2  }
0x29: {  	v2 =	vor.u32 v2, v3  }
0x2a: {  	v2 =	vperm.xlane v2, v0;
	_ =	sdelay $0x1  }
0x2b: {  	v2 =	vadd.s32 v1, v2;
	_ =	sdelay $0x3  }
0x2c: {  	s0 =	simm.s32 $0x800  }
0x2d: {  	[tilespmem:s0], [sflag:$0x1] =	stream.indirect_vreg.gather [hbm4b:s3+s2], $0x80, v2, vm0, $0xb8;
	[tilespmem:$0x19800] =	vst v63  }
0x2e: {  	s20 =	simm.s32 $0x1000  }
0x2f: {  	[tilespmem:s20], [sflag:$0x1] =	stream.indirect_vreg.gather [hbm4b:s4+s2], $0x80, v2, vm0, $0xb8;
	[tilespmem:$0x19800] =	vst v63  }
0x30: {  	s21 =	simm.s32 $0x1800  }
0x31: {  	[tilespmem:s21], [sflag:$0x1] =	stream.indirect_vreg.gather [hbm4b:s5+s2], $0x80, v2, vm0, $0xb8;
	[tilespmem:$0x19800] =	vst v63  }
0x32: {  	s18 =	simm.s32 $0x2000  }
0x33: {  	[tilespmem:s18], [sflag:$0x1] =	stream.indirect_vreg.gather [hbm4b:s6+s2], $0x80, v2, vm0, $0xb8;
	[tilespmem:$0x19800] =	vst v63  }
0x34: {  	s20 =	simm.s32 $0x2800  }
0x35: {  	[tilespmem:s20], [sflag:$0x1] =	stream.indirect_vreg.gather [hbm4b:s7+s2], $0x80, v2, vm0, $0xb8;
	[tilespmem:$0x19800] =	vst v63  }
0x36: {  	s21 =	simm.s32 $0x3000  }
0x37: {  	[tilespmem:s21], [sflag:$0x1] =	stream.indirect_vreg.gather [hbm4b:s8+s2], $0x80, v2, vm0, $0xb8;
	[tilespmem:$0x19800] =	vst v63  }
0x38: {  	s18 =	simm.s32 $0x3800  }
0x39: {  	[tilespmem:s18], [sflag:$0x1] =	stream.indirect_vreg.gather [hbm4b:s9+s2], $0x80, v2, vm0, $0xb8;
	[tilespmem:$0x19800] =	vst v63  }
0x3a: {  	s20 =	simm.s32 $0x4000  }
0x3b: {  	[tilespmem:s20], [sflag:$0x1] =	stream.indirect_vreg.gather [hbm4b:s10+s2], $0x80, v2, vm0, $0xb8;
	[tilespmem:$0x19800] =	vst v63  }
0x3c: {  	s21 =	simm.s32 $0x4800  }
0x3d: {  	[tilespmem:s21], [sflag:$0x1] =	stream.indirect_vreg.gather [hbm4b:s11+s2], $0x80, v2, vm0, $0xb8;
	[tilespmem:$0x19800] =	vst v63  }
0x3e: {  	s18 =	simm.s32 $0x5000  }
0x3f: {  	[tilespmem:s18], [sflag:$0x1] =	stream.indirect_vreg.gather [hbm4b:s12+s2], $0x80, v2, vm0, $0xb8;
	[tilespmem:$0x19800] =	vst v63  }
0x40: {  	s20 =	simm.s32 $0x5800  }
0x41: {  	[tilespmem:s20], [sflag:$0x1] =	stream.indirect_vreg.gather [hbm4b:s13+s2], $0x80, v2, vm0, $0xb8;
	[tilespmem:$0x19800] =	vst v63  }
0x42: {  	s21 =	simm.s32 $0x6000  }
0x43: {  	[tilespmem:s21], [sflag:$0x1] =	stream.indirect_vreg.gather [hbm4b:s14+s2], $0x80, v2, vm0, $0xb8;
	[tilespmem:$0x19800] =	vst v63  }
0x44: {  	s18 =	simm.s32 $0x6800  }
0x45: {  	[tilespmem:s18], [sflag:$0x1] =	stream.indirect_vreg.gather [hbm4b:s15+s2], $0x80, v2, vm1, $0xb8;
	[tilespmem:$0x19800] =	vst v63  }
0x46: {  	v2 =	vld.msk [tilespmem:$0x80], $0x1;
	_ =	sdelay $0x4  }
0x47: {  	v3 =	vshrl.u32 v2, $0x3  }
0x48: {  	v3 =	vmul.u32 $0x640, v3  }
0x49: {  	v2 =	vand.u32 $0x7, v2  }
0x4a: {  	v2 =	vor.u32 v2, v3  }
0x4b: {  	v2 =	vperm.xlane v2, v0;
	_ =	sdelay $0x1  }
0x4c: {  	v2 =	vadd.s32 v1, v2;
	_ =	sdelay $0x3  }
0x4d: {  	s20 =	simm.s32 $0x6C00  }
0x4e: {  	[tilespmem:s20], [sflag:$0x2] =	stream.indirect_vreg.gather [hbm4b:s3+s2], $0x80, v2, vm0, $0xb8;
	[tilespmem:$0x19800] =	vst v63  }
0x4f: {  	s18 =	simm.s32 $0x7400  }
0x50: {  	[tilespmem:s18], [sflag:$0x2] =	stream.indirect_vreg.gather [hbm4b:s4+s2], $0x80, v2, vm0, $0xb8;
	[tilespmem:$0x19800] =	vst v63  }
0x51: {  	s21 =	simm.s32 $0x7C00  }
0x52: {  	[tilespmem:s21], [sflag:$0x2] =	stream.indirect_vreg.gather [hbm4b:s5+s2], $0x80, v2, vm0, $0xb8;
	[tilespmem:$0x19800] =	vst v63  }
0x53: {  	s0 =	simm.s32 $0x8400  }
0x54: {  	[tilespmem:s0], [sflag:$0x2] =	stream.indirect_vreg.gather [hbm4b:s6+s2], $0x80, v2, vm0, $0xb8;
	[tilespmem:$0x19800] =	vst v63  }
0x55: {  	s20 =	simm.s32 $0x8C00  }
0x56: {  	[tilespmem:s20], [sflag:$0x2] =	stream.indirect_vreg.gather [hbm4b:s7+s2], $0x80, v2, vm0, $0xb8;
	[tilespmem:$0x19800] =	vst v63  }
0x57: {  	s21 =	simm.s32 $0x9400  }
0x58: {  	[tilespmem:s21], [sflag:$0x2] =	stream.indirect_vreg.gather [hbm4b:s8+s2], $0x80, v2, vm0, $0xb8;
	[tilespmem:$0x19800] =	vst v63  }
0x59: {  	s0 =	simm.s32 $0x9C00  }
0x5a: {  	[tilespmem:s0], [sflag:$0x2] =	stream.indirect_vreg.gather [hbm4b:s9+s2], $0x80, v2, vm0, $0xb8;
	[tilespmem:$0x19800] =	vst v63  }
0x5b: {  	s20 =	simm.s32 $0xA400  }
0x5c: {  	[tilespmem:s20], [sflag:$0x2] =	stream.indirect_vreg.gather [hbm4b:s10+s2], $0x80, v2, vm0, $0xb8;
	[tilespmem:$0x19800] =	vst v63  }
0x5d: {  	s21 =	simm.s32 $0xAC00  }
0x5e: {  	[tilespmem:s21], [sflag:$0x2] =	stream.indirect_vreg.gather [hbm4b:s11+s2], $0x80, v2, vm0, $0xb8;
	[tilespmem:$0x19800] =	vst v63  }
0x5f: {  	s0 =	simm.s32 $0xB400  }
0x60: {  	[tilespmem:s0], [sflag:$0x2] =	stream.indirect_vreg.gather [hbm4b:s12+s2], $0x80, v2, vm0, $0xb8;
	[tilespmem:$0x19800] =	vst v63  }
0x61: {  	s20 =	simm.s32 $0xBC00  }
0x62: {  	[tilespmem:s20], [sflag:$0x2] =	stream.indirect_vreg.gather [hbm4b:s13+s2], $0x80, v2, vm0, $0xb8;
	[tilespmem:$0x19800] =	vst v63  }
0x63: {  	s21 =	simm.s32 $0xC400  }
0x64: {  	[tilespmem:s21], [sflag:$0x2] =	stream.indirect_vreg.gather [hbm4b:s14+s2], $0x80, v2, vm0, $0xb8;
	[tilespmem:$0x19800] =	vst v63  }
0x65: {  	s0 =	simm.s32 $0xCC00  }
0x66: {  	[tilespmem:s0], [sflag:$0x2] =	stream.indirect_vreg.gather [hbm4b:s15+s2], $0x80, v2, vm1, $0xb8;
	[tilespmem:$0x19800] =	vst v63  }
0x67: {  	v2 =	vld.msk [tilespmem:$0x100], $0x1;
	_ =	sdelay $0x4  }
0x68: {  	v3 =	vshrl.u32 v2, $0x3  }
0x69: {  	v3 =	vmul.u32 $0x640, v3  }
0x6a: {  	v2 =	vand.u32 $0x7, v2  }
0x6b: {  	v2 =	vor.u32 v2, v3  }
0x6c: {  	v2 =	vperm.xlane v2, v0;
	_ =	sdelay $0x1  }
0x6d: {  	v2 =	vadd.s32 v1, v2;
	_ =	sdelay $0x4  }
0x6e: {  	[tilespmem:s30], [sflag:$0x3] =	stream.indirect_vreg.gather [hbm4b:s3+s2], $0x80, v2, vm0, $0xb8;
	[tilespmem:$0x19800] =	vst v63  }
0x6f: {  	s18 =	simm.s32 $0xD800  }
0x70: {  	[tilespmem:s18], [sflag:$0x3] =	stream.indirect_vreg.gather [hbm4b:s4+s2], $0x80, v2, vm0, $0xb8;
	[tilespmem:$0x19800] =	vst v63  }
0x71: {  	s21 =	simm.s32 $0xE000  }
0x72: {  	[tilespmem:s21], [sflag:$0x3] =	stream.indirect_vreg.gather [hbm4b:s5+s2], $0x80, v2, vm0, $0xb8;
	[tilespmem:$0x19800] =	vst v63  }
0x73: {  	s0 =	simm.s32 $0xE800  }
0x74: {  	[tilespmem:s0], [sflag:$0x3] =	stream.indirect_vreg.gather [hbm4b:s6+s2], $0x80, v2, vm0, $0xb8;
	[tilespmem:$0x19800] =	vst v63  }
0x75: {  	s18 =	simm.s32 $0xF000  }
0x76: {  	[tilespmem:s18], [sflag:$0x3] =	stream.indirect_vreg.gather [hbm4b:s7+s2], $0x80, v2, vm0, $0xb8;
	[tilespmem:$0x19800] =	vst v63  }
0x77: {  	s21 =	simm.s32 $0xF800  }
0x78: {  	[tilespmem:s21], [sflag:$0x3] =	stream.indirect_vreg.gather [hbm4b:s8+s2], $0x80, v2, vm0, $0xb8;
	[tilespmem:$0x19800] =	vst v63  }
0x79: {  	s0 =	simm.s32 $0x10000  }
0x7a: {  	[tilespmem:s0], [sflag:$0x3] =	stream.indirect_vreg.gather [hbm4b:s9+s2], $0x80, v2, vm0, $0xb8;
	[tilespmem:$0x19800] =	vst v63  }
0x7b: {  	s18 =	simm.s32 $0x10800  }
0x7c: {  	[tilespmem:s18], [sflag:$0x3] =	stream.indirect_vreg.gather [hbm4b:s10+s2], $0x80, v2, vm0, $0xb8;
	[tilespmem:$0x19800] =	vst v63  }
0x7d: {  	s21 =	simm.s32 $0x11000  }
0x7e: {  	[tilespmem:s21], [sflag:$0x3] =	stream.indirect_vreg.gather [hbm4b:s11+s2], $0x80, v2, vm0, $0xb8;
	[tilespmem:$0x19800] =	vst v63  }
0x7f: {  	s0 =	simm.s32 $0x11800  }
0x80: {  	[tilespmem:s0], [sflag:$0x3] =	stream.indirect_vreg.gather [hbm4b:s12+s2], $0x80, v2, vm0, $0xb8;
	[tilespmem:$0x19800] =	vst v63  }
0x81: {  	s18 =	simm.s32 $0x12000  }
0x82: {  	[tilespmem:s18], [sflag:$0x3] =	stream.indirect_vreg.gather [hbm4b:s13+s2], $0x80, v2, vm0, $0xb8;
	[tilespmem:$0x19800] =	vst v63  }
0x83: {  	s21 =	simm.s32 $0x12800  }
0x84: {  	[tilespmem:s21], [sflag:$0x3] =	stream.indirect_vreg.gather [hbm4b:s14+s2], $0x80, v2, vm0, $0xb8;
	[tilespmem:$0x19800] =	vst v63  }
0x85: {  	s0 =	simm.s32 $0x13000  }
0x86: {  	[tilespmem:s0], [sflag:$0x3] =	stream.indirect_vreg.gather [hbm4b:s15+s2], $0x80, v2, vm1, $0xb8;
	[tilespmem:$0x19800] =	vst v63  }
0x87: {  	_ =	swait.ge [sflag:s29], $0x6400  }
0x88: {  	[sflag:s29] =	ssyncset.done $0x0  }
0x89: {  	s21 =	simm.s32 $0x800;
	s18 =	rddreg [dreg:$0x4];
	[sflag:s29] =	ssyncadd.s32 $0xFFFF9C00  }
0x8a: {  	[hbm4b:s18+s31] =	stream.strided.scatter [tilespmem:s21], [sflag:$0x5], $0x6400, s1, s31, $0x38;
	[tilespmem:$0x19800] =	vst v63  }
0x8b: {  	v2 =	vld.msk [tilespmem:$0x180], $0x1;
	_ =	sdelay $0x4  }
0x8c: {  	v3 =	vshrl.u32 v2, $0x3  }
0x8d: {  	v3 =	vmul.u32 $0x640, v3  }
0x8e: {  	v2 =	vand.u32 $0x7, v2  }
0x8f: {  	v2 =	vor.u32 v2, v3  }
0x90: {  	v2 =	vperm.xlane v2, v0;
	_ =	sdelay $0x1  }
0x91: {  	v2 =	vadd.s32 v1, v2;
	_ =	sdelay $0x4  }
0x92: {  	[tilespmem:s17], [sflag:$0x4] =	stream.indirect_vreg.gather [hbm4b:s3+s2], $0x80, v2, vm0, $0xb8;
	[tilespmem:$0x19800] =	vst v63  }
0x93: {  	s0 =	simm.s32 $0x13C00  }
0x94: {  	[tilespmem:s0], [sflag:$0x4] =	stream.indirect_vreg.gather [hbm4b:s4+s2], $0x80, v2, vm0, $0xb8;
	[tilespmem:$0x19800] =	vst v63  }
0x95: {  	s18 =	simm.s32 $0x14400  }
0x96: {  	[tilespmem:s18], [sflag:$0x4] =	stream.indirect_vreg.gather [hbm4b:s5+s2], $0x80, v2, vm0, $0xb8;
	[tilespmem:$0x19800] =	vst v63  }
0x97: {  	s0 =	simm.s32 $0x14C00  }
0x98: {  	[tilespmem:s0], [sflag:$0x4] =	stream.indirect_vreg.gather [hbm4b:s6+s2], $0x80, v2, vm0, $0xb8;
	[tilespmem:$0x19800] =	vst v63  }
0x99: {  	s18 =	simm.s32 $0x15400  }
0x9a: {  	[tilespmem:s18], [sflag:$0x4] =	stream.indirect_vreg.gather [hbm4b:s7+s2], $0x80, v2, vm0, $0xb8;
	[tilespmem:$0x19800] =	vst v63  }
0x9b: {  	s0 =	simm.s32 $0x15C00  }
0x9c: {  	[tilespmem:s0], [sflag:$0x4] =	stream.indirect_vreg.gather [hbm4b:s8+s2], $0x80, v2, vm0, $0xb8;
	[tilespmem:$0x19800] =	vst v63  }
0x9d: {  	s18 =	simm.s32 $0x16400  }
0x9e: {  	[tilespmem:s18], [sflag:$0x4] =	stream.indirect_vreg.gather [hbm4b:s9+s2], $0x80, v2, vm0, $0xb8;
	[tilespmem:$0x19800] =	vst v63  }
0x9f: {  	s0 =	simm.s32 $0x16C00  }
0xa0: {  	[tilespmem:s0], [sflag:$0x4] =	stream.indirect_vreg.gather [hbm4b:s10+s2], $0x80, v2, vm0, $0xb8;
	[tilespmem:$0x19800] =	vst v63  }
0xa1: {  	s18 =	simm.s32 $0x17400  }
0xa2: {  	[tilespmem:s18], [sflag:$0x4] =	stream.indirect_vreg.gather [hbm4b:s11+s2], $0x80, v2, vm0, $0xb8;
	[tilespmem:$0x19800] =	vst v63  }
0xa3: {  	s0 =	simm.s32 $0x17C00  }
0xa4: {  	[tilespmem:s0], [sflag:$0x4] =	stream.indirect_vreg.gather [hbm4b:s12+s2], $0x80, v2, vm0, $0xb8;
	[tilespmem:$0x19800] =	vst v63  }
0xa5: {  	s18 =	simm.s32 $0x18400  }
0xa6: {  	[tilespmem:s18], [sflag:$0x4] =	stream.indirect_vreg.gather [hbm4b:s13+s2], $0x80, v2, vm0, $0xb8;
	[tilespmem:$0x19800] =	vst v63  }
0xa7: {  	s0 =	simm.s32 $0x18C00  }
0xa8: {  	[tilespmem:s0], [sflag:$0x4] =	stream.indirect_vreg.gather [hbm4b:s14+s2], $0x80, v2, vm0, $0xb8;
	[tilespmem:$0x19800] =	vst v63  }
0xa9: {  	s18 =	simm.s32 $0x19400  }
0xaa: {  	[tilespmem:s18], [sflag:$0x4] =	stream.indirect_vreg.gather [hbm4b:s15+s2], $0x80, v2, vm1, $0xb8;
	[tilespmem:$0x19800] =	vst v63  }
0xab: {  	_ =	swait.ge [sflag:s22], $0x6400  }
0xac: {  	[sflag:s22] =	ssyncset.done $0x0  }
0xad: {  	s18 =	simm.s32 $0x6C00;
	s0 =	rddreg [dreg:$0x5];
	[sflag:s22] =	ssyncadd.s32 $0xFFFF9C00  }
0xae: {  	[hbm4b:s0+s31] =	stream.strided.scatter [tilespmem:s18], [sflag:$0x6], $0x6400, s1, s31, $0x38;
	[tilespmem:$0x19800] =	vst v63  }
0xaf: {  	_ =	swait.ge [sflag:s23], $0x6400  }
0xb0: {  	[sflag:s23] =	ssyncset.done $0x0  }
0xb1: {  	[sflag:s23] =	ssyncadd.s32 $0xFFFF9C00  }
0xb2: {  	v2 =	vld.msk [tilespmem:$0x200], $0x1;
	_ =	sdelay $0x4  }
0xb3: {  	v3 =	vshrl.u32 v2, $0x3  }
0xb4: {  	v3 =	vmul.u32 $0x640, v3  }
0xb5: {  	v2 =	vand.u32 $0x7, v2  }
0xb6: {  	v2 =	vor.u32 v2, v3  }
0xb7: {  	v2 =	vperm.xlane v2, v0;
	_ =	sdelay $0x1  }
0xb8: {  	v2 =	vadd.s32 v1, v2;
	_ =	sdelay $0x4  }
0xb9: {  	[tilespmem:s21], [sflag:$0x1] =	stream.indirect_vreg.gather [hbm4b:s3+s2], $0x80, v2, vm0, $0xb8;
	[tilespmem:$0x19800] =	vst v63  }
0xba: {  	s20 =	simm.s32 $0x1000  }
0xbb: {  	[tilespmem:s20], [sflag:$0x1] =	stream.indirect_vreg.gather [hbm4b:s4+s2], $0x80, v2, vm0, $0xb8;
	[tilespmem:$0x19800] =	vst v63  }
0xbc: {  	s20 =	simm.s32 $0x1800  }
0xbd: {  	[tilespmem:s20], [sflag:$0x1] =	stream.indirect_vreg.gather [hbm4b:s5+s2], $0x80, v2, vm0, $0xb8;
	[tilespmem:$0x19800] =	vst v63  }
0xbe: {  	s0 =	simm.s32 $0x2000  }
0xbf: {  	[tilespmem:s0], [sflag:$0x1] =	stream.indirect_vreg.gather [hbm4b:s6+s2], $0x80, v2, vm0, $0xb8;
	[tilespmem:$0x19800] =	vst v63  }
0xc0: {  	s0 =	simm.s32 $0x2800  }
0xc1: {  	[tilespmem:s0], [sflag:$0x1] =	stream.indirect_vreg.gather [hbm4b:s7+s2], $0x80, v2, vm0, $0xb8;
	[tilespmem:$0x19800] =	vst v63  }
0xc2: {  	s0 =	simm.s32 $0x3000  }
0xc3: {  	[tilespmem:s0], [sflag:$0x1] =	stream.indirect_vreg.gather [hbm4b:s8+s2], $0x80, v2, vm0, $0xb8;
	[tilespmem:$0x19800] =	vst v63  }
0xc4: {  	s0 =	simm.s32 $0x3800  }
0xc5: {  	[tilespmem:s0], [sflag:$0x1] =	stream.indirect_vreg.gather [hbm4b:s9+s2], $0x80, v2, vm0, $0xb8;
	[tilespmem:$0x19800] =	vst v63  }
0xc6: {  	s0 =	simm.s32 $0x4000  }
0xc7: {  	[tilespmem:s0], [sflag:$0x1] =	stream.indirect_vreg.gather [hbm4b:s10+s2], $0x80, v2, vm0, $0xb8;
	[tilespmem:$0x19800] =	vst v63  }
0xc8: {  	s0 =	simm.s32 $0x4800  }
0xc9: {  	[tilespmem:s0], [sflag:$0x1] =	stream.indirect_vreg.gather [hbm4b:s11+s2], $0x80, v2, vm0, $0xb8;
	[tilespmem:$0x19800] =	vst v63  }
0xca: {  	s0 =	simm.s32 $0x5000  }
0xcb: {  	[tilespmem:s0], [sflag:$0x1] =	stream.indirect_vreg.gather [hbm4b:s12+s2], $0x80, v2, vm0, $0xb8;
	[tilespmem:$0x19800] =	vst v63  }
0xcc: {  	s0 =	simm.s32 $0x5800  }
0xcd: {  	[tilespmem:s0], [sflag:$0x1] =	stream.indirect_vreg.gather [hbm4b:s13+s2], $0x80, v2, vm0, $0xb8;
	[tilespmem:$0x19800] =	vst v63  }
0xce: {  	s0 =	simm.s32 $0x6000  }
0xcf: {  	[tilespmem:s0], [sflag:$0x1] =	stream.indirect_vreg.gather [hbm4b:s14+s2], $0x80, v2, vm0, $0xb8;
	[tilespmem:$0x19800] =	vst v63  }
0xd0: {  	s0 =	simm.s32 $0x6800  }
0xd1: {  	[tilespmem:s0], [sflag:$0x1] =	stream.indirect_vreg.gather [hbm4b:s15+s2], $0x80, v2, vm1, $0xb8;
	[tilespmem:$0x19800] =	vst v63  }
0xd2: {  	_ =	swait.ge [sflag:s24], $0x6400  }
0xd3: {  	[sflag:s24] =	ssyncset.done $0x0  }
0xd4: {  	s0 =	rddreg [dreg:$0x6];
	[sflag:s24] =	ssyncadd.s32 $0xFFFF9C00  }
0xd5: {  	[hbm4b:s0+s31] =	stream.strided.scatter [tilespmem:s30], [sflag:$0x7], $0x6400, s1, s31, $0x38;
	[tilespmem:$0x19800] =	vst v63  }
0xd6: {  	_ =	swait.ge [sflag:s25], $0x6400  }
0xd7: {  	[sflag:s25] =	ssyncset.done $0x0  }
0xd8: {  	[sflag:s25] =	ssyncadd.s32 $0xFFFF9C00  }
0xd9: {  	v2 =	vld.msk [tilespmem:$0x280], $0x1;
	_ =	sdelay $0x4  }
0xda: {  	v3 =	vshrl.u32 v2, $0x3  }
0xdb: {  	v3 =	vmul.u32 $0x640, v3  }
0xdc: {  	v2 =	vand.u32 $0x7, v2  }
0xdd: {  	v2 =	vor.u32 v2, v3  }
0xde: {  	v2 =	vperm.xlane v2, v0;
	_ =	sdelay $0x1  }
0xdf: {  	v2 =	vadd.s32 v1, v2;
	_ =	sdelay $0x4  }
0xe0: {  	[tilespmem:s18], [sflag:$0x2] =	stream.indirect_vreg.gather [hbm4b:s3+s2], $0x80, v2, vm0, $0xb8;
	[tilespmem:$0x19800] =	vst v63  }
0xe1: {  	s0 =	simm.s32 $0x7400  }
0xe2: {  	[tilespmem:s0], [sflag:$0x2] =	stream.indirect_vreg.gather [hbm4b:s4+s2], $0x80, v2, vm0, $0xb8;
	[tilespmem:$0x19800] =	vst v63  }
0xe3: {  	s18 =	simm.s32 $0x7C00  }
0xe4: {  	[tilespmem:s18], [sflag:$0x2] =	stream.indirect_vreg.gather [hbm4b:s5+s2], $0x80, v2, vm0, $0xb8;
	[tilespmem:$0x19800] =	vst v63  }
0xe5: {  	s20 =	simm.s32 $0x8400  }
0xe6: {  	[tilespmem:s20], [sflag:$0x2] =	stream.indirect_vreg.gather [hbm4b:s6+s2], $0x80, v2, vm0, $0xb8;
	[tilespmem:$0x19800] =	vst v63  }
0xe7: {  	s0 =	simm.s32 $0x8C00  }
0xe8: {  	[tilespmem:s0], [sflag:$0x2] =	stream.indirect_vreg.gather [hbm4b:s7+s2], $0x80, v2, vm0, $0xb8;
	[tilespmem:$0x19800] =	vst v63  }
0xe9: {  	s0 =	simm.s32 $0x9400  }
0xea: {  	[tilespmem:s0], [sflag:$0x2] =	stream.indirect_vreg.gather [hbm4b:s8+s2], $0x80, v2, vm0, $0xb8;
	[tilespmem:$0x19800] =	vst v63  }
0xeb: {  	s0 =	simm.s32 $0x9C00  }
0xec: {  	[tilespmem:s0], [sflag:$0x2] =	stream.indirect_vreg.gather [hbm4b:s9+s2], $0x80, v2, vm0, $0xb8;
	[tilespmem:$0x19800] =	vst v63  }
0xed: {  	s0 =	simm.s32 $0xA400  }
0xee: {  	[tilespmem:s0], [sflag:$0x2] =	stream.indirect_vreg.gather [hbm4b:s10+s2], $0x80, v2, vm0, $0xb8;
	[tilespmem:$0x19800] =	vst v63  }
0xef: {  	s0 =	simm.s32 $0xAC00  }
0xf0: {  	[tilespmem:s0], [sflag:$0x2] =	stream.indirect_vreg.gather [hbm4b:s11+s2], $0x80, v2, vm0, $0xb8;
	[tilespmem:$0x19800] =	vst v63  }
0xf1: {  	s0 =	simm.s32 $0xB400  }
0xf2: {  	[tilespmem:s0], [sflag:$0x2] =	stream.indirect_vreg.gather [hbm4b:s12+s2], $0x80, v2, vm0, $0xb8;
	[tilespmem:$0x19800] =	vst v63  }
0xf3: {  	s0 =	simm.s32 $0xBC00  }
0xf4: {  	[tilespmem:s0], [sflag:$0x2] =	stream.indirect_vreg.gather [hbm4b:s13+s2], $0x80, v2, vm0, $0xb8;
	[tilespmem:$0x19800] =	vst v63  }
0xf5: {  	s0 =	simm.s32 $0xC400  }
0xf6: {  	[tilespmem:s0], [sflag:$0x2] =	stream.indirect_vreg.gather [hbm4b:s14+s2], $0x80, v2, vm0, $0xb8;
	[tilespmem:$0x19800] =	vst v63  }
0xf7: {  	s0 =	simm.s32 $0xCC00  }
0xf8: {  	[tilespmem:s0], [sflag:$0x2] =	stream.indirect_vreg.gather [hbm4b:s15+s2], $0x80, v2, vm1, $0xb8;
	[tilespmem:$0x19800] =	vst v63  }
0xf9: {  	_ =	swait.ge [sflag:s26], $0x6400  }
0xfa: {  	[sflag:s26] =	ssyncset.done $0x0  }
0xfb: {  	s0 =	rddreg [dreg:$0x7];
	[sflag:s26] =	ssyncadd.s32 $0xFFFF9C00  }
0xfc: {  	[hbm4b:s0+s31] =	stream.strided.scatter [tilespmem:s17], [sflag:$0x8], $0x6400, s1, s31, $0x38;
	[tilespmem:$0x19800] =	vst v63  }
0xfd: {  	_ =	swait.ge [sflag:s28], $0x6400  }
0xfe: {  	[sflag:s28] =	ssyncset.done $0x0  }
0xff: {  	[sflag:s28] =	ssyncadd.s32 $0xFFFF9C00  }
0x100: {  	v2 =	vld.msk [tilespmem:$0x300], $0x1;
	_ =	sdelay $0x4  }
0x101: {  	v3 =	vshrl.u32 v2, $0x3  }
0x102: {  	v3 =	vmul.u32 $0x640, v3  }
0x103: {  	v2 =	vand.u32 $0x7, v2  }
0x104: {  	v2 =	vor.u32 v2, v3  }
0x105: {  	v2 =	vperm.xlane v2, v0;
	_ =	sdelay $0x1  }
0x106: {  	v2 =	vadd.s32 v1, v2;
	_ =	sdelay $0x4  }
0x107: {  	[tilespmem:s30], [sflag:$0x3] =	stream.indirect_vreg.gather [hbm4b:s3+s2], $0x80, v2, vm0, $0xb8;
	[tilespmem:$0x19800] =	vst v63  }
0x108: {  	s20 =	simm.s32 $0xD800  }
0x109: {  	[tilespmem:s20], [sflag:$0x3] =	stream.indirect_vreg.gather [hbm4b:s4+s2], $0x80, v2, vm0, $0xb8;
	[tilespmem:$0x19800] =	vst v63  }
0x10a: {  	s20 =	simm.s32 $0xE000  }
0x10b: {  	[tilespmem:s20], [sflag:$0x3] =	stream.indirect_vreg.gather [hbm4b:s5+s2], $0x80, v2, vm0, $0xb8;
	[tilespmem:$0x19800] =	vst v63  }
0x10c: {  	s20 =	simm.s32 $0xE800  }
0x10d: {  	[tilespmem:s20], [sflag:$0x3] =	stream.indirect_vreg.gather [hbm4b:s6+s2], $0x80, v2, vm0, $0xb8;
	[tilespmem:$0x19800] =	vst v63  }
0x10e: {  	s20 =	simm.s32 $0xF000  }
0x10f: {  	[tilespmem:s20], [sflag:$0x3] =	stream.indirect_vreg.gather [hbm4b:s7+s2], $0x80, v2, vm0, $0xb8;
	[tilespmem:$0x19800] =	vst v63  }
0x110: {  	s20 =	simm.s32 $0xF800  }
0x111: {  	[tilespmem:s20], [sflag:$0x3] =	stream.indirect_vreg.gather [hbm4b:s8+s2], $0x80, v2, vm0, $0xb8;
	[tilespmem:$0x19800] =	vst v63  }
0x112: {  	s20 =	simm.s32 $0x10000  }
0x113: {  	[tilespmem:s20], [sflag:$0x3] =	stream.indirect_vreg.gather [hbm4b:s9+s2], $0x80, v2, vm0, $0xb8;
	[tilespmem:$0x19800] =	vst v63  }
0x114: {  	s20 =	simm.s32 $0x10800  }
0x115: {  	[tilespmem:s20], [sflag:$0x3] =	stream.indirect_vreg.gather [hbm4b:s10+s2], $0x80, v2, vm0, $0xb8;
	[tilespmem:$0x19800] =	vst v63  }
0x116: {  	s20 =	simm.s32 $0x11000  }
0x117: {  	[tilespmem:s20], [sflag:$0x3] =	stream.indirect_vreg.gather [hbm4b:s11+s2], $0x80, v2, vm0, $0xb8;
	[tilespmem:$0x19800] =	vst v63  }
0x118: {  	s20 =	simm.s32 $0x11800  }
0x119: {  	[tilespmem:s20], [sflag:$0x3] =	stream.indirect_vreg.gather [hbm4b:s12+s2], $0x80, v2, vm0, $0xb8;
	[tilespmem:$0x19800] =	vst v63  }
0x11a: {  	s20 =	simm.s32 $0x12000  }
0x11b: {  	[tilespmem:s20], [sflag:$0x3] =	stream.indirect_vreg.gather [hbm4b:s13+s2], $0x80, v2, vm0, $0xb8;
	[tilespmem:$0x19800] =	vst v63  }
0x11c: {  	s20 =	simm.s32 $0x12800  }
0x11d: {  	[tilespmem:s20], [sflag:$0x3] =	stream.indirect_vreg.gather [hbm4b:s14+s2], $0x80, v2, vm0, $0xb8;
	[tilespmem:$0x19800] =	vst v63  }
0x11e: {  	s20 =	simm.s32 $0x13000  }
0x11f: {  	[tilespmem:s20], [sflag:$0x3] =	stream.indirect_vreg.gather [hbm4b:s15+s2], $0x80, v2, vm1, $0xb8;
	[tilespmem:$0x19800] =	vst v63  }
0x120: {  	_ =	swait.ge [sflag:s29], $0x6400  }
0x121: {  	[sflag:s29] =	ssyncset.done $0x0  }
0x122: {  	s21 =	simm.s32 $0x800;
	s0 =	rddreg [dreg:$0x8];
	[sflag:s29] =	ssyncadd.s32 $0xFFFF9C00  }
0x123: {  	[hbm4b:s0+s31] =	stream.strided.scatter [tilespmem:s21], [sflag:$0x5], $0x6400, s1, s31, $0x38;
	[tilespmem:$0x19800] =	vst v63  }
0x124: {  	_ =	swait.ge [sflag:s19], $0x6400  }
0x125: {  	[sflag:s19] =	ssyncset.done $0x0  }
0x126: {  	[sflag:s19] =	ssyncadd.s32 $0xFFFF9C00  }
0x127: {  	v2 =	vld.msk [tilespmem:$0x380], $0x1;
	_ =	sdelay $0x4  }
0x128: {  	v3 =	vshrl.u32 v2, $0x3  }
0x129: {  	v3 =	vmul.u32 $0x640, v3  }
0x12a: {  	v2 =	vand.u32 $0x7, v2  }
0x12b: {  	v2 =	vor.u32 v2, v3  }
0x12c: {  	v2 =	vperm.xlane v2, v0;
	_ =	sdelay $0x1  }
0x12d: {  	v2 =	vadd.s32 v1, v2;
	_ =	sdelay $0x4  }
0x12e: {  	[tilespmem:s17], [sflag:$0x4] =	stream.indirect_vreg.gather [hbm4b:s3+s2], $0x80, v2, vm0, $0xb8;
	[tilespmem:$0x19800] =	vst v63  }
0x12f: {  	s20 =	simm.s32 $0x13C00  }
0x130: {  	[tilespmem:s20], [sflag:$0x4] =	stream.indirect_vreg.gather [hbm4b:s4+s2], $0x80, v2, vm0, $0xb8;
	[tilespmem:$0x19800] =	vst v63  }
0x131: {  	s20 =	simm.s32 $0x14400  }
0x132: {  	[tilespmem:s20], [sflag:$0x4] =	stream.indirect_vreg.gather [hbm4b:s5+s2], $0x80, v2, vm0, $0xb8;
	[tilespmem:$0x19800] =	vst v63  }
0x133: {  	s20 =	simm.s32 $0x14C00  }
0x134: {  	[tilespmem:s20], [sflag:$0x4] =	stream.indirect_vreg.gather [hbm4b:s6+s2], $0x80, v2, vm0, $0xb8;
	[tilespmem:$0x19800] =	vst v63  }
0x135: {  	s20 =	simm.s32 $0x15400  }
0x136: {  	[tilespmem:s20], [sflag:$0x4] =	stream.indirect_vreg.gather [hbm4b:s7+s2], $0x80, v2, vm0, $0xb8;
	[tilespmem:$0x19800] =	vst v63  }
0x137: {  	s20 =	simm.s32 $0x15C00  }
0x138: {  	[tilespmem:s20], [sflag:$0x4] =	stream.indirect_vreg.gather [hbm4b:s8+s2], $0x80, v2, vm0, $0xb8;
	[tilespmem:$0x19800] =	vst v63  }
0x139: {  	s20 =	simm.s32 $0x16400  }
0x13a: {  	[tilespmem:s20], [sflag:$0x4] =	stream.indirect_vreg.gather [hbm4b:s9+s2], $0x80, v2, vm0, $0xb8;
	[tilespmem:$0x19800] =	vst v63  }
0x13b: {  	s20 =	simm.s32 $0x16C00  }
0x13c: {  	[tilespmem:s20], [sflag:$0x4] =	stream.indirect_vreg.gather [hbm4b:s10+s2], $0x80, v2, vm0, $0xb8;
	[tilespmem:$0x19800] =	vst v63  }
0x13d: {  	s20 =	simm.s32 $0x17400  }
0x13e: {  	[tilespmem:s20], [sflag:$0x4] =	stream.indirect_vreg.gather [hbm4b:s11+s2], $0x80, v2, vm0, $0xb8;
	[tilespmem:$0x19800] =	vst v63  }
0x13f: {  	s20 =	simm.s32 $0x17C00  }
0x140: {  	[tilespmem:s20], [sflag:$0x4] =	stream.indirect_vreg.gather [hbm4b:s12+s2], $0x80, v2, vm0, $0xb8;
	[tilespmem:$0x19800] =	vst v63  }
0x141: {  	s20 =	simm.s32 $0x18400  }
0x142: {  	[tilespmem:s20], [sflag:$0x4] =	stream.indirect_vreg.gather [hbm4b:s13+s2], $0x80, v2, vm0, $0xb8;
	[tilespmem:$0x19800] =	vst v63  }
0x143: {  	s20 =	simm.s32 $0x18C00  }
0x144: {  	[tilespmem:s20], [sflag:$0x4] =	stream.indirect_vreg.gather [hbm4b:s14+s2], $0x80, v2, vm0, $0xb8;
	[tilespmem:$0x19800] =	vst v63  }
0x145: {  	s20 =	simm.s32 $0x19400  }
0x146: {  	[tilespmem:s20], [sflag:$0x4] =	stream.indirect_vreg.gather [hbm4b:s15+s2], $0x80, v2, vm1, $0xb8;
	[tilespmem:$0x19800] =	vst v63  }
0x147: {  	_ =	swait.ge [sflag:s22], $0x6400  }
0x148: {  	[sflag:s22] =	ssyncset.done $0x0  }
0x149: {  	s0 =	simm.s32 $0x6C00;
	s20 =	rddreg [dreg:$0x9];
	[sflag:s22] =	ssyncadd.s32 $0xFFFF9C00  }
0x14a: {  	[hbm4b:s20+s31] =	stream.strided.scatter [tilespmem:s0], [sflag:$0x6], $0x6400, s1, s31, $0x38;
	[tilespmem:$0x19800] =	vst v63  }
0x14b: {  	_ =	swait.ge [sflag:s23], $0x6400  }
0x14c: {  	[sflag:s23] =	ssyncset.done $0x0  }
0x14d: {  	[sflag:s23] =	ssyncadd.s32 $0xFFFF9C00  }
0x14e: {  	v2 =	vld.msk [tilespmem:$0x400], $0x1;
	_ =	sdelay $0x4  }
0x14f: {  	v3 =	vshrl.u32 v2, $0x3  }
0x150: {  	v3 =	vmul.u32 $0x640, v3  }
0x151: {  	v2 =	vand.u32 $0x7, v2  }
0x152: {  	v2 =	vor.u32 v2, v3  }
0x153: {  	v2 =	vperm.xlane v2, v0;
	_ =	sdelay $0x1  }
0x154: {  	v2 =	vadd.s32 v1, v2;
	_ =	sdelay $0x4  }
0x155: {  	[tilespmem:s21], [sflag:$0x1] =	stream.indirect_vreg.gather [hbm4b:s3+s2], $0x80, v2, vm0, $0xb8;
	[tilespmem:$0x19800] =	vst v63  }
0x156: {  	s21 =	simm.s32 $0x1000  }
0x157: {  	[tilespmem:s21], [sflag:$0x1] =	stream.indirect_vreg.gather [hbm4b:s4+s2], $0x80, v2, vm0, $0xb8;
	[tilespmem:$0x19800] =	vst v63  }
0x158: {  	s21 =	simm.s32 $0x1800  }
0x159: {  	[tilespmem:s21], [sflag:$0x1] =	stream.indirect_vreg.gather [hbm4b:s5+s2], $0x80, v2, vm0, $0xb8;
	[tilespmem:$0x19800] =	vst v63  }
0x15a: {  	s21 =	simm.s32 $0x2000  }
0x15b: {  	[tilespmem:s21], [sflag:$0x1] =	stream.indirect_vreg.gather [hbm4b:s6+s2], $0x80, v2, vm0, $0xb8;
	[tilespmem:$0x19800] =	vst v63  }
0x15c: {  	s21 =	simm.s32 $0x2800  }
0x15d: {  	[tilespmem:s21], [sflag:$0x1] =	stream.indirect_vreg.gather [hbm4b:s7+s2], $0x80, v2, vm0, $0xb8;
	[tilespmem:$0x19800] =	vst v63  }
0x15e: {  	s21 =	simm.s32 $0x3000  }
0x15f: {  	[tilespmem:s21], [sflag:$0x1] =	stream.indirect_vreg.gather [hbm4b:s8+s2], $0x80, v2, vm0, $0xb8;
	[tilespmem:$0x19800] =	vst v63  }
0x160: {  	s21 =	simm.s32 $0x3800  }
0x161: {  	[tilespmem:s21], [sflag:$0x1] =	stream.indirect_vreg.gather [hbm4b:s9+s2], $0x80, v2, vm0, $0xb8;
	[tilespmem:$0x19800] =	vst v63  }
0x162: {  	s21 =	simm.s32 $0x4000  }
0x163: {  	[tilespmem:s21], [sflag:$0x1] =	stream.indirect_vreg.gather [hbm4b:s10+s2], $0x80, v2, vm0, $0xb8;
	[tilespmem:$0x19800] =	vst v63  }
0x164: {  	s21 =	simm.s32 $0x4800  }
0x165: {  	[tilespmem:s21], [sflag:$0x1] =	stream.indirect_vreg.gather [hbm4b:s11+s2], $0x80, v2, vm0, $0xb8;
	[tilespmem:$0x19800] =	vst v63  }
0x166: {  	s21 =	simm.s32 $0x5000  }
0x167: {  	[tilespmem:s21], [sflag:$0x1] =	stream.indirect_vreg.gather [hbm4b:s12+s2], $0x80, v2, vm0, $0xb8;
	[tilespmem:$0x19800] =	vst v63  }
0x168: {  	s21 =	simm.s32 $0x5800  }
0x169: {  	[tilespmem:s21], [sflag:$0x1] =	stream.indirect_vreg.gather [hbm4b:s13+s2], $0x80, v2, vm0, $0xb8;
	[tilespmem:$0x19800] =	vst v63  }
0x16a: {  	s21 =	simm.s32 $0x6000  }
0x16b: {  	[tilespmem:s21], [sflag:$0x1] =	stream.indirect_vreg.gather [hbm4b:s14+s2], $0x80, v2, vm0, $0xb8;
	[tilespmem:$0x19800] =	vst v63  }
0x16c: {  	s21 =	simm.s32 $0x6800  }
0x16d: {  	[tilespmem:s21], [sflag:$0x1] =	stream.indirect_vreg.gather [hbm4b:s15+s2], $0x80, v2, vm1, $0xb8;
	[tilespmem:$0x19800] =	vst v63  }
0x16e: {  	_ =	swait.ge [sflag:s24], $0x6400  }
0x16f: {  	[sflag:s24] =	ssyncset.done $0x0  }
0x170: {  	s21 =	rddreg [dreg:$0xa];
	[sflag:s24] =	ssyncadd.s32 $0xFFFF9C00  }
0x171: {  	[hbm4b:s21+s31] =	stream.strided.scatter [tilespmem:s30], [sflag:$0x7], $0x6400, s1, s31, $0x38;
	[tilespmem:$0x19800] =	vst v63  }
0x172: {  	_ =	swait.ge [sflag:s25], $0x6400  }
0x173: {  	[sflag:s25] =	ssyncset.done $0x0  }
0x174: {  	[sflag:s25] =	ssyncadd.s32 $0xFFFF9C00  }
0x175: {  	v2 =	vld.msk [tilespmem:$0x480], $0x1;
	_ =	sdelay $0x4  }
0x176: {  	v3 =	vshrl.u32 v2, $0x3  }
0x177: {  	v3 =	vmul.u32 $0x640, v3  }
0x178: {  	v2 =	vand.u32 $0x7, v2  }
0x179: {  	v2 =	vor.u32 v2, v3  }
0x17a: {  	v2 =	vperm.xlane v2, v0;
	_ =	sdelay $0x1  }
0x17b: {  	v2 =	vadd.s32 v1, v2;
	_ =	sdelay $0x4  }
0x17c: {  	[tilespmem:s0], [sflag:$0x2] =	stream.indirect_vreg.gather [hbm4b:s3+s2], $0x80, v2, vm0, $0xb8;
	[tilespmem:$0x19800] =	vst v63  }
0x17d: {  	s0 =	simm.s32 $0x7400  }
0x17e: {  	[tilespmem:s0], [sflag:$0x2] =	stream.indirect_vreg.gather [hbm4b:s4+s2], $0x80, v2, vm0, $0xb8;
	[tilespmem:$0x19800] =	vst v63  }
0x17f: {  	_ = 	snop  }
0x180: {  	[tilespmem:s18], [sflag:$0x2] =	stream.indirect_vreg.gather [hbm4b:s5+s2], $0x80, v2, vm0, $0xb8;
	[tilespmem:$0x19800] =	vst v63  }
0x181: {  	s20 =	simm.s32 $0x8400  }
0x182: {  	[tilespmem:s20], [sflag:$0x2] =	stream.indirect_vreg.gather [hbm4b:s6+s2], $0x80, v2, vm0, $0xb8;
	[tilespmem:$0x19800] =	vst v63  }
0x183: {  	s0 =	simm.s32 $0x8C00  }
0x184: {  	[tilespmem:s0], [sflag:$0x2] =	stream.indirect_vreg.gather [hbm4b:s7+s2], $0x80, v2, vm0, $0xb8;
	[tilespmem:$0x19800] =	vst v63  }
0x185: {  	s0 =	simm.s32 $0x9400  }
0x186: {  	[tilespmem:s0], [sflag:$0x2] =	stream.indirect_vreg.gather [hbm4b:s8+s2], $0x80, v2, vm0, $0xb8;
	[tilespmem:$0x19800] =	vst v63  }
0x187: {  	s0 =	simm.s32 $0x9C00  }
0x188: {  	[tilespmem:s0], [sflag:$0x2] =	stream.indirect_vreg.gather [hbm4b:s9+s2], $0x80, v2, vm0, $0xb8;
	[tilespmem:$0x19800] =	vst v63  }
0x189: {  	s0 =	simm.s32 $0xA400  }
0x18a: {  	[tilespmem:s0], [sflag:$0x2] =	stream.indirect_vreg.gather [hbm4b:s10+s2], $0x80, v2, vm0, $0xb8;
	[tilespmem:$0x19800] =	vst v63  }
0x18b: {  	s0 =	simm.s32 $0xAC00  }
0x18c: {  	[tilespmem:s0], [sflag:$0x2] =	stream.indirect_vreg.gather [hbm4b:s11+s2], $0x80, v2, vm0, $0xb8;
	[tilespmem:$0x19800] =	vst v63  }
0x18d: {  	s0 =	simm.s32 $0xB400  }
0x18e: {  	[tilespmem:s0], [sflag:$0x2] =	stream.indirect_vreg.gather [hbm4b:s12+s2], $0x80, v2, vm0, $0xb8;
	[tilespmem:$0x19800] =	vst v63  }
0x18f: {  	s0 =	simm.s32 $0xBC00  }
0x190: {  	[tilespmem:s0], [sflag:$0x2] =	stream.indirect_vreg.gather [hbm4b:s13+s2], $0x80, v2, vm0, $0xb8;
	[tilespmem:$0x19800] =	vst v63  }
0x191: {  	s0 =	simm.s32 $0xC400  }
0x192: {  	[tilespmem:s0], [sflag:$0x2] =	stream.indirect_vreg.gather [hbm4b:s14+s2], $0x80, v2, vm0, $0xb8;
	[tilespmem:$0x19800] =	vst v63  }
0x193: {  	s0 =	simm.s32 $0xCC00  }
0x194: {  	[tilespmem:s0], [sflag:$0x2] =	stream.indirect_vreg.gather [hbm4b:s15+s2], $0x80, v2, vm1, $0xb8;
	[tilespmem:$0x19800] =	vst v63  }
0x195: {  	_ =	swait.ge [sflag:s26], $0x6400  }
0x196: {  	[sflag:s26] =	ssyncset.done $0x0  }
0x197: {  	s0 =	rddreg [dreg:$0xb];
	[sflag:s26] =	ssyncadd.s32 $0xFFFF9C00  }
0x198: {  	[hbm4b:s0+s31] =	stream.strided.scatter [tilespmem:s17], [sflag:$0x8], $0x6400, s1, s31, $0x38;
	[tilespmem:$0x19800] =	vst v63  }
0x199: {  	_ =	swait.ge [sflag:s28], $0x6400  }
0x19a: {  	[sflag:s28] =	ssyncset.done $0x0  }
0x19b: {  	[sflag:s28] =	ssyncadd.s32 $0xFFFF9C00  }
0x19c: {  	v2 =	vld.msk [tilespmem:$0x500], $0x1;
	_ =	sdelay $0x4  }
0x19d: {  	v3 =	vshrl.u32 v2, $0x3  }
0x19e: {  	v3 =	vmul.u32 $0x640, v3  }
0x19f: {  	v2 =	vand.u32 $0x7, v2  }
0x1a0: {  	v2 =	vor.u32 v2, v3  }
0x1a1: {  	v2 =	vperm.xlane v2, v0;
	_ =	sdelay $0x1  }
0x1a2: {  	v2 =	vadd.s32 v1, v2;
	_ =	sdelay $0x4  }
0x1a3: {  	[tilespmem:s30], [sflag:$0x3] =	stream.indirect_vreg.gather [hbm4b:s3+s2], $0x80, v2, vm0, $0xb8;
	[tilespmem:$0x19800] =	vst v63  }
0x1a4: {  	s20 =	simm.s32 $0xD800  }
0x1a5: {  	[tilespmem:s20], [sflag:$0x3] =	stream.indirect_vreg.gather [hbm4b:s4+s2], $0x80, v2, vm0, $0xb8;
	[tilespmem:$0x19800] =	vst v63  }
0x1a6: {  	s20 =	simm.s32 $0xE000  }
0x1a7: {  	[tilespmem:s20], [sflag:$0x3] =	stream.indirect_vreg.gather [hbm4b:s5+s2], $0x80, v2, vm0, $0xb8;
	[tilespmem:$0x19800] =	vst v63  }
0x1a8: {  	s20 =	simm.s32 $0xE800  }
0x1a9: {  	[tilespmem:s20], [sflag:$0x3] =	stream.indirect_vreg.gather [hbm4b:s6+s2], $0x80, v2, vm0, $0xb8;
	[tilespmem:$0x19800] =	vst v63  }
0x1aa: {  	s20 =	simm.s32 $0xF000  }
0x1ab: {  	[tilespmem:s20], [sflag:$0x3] =	stream.indirect_vreg.gather [hbm4b:s7+s2], $0x80, v2, vm0, $0xb8;
	[tilespmem:$0x19800] =	vst v63  }
0x1ac: {  	s20 =	simm.s32 $0xF800  }
0x1ad: {  	[tilespmem:s20], [sflag:$0x3] =	stream.indirect_vreg.gather [hbm4b:s8+s2], $0x80, v2, vm0, $0xb8;
	[tilespmem:$0x19800] =	vst v63  }
0x1ae: {  	s20 =	simm.s32 $0x10000  }
0x1af: {  	[tilespmem:s20], [sflag:$0x3] =	stream.indirect_vreg.gather [hbm4b:s9+s2], $0x80, v2, vm0, $0xb8;
	[tilespmem:$0x19800] =	vst v63  }
0x1b0: {  	s20 =	simm.s32 $0x10800  }
0x1b1: {  	[tilespmem:s20], [sflag:$0x3] =	stream.indirect_vreg.gather [hbm4b:s10+s2], $0x80, v2, vm0, $0xb8;
	[tilespmem:$0x19800] =	vst v63  }
0x1b2: {  	s20 =	simm.s32 $0x11000  }
0x1b3: {  	[tilespmem:s20], [sflag:$0x3] =	stream.indirect_vreg.gather [hbm4b:s11+s2], $0x80, v2, vm0, $0xb8;
	[tilespmem:$0x19800] =	vst v63  }
0x1b4: {  	s20 =	simm.s32 $0x11800  }
0x1b5: {  	[tilespmem:s20], [sflag:$0x3] =	stream.indirect_vreg.gather [hbm4b:s12+s2], $0x80, v2, vm0, $0xb8;
	[tilespmem:$0x19800] =	vst v63  }
0x1b6: {  	s20 =	simm.s32 $0x12000  }
0x1b7: {  	[tilespmem:s20], [sflag:$0x3] =	stream.indirect_vreg.gather [hbm4b:s13+s2], $0x80, v2, vm0, $0xb8;
	[tilespmem:$0x19800] =	vst v63  }
0x1b8: {  	s20 =	simm.s32 $0x12800  }
0x1b9: {  	[tilespmem:s20], [sflag:$0x3] =	stream.indirect_vreg.gather [hbm4b:s14+s2], $0x80, v2, vm0, $0xb8;
	[tilespmem:$0x19800] =	vst v63  }
0x1ba: {  	s20 =	simm.s32 $0x13000  }
0x1bb: {  	[tilespmem:s20], [sflag:$0x3] =	stream.indirect_vreg.gather [hbm4b:s15+s2], $0x80, v2, vm1, $0xb8;
	[tilespmem:$0x19800] =	vst v63  }
0x1bc: {  	_ =	swait.ge [sflag:s29], $0x6400  }
0x1bd: {  	[sflag:s29] =	ssyncset.done $0x0  }
0x1be: {  	s0 =	simm.s32 $0x800;
	s20 =	rddreg [dreg:$0xc];
	[sflag:s29] =	ssyncadd.s32 $0xFFFF9C00  }
0x1bf: {  	[hbm4b:s20+s31] =	stream.strided.scatter [tilespmem:s0], [sflag:$0x5], $0x6400, s1, s31, $0x38;
	[tilespmem:$0x19800] =	vst v63  }
0x1c0: {  	_ =	swait.ge [sflag:s19], $0x6400  }
0x1c1: {  	[sflag:s19] =	ssyncset.done $0x0  }
0x1c2: {  	[sflag:s19] =	ssyncadd.s32 $0xFFFF9C00  }
0x1c3: {  	v2 =	vld.msk [tilespmem:$0x580], $0x1;
	_ =	sdelay $0x4  }
0x1c4: {  	v3 =	vshrl.u32 v2, $0x3  }
0x1c5: {  	v3 =	vmul.u32 $0x640, v3  }
0x1c6: {  	v2 =	vand.u32 $0x7, v2  }
0x1c7: {  	v2 =	vor.u32 v2, v3  }
0x1c8: {  	v2 =	vperm.xlane v2, v0;
	_ =	sdelay $0x1  }
0x1c9: {  	v2 =	vadd.s32 v1, v2;
	_ =	sdelay $0x4  }
0x1ca: {  	[tilespmem:s17], [sflag:$0x4] =	stream.indirect_vreg.gather [hbm4b:s3+s2], $0x80, v2, vm0, $0xb8;
	[tilespmem:$0x19800] =	vst v63  }
0x1cb: {  	s20 =	simm.s32 $0x13C00  }
0x1cc: {  	[tilespmem:s20], [sflag:$0x4] =	stream.indirect_vreg.gather [hbm4b:s4+s2], $0x80, v2, vm0, $0xb8;
	[tilespmem:$0x19800] =	vst v63  }
0x1cd: {  	s20 =	simm.s32 $0x14400  }
0x1ce: {  	[tilespmem:s20], [sflag:$0x4] =	stream.indirect_vreg.gather [hbm4b:s5+s2], $0x80, v2, vm0, $0xb8;
	[tilespmem:$0x19800] =	vst v63  }
0x1cf: {  	s20 =	simm.s32 $0x14C00  }
0x1d0: {  	[tilespmem:s20], [sflag:$0x4] =	stream.indirect_vreg.gather [hbm4b:s6+s2], $0x80, v2, vm0, $0xb8;
	[tilespmem:$0x19800] =	vst v63  }
0x1d1: {  	s20 =	simm.s32 $0x15400  }
0x1d2: {  	[tilespmem:s20], [sflag:$0x4] =	stream.indirect_vreg.gather [hbm4b:s7+s2], $0x80, v2, vm0, $0xb8;
	[tilespmem:$0x19800] =	vst v63  }
0x1d3: {  	s20 =	simm.s32 $0x15C00  }
0x1d4: {  	[tilespmem:s20], [sflag:$0x4] =	stream.indirect_vreg.gather [hbm4b:s8+s2], $0x80, v2, vm0, $0xb8;
	[tilespmem:$0x19800] =	vst v63  }
0x1d5: {  	s20 =	simm.s32 $0x16400  }
0x1d6: {  	[tilespmem:s20], [sflag:$0x4] =	stream.indirect_vreg.gather [hbm4b:s9+s2], $0x80, v2, vm0, $0xb8;
	[tilespmem:$0x19800] =	vst v63  }
0x1d7: {  	s20 =	simm.s32 $0x16C00  }
0x1d8: {  	[tilespmem:s20], [sflag:$0x4] =	stream.indirect_vreg.gather [hbm4b:s10+s2], $0x80, v2, vm0, $0xb8;
	[tilespmem:$0x19800] =	vst v63  }
0x1d9: {  	s20 =	simm.s32 $0x17400  }
0x1da: {  	[tilespmem:s20], [sflag:$0x4] =	stream.indirect_vreg.gather [hbm4b:s11+s2], $0x80, v2, vm0, $0xb8;
	[tilespmem:$0x19800] =	vst v63  }
0x1db: {  	s20 =	simm.s32 $0x17C00  }
0x1dc: {  	[tilespmem:s20], [sflag:$0x4] =	stream.indirect_vreg.gather [hbm4b:s12+s2], $0x80, v2, vm0, $0xb8;
	[tilespmem:$0x19800] =	vst v63  }
0x1dd: {  	s20 =	simm.s32 $0x18400  }
0x1de: {  	[tilespmem:s20], [sflag:$0x4] =	stream.indirect_vreg.gather [hbm4b:s13+s2], $0x80, v2, vm0, $0xb8;
	[tilespmem:$0x19800] =	vst v63  }
0x1df: {  	s20 =	simm.s32 $0x18C00  }
0x1e0: {  	[tilespmem:s20], [sflag:$0x4] =	stream.indirect_vreg.gather [hbm4b:s14+s2], $0x80, v2, vm0, $0xb8;
	[tilespmem:$0x19800] =	vst v63  }
0x1e1: {  	s20 =	simm.s32 $0x19400  }
0x1e2: {  	[tilespmem:s20], [sflag:$0x4] =	stream.indirect_vreg.gather [hbm4b:s15+s2], $0x80, v2, vm1, $0xb8;
	[tilespmem:$0x19800] =	vst v63  }
0x1e3: {  	_ =	swait.ge [sflag:s22], $0x6400  }
0x1e4: {  	[sflag:s22] =	ssyncset.done $0x0  }
0x1e5: {  	s21 =	simm.s32 $0x6C00;
	s20 =	rddreg [dreg:$0xd];
	[sflag:s22] =	ssyncadd.s32 $0xFFFF9C00  }
0x1e6: {  	[hbm4b:s20+s31] =	stream.strided.scatter [tilespmem:s21], [sflag:$0x6], $0x6400, s1, s31, $0x38;
	[tilespmem:$0x19800] =	vst v63  }
0x1e7: {  	_ =	swait.ge [sflag:s23], $0x6400  }
0x1e8: {  	[sflag:s23] =	ssyncset.done $0x0  }
0x1e9: {  	[sflag:s23] =	ssyncadd.s32 $0xFFFF9C00  }
0x1ea: {  	v2 =	vld.msk [tilespmem:$0x600], $0x1;
	_ =	sdelay $0x4  }
0x1eb: {  	v3 =	vshrl.u32 v2, $0x3  }
0x1ec: {  	v3 =	vmul.u32 $0x640, v3  }
0x1ed: {  	v2 =	vand.u32 $0x7, v2  }
0x1ee: {  	v2 =	vor.u32 v2, v3  }
0x1ef: {  	v2 =	vperm.xlane v2, v0;
	_ =	sdelay $0x1  }
0x1f0: {  	v2 =	vadd.s32 v1, v2;
	_ =	sdelay $0x4  }
0x1f1: {  	[tilespmem:s0], [sflag:$0x1] =	stream.indirect_vreg.gather [hbm4b:s3+s2], $0x80, v2, vm0, $0xb8;
	[tilespmem:$0x19800] =	vst v63  }
0x1f2: {  	s20 =	simm.s32 $0x1000  }
0x1f3: {  	[tilespmem:s20], [sflag:$0x1] =	stream.indirect_vreg.gather [hbm4b:s4+s2], $0x80, v2, vm0, $0xb8;
	[tilespmem:$0x19800] =	vst v63  }
0x1f4: {  	s20 =	simm.s32 $0x1800  }
0x1f5: {  	[tilespmem:s20], [sflag:$0x1] =	stream.indirect_vreg.gather [hbm4b:s5+s2], $0x80, v2, vm0, $0xb8;
	[tilespmem:$0x19800] =	vst v63  }
0x1f6: {  	s20 =	simm.s32 $0x2000  }
0x1f7: {  	[tilespmem:s20], [sflag:$0x1] =	stream.indirect_vreg.gather [hbm4b:s6+s2], $0x80, v2, vm0, $0xb8;
	[tilespmem:$0x19800] =	vst v63  }
0x1f8: {  	s20 =	simm.s32 $0x2800  }
0x1f9: {  	[tilespmem:s20], [sflag:$0x1] =	stream.indirect_vreg.gather [hbm4b:s7+s2], $0x80, v2, vm0, $0xb8;
	[tilespmem:$0x19800] =	vst v63  }
0x1fa: {  	s20 =	simm.s32 $0x3000  }
0x1fb: {  	[tilespmem:s20], [sflag:$0x1] =	stream.indirect_vreg.gather [hbm4b:s8+s2], $0x80, v2, vm0, $0xb8;
	[tilespmem:$0x19800] =	vst v63  }
0x1fc: {  	s20 =	simm.s32 $0x3800  }
0x1fd: {  	[tilespmem:s20], [sflag:$0x1] =	stream.indirect_vreg.gather [hbm4b:s9+s2], $0x80, v2, vm0, $0xb8;
	[tilespmem:$0x19800] =	vst v63  }
0x1fe: {  	s20 =	simm.s32 $0x4000  }
0x1ff: {  	[tilespmem:s20], [sflag:$0x1] =	stream.indirect_vreg.gather [hbm4b:s10+s2], $0x80, v2, vm0, $0xb8;
	[tilespmem:$0x19800] =	vst v63  }
0x200: {  	s20 =	simm.s32 $0x4800  }
0x201: {  	[tilespmem:s20], [sflag:$0x1] =	stream.indirect_vreg.gather [hbm4b:s11+s2], $0x80, v2, vm0, $0xb8;
	[tilespmem:$0x19800] =	vst v63  }
0x202: {  	s20 =	simm.s32 $0x5000  }
0x203: {  	[tilespmem:s20], [sflag:$0x1] =	stream.indirect_vreg.gather [hbm4b:s12+s2], $0x80, v2, vm0, $0xb8;
	[tilespmem:$0x19800] =	vst v63  }
0x204: {  	s20 =	simm.s32 $0x5800  }
0x205: {  	[tilespmem:s20], [sflag:$0x1] =	stream.indirect_vreg.gather [hbm4b:s13+s2], $0x80, v2, vm0, $0xb8;
	[tilespmem:$0x19800] =	vst v63  }
0x206: {  	s20 =	simm.s32 $0x6000  }
0x207: {  	[tilespmem:s20], [sflag:$0x1] =	stream.indirect_vreg.gather [hbm4b:s14+s2], $0x80, v2, vm0, $0xb8;
	[tilespmem:$0x19800] =	vst v63  }
0x208: {  	s20 =	simm.s32 $0x6800  }
0x209: {  	[tilespmem:s20], [sflag:$0x1] =	stream.indirect_vreg.gather [hbm4b:s15+s2], $0x80, v2, vm1, $0xb8;
	[tilespmem:$0x19800] =	vst v63  }
0x20a: {  	_ =	swait.ge [sflag:s24], $0x6400  }
0x20b: {  	[sflag:s24] =	ssyncset.done $0x0  }
0x20c: {  	s20 =	rddreg [dreg:$0xe];
	[sflag:s24] =	ssyncadd.s32 $0xFFFF9C00  }
0x20d: {  	[hbm4b:s20+s31] =	stream.strided.scatter [tilespmem:s30], [sflag:$0x7], $0x6400, s1, s31, $0x38;
	[tilespmem:$0x19800] =	vst v63  }
0x20e: {  	_ =	swait.ge [sflag:s25], $0x6400  }
0x20f: {  	[sflag:s25] =	ssyncset.done $0x0  }
0x210: {  	[sflag:s25] =	ssyncadd.s32 $0xFFFF9C00  }
0x211: {  	v2 =	vld.msk [tilespmem:$0x680], $0x1;
	_ =	sdelay $0x4  }
0x212: {  	v3 =	vshrl.u32 v2, $0x3  }
0x213: {  	v3 =	vmul.u32 $0x640, v3  }
0x214: {  	v2 =	vand.u32 $0x7, v2  }
0x215: {  	v2 =	vor.u32 v2, v3  }
0x216: {  	v2 =	vperm.xlane v2, v0;
	_ =	sdelay $0x1  }
0x217: {  	v2 =	vadd.s32 v1, v2;
	_ =	sdelay $0x4  }
0x218: {  	[tilespmem:s21], [sflag:$0x2] =	stream.indirect_vreg.gather [hbm4b:s3+s2], $0x80, v2, vm0, $0xb8;
	[tilespmem:$0x19800] =	vst v63  }
0x219: {  	s20 =	simm.s32 $0x7400  }
0x21a: {  	[tilespmem:s20], [sflag:$0x2] =	stream.indirect_vreg.gather [hbm4b:s4+s2], $0x80, v2, vm0, $0xb8;
	[tilespmem:$0x19800] =	vst v63  }
0x21b: {  	s18 =	simm.s32 $0x7C00  }
0x21c: {  	[tilespmem:s18], [sflag:$0x2] =	stream.indirect_vreg.gather [hbm4b:s5+s2], $0x80, v2, vm0, $0xb8;
	[tilespmem:$0x19800] =	vst v63  }
0x21d: {  	s20 =	simm.s32 $0x8400  }
0x21e: {  	[tilespmem:s20], [sflag:$0x2] =	stream.indirect_vreg.gather [hbm4b:s6+s2], $0x80, v2, vm0, $0xb8;
	[tilespmem:$0x19800] =	vst v63  }
0x21f: {  	s20 =	simm.s32 $0x8C00  }
0x220: {  	[tilespmem:s20], [sflag:$0x2] =	stream.indirect_vreg.gather [hbm4b:s7+s2], $0x80, v2, vm0, $0xb8;
	[tilespmem:$0x19800] =	vst v63  }
0x221: {  	s20 =	simm.s32 $0x9400  }
0x222: {  	[tilespmem:s20], [sflag:$0x2] =	stream.indirect_vreg.gather [hbm4b:s8+s2], $0x80, v2, vm0, $0xb8;
	[tilespmem:$0x19800] =	vst v63  }
0x223: {  	s20 =	simm.s32 $0x9C00  }
0x224: {  	[tilespmem:s20], [sflag:$0x2] =	stream.indirect_vreg.gather [hbm4b:s9+s2], $0x80, v2, vm0, $0xb8;
	[tilespmem:$0x19800] =	vst v63  }
0x225: {  	s20 =	simm.s32 $0xA400  }
0x226: {  	[tilespmem:s20], [sflag:$0x2] =	stream.indirect_vreg.gather [hbm4b:s10+s2], $0x80, v2, vm0, $0xb8;
	[tilespmem:$0x19800] =	vst v63  }
0x227: {  	s20 =	simm.s32 $0xAC00  }
0x228: {  	[tilespmem:s20], [sflag:$0x2] =	stream.indirect_vreg.gather [hbm4b:s11+s2], $0x80, v2, vm0, $0xb8;
	[tilespmem:$0x19800] =	vst v63  }
0x229: {  	s20 =	simm.s32 $0xB400  }
0x22a: {  	[tilespmem:s20], [sflag:$0x2] =	stream.indirect_vreg.gather [hbm4b:s12+s2], $0x80, v2, vm0, $0xb8;
	[tilespmem:$0x19800] =	vst v63  }
0x22b: {  	s20 =	simm.s32 $0xBC00  }
0x22c: {  	[tilespmem:s20], [sflag:$0x2] =	stream.indirect_vreg.gather [hbm4b:s13+s2], $0x80, v2, vm0, $0xb8;
	[tilespmem:$0x19800] =	vst v63  }
0x22d: {  	s20 =	simm.s32 $0xC400  }
0x22e: {  	[tilespmem:s20], [sflag:$0x2] =	stream.indirect_vreg.gather [hbm4b:s14+s2], $0x80, v2, vm0, $0xb8;
	[tilespmem:$0x19800] =	vst v63  }
0x22f: {  	s20 =	simm.s32 $0xCC00  }
0x230: {  	[tilespmem:s20], [sflag:$0x2] =	stream.indirect_vreg.gather [hbm4b:s15+s2], $0x80, v2, vm1, $0xb8;
	[tilespmem:$0x19800] =	vst v63  }
0x231: {  	_ =	swait.ge [sflag:s26], $0x6400  }
0x232: {  	[sflag:s26] =	ssyncset.done $0x0  }
0x233: {  	s18 =	rddreg [dreg:$0xf];
	[sflag:s26] =	ssyncadd.s32 $0xFFFF9C00  }
0x234: {  	[hbm4b:s18+s31] =	stream.strided.scatter [tilespmem:s17], [sflag:$0x8], $0x6400, s1, s31, $0x38;
	[tilespmem:$0x19800] =	vst v63  }
0x235: {  	_ =	swait.ge [sflag:s28], $0x6400  }
0x236: {  	[sflag:s28] =	ssyncset.done $0x0  }
0x237: {  	[sflag:s28] =	ssyncadd.s32 $0xFFFF9C00  }
0x238: {  	v2 =	vld.msk [tilespmem:$0x700], $0x1;
	_ =	sdelay $0x4  }
0x239: {  	v3 =	vshrl.u32 v2, $0x3  }
0x23a: {  	v3 =	vmul.u32 $0x640, v3  }
0x23b: {  	v2 =	vand.u32 $0x7, v2  }
0x23c: {  	v2 =	vor.u32 v2, v3  }
0x23d: {  	v2 =	vperm.xlane v2, v0;
	_ =	sdelay $0x1  }
0x23e: {  	v2 =	vadd.s32 v1, v2;
	_ =	sdelay $0x4  }
0x23f: {  	[tilespmem:s30], [sflag:$0x3] =	stream.indirect_vreg.gather [hbm4b:s3+s2], $0x80, v2, vm0, $0xb8;
	[tilespmem:$0x19800] =	vst v63  }
0x240: {  	s20 =	simm.s32 $0xD800  }
0x241: {  	[tilespmem:s20], [sflag:$0x3] =	stream.indirect_vreg.gather [hbm4b:s4+s2], $0x80, v2, vm0, $0xb8;
	[tilespmem:$0x19800] =	vst v63  }
0x242: {  	s20 =	simm.s32 $0xE000  }
0x243: {  	[tilespmem:s20], [sflag:$0x3] =	stream.indirect_vreg.gather [hbm4b:s5+s2], $0x80, v2, vm0, $0xb8;
	[tilespmem:$0x19800] =	vst v63  }
0x244: {  	s20 =	simm.s32 $0xE800  }
0x245: {  	[tilespmem:s20], [sflag:$0x3] =	stream.indirect_vreg.gather [hbm4b:s6+s2], $0x80, v2, vm0, $0xb8;
	[tilespmem:$0x19800] =	vst v63  }
0x246: {  	s20 =	simm.s32 $0xF000  }
0x247: {  	[tilespmem:s20], [sflag:$0x3] =	stream.indirect_vreg.gather [hbm4b:s7+s2], $0x80, v2, vm0, $0xb8;
	[tilespmem:$0x19800] =	vst v63  }
0x248: {  	s20 =	simm.s32 $0xF800  }
0x249: {  	[tilespmem:s20], [sflag:$0x3] =	stream.indirect_vreg.gather [hbm4b:s8+s2], $0x80, v2, vm0, $0xb8;
	[tilespmem:$0x19800] =	vst v63  }
0x24a: {  	s20 =	simm.s32 $0x10000  }
0x24b: {  	[tilespmem:s20], [sflag:$0x3] =	stream.indirect_vreg.gather [hbm4b:s9+s2], $0x80, v2, vm0, $0xb8;
	[tilespmem:$0x19800] =	vst v63  }
0x24c: {  	s20 =	simm.s32 $0x10800  }
0x24d: {  	[tilespmem:s20], [sflag:$0x3] =	stream.indirect_vreg.gather [hbm4b:s10+s2], $0x80, v2, vm0, $0xb8;
	[tilespmem:$0x19800] =	vst v63  }
0x24e: {  	s20 =	simm.s32 $0x11000  }
0x24f: {  	[tilespmem:s20], [sflag:$0x3] =	stream.indirect_vreg.gather [hbm4b:s11+s2], $0x80, v2, vm0, $0xb8;
	[tilespmem:$0x19800] =	vst v63  }
0x250: {  	s20 =	simm.s32 $0x11800  }
0x251: {  	[tilespmem:s20], [sflag:$0x3] =	stream.indirect_vreg.gather [hbm4b:s12+s2], $0x80, v2, vm0, $0xb8;
	[tilespmem:$0x19800] =	vst v63  }
0x252: {  	s20 =	simm.s32 $0x12000  }
0x253: {  	[tilespmem:s20], [sflag:$0x3] =	stream.indirect_vreg.gather [hbm4b:s13+s2], $0x80, v2, vm0, $0xb8;
	[tilespmem:$0x19800] =	vst v63  }
0x254: {  	s20 =	simm.s32 $0x12800  }
0x255: {  	[tilespmem:s20], [sflag:$0x3] =	stream.indirect_vreg.gather [hbm4b:s14+s2], $0x80, v2, vm0, $0xb8;
	[tilespmem:$0x19800] =	vst v63  }
0x256: {  	s20 =	simm.s32 $0x13000  }
0x257: {  	[tilespmem:s20], [sflag:$0x3] =	stream.indirect_vreg.gather [hbm4b:s15+s2], $0x80, v2, vm1, $0xb8;
	[tilespmem:$0x19800] =	vst v63  }
0x258: {  	_ =	swait.ge [sflag:s29], $0x6400  }
0x259: {  	[sflag:s29] =	ssyncset.done $0x0  }
0x25a: {  	s0 =	simm.s32 $0x800;
	s18 =	rddreg [dreg:$0x10];
	[sflag:s29] =	ssyncadd.s32 $0xFFFF9C00  }
0x25b: {  	[hbm4b:s18+s31] =	stream.strided.scatter [tilespmem:s0], [sflag:$0x5], $0x6400, s1, s31, $0x38;
	[tilespmem:$0x19800] =	vst v63  }
0x25c: {  	_ =	swait.ge [sflag:s19], $0x6400  }
0x25d: {  	[sflag:s19] =	ssyncset.done $0x0  }
0x25e: {  	[sflag:s19] =	ssyncadd.s32 $0xFFFF9C00  }
0x25f: {  	v2 =	vld.msk [tilespmem:$0x780], $0x1;
	_ =	sdelay $0x4  }
0x260: {  	v3 =	vshrl.u32 v2, $0x3  }
0x261: {  	v3 =	vmul.u32 $0x640, v3  }
0x262: {  	v2 =	vand.u32 $0x7, v2  }
0x263: {  	v2 =	vor.u32 v2, v3  }
0x264: {  	v2 =	vperm.xlane v2, v0;
	_ =	sdelay $0x1  }
0x265: {  	v2 =	vadd.s32 v1, v2;
	_ =	sdelay $0x4  }
0x266: {  	[tilespmem:s17], [sflag:$0x4] =	stream.indirect_vreg.gather [hbm4b:s3+s2], $0x80, v2, vm0, $0xb8;
	[tilespmem:$0x19800] =	vst v63  }
0x267: {  	s18 =	simm.s32 $0x13C00  }
0x268: {  	[tilespmem:s18], [sflag:$0x4] =	stream.indirect_vreg.gather [hbm4b:s4+s2], $0x80, v2, vm0, $0xb8;
	[tilespmem:$0x19800] =	vst v63  }
0x269: {  	s20 =	simm.s32 $0x14400  }
0x26a: {  	[tilespmem:s20], [sflag:$0x4] =	stream.indirect_vreg.gather [hbm4b:s5+s2], $0x80, v2, vm0, $0xb8;
	[tilespmem:$0x19800] =	vst v63  }
0x26b: {  	s18 =	simm.s32 $0x14C00  }
0x26c: {  	[tilespmem:s18], [sflag:$0x4] =	stream.indirect_vreg.gather [hbm4b:s6+s2], $0x80, v2, vm0, $0xb8;
	[tilespmem:$0x19800] =	vst v63  }
0x26d: {  	s20 =	simm.s32 $0x15400  }
0x26e: {  	[tilespmem:s20], [sflag:$0x4] =	stream.indirect_vreg.gather [hbm4b:s7+s2], $0x80, v2, vm0, $0xb8;
	[tilespmem:$0x19800] =	vst v63  }
0x26f: {  	s18 =	simm.s32 $0x15C00  }
0x270: {  	[tilespmem:s18], [sflag:$0x4] =	stream.indirect_vreg.gather [hbm4b:s8+s2], $0x80, v2, vm0, $0xb8;
	[tilespmem:$0x19800] =	vst v63  }
0x271: {  	s20 =	simm.s32 $0x16400  }
0x272: {  	[tilespmem:s20], [sflag:$0x4] =	stream.indirect_vreg.gather [hbm4b:s9+s2], $0x80, v2, vm0, $0xb8;
	[tilespmem:$0x19800] =	vst v63  }
0x273: {  	s18 =	simm.s32 $0x16C00  }
0x274: {  	[tilespmem:s18], [sflag:$0x4] =	stream.indirect_vreg.gather [hbm4b:s10+s2], $0x80, v2, vm0, $0xb8;
	[tilespmem:$0x19800] =	vst v63  }
0x275: {  	s20 =	simm.s32 $0x17400  }
0x276: {  	[tilespmem:s20], [sflag:$0x4] =	stream.indirect_vreg.gather [hbm4b:s11+s2], $0x80, v2, vm0, $0xb8;
	[tilespmem:$0x19800] =	vst v63  }
0x277: {  	s18 =	simm.s32 $0x17C00  }
0x278: {  	[tilespmem:s18], [sflag:$0x4] =	stream.indirect_vreg.gather [hbm4b:s12+s2], $0x80, v2, vm0, $0xb8;
	[tilespmem:$0x19800] =	vst v63  }
0x279: {  	s20 =	simm.s32 $0x18400  }
0x27a: {  	[tilespmem:s20], [sflag:$0x4] =	stream.indirect_vreg.gather [hbm4b:s13+s2], $0x80, v2, vm0, $0xb8;
	[tilespmem:$0x19800] =	vst v63  }
0x27b: {  	s18 =	simm.s32 $0x18C00  }
0x27c: {  	[tilespmem:s18], [sflag:$0x4] =	stream.indirect_vreg.gather [hbm4b:s14+s2], $0x80, v2, vm0, $0xb8;
	[tilespmem:$0x19800] =	vst v63  }
0x27d: {  	s20 =	simm.s32 $0x19400  }
0x27e: {  	[tilespmem:s20], [sflag:$0x4] =	stream.indirect_vreg.gather [hbm4b:s15+s2], $0x80, v2, vm1, $0xb8;
	[tilespmem:$0x19800] =	vst v63  }
0x27f: {  	_ =	swait.ge [sflag:s22], $0x6400  }
0x280: {  	[sflag:s22] =	ssyncset.done $0x0  }
0x281: {  	s0 =	rddreg [dreg:$0x11];
	[sflag:s22] =	ssyncadd.s32 $0xFFFF9C00  }
0x282: {  	[hbm4b:s0+s31] =	stream.strided.scatter [tilespmem:s21], [sflag:$0x6], $0x6400, s1, s31, $0x38;
	[tilespmem:$0x19800] =	vst v63  }
0x283: {  	_ =	swait.ge [sflag:s24], $0x6400  }
0x284: {  	[sflag:s24] =	ssyncset.done $0x0  }
0x285: {  	s18 =	rddreg [dreg:$0x12];
	[sflag:s24] =	ssyncadd.s32 $0xFFFF9C00  }
0x286: {  	[hbm4b:s18+s31] =	stream.strided.scatter [tilespmem:s30], [sflag:$0x7], $0x6400, s1, s31, $0x38;
	[tilespmem:$0x19800] =	vst v63  }
0x287: {  	_ =	swait.ge [sflag:s26], $0x6400  }
0x288: {  	[sflag:s26] =	ssyncset.done $0x0  }
0x289: {  	s21 =	rddreg [dreg:$0x13];
	[sflag:s26] =	ssyncadd.s32 $0xFFFF9C00  }
0x28a: {  	[hbm4b:s21+s31] =	stream.strided.scatter [tilespmem:s17], [sflag:$0x8], $0x6400, s1, s31, $0x38;
	[tilespmem:$0x19800] =	vst v63  }
0x28b: {  	_ =	swait.ge [sflag:s23], $0x6400  }
0x28c: {  	[sflag:s23] =	ssyncset.done $0x0  }
0x28d: {  	[sflag:s23] =	ssyncadd.s32 $0xFFFF9C00  }
0x28e: {  	_ =	swait.ge [sflag:s25], $0x6400  }
0x28f: {  	[sflag:s25] =	ssyncset.done $0x0  }
0x290: {  	[sflag:s25] =	ssyncadd.s32 $0xFFFF9C00  }
0x291: {  	p0 =	sne.s32 s16, $0x1;
	_ =	swait.ge [sflag:s28], $0x6400  }
.Ltmp0:
0x292: {  	[sflag:s28] =	ssyncset.done $0x0;
	(pc) =	sbr.rel @p0 .LBB2_1-.Ltmp0, $4  }
0x293: {  	[sflag:s28] =	ssyncadd.s32 $0xFFFF9C00  }
0x294: {  	_ =	swait.ge [sflag:s19], $0x6400  }
0x295: {  	[sflag:s19] =	ssyncset.done $0x0  }
0x296: {  	s16 =	sadd.s32 $0xFFFFFFFF, s16;
	[sflag:s19] =	ssyncadd.s32 $0xFFFF9C00  }
0x297: {  	_ =	sfence.sel $0x180000  }
0x298: {  	[bflag:$0x0] =	sbarrier.arrive $0xFFFF  }
0x299: {  	_ =	strace $0x90000047  }
0x29a: {  	s0 =	stileid.u32;
	[bflag:$0x2] =	sbarrier.arrive $0xFFFF  }
0x29b: {  	p0 =	sne.s32 s0, $0x0;
	s0 =	rddreg [dreg:$0x2]  }
0x29c: {  	s0 =	sadd.s32 @!p0 $0x100000, s0  }
0x29d: {  	[sflag:s0] =	ssyncadd.tile.s32 @!p0 $0x1;
	_ =	shalt  }
.Lfunc_end2:
_tile_overlayer_lowered:
.L_overlay_start_2:
0x29e: {  	(tag) =	ssettag $0x2  }
0x29f: {  	s0 =	rddreg [dreg:$0x0];
	s2 =	stileid.u32  }
0x2a0: {  	s1 =	rddreg [dreg:$0x1];
	p0 =	sne.s32 s2, $0x0  }
0x2a1: {  	s3 =	rddreg [dreg:$0x2];
	[bflag:$0x3] =	sbarrier.arrive $0xFFFF;
	s2 =	simm.s32 @!p0 $0x1C09  }
0x2a2: {  	[timem:s3], [sflag:s2] =	dma.local @!p0 [hbm:s0], s1  }
0x2a3: {  	s0 =	simm.s32 @!p0 $0x9  }
0x2a4: {  	_ =	swait.ge @!p0 [sflag:s0], s1  }
0x2a5: {  	s1 =	ssub.s32 @!p0 $0x0, s1;
	[sflag:s0] =	ssyncset.done @!p0 $0x0  }
0x2a6: {  	[sflag:s0] =	ssyncadd.s32 @!p0 s1  }
0x2a7: {  	[bflag:$0x3] =	sbarrier.arrive $0xFFFF  }
0x2a8: {  	_ =	shalt  }

// kernel: kernel.8.cloned.1.call-start
scs
__scs_entry_jumppad:
0x0: {  	(pc) =	sbr.rel $0x88, $3  }
0x1: {  	(tag) =	ssettag $0x0;
	lr =	simm.s32 $0x1  }
0x2: {  	[smem:$0x3F9E] =	sst lr;
	_ =	strace $0xD0000000  }
0x3: {  	_ = 	snop  }
0x4: {  	_ = 	snop  }
0x5: {  	_ = 	snop  }
0x6: {  	_ = 	snop  }
0x7: {  	_ = 	snop  }
__scs_overlays_trampoline_lowered:
0x8: {  	[smem:$0x3FAD] =	sst s0  }
0x9: {  	[smem:$0x3FAE] =	sst s1  }
0xa: {  	[smem:$0x3FAF] =	sst s2  }
0xb: {  	[smem:$0x3FB0] =	sst s3  }
0xc: {  	[smem:$0x3FB1] =	sst s4  }
0xd: {  	[smem:$0x3FB2] =	sst s5  }
0xe: {  	[smem:$0x3FB3] =	sst s6  }
0xf: {  	[smem:$0x3FB4] =	sst s7  }
0x10: {  	[smem:$0x3FB5] =	sst s8  }
0x11: {  	[smem:$0x3FB6] =	sst s9;
	s0 =	simm.s32 @!p0 $0x0  }
0x12: {  	s1 =	sld [smem:$0x3F9C];
	s0 =	simm.s32 @p0 $0x1  }
0x13: {  	[smem:$0x3FB7] =	sst s0;
	s0 =	simm.s32 @!p1 $0x0  }
0x14: {  	s2 =	sld [smem:$0x3F9B];
	s0 =	simm.s32 @p1 $0x1  }
0x15: {  	[smem:$0x3FB8] =	sst s0;
	s0 =	simm.s32 @!p2 $0x0  }
0x16: {  	s3 =	sld [smem:$0x3FDB];
	s0 =	simm.s32 @p2 $0x1  }
0x17: {  	s4 =	simm.s32 $0x1BF5;
	[smem:$0x3FBA] =	sst s0  }
0x18: {  	s0 =	sld [smem:$0x3F9D];
	_ =	swait.ge [sflag:s4], $0x0  }
0x19: {  	s7 =	sld [smem:$0x3F9E]  }
0x1a: {  	s8 =	sadd.s32 $0xFFFFE003, lr  }
0x1b: {  	s9 =	sadd.s32 $0xFFFFFEF7, lr;
	s5 =	simm.s32 $0xFFFFFFFF;
	p2 =	slt.u32 s8, $0xFFFFF086  }
0x1c: {  	p1 =	slt.u32 s9, $0xF7A;
	s5 =	simm.s32 @!p2 $0x0  }
0x1d: {  	s5 =	simm.s32 @p1 $0x1;
	p0 =	seq.s32 s7, s2  }
0x1e: {  	s7 =	smul.u32 @!p0 $0xF7A, s2;
	p2 =	seq.s32 @!p0 s5, $0x0  }
0x1f: {  	s9 =	smul.u32 $0xF7A, s1;
	s8 =	simm.s32 @!p0 $0x1BF5;
	p2 =	por !p2, p0  }
0x20: {  	[sflag:s8] =	ssyncset.s32 @!p0 $0xFFFFF086;
	s6 =	sadd.s32 @!p0 s3, s7;
	s7 =	simm.s32 @!p0 $0x108  }
0x21: {  	s3 =	sadd.s32 s3, s9;
	s6 =	sadd.s32 @!p0 $0x88, s6;
	s7 =	simm.s32 @p2 $0x1082  }
0x22: {  	[simem:s7], [sflag:s8] =	dma.local @!p0 [hbm:s6], $0xF7A  }
0x23: {  	s9 =	sor.u32 $0xD0000000, s2;
	s6 =	simm.s32 $0x108;
	_ =	swait.ge @!p0 [sflag:s8], $0x0  }
0x24: {  	s3 =	sadd.s32 $0x88, s3;
	s6 =	simm.s32 @!p1 $0x1082;
	[sflag:s4] =	ssyncset.s32 $0xFFFFF086  }
0x25: {  	[simem:s6], [sflag:s4] =	dma.local [hbm:s3], $0xF7A  }
0x26: {  	[smem:$0x3F9E] =	sst s1;
	(tag) =	ssettag s2;
	_ =	strace s9  }
0x27: {  	s1 =	sld [smem:$0x3FAE]  }
0x28: {  	s2 =	sld [smem:$0x3FAF]  }
0x29: {  	s4 =	sld [smem:$0x3FB1]  }
0x2a: {  	p0 =	seq.s32 s5, $0x0;
	s5 =	sld [smem:$0x3FB2]  }
0x2b: {  	s6 =	sld [smem:$0x3FB3]  }
0x2c: {  	s7 =	sld [smem:$0x3FB4]  }
0x2d: {  	s3 =	simm.s32 $0x108;
	s8 =	sld [smem:$0x3FB5]  }
0x2e: {  	s3 =	simm.s32 @!p0 $0x1082;
	s9 =	sld [smem:$0x3FB6]  }
0x2f: {  	lr =	sadd.s32 s0, s3;
	s0 =	sld [smem:$0x3FAD]  }
0x30: {  	s3 =	sld [smem:$0x3FB0]  }
0x31: {  	[smem:$0x3FB9] =	sst s10  }
0x32: {  	s10 =	sld [smem:$0x3FB7];
	_ =	sdelay $0x3  }
0x33: {  	p0 =	seq.s32 s10, $0x1;
	s10 =	sld [smem:$0x3FB9];
	_ =	sdelay $0x3  }
0x34: {  	[smem:$0x3FB9] =	sst s10  }
0x35: {  	s10 =	sld [smem:$0x3FB8];
	_ =	sdelay $0x3  }
0x36: {  	p1 =	seq.s32 s10, $0x1;
	s10 =	sld [smem:$0x3FB9];
	_ =	sdelay $0x3  }
0x37: {  	[smem:$0x3FB9] =	sst s10  }
0x38: {  	s10 =	sld [smem:$0x3FBA]  }
0x39: {  	_ = 	snop;
	(pc) =	sbr.ind lr, $3  }
0x3a: {  	_ = 	snop  }
0x3b: {  	_ = 	snop  }
0x3c: {  	p2 =	seq.s32 s10, $0x1;
	s10 =	sld [smem:$0x3FB9]  }
0x3d: {  	_ =	shalt  }
0x3e: {  	_ =	shalt  }
0x3f: {  	_ =	shalt  }
0x40: {  	_ =	shalt  }
0x41: {  	_ =	shalt  }
0x42: {  	_ =	shalt  }
0x43: {  	_ =	shalt  }
0x44: {  	_ =	shalt  }
0x45: {  	_ =	shalt  }
0x46: {  	_ =	shalt  }
0x47: {  	_ =	shalt  }
0x48: {  	_ =	shalt  }
0x49: {  	_ =	shalt  }
0x4a: {  	_ =	shalt  }
0x4b: {  	_ =	shalt  }
0x4c: {  	_ =	shalt  }
0x4d: {  	_ =	shalt  }
0x4e: {  	_ =	shalt  }
0x4f: {  	_ =	shalt  }
0x50: {  	_ =	shalt  }
0x51: {  	_ =	shalt  }
0x52: {  	_ =	shalt  }
0x53: {  	_ =	shalt  }
0x54: {  	_ =	shalt  }
0x55: {  	_ =	shalt  }
0x56: {  	_ =	shalt  }
0x57: {  	_ =	shalt  }
0x58: {  	_ =	shalt  }
0x59: {  	_ =	shalt  }
0x5a: {  	_ =	shalt  }
0x5b: {  	_ =	shalt  }
0x5c: {  	_ =	shalt  }
0x5d: {  	_ =	shalt  }
0x5e: {  	_ =	shalt  }
0x5f: {  	_ =	shalt  }
0x60: {  	_ =	shalt  }
0x61: {  	_ =	shalt  }
0x62: {  	_ =	shalt  }
0x63: {  	_ =	shalt  }
0x64: {  	_ =	shalt  }
0x65: {  	_ =	shalt  }
0x66: {  	_ =	shalt  }
0x67: {  	_ =	shalt  }
0x68: {  	_ =	shalt  }
0x69: {  	_ =	shalt  }
0x6a: {  	_ =	shalt  }
0x6b: {  	_ =	shalt  }
0x6c: {  	_ =	shalt  }
0x6d: {  	_ =	shalt  }
0x6e: {  	_ =	shalt  }
0x6f: {  	_ =	shalt  }
0x70: {  	_ =	shalt  }
0x71: {  	_ =	shalt  }
0x72: {  	_ =	shalt  }
0x73: {  	_ =	shalt  }
0x74: {  	_ =	shalt  }
0x75: {  	_ =	shalt  }
0x76: {  	_ =	shalt  }
0x77: {  	_ =	shalt  }
0x78: {  	_ =	shalt  }
0x79: {  	_ =	shalt  }
0x7a: {  	_ =	shalt  }
0x7b: {  	_ =	shalt  }
0x7c: {  	_ =	shalt  }
0x7d: {  	_ =	shalt  }
0x7e: {  	_ =	shalt  }
0x7f: {  	_ =	shalt  }
0x80: {  	_ =	shalt  }
0x81: {  	_ =	shalt  }
0x82: {  	_ =	shalt  }
0x83: {  	_ =	shalt  }
0x84: {  	_ =	shalt  }
0x85: {  	_ =	shalt  }
0x86: {  	_ =	shalt  }
0x87: {  	_ =	shalt  }
.Lfunc_end0:
.L_simem_size_0:
called_computation.1_lowered:
.L_overlay_start_0:
0x88: {  	s2 =	sld [smem:$0x3FD9]  }
0x89: {  	s3 =	sld [smem:$0x3FFE];
	_ =	sdelay $0x1  }
0x8a: {  	s1 =	srdreg.scid  }
0x8b: {  	s0 =	sand.u32 $0x1, s1  }
0x8c: {  	s14 =	sshll.u32 s0, $0xA;
	s2 =	sadd.s32 s3, s2  }
0x8d: {  	s2 =	sadd.s32 s2, s14  }
0x8e: {  	[smem:$0x3FC5] =	sst s2  }
0x8f: {  	_ = 	snop  }
0x90: {  	s2 =	sld [smem:$0x3FD0];
	_ =	sdelay $0x2  }
0x91: {  	s15 =	simm.s32 $0xA;
	s4 =	simm.s32 $0x10  }
0x92: {  	[smem:s4], [sflag:s15] =	dma.local [hbm:s2], $0x1  }
0x93: {  	_ =	swait.eq [sflag:s15], $0x1  }
0x94: {  	[sflag:s15] =	ssyncset.done $0x0  }
0x95: {  	[sflag:s15] =	ssyncadd.s32 $0xFFFFFFFF  }
0x96: {  	s16 =	sld [smem:$0x12];
	(tm) =	ssettm $0x1  }
0x97: {  	s17 =	sld [smem:$0x3FFB];
	_ =	sdelay $0x3  }
0x98: {  	_ =	strace s17  }
0x99: {  	s3 =	sld [smem:$0x3FFC];
	_ =	sdelay $0x3  }
0x9a: {  	_ =	strace s3  }
0x9b: {  	s3 =	sld [smem:$0x3FFD];
	_ =	sdelay $0x3  }
0x9c: {  	_ =	strace s3  }
0x9d: {  	_ =	strace $0x8FFFFFFF  }
0x9e: {  	s18 =	sld [smem:$0x3FDB];
	_ =	sdelay $0x1  }
0x9f: {  	s19 =	simm.s32 $_scs_section_size  }
0xa0: {  	s5 =	simm.s32 $_size__tile_overlayer_lowered;
	s6 =	simm.s32 $_tile_overlayer_lowered  }
0xa1: {  	s22 =	simm.s32 $0x1BFF;
	s21 =	sshll.u32 s6, $0x1;
	s3 =	sadd.s32 s19, s18  }
0xa2: {  	s7 =	simm.s32 $0x0;
	s20 =	sshll.u32 s5, $0x1;
	s5 =	sadd.s32 s21, s3  }
0xa3: {  	[timem:s7], [sflag:s22] =	dma.local [hbm:s5], s20  }
0xa4: {  	_ =	swait.ge [sflag:s22], s20  }
0xa5: {  	s4 =	ssub.s32 $0x0, s20;
	[sflag:s22] =	ssyncset.done $0x0  }
0xa6: {  	[sflag:s22] =	ssyncadd.s32 s4;
	_ =	sdelay $0x1  }
0xa7: {  	s23 =	simm.s32 $0x1B8B  }
0xa8: {  	_ =	swait.ge [sflag:s23], $0x1  }
0xa9: {  	[sflag:s23] =	ssyncset.done $0x0  }
0xaa: {  	s25 =	simm.s32 $0x1B8E;
	s24 =	sld [smem:$0x3FFE];
	[sflag:s23] =	ssyncadd.s32 $0xFFFFFFFF  }
0xab: {  	s26 =	simm.s32 $execute0_lowered;
	[smem:$0x3FD2] =	sst s25  }
0xac: {  	s5 =	sshll.u32 s26, $0x1;
	_ =	strace $0x80000049;
	[dreg:$0x1] =	wrdreg $0xFFFFFFFF  }
0xad: {  	s28 =	simm.s32 $_size_execute0_lowered;
	s3 =	sadd.s32 s3, s5;
	[dreg:$0x0] =	wrdreg $0x0  }
0xae: {  	s5 =	sshll.u32 s28, $0x1;
	[dreg:$0x2] =	wrdreg s3  }
0xaf: {  	[dreg:$0x3] =	wrdreg s5  }
0xb0: {  	[dreg:$0x4] =	wrdreg $0xC0  }
0xb1: {  	_ =	task [dreg:s7], $0x5FFFF  }
0xb2: {  	[dreg:$0x1] =	wrdreg $0xFFFFFFFF  }
0xb3: {  	[dreg:$0x0] =	wrdreg $0x60  }
0xb4: {  	[dreg:$0x2] =	wrdreg s24  }
0xb5: {  	[dreg:$0x3] =	wrdreg s16  }
0xb6: {  	[dreg:$0x4] =	wrdreg $0x9  }
0xb7: {  	_ =	task.clear_ibuf [dreg:s7], $0x5FFFF;
	_ =	strace $0x90000049  }
0xb8: {  	s29 =	simm.s32 $0x9;
	_ =	strace $0x8000004B  }
0xb9: {  	_ =	swait.ge [sflag:s29], $0x1  }
0xba: {  	[sflag:s29] =	ssyncadd.s32 $0xFFFFFFFF  }
0xbb: {  	_ =	strace $0x9000004B  }
0xbc: {  	_ =	sfence  }
0xbd: {  	s30 =	sld [smem:$0x0];
	_ =	sdelay $0x2  }
0xbe: {  	s31 =	sshll.u32 s1, $0xD;
	s1 =	sshrl.u32 s1, $0x2  }
0xbf: {  	s3 =	sand.u32 $0x4000, s31;
	s1 =	sadd.s32 s1, s30  }
0xc0: {  	s0 =	sor.u32 s3, s0;
	s1 =	sshll.u32 s1, $0x11  }
0xc1: {  	s0 =	sor.u32 s1, s0  }
0xc2: {  	s0 =	sadd.s32 $0x8F2B, s0  }
0xc3: {  	[sflag:s0] =	ssyncadd.remote.s32 $0x1  }
0xc4: {  	_ =	sfence.sel $0xFFFF  }
0xc5: {  	[dreg:$0x0] =	wrdreg $0xFFFFFFFF;
	(pc) =	sbr.abs _section_cstart, $3  }
0xc6: {  	[dreg:$0x1] =	wrdreg $0xFFFFFFFF  }
0xc7: {  	_ =	task.clear_ibuf [dreg:s7], $0x2FFFF;
	_ =	strace $0x9FFFFFFF  }
0xc8: {  	(tm) =	ssettm $0x7FFFFFFF  }
0xc9: {  	_ =	shalt  }
tec
execute0_lowered:
.L_overlay_start_1:
0x0: {  	(tag) =	ssettag $0x1  }
0x1: {  	s0 =	srdreg.scid  }
0x2: {  	s2 =	stileid.u32;
	s1 =	sand.u32 $0x1, s0;
	s0 =	rddreg [dreg:$0x0]  }
0x3: {  	s4 =	rddreg [dreg:$0x1];
	s18 =	sshll.u32 s2, $0x5;
	s6 =	sadd.s32 $0x61CA00, s0  }
0x4: {  	s19 =	sshll.u32 s1, $0x4;
	s22 =	sadd.s32 $0x61CA10, s0;
	s24 =	sadd.s32 $0x61CA20, s0  }
0x5: {  	s1 =	ssub.s32 $0x2, s1;
	s7 =	sadd.s32 $0x61CA30, s0;
	s9 =	sadd.s32 $0x61CA40, s0  }
0x6: {  	s28 =	sadd.s32 $0x5A00, s0;
	s29 =	sadd.s32 $0x6200, s0;
	s30 =	sadd.s32 $0x6A00, s0  }
0x7: {  	s31 =	sadd.s32 $0x7200, s0;
	s2 =	sor.u32 s19, s18;
	s5 =	sshrl.u32 s1, $0x1  }
0x8: {  	s19 =	simm.s32 $0x0;
	s3 =	sshrl.u32 s2, $0x3;
	s1 =	ssub.s32 s1, s5  }
0x9: {  	s20 =	sshll.u32 s2, $0x4;
	s10 =	sor.u32 $0x9, s2;
	s12 =	sor.u32 $0xA, s2  }
0xa: {  	s14 =	sor.u32 $0xB, s2;
	s16 =	sor.u32 $0xC, s2;
	p0 =	seq.s32 s2, $0x1F0  }
0xb: {  	p1 =	sgt.u32 s2, $0x1EE;
	p2 =	sgt.u32 s2, $0x1ED;
	[smem:$0x7FF] =	sst s19  }
0xc: {  	s3 =	smul.u32 $0x6400, s3;
	s4 =	sadd.s32 s4, s20;
	s13 =	sshrl.u32 s10, $0x3  }
0xd: {  	s15 =	sshrl.u32 s12, $0x3;
	s17 =	sshrl.u32 s14, $0x3;
	s26 =	sshrl.u32 s16, $0x3  }
0xe: {  	p5 =	sgt.u32 s10, $0x1F3;
	p3 =	sgt.u32 s12, $0x1F3;
	p6 =	sgt.u32 s14, $0x1F3  }
0xf: {  	p4 =	sgt.u32 s16, $0x1F3;
	s10 =	simm.s32 $0x6C00;
	s16 =	simm.s32 $0xD800  }
0x10: {  	s12 =	simm.s32 $0x11800;
	[dreg:$0x3] =	wrdreg s4;
	s21 =	sadd.s32 s6, s3  }
0x11: {  	s14 =	simm.s32 $0x13000;
	s23 =	sadd.s32 s3, s22;
	[dreg:$0x4] =	wrdreg s21  }
0x12: {  	s13 =	smul.u32 $0x6400, s13;
	s8 =	sadd.s32 s3, s24;
	[dreg:$0x5] =	wrdreg s23  }
0x13: {  	s15 =	smul.u32 $0x6400, s15;
	s25 =	sadd.s32 s3, s7;
	[dreg:$0x6] =	wrdreg s8  }
0x14: {  	s17 =	smul.u32 $0x6400, s17;
	s18 =	sadd.s32 s3, s9;
	[dreg:$0x7] =	wrdreg s25  }
0x15: {  	s8 =	sor.u32 $0x8, s2;
	[dreg:$0x8] =	wrdreg s18;
	s4 =	sadd.s32 s13, s22  }
0x16: {  	s5 =	sadd.s32 s15, s24;
	s15 =	sor.u32 $0xE, s2;
	s18 =	sor.u32 $0xF, s2  }
0x17: {  	s13 =	sadd.s32 s17, s7;
	s21 =	sadd.s32 $0x61CA50, s0;
	s24 =	sadd.s32 $0x61CA60, s0  }
0x18: {  	s25 =	sadd.s32 $0x61CA70, s0;
	s7 =	simm.s32 $0xE000;
	[dreg:$0xa] =	wrdreg s4  }
0x19: {  	s11 =	sshrl.u32 s8, $0x3;
	[dreg:$0xb] =	wrdreg s5;
	s5 =	sor.u32 $0xD, s2  }
0x1a: {  	[dreg:$0xc] =	wrdreg s13;
	s22 =	sshrl.u32 s18, $0x3;
	s11 =	smul.u32 $0x6400, s11  }
0x1b: {  	s20 =	sshrl.u32 s15, $0x3;
	s13 =	simm.s32 $0xD000;
	s23 =	smul.u32 $0x6400, s22  }
0x1c: {  	s17 =	sshrl.u32 s5, $0x3;
	s6 =	sadd.s32 s6, s11;
	s11 =	smul.u32 $0x6400, s26  }
0x1d: {  	s22 =	sadd.s32 $0x3200, s0;
	s26 =	sadd.s32 s3, s24;
	[dreg:$0x9] =	wrdreg s6  }
0x1e: {  	[dreg:$0x11] =	wrdreg s26;
	s26 =	sadd.s32 $0x5200, s0;
	s4 =	sadd.s32 s11, s9  }
0x1f: {  	s6 =	simm.s32 $0x12800;
	s11 =	sadd.s32 s3, s21;
	[dreg:$0xd] =	wrdreg s4  }
0x20: {  	s9 =	smul.u32 $0x6400, s20;
	s3 =	sadd.s32 s3, s25;
	[dreg:$0xf] =	wrdreg s11  }
0x21: {  	s20 =	sadd.s32 $0x2200, s0;
	s4 =	smul.u32 $0x6400, s17;
	[dreg:$0x12] =	wrdreg s3  }
0x22: {  	s3 =	simm.s32 @!p2 $0x0;
	s11 =	simm.s32 $0x11000;
	s9 =	sadd.s32 s9, s24  }
0x23: {  	s3 =	simm.s32 @p2 $0x1;
	p2 =	sgt.u32 s2, $0x1EC;
	[dreg:$0x10] =	wrdreg s9  }
0x24: {  	s24 =	sadd.s32 $0x4200, s0;
	s4 =	sadd.s32 s4, s21;
	[smem:$0x7F5] =	sst s3  }
0x25: {  	s2 =	simm.s32 @!p2 $0x0;
	s21 =	sadd.s32 $0x2A00, s0;
	s3 =	simm.s32 $0x10800  }
0x26: {  	[dreg:$0xe] =	wrdreg s4;
	s4 =	sadd.s32 s23, s25;
	s2 =	simm.s32 @p2 $0x1  }
0x27: {  	p2 =	sgt.u32 s8, $0x1F3;
	s23 =	sadd.s32 $0x3A00, s0;
	[dreg:$0x13] =	wrdreg s4  }
0x28: {  	v2 =	vimm.s32 $0x0;
	s25 =	sadd.s32 $0x4A00, s0;
	[smem:$0x7F6] =	sst s2;
	s2 =	simm.s32 @!p4 $0x0;
	vm7 =	vmmov @!p2 $0xff  }
0x29: {  	s2 =	simm.s32 @p4 $0x1;
	p4 =	sgt.u32 s5, $0x1F3;
	s5 =	simm.s32 @!p2 $0x0;
	v2 =	vsel vm7, $0xFFFFFFFF, v2  }
0x2a: {  	_ =	strace $0x8000004A;
	vm7 =	vmmov @!p5 $0xff;
	[smem:$0x7FA] =	sst s2;
	s5 =	simm.s32 @p2 $0x1;
	[tilespmem:$0x1FF90] =	vst v2;
	v2 =	vimm.s32 $0x0  }
0x2b: {  	s8 =	simm.s32 $0x800;
	s2 =	simm.s32 @!p4 $0x0;
	[smem:$0x7F7] =	sst s5;
	v2 =	vsel vm7, $0xFFFFFFFF, v2  }
0x2c: {  	v1 =	vlaneseq.u32;
	s2 =	simm.s32 @p4 $0x1;
	p4 =	sgt.u32 s15, $0x1F3;
	vm7 =	vmmov @!p3 $0xff;
	s9 =	sld [smem:$0x7FA];
	[tilespmem:$0x1FFA0] =	vst v2;
	v2 =	vimm.s32 $0x0  }
0x2d: {  	v0 =	vimm.s32 $0x0;
	vm0 =	vmmov $0xffff;
	s4 =	simm.s32 $0xF800;
	[smem:$0x7FB] =	sst s2;
	s2 =	simm.s32 @!p4 $0x0;
	v2 =	vsel vm7, $0xFFFFFFFF, v2  }
0x2e: {  	vm1 =	vmmov $0xff;
	s2 =	simm.s32 @p4 $0x1;
	p4 =	sgt.u32 s18, $0x1F3;
	vm7 =	vmmov @!p6 $0xff;
	s17 =	sld [smem:$0x7FB];
	[tilespmem:$0x1FFB0] =	vst v2;
	v2 =	vimm.s32 $0x0  }
0x2f: {  	v1 =	vmul.u32 $0x8, v1;
	vm6 =	vmmov @!p2 $0xffff;
	[smem:$0x7FC] =	sst s2;
	s2 =	simm.s32 @!p4 $0x0;
	p2 =	seq.s32 s9, $0x1;
	v2 =	vsel vm7, $0xFFFFFFFF, v2  }
0x30: {  	vm2 =	vmmov @!p0 $0xffff;
	s15 =	smax.u32 s1, $0x1;
	s2 =	simm.s32 @p4 $0x1;
	vm7 =	vmmov @!p2 $0xff;
	s9 =	sld [smem:$0x7FC];
	[tilespmem:$0x1FFC0] =	vst v2;
	v2 =	vimm.s32 $0x0  }
0x31: {  	vm3 =	vmmov @!p0 $0xff;
	s5 =	simm.s32 @!p3 $0x0;
	vm14 =	vmmov @!p2 $0xffff;
	[smem:$0x7FD] =	sst s2;
	p2 =	seq.s32 s17, $0x1;
	v2 =	vsel vm7, $0xFFFFFFFF, v2  }
.Ltmp0:
0x32: {  	vm4 =	vmmov @!p1 $0xffff;
	s5 =	simm.s32 @p3 $0x1;
	vm9 =	vmmov @!p2 $0xff;
	s17 =	sld [smem:$0x7FD];
	[tilespmem:$0x1FFD0] =	vst v2;
	v2 =	vimm.s32 $0x0;
	(pc) =	sbr.rel .LBB2_1-.Ltmp0, $4  }
0x33: {  	vm5 =	vmmov @!p1 $0xff;
	[smem:$0x7F8] =	sst s5;
	s5 =	simm.s32 @!p6 $0x0;
	vm7 =	vmmov @!p2 $0xffff;
	p2 =	seq.s32 s9, $0x1;
	v2 =	vsel vm9, $0xFFFFFFFF, v2  }
0x34: {  	vm8 =	vmmov @!p5 $0xffff;
	s1 =	simm.s32 $0x10000;
	s18 =	sadd.s32 $0x7A00, s0;
	s5 =	simm.s32 @p6 $0x1;
	vm9 =	vmmov @!p2 $0xff;
	[tilespmem:$0x1FFE0] =	vst v2;
	v2 =	vimm.s32 $0x0  }
0x35: {  	vm10 =	vmmov @!p3 $0xffff;
	s0 =	sadd.s32 $0x8200, s0;
	[smem:$0x7F9] =	sst s5;
	vm11 =	vmmov @!p2 $0xffff;
	p2 =	seq.s32 s17, $0x1;
	v2 =	vsel vm9, $0xFFFFFFFF, v2  }
0x36: {  	vm12 =	vmmov @!p6 $0xffff;
	s2 =	simm.s32 $0x12000;
	s9 =	simm.s32 $0x80;
	s17 =	simm.s32 $0x400;
	vm15 =	vmmov @!p2 $0xffff;
	vm9 =	vmmov @!p2 $0xff;
	[tilespmem:$0x1FFF0] =	vst v2  }
.LBB2_18:
0x37: {  	s5 =	simm.s32 $0x8  }
0x38: {  	_ =	swait.ge [sflag:s5], $0x6400  }
0x39: {  	[sflag:s5] =	ssyncset.done $0x0  }
0x3a: {  	[sflag:s5] =	ssyncadd.s32 $0xFFFF9C00  }
.LBB2_19:
0x3b: {  	s15 =	sadd.s32 $0xFFFFFFFF, s15  }
0x3c: {  	p3 =	sne.s32 s15, $0x0  }
.Ltmp1:
0x3d: {  	_ = 	snop;
	(pc) =	sbr.rel @!p3 .LBB2_20-.Ltmp1, $1  }
0x3e: {  	_ =	sdelay $0x3  }
.LBB2_1:
0x3f: {  	s5 =	rddreg [dreg:$0x3]  }
0x40: {  	[tilespmem:s19], [sflag:$0x9] =	stream.linear.gather [hbm4b:s5+s19], $0x800, $0x38;
	[tilespmem:$0x19800] =	vst v63  }
0x41: {  	s5 =	simm.s32 $0x9  }
0x42: {  	_ =	swait.ge [sflag:s5], $0x800  }
0x43: {  	[sflag:s5] =	ssyncset.done $0x0  }
0x44: {  	[sflag:s5] =	ssyncadd.s32 $0xFFFFF800  }
0x45: {  	v2 =	vld.msk [tilespmem:$0x0], $0x1;
	_ =	sdelay $0x4  }
0x46: {  	v3 =	vshrl.u32 v2, $0x3  }
0x47: {  	v3 =	vmul.u32 $0x640, v3  }
0x48: {  	v2 =	vand.u32 $0x7, v2  }
0x49: {  	v2 =	vor.u32 v2, v3  }
0x4a: {  	v2 =	vperm.xlane v2, v0;
	_ =	sdelay $0x1  }
0x4b: {  	v2 =	vadd.s32 v1, v2;
	_ =	sdelay $0x4  }
0x4c: {  	[tilespmem:s8], [sflag:$0x1] =	stream.indirect_vreg.gather [hbm4b:s20+s19], $0x80, v2, vm0, $0xb8;
	[tilespmem:$0x19800] =	vst v63  }
0x4d: {  	s5 =	simm.s32 $0x1000  }
0x4e: {  	[tilespmem:s5], [sflag:$0x1] =	stream.indirect_vreg.gather [hbm4b:s21+s19], $0x80, v2, vm0, $0xb8;
	[tilespmem:$0x19800] =	vst v63  }
0x4f: {  	s5 =	simm.s32 $0x1800  }
0x50: {  	[tilespmem:s5], [sflag:$0x1] =	stream.indirect_vreg.gather [hbm4b:s22+s19], $0x80, v2, vm0, $0xb8;
	[tilespmem:$0x19800] =	vst v63  }
0x51: {  	s5 =	simm.s32 $0x2000  }
0x52: {  	[tilespmem:s5], [sflag:$0x1] =	stream.indirect_vreg.gather [hbm4b:s23+s19], $0x80, v2, vm0, $0xb8;
	[tilespmem:$0x19800] =	vst v63  }
0x53: {  	s5 =	simm.s32 $0x2800  }
0x54: {  	[tilespmem:s5], [sflag:$0x1] =	stream.indirect_vreg.gather [hbm4b:s24+s19], $0x80, v2, vm0, $0xb8;
	[tilespmem:$0x19800] =	vst v63  }
0x55: {  	s5 =	simm.s32 $0x3000  }
0x56: {  	[tilespmem:s5], [sflag:$0x1] =	stream.indirect_vreg.gather [hbm4b:s25+s19], $0x80, v2, vm0, $0xb8;
	[tilespmem:$0x19800] =	vst v63  }
0x57: {  	s5 =	simm.s32 $0x3800  }
0x58: {  	[tilespmem:s5], [sflag:$0x1] =	stream.indirect_vreg.gather [hbm4b:s26+s19], $0x80, v2, vm0, $0xb8;
	[tilespmem:$0x19800] =	vst v63  }
0x59: {  	s5 =	simm.s32 $0x4000  }
0x5a: {  	[tilespmem:s5], [sflag:$0x1] =	stream.indirect_vreg.gather [hbm4b:s28+s19], $0x80, v2, vm0, $0xb8;
	[tilespmem:$0x19800] =	vst v63  }
0x5b: {  	s5 =	simm.s32 $0x4800  }
0x5c: {  	[tilespmem:s5], [sflag:$0x1] =	stream.indirect_vreg.gather [hbm4b:s29+s19], $0x80, v2, vm0, $0xb8;
	[tilespmem:$0x19800] =	vst v63  }
0x5d: {  	s5 =	simm.s32 $0x5000  }
0x5e: {  	[tilespmem:s5], [sflag:$0x1] =	stream.indirect_vreg.gather [hbm4b:s30+s19], $0x80, v2, vm0, $0xb8;
	[tilespmem:$0x19800] =	vst v63  }
0x5f: {  	s5 =	simm.s32 $0x5800  }
0x60: {  	[tilespmem:s5], [sflag:$0x1] =	stream.indirect_vreg.gather [hbm4b:s31+s19], $0x80, v2, vm0, $0xb8;
	[tilespmem:$0x19800] =	vst v63  }
0x61: {  	s5 =	simm.s32 $0x6000  }
0x62: {  	[tilespmem:s5], [sflag:$0x1] =	stream.indirect_vreg.gather [hbm4b:s18+s19], $0x80, v2, vm0, $0xb8;
	[tilespmem:$0x19800] =	vst v63  }
0x63: {  	s5 =	simm.s32 $0x6800  }
0x64: {  	[tilespmem:s5], [sflag:$0x1] =	stream.indirect_vreg.gather [hbm4b:s0+s19], $0x80, v2, vm1, $0xb8;
	[tilespmem:$0x19800] =	vst v63  }
0x65: {  	v2 =	vld.msk [tilespmem:$0x80], $0x1;
	_ =	sdelay $0x4  }
0x66: {  	v3 =	vshrl.u32 v2, $0x3  }
0x67: {  	v3 =	vmul.u32 $0x640, v3  }
0x68: {  	v2 =	vand.u32 $0x7, v2  }
0x69: {  	v2 =	vor.u32 v2, v3  }
0x6a: {  	v2 =	vperm.xlane v2, v0;
	_ =	sdelay $0x1  }
0x6b: {  	v2 =	vadd.s32 v1, v2;
	_ =	sdelay $0x4  }
0x6c: {  	[tilespmem:s10], [sflag:$0x2] =	stream.indirect_vreg.gather [hbm4b:s20+s19], $0x80, v2, vm0, $0xb8;
	[tilespmem:$0x19800] =	vst v63  }
0x6d: {  	s5 =	simm.s32 $0x7400  }
0x6e: {  	[tilespmem:s5], [sflag:$0x2] =	stream.indirect_vreg.gather [hbm4b:s21+s19], $0x80, v2, vm0, $0xb8;
	[tilespmem:$0x19800] =	vst v63  }
0x6f: {  	s5 =	simm.s32 $0x7C00  }
0x70: {  	[tilespmem:s5], [sflag:$0x2] =	stream.indirect_vreg.gather [hbm4b:s22+s19], $0x80, v2, vm0, $0xb8;
	[tilespmem:$0x19800] =	vst v63  }
0x71: {  	s5 =	simm.s32 $0x8400  }
0x72: {  	[tilespmem:s5], [sflag:$0x2] =	stream.indirect_vreg.gather [hbm4b:s23+s19], $0x80, v2, vm0, $0xb8;
	[tilespmem:$0x19800] =	vst v63  }
0x73: {  	s5 =	simm.s32 $0x8C00  }
0x74: {  	[tilespmem:s5], [sflag:$0x2] =	stream.indirect_vreg.gather [hbm4b:s24+s19], $0x80, v2, vm0, $0xb8;
	[tilespmem:$0x19800] =	vst v63  }
0x75: {  	s5 =	simm.s32 $0x9400  }
0x76: {  	[tilespmem:s5], [sflag:$0x2] =	stream.indirect_vreg.gather [hbm4b:s25+s19], $0x80, v2, vm0, $0xb8;
	[tilespmem:$0x19800] =	vst v63  }
0x77: {  	s5 =	simm.s32 $0x9C00  }
0x78: {  	[tilespmem:s5], [sflag:$0x2] =	stream.indirect_vreg.gather [hbm4b:s26+s19], $0x80, v2, vm0, $0xb8;
	[tilespmem:$0x19800] =	vst v63  }
0x79: {  	s5 =	simm.s32 $0xA400  }
0x7a: {  	[tilespmem:s5], [sflag:$0x2] =	stream.indirect_vreg.gather [hbm4b:s28+s19], $0x80, v2, vm0, $0xb8;
	[tilespmem:$0x19800] =	vst v63  }
0x7b: {  	s5 =	simm.s32 $0xAC00  }
0x7c: {  	[tilespmem:s5], [sflag:$0x2] =	stream.indirect_vreg.gather [hbm4b:s29+s19], $0x80, v2, vm0, $0xb8;
	[tilespmem:$0x19800] =	vst v63  }
0x7d: {  	s5 =	simm.s32 $0xB400  }
0x7e: {  	[tilespmem:s5], [sflag:$0x2] =	stream.indirect_vreg.gather [hbm4b:s30+s19], $0x80, v2, vm0, $0xb8;
	[tilespmem:$0x19800] =	vst v63  }
0x7f: {  	s5 =	simm.s32 $0xBC00  }
0x80: {  	[tilespmem:s5], [sflag:$0x2] =	stream.indirect_vreg.gather [hbm4b:s31+s19], $0x80, v2, vm0, $0xb8;
	[tilespmem:$0x19800] =	vst v63  }
0x81: {  	s5 =	simm.s32 $0xC400  }
0x82: {  	[tilespmem:s5], [sflag:$0x2] =	stream.indirect_vreg.gather [hbm4b:s18+s19], $0x80, v2, vm0, $0xb8;
	[tilespmem:$0x19800] =	vst v63  }
0x83: {  	s5 =	simm.s32 $0xCC00  }
0x84: {  	[tilespmem:s5], [sflag:$0x2] =	stream.indirect_vreg.gather [hbm4b:s0+s19], $0x80, v2, vm1, $0xb8;
	[tilespmem:$0x19800] =	vst v63  }
0x85: {  	v2 =	vld.msk [tilespmem:$0x100], $0x1;
	_ =	sdelay $0x4  }
0x86: {  	v3 =	vshrl.u32 v2, $0x3  }
0x87: {  	v3 =	vmul.u32 $0x640, v3  }
0x88: {  	v2 =	vand.u32 $0x7, v2  }
0x89: {  	v2 =	vor.u32 v2, v3  }
0x8a: {  	v2 =	vperm.xlane v2, v0;
	_ =	sdelay $0x1  }
0x8b: {  	v2 =	vadd.s32 v1, v2;
	_ =	sdelay $0x4  }
0x8c: {  	[tilespmem:s13], [sflag:$0x3] =	stream.indirect_vreg.gather [hbm4b:s20+s19], $0x80, v2, vm0, $0xb8;
	[tilespmem:$0x19800] =	vst v63  }
0x8d: {  	_ = 	snop  }
0x8e: {  	[tilespmem:s16], [sflag:$0x3] =	stream.indirect_vreg.gather [hbm4b:s21+s19], $0x80, v2, vm0, $0xb8;
	[tilespmem:$0x19800] =	vst v63  }
0x8f: {  	_ = 	snop  }
0x90: {  	[tilespmem:s7], [sflag:$0x3] =	stream.indirect_vreg.gather [hbm4b:s22+s19], $0x80, v2, vm0, $0xb8;
	[tilespmem:$0x19800] =	vst v63  }
0x91: {  	s7 =	simm.s32 $0xE800  }
0x92: {  	[tilespmem:s7], [sflag:$0x3] =	stream.indirect_vreg.gather [hbm4b:s23+s19], $0x80, v2, vm0, $0xb8;
	[tilespmem:$0x19800] =	vst v63  }
0x93: {  	s7 =	simm.s32 $0xF000  }
0x94: {  	[tilespmem:s7], [sflag:$0x3] =	stream.indirect_vreg.gather [hbm4b:s24+s19], $0x80, v2, vm0, $0xb8;
	[tilespmem:$0x19800] =	vst v63  }
0x95: {  	_ = 	snop  }
0x96: {  	[tilespmem:s4], [sflag:$0x3] =	stream.indirect_vreg.gather [hbm4b:s25+s19], $0x80, v2, vm0, $0xb8;
	[tilespmem:$0x19800] =	vst v63  }
0x97: {  	_ = 	snop  }
0x98: {  	[tilespmem:s1], [sflag:$0x3] =	stream.indirect_vreg.gather [hbm4b:s26+s19], $0x80, v2, vm0, $0xb8;
	[tilespmem:$0x19800] =	vst v63  }
0x99: {  	_ = 	snop  }
0x9a: {  	[tilespmem:s3], [sflag:$0x3] =	stream.indirect_vreg.gather [hbm4b:s28+s19], $0x80, v2, vm0, $0xb8;
	[tilespmem:$0x19800] =	vst v63  }
0x9b: {  	_ = 	snop  }
0x9c: {  	[tilespmem:s11], [sflag:$0x3] =	stream.indirect_vreg.gather [hbm4b:s29+s19], $0x80, v2, vm0, $0xb8;
	[tilespmem:$0x19800] =	vst v63  }
0x9d: {  	_ = 	snop  }
0x9e: {  	[tilespmem:s12], [sflag:$0x3] =	stream.indirect_vreg.gather [hbm4b:s30+s19], $0x80, v2, vm0, $0xb8;
	[tilespmem:$0x19800] =	vst v63  }
0x9f: {  	_ = 	snop  }
0xa0: {  	[tilespmem:s2], [sflag:$0x3] =	stream.indirect_vreg.gather [hbm4b:s31+s19], $0x80, v2, vm0, $0xb8;
	[tilespmem:$0x19800] =	vst v63  }
0xa1: {  	_ = 	snop  }
0xa2: {  	[tilespmem:s6], [sflag:$0x3] =	stream.indirect_vreg.gather [hbm4b:s18+s19], $0x80, v2, vm0, $0xb8;
	[tilespmem:$0x19800] =	vst v63  }
0xa3: {  	_ = 	snop  }
0xa4: {  	[tilespmem:s14], [sflag:$0x3] =	stream.indirect_vreg.gather [hbm4b:s0+s19], $0x80, v2, vm1, $0xb8;
	[tilespmem:$0x19800] =	vst v63  }
0xa5: {  	s14 =	simm.s32 $0x1  }
0xa6: {  	_ =	swait.ge [sflag:s14], $0x6400  }
0xa7: {  	s12 =	simm.s32 $0x400;
	[sflag:s14] =	ssyncset.done $0x0  }
0xa8: {  	s6 =	simm.s32 $0x80;
	s2 =	rddreg [dreg:$0x4];
	[sflag:s14] =	ssyncadd.s32 $0xFFFF9C00  }
0xa9: {  	[hbm4b:s2+s6] =	stream.strided.scatter [tilespmem:s8], [sflag:$0x5], $0x6400, s12, s6, $0x38;
	[tilespmem:$0x19800] =	vst v63  }
0xaa: {  	v2 =	vld.msk [tilespmem:$0x180], $0x1;
	_ =	sdelay $0x4  }
0xab: {  	v3 =	vshrl.u32 v2, $0x3  }
0xac: {  	v3 =	vmul.u32 $0x640, v3  }
0xad: {  	v2 =	vand.u32 $0x7, v2  }
0xae: {  	v2 =	vor.u32 v2, v3  }
0xaf: {  	v2 =	vperm.xlane v2, v0;
	_ =	sdelay $0x1  }
0xb0: {  	v2 =	vadd.s32 v1, v2;
	_ =	sdelay $0x3  }
0xb1: {  	s11 =	simm.s32 $0x13400  }
0xb2: {  	[tilespmem:s11], [sflag:$0x4] =	stream.indirect_vreg.gather [hbm4b:s20+s19], $0x80, v2, vm0, $0xb8;
	[tilespmem:$0x19800] =	vst v63  }
0xb3: {  	s3 =	simm.s32 $0x13C00  }
0xb4: {  	[tilespmem:s3], [sflag:$0x4] =	stream.indirect_vreg.gather [hbm4b:s21+s19], $0x80, v2, vm0, $0xb8;
	[tilespmem:$0x19800] =	vst v63  }
0xb5: {  	s4 =	simm.s32 $0x14400  }
0xb6: {  	[tilespmem:s4], [sflag:$0x4] =	stream.indirect_vreg.gather [hbm4b:s22+s19], $0x80, v2, vm0, $0xb8;
	[tilespmem:$0x19800] =	vst v63  }
0xb7: {  	s5 =	simm.s32 $0x14C00  }
0xb8: {  	[tilespmem:s5], [sflag:$0x4] =	stream.indirect_vreg.gather [hbm4b:s23+s19], $0x80, v2, vm0, $0xb8;
	[tilespmem:$0x19800] =	vst v63  }
0xb9: {  	s7 =	simm.s32 $0x15400  }
0xba: {  	[tilespmem:s7], [sflag:$0x4] =	stream.indirect_vreg.gather [hbm4b:s24+s19], $0x80, v2, vm0, $0xb8;
	[tilespmem:$0x19800] =	vst v63  }
0xbb: {  	s14 =	simm.s32 $0x15C00  }
0xbc: {  	[tilespmem:s14], [sflag:$0x4] =	stream.indirect_vreg.gather [hbm4b:s25+s19], $0x80, v2, vm0, $0xb8;
	[tilespmem:$0x19800] =	vst v63  }
0xbd: {  	s2 =	simm.s32 $0x16400  }
0xbe: {  	[tilespmem:s2], [sflag:$0x4] =	stream.indirect_vreg.gather [hbm4b:s26+s19], $0x80, v2, vm0, $0xb8;
	[tilespmem:$0x19800] =	vst v63  }
0xbf: {  	s3 =	simm.s32 $0x16C00  }
0xc0: {  	[tilespmem:s3], [sflag:$0x4] =	stream.indirect_vreg.gather [hbm4b:s28+s19], $0x80, v2, vm0, $0xb8;
	[tilespmem:$0x19800] =	vst v63  }
0xc1: {  	s4 =	simm.s32 $0x17400  }
0xc2: {  	[tilespmem:s4], [sflag:$0x4] =	stream.indirect_vreg.gather [hbm4b:s29+s19], $0x80, v2, vm0, $0xb8;
	[tilespmem:$0x19800] =	vst v63  }
0xc3: {  	s5 =	simm.s32 $0x17C00  }
0xc4: {  	[tilespmem:s5], [sflag:$0x4] =	stream.indirect_vreg.gather [hbm4b:s30+s19], $0x80, v2, vm0, $0xb8;
	[tilespmem:$0x19800] =	vst v63  }
0xc5: {  	s7 =	simm.s32 $0x18400  }
0xc6: {  	[tilespmem:s7], [sflag:$0x4] =	stream.indirect_vreg.gather [hbm4b:s31+s19], $0x80, v2, vm0, $0xb8;
	[tilespmem:$0x19800] =	vst v63  }
0xc7: {  	s14 =	simm.s32 $0x18C00  }
0xc8: {  	[tilespmem:s14], [sflag:$0x4] =	stream.indirect_vreg.gather [hbm4b:s18+s19], $0x80, v2, vm0, $0xb8;
	[tilespmem:$0x19800] =	vst v63  }
0xc9: {  	s2 =	simm.s32 $0x19400;
	s3 =	simm.s32 $0x2  }
0xca: {  	[tilespmem:s2], [sflag:$0x4] =	stream.indirect_vreg.gather [hbm4b:s0+s19], $0x80, v2, vm1, $0xb8;
	[tilespmem:$0x19800] =	vst v63  }
0xcb: {  	_ =	swait.ge [sflag:s3], $0x6400  }
0xcc: {  	[sflag:s3] =	ssyncset.done $0x0  }
0xcd: {  	s5 =	simm.s32 $0x5;
	s4 =	rddreg [dreg:$0x5];
	[sflag:s3] =	ssyncadd.s32 $0xFFFF9C00  }
0xce: {  	[hbm4b:s4+s6] =	stream.strided.scatter [tilespmem:s10], [sflag:$0x6], $0x6400, s12, s6, $0x38;
	[tilespmem:$0x19800] =	vst v63  }
0xcf: {  	_ =	swait.ge [sflag:s5], $0x6400  }
0xd0: {  	[sflag:s5] =	ssyncset.done $0x0  }
0xd1: {  	[sflag:s5] =	ssyncadd.s32 $0xFFFF9C00  }
0xd2: {  	v2 =	vld.msk @!p0 [tilespmem:$0x200], $0x1;
	_ =	sdelay $0x4  }
0xd3: {  	v3 =	vshrl.u32 @!p0 v2, $0x3  }
0xd4: {  	v3 =	vmul.u32 @!p0 $0x640, v3  }
0xd5: {  	v2 =	vand.u32 @!p0 $0x7, v2  }
0xd6: {  	v4 =	vlaneseq.u32 @!p0;
	v2 =	vor.u32 @!p0 v2, v3;
	v3 =	vimm.s32 @!p0 $0x0  }
0xd7: {  	v2 =	vperm.xlane @!p0 v2, v3;
	v3 =	vmul.u32 @!p0 $0x8, v4;
	_ =	sdelay $0x1  }
0xd8: {  	v2 =	vadd.s32 @!p0 v3, v2;
	_ =	sdelay $0x3  }
0xd9: {  	s7 =	simm.s32 @!p0 $0x800;
	s5 =	simm.s32 @!p0 $0x0  }
0xda: {  	[tilespmem:s7], [sflag:$0x1] =	stream.indirect_vreg.gather @!p0 [hbm4b:s20+s5], $0x80, v2, vm2, $0xb8;
	[tilespmem:$0x19800] =	vst v63  }
0xdb: {  	s7 =	simm.s32 @!p0 $0x1000  }
0xdc: {  	[tilespmem:s7], [sflag:$0x1] =	stream.indirect_vreg.gather @!p0 [hbm4b:s21+s5], $0x80, v2, vm2, $0xb8;
	[tilespmem:$0x19800] =	vst v63  }
0xdd: {  	s7 =	simm.s32 @!p0 $0x1800  }
0xde: {  	[tilespmem:s7], [sflag:$0x1] =	stream.indirect_vreg.gather @!p0 [hbm4b:s22+s5], $0x80, v2, vm2, $0xb8;
	[tilespmem:$0x19800] =	vst v63  }
0xdf: {  	s7 =	simm.s32 @!p0 $0x2000  }
0xe0: {  	[tilespmem:s7], [sflag:$0x1] =	stream.indirect_vreg.gather @!p0 [hbm4b:s23+s5], $0x80, v2, vm2, $0xb8;
	[tilespmem:$0x19800] =	vst v63  }
0xe1: {  	s7 =	simm.s32 @!p0 $0x2800  }
0xe2: {  	[tilespmem:s7], [sflag:$0x1] =	stream.indirect_vreg.gather @!p0 [hbm4b:s24+s5], $0x80, v2, vm2, $0xb8;
	[tilespmem:$0x19800] =	vst v63  }
0xe3: {  	s7 =	simm.s32 @!p0 $0x3000  }
0xe4: {  	[tilespmem:s7], [sflag:$0x1] =	stream.indirect_vreg.gather @!p0 [hbm4b:s25+s5], $0x80, v2, vm2, $0xb8;
	[tilespmem:$0x19800] =	vst v63  }
0xe5: {  	s7 =	simm.s32 @!p0 $0x3800  }
0xe6: {  	[tilespmem:s7], [sflag:$0x1] =	stream.indirect_vreg.gather @!p0 [hbm4b:s26+s5], $0x80, v2, vm2, $0xb8;
	[tilespmem:$0x19800] =	vst v63  }
0xe7: {  	s7 =	simm.s32 @!p0 $0x4000  }
0xe8: {  	[tilespmem:s7], [sflag:$0x1] =	stream.indirect_vreg.gather @!p0 [hbm4b:s28+s5], $0x80, v2, vm2, $0xb8;
	[tilespmem:$0x19800] =	vst v63  }
0xe9: {  	s7 =	simm.s32 @!p0 $0x4800  }
0xea: {  	[tilespmem:s7], [sflag:$0x1] =	stream.indirect_vreg.gather @!p0 [hbm4b:s29+s5], $0x80, v2, vm2, $0xb8;
	[tilespmem:$0x19800] =	vst v63  }
0xeb: {  	s7 =	simm.s32 @!p0 $0x5000  }
0xec: {  	[tilespmem:s7], [sflag:$0x1] =	stream.indirect_vreg.gather @!p0 [hbm4b:s30+s5], $0x80, v2, vm2, $0xb8;
	[tilespmem:$0x19800] =	vst v63  }
0xed: {  	s7 =	simm.s32 @!p0 $0x5800  }
0xee: {  	[tilespmem:s7], [sflag:$0x1] =	stream.indirect_vreg.gather @!p0 [hbm4b:s31+s5], $0x80, v2, vm2, $0xb8;
	[tilespmem:$0x19800] =	vst v63  }
0xef: {  	s7 =	simm.s32 @!p0 $0x6000  }
0xf0: {  	[tilespmem:s7], [sflag:$0x1] =	stream.indirect_vreg.gather @!p0 [hbm4b:s18+s5], $0x80, v2, vm2, $0xb8;
	[tilespmem:$0x19800] =	vst v63  }
0xf1: {  	s7 =	simm.s32 @!p0 $0x6800  }
0xf2: {  	[tilespmem:s7], [sflag:$0x1] =	stream.indirect_vreg.gather @!p0 [hbm4b:s0+s5], $0x80, v2, vm3, $0xb8;
	[tilespmem:$0x19800] =	vst v63  }
0xf3: {  	s7 =	simm.s32 $0x3  }
0xf4: {  	_ =	swait.ge [sflag:s7], $0x6400  }
0xf5: {  	[sflag:s7] =	ssyncset.done $0x0  }
0xf6: {  	[sflag:s7] =	ssyncadd.s32 $0xFFFF9C00;
	s7 =	rddreg [dreg:$0x6]  }
0xf7: {  	[hbm4b:s7+s6] =	stream.strided.scatter [tilespmem:s13], [sflag:$0x7], $0x6400, s12, s6, $0x38;
	[tilespmem:$0x19800] =	vst v63  }
0xf8: {  	s7 =	simm.s32 $0x6  }
0xf9: {  	_ =	swait.ge [sflag:s7], $0x6400  }
0xfa: {  	[sflag:s7] =	ssyncset.done $0x0  }
0xfb: {  	[sflag:s7] =	ssyncadd.s32 $0xFFFF9C00  }
0xfc: {  	v2 =	vld.msk @!p1 [tilespmem:$0x280], $0x1;
	_ =	sdelay $0x4  }
0xfd: {  	v3 =	vshrl.u32 @!p1 v2, $0x3  }
0xfe: {  	v3 =	vmul.u32 @!p1 $0x640, v3  }
0xff: {  	v2 =	vand.u32 @!p1 $0x7, v2  }
0x100: {  	v4 =	vlaneseq.u32 @!p1;
	v2 =	vor.u32 @!p1 v2, v3;
	v3 =	vimm.s32 @!p1 $0x0  }
0x101: {  	v2 =	vperm.xlane @!p1 v2, v3;
	v3 =	vmul.u32 @!p1 $0x8, v4;
	_ =	sdelay $0x1  }
0x102: {  	v2 =	vadd.s32 @!p1 v3, v2;
	_ =	sdelay $0x3  }
0x103: {  	s5 =	simm.s32 @!p1 $0x0;
	s7 =	simm.s32 @!p1 $0x6C00  }
0x104: {  	[tilespmem:s7], [sflag:$0x2] =	stream.indirect_vreg.gather @!p1 [hbm4b:s20+s5], $0x80, v2, vm4, $0xb8;
	[tilespmem:$0x19800] =	vst v63  }
0x105: {  	s7 =	simm.s32 @!p1 $0x7400  }
0x106: {  	[tilespmem:s7], [sflag:$0x2] =	stream.indirect_vreg.gather @!p1 [hbm4b:s21+s5], $0x80, v2, vm4, $0xb8;
	[tilespmem:$0x19800] =	vst v63  }
0x107: {  	s7 =	simm.s32 @!p1 $0x7C00  }
0x108: {  	[tilespmem:s7], [sflag:$0x2] =	stream.indirect_vreg.gather @!p1 [hbm4b:s22+s5], $0x80, v2, vm4, $0xb8;
	[tilespmem:$0x19800] =	vst v63  }
0x109: {  	s7 =	simm.s32 @!p1 $0x8400  }
0x10a: {  	[tilespmem:s7], [sflag:$0x2] =	stream.indirect_vreg.gather @!p1 [hbm4b:s23+s5], $0x80, v2, vm4, $0xb8;
	[tilespmem:$0x19800] =	vst v63  }
0x10b: {  	s7 =	simm.s32 @!p1 $0x8C00  }
0x10c: {  	[tilespmem:s7], [sflag:$0x2] =	stream.indirect_vreg.gather @!p1 [hbm4b:s24+s5], $0x80, v2, vm4, $0xb8;
	[tilespmem:$0x19800] =	vst v63  }
0x10d: {  	s7 =	simm.s32 @!p1 $0x9400  }
0x10e: {  	[tilespmem:s7], [sflag:$0x2] =	stream.indirect_vreg.gather @!p1 [hbm4b:s25+s5], $0x80, v2, vm4, $0xb8;
	[tilespmem:$0x19800] =	vst v63  }
0x10f: {  	s7 =	simm.s32 @!p1 $0x9C00  }
0x110: {  	[tilespmem:s7], [sflag:$0x2] =	stream.indirect_vreg.gather @!p1 [hbm4b:s26+s5], $0x80, v2, vm4, $0xb8;
	[tilespmem:$0x19800] =	vst v63  }
0x111: {  	s7 =	simm.s32 @!p1 $0xA400  }
0x112: {  	[tilespmem:s7], [sflag:$0x2] =	stream.indirect_vreg.gather @!p1 [hbm4b:s28+s5], $0x80, v2, vm4, $0xb8;
	[tilespmem:$0x19800] =	vst v63  }
0x113: {  	s7 =	simm.s32 @!p1 $0xAC00  }
0x114: {  	[tilespmem:s7], [sflag:$0x2] =	stream.indirect_vreg.gather @!p1 [hbm4b:s29+s5], $0x80, v2, vm4, $0xb8;
	[tilespmem:$0x19800] =	vst v63  }
0x115: {  	s7 =	simm.s32 @!p1 $0xB400  }
0x116: {  	[tilespmem:s7], [sflag:$0x2] =	stream.indirect_vreg.gather @!p1 [hbm4b:s30+s5], $0x80, v2, vm4, $0xb8;
	[tilespmem:$0x19800] =	vst v63  }
0x117: {  	s7 =	simm.s32 @!p1 $0xBC00  }
0x118: {  	[tilespmem:s7], [sflag:$0x2] =	stream.indirect_vreg.gather @!p1 [hbm4b:s31+s5], $0x80, v2, vm4, $0xb8;
	[tilespmem:$0x19800] =	vst v63  }
0x119: {  	s7 =	simm.s32 @!p1 $0xC400  }
0x11a: {  	[tilespmem:s7], [sflag:$0x2] =	stream.indirect_vreg.gather @!p1 [hbm4b:s18+s5], $0x80, v2, vm4, $0xb8;
	[tilespmem:$0x19800] =	vst v63  }
0x11b: {  	s7 =	simm.s32 @!p1 $0xCC00  }
0x11c: {  	[tilespmem:s7], [sflag:$0x2] =	stream.indirect_vreg.gather @!p1 [hbm4b:s0+s5], $0x80, v2, vm5, $0xb8;
	[tilespmem:$0x19800] =	vst v63  }
0x11d: {  	s7 =	simm.s32 $0x4  }
0x11e: {  	_ =	swait.ge [sflag:s7], $0x6400  }
0x11f: {  	[sflag:s7] =	ssyncset.done $0x0  }
0x120: {  	[sflag:s7] =	ssyncadd.s32 $0xFFFF9C00;
	s7 =	rddreg [dreg:$0x7]  }
0x121: {  	[hbm4b:s7+s6] =	stream.strided.scatter [tilespmem:s11], [sflag:$0x8], $0x6400, s12, s6, $0x38;
	[tilespmem:$0x19800] =	vst v63  }
0x122: {  	s11 =	simm.s32 $0x7  }
0x123: {  	_ =	swait.ge [sflag:s11], $0x6400  }
0x124: {  	s12 =	sld [smem:$0x7F5];
	_ =	sdelay $0x2  }
0x125: {  	p3 =	seq.s32 s12, $0x1  }
.Ltmp2:
0x126: {  	_ = 	snop;
	(pc) =	sbr.rel @p3 .LBB2_3-.Ltmp2, $4  }
0x127: {  	_ = 	snop  }
0x128: {  	s1 =	simm.s32 $0xF800  }
0x129: {  	s14 =	simm.s32 $0xE000;
	s2 =	simm.s32 $0xE800;
	[sflag:s11] =	ssyncset.done $0x0  }
0x12a: {  	s3 =	simm.s32 $0x10000;
	s4 =	simm.s32 $0xF000;
	[sflag:s11] =	ssyncadd.s32 $0xFFFF9C00  }
0x12b: {  	v2 =	vld.msk [tilespmem:$0x300], $0x1;
	_ =	sdelay $0x4  }
0x12c: {  	v3 =	vshrl.u32 v2, $0x3  }
0x12d: {  	v3 =	vmul.u32 $0x640, v3  }
0x12e: {  	v2 =	vand.u32 $0x7, v2  }
0x12f: {  	v2 =	vor.u32 v2, v3  }
0x130: {  	v2 =	vperm.xlane v2, v0;
	_ =	sdelay $0x1  }
0x131: {  	v2 =	vadd.s32 v1, v2;
	_ =	sdelay $0x4  }
0x132: {  	[tilespmem:s13], [sflag:$0x3] =	stream.indirect_vreg.gather [hbm4b:s20+s19], $0x80, v2, vm0, $0xb8;
	[tilespmem:$0x19800] =	vst v63  }
0x133: {  	_ = 	snop  }
0x134: {  	[tilespmem:s16], [sflag:$0x3] =	stream.indirect_vreg.gather [hbm4b:s21+s19], $0x80, v2, vm0, $0xb8;
	[tilespmem:$0x19800] =	vst v63  }
0x135: {  	_ = 	snop  }
0x136: {  	[tilespmem:s14], [sflag:$0x3] =	stream.indirect_vreg.gather [hbm4b:s22+s19], $0x80, v2, vm0, $0xb8;
	[tilespmem:$0x19800] =	vst v63  }
0x137: {  	_ = 	snop  }
0x138: {  	[tilespmem:s2], [sflag:$0x3] =	stream.indirect_vreg.gather [hbm4b:s23+s19], $0x80, v2, vm0, $0xb8;
	[tilespmem:$0x19800] =	vst v63  }
0x139: {  	_ = 	snop  }
0x13a: {  	[tilespmem:s4], [sflag:$0x3] =	stream.indirect_vreg.gather [hbm4b:s24+s19], $0x80, v2, vm0, $0xb8;
	[tilespmem:$0x19800] =	vst v63  }
0x13b: {  	_ = 	snop  }
0x13c: {  	[tilespmem:s1], [sflag:$0x3] =	stream.indirect_vreg.gather [hbm4b:s25+s19], $0x80, v2, vm0, $0xb8;
	[tilespmem:$0x19800] =	vst v63  }
0x13d: {  	_ = 	snop  }
0x13e: {  	[tilespmem:s3], [sflag:$0x3] =	stream.indirect_vreg.gather [hbm4b:s26+s19], $0x80, v2, vm0, $0xb8;
	[tilespmem:$0x19800] =	vst v63  }
0x13f: {  	s5 =	simm.s32 $0x10800  }
0x140: {  	[tilespmem:s5], [sflag:$0x3] =	stream.indirect_vreg.gather [hbm4b:s28+s19], $0x80, v2, vm0, $0xb8;
	[tilespmem:$0x19800] =	vst v63  }
0x141: {  	s6 =	simm.s32 $0x11000  }
0x142: {  	[tilespmem:s6], [sflag:$0x3] =	stream.indirect_vreg.gather [hbm4b:s29+s19], $0x80, v2, vm0, $0xb8;
	[tilespmem:$0x19800] =	vst v63  }
0x143: {  	s7 =	simm.s32 $0x11800;
	s11 =	simm.s32 $0x12000  }
0x144: {  	[tilespmem:s7], [sflag:$0x3] =	stream.indirect_vreg.gather [hbm4b:s30+s19], $0x80, v2, vm0, $0xb8;
	[tilespmem:$0x19800] =	vst v63  }
0x145: {  	s12 =	simm.s32 $0x12800;
	s14 =	simm.s32 $0x13000;
	s2 =	simm.s32 $0x12000  }
0x146: {  	[tilespmem:s11], [sflag:$0x3] =	stream.indirect_vreg.gather [hbm4b:s31+s19], $0x80, v2, vm0, $0xb8;
	[tilespmem:$0x19800] =	vst v63  }
.Ltmp3:
0x147: {  	s4 =	simm.s32 $0xF800;
	s1 =	simm.s32 $0x10000;
	(pc) =	sbr.rel .LBB2_4-.Ltmp3, $4  }
0x148: {  	[tilespmem:s12], [sflag:$0x3] =	stream.indirect_vreg.gather [hbm4b:s18+s19], $0x80, v2, vm0, $0xb8;
	[tilespmem:$0x19800] =	vst v63  }
0x149: {  	s3 =	simm.s32 $0x10800;
	s6 =	simm.s32 $0x12800;
	s7 =	simm.s32 $0xE000  }
0x14a: {  	[tilespmem:s14], [sflag:$0x3] =	stream.indirect_vreg.gather [hbm4b:s0+s19], $0x80, v2, vm1, $0xb8;
	[tilespmem:$0x19800] =	vst v63  }
0x14b: {  	s11 =	simm.s32 $0x11000;
	s12 =	simm.s32 $0x11800;
	s14 =	simm.s32 $0x13000  }
.LBB2_3:
.Ltmp4:
0x14c: {  	(pc) =	sbr.rel @p0 .LBB2_18-.Ltmp4, $4  }
0x14d: {  	_ = 	snop  }
0x14e: {  	s7 =	simm.s32 $0xE000;
	s4 =	simm.s32 $0xF800;
	s1 =	simm.s32 $0x10000  }
0x14f: {  	s3 =	simm.s32 $0x10800;
	s11 =	simm.s32 $0x11000;
	s12 =	simm.s32 $0x11800  }
0x150: {  	s2 =	simm.s32 $0x12000;
	s6 =	simm.s32 $0x12800;
	s14 =	simm.s32 $0x13000  }
.LBB2_4:
0x151: {  	s5 =	simm.s32 $0x1  }
0x152: {  	_ =	swait.ge [sflag:s5], $0x6400  }
0x153: {  	[sflag:s5] =	ssyncset.done $0x0  }
0x154: {  	[sflag:s5] =	ssyncadd.s32 $0xFFFF9C00;
	s5 =	rddreg [dreg:$0x8]  }
0x155: {  	[hbm4b:s5+s9] =	stream.strided.scatter [tilespmem:s8], [sflag:$0x5], $0x6400, s17, s9, $0x38;
	[tilespmem:$0x19800] =	vst v63  }
0x156: {  	s5 =	simm.s32 $0x8  }
0x157: {  	_ =	swait.ge [sflag:s5], $0x6400  }
0x158: {  	[sflag:s5] =	ssyncset.done $0x0  }
0x159: {  	[sflag:s5] =	ssyncadd.s32 $0xFFFF9C00;
	s5 =	sld [smem:$0x7F6];
	_ =	sdelay $0x2  }
0x15a: {  	p3 =	seq.s32 s5, $0x1  }
.Ltmp5:
0x15b: {  	_ = 	snop;
	(pc) =	sbr.rel @p3 .LBB2_6-.Ltmp5, $1  }
0x15c: {  	_ =	sdelay $0x3  }
0x15d: {  	v2 =	vld.msk [tilespmem:$0x380], $0x1;
	_ =	sdelay $0x4  }
0x15e: {  	v3 =	vshrl.u32 v2, $0x3  }
0x15f: {  	v3 =	vmul.u32 $0x640, v3  }
0x160: {  	v2 =	vand.u32 $0x7, v2  }
0x161: {  	v2 =	vor.u32 v2, v3  }
0x162: {  	v2 =	vperm.xlane v2, v0;
	_ =	sdelay $0x1  }
0x163: {  	v2 =	vadd.s32 v1, v2;
	_ =	sdelay $0x3  }
0x164: {  	s5 =	simm.s32 $0x13400  }
0x165: {  	[tilespmem:s5], [sflag:$0x4] =	stream.indirect_vreg.gather [hbm4b:s20+s19], $0x80, v2, vm0, $0xb8;
	[tilespmem:$0x19800] =	vst v63  }
0x166: {  	s7 =	simm.s32 $0x13C00  }
0x167: {  	[tilespmem:s7], [sflag:$0x4] =	stream.indirect_vreg.gather [hbm4b:s21+s19], $0x80, v2, vm0, $0xb8;
	[tilespmem:$0x19800] =	vst v63  }
0x168: {  	s8 =	simm.s32 $0x14400  }
0x169: {  	[tilespmem:s8], [sflag:$0x4] =	stream.indirect_vreg.gather [hbm4b:s22+s19], $0x80, v2, vm0, $0xb8;
	[tilespmem:$0x19800] =	vst v63  }
0x16a: {  	s16 =	simm.s32 $0x14C00  }
0x16b: {  	[tilespmem:s16], [sflag:$0x4] =	stream.indirect_vreg.gather [hbm4b:s23+s19], $0x80, v2, vm0, $0xb8;
	[tilespmem:$0x19800] =	vst v63  }
0x16c: {  	s7 =	simm.s32 $0x15400  }
0x16d: {  	[tilespmem:s7], [sflag:$0x4] =	stream.indirect_vreg.gather [hbm4b:s24+s19], $0x80, v2, vm0, $0xb8;
	[tilespmem:$0x19800] =	vst v63  }
0x16e: {  	s8 =	simm.s32 $0x15C00  }
0x16f: {  	[tilespmem:s8], [sflag:$0x4] =	stream.indirect_vreg.gather [hbm4b:s25+s19], $0x80, v2, vm0, $0xb8;
	[tilespmem:$0x19800] =	vst v63  }
0x170: {  	s16 =	simm.s32 $0x16400  }
0x171: {  	[tilespmem:s16], [sflag:$0x4] =	stream.indirect_vreg.gather [hbm4b:s26+s19], $0x80, v2, vm0, $0xb8;
	[tilespmem:$0x19800] =	vst v63  }
0x172: {  	s7 =	simm.s32 $0x16C00  }
0x173: {  	[tilespmem:s7], [sflag:$0x4] =	stream.indirect_vreg.gather [hbm4b:s28+s19], $0x80, v2, vm0, $0xb8;
	[tilespmem:$0x19800] =	vst v63  }
0x174: {  	s8 =	simm.s32 $0x17400  }
0x175: {  	[tilespmem:s8], [sflag:$0x4] =	stream.indirect_vreg.gather [hbm4b:s29+s19], $0x80, v2, vm0, $0xb8;
	[tilespmem:$0x19800] =	vst v63  }
0x176: {  	s16 =	simm.s32 $0x17C00  }
0x177: {  	[tilespmem:s16], [sflag:$0x4] =	stream.indirect_vreg.gather [hbm4b:s30+s19], $0x80, v2, vm0, $0xb8;
	[tilespmem:$0x19800] =	vst v63  }
0x178: {  	s7 =	simm.s32 $0x18400  }
0x179: {  	[tilespmem:s7], [sflag:$0x4] =	stream.indirect_vreg.gather [hbm4b:s31+s19], $0x80, v2, vm0, $0xb8;
	[tilespmem:$0x19800] =	vst v63  }
.Ltmp6:
0x17a: {  	_ = 	snop;
	(pc) =	sbr.rel .LBB2_7-.Ltmp6, $4  }
0x17b: {  	s8 =	simm.s32 $0x18C00  }
0x17c: {  	[tilespmem:s8], [sflag:$0x4] =	stream.indirect_vreg.gather [hbm4b:s18+s19], $0x80, v2, vm0, $0xb8;
	[tilespmem:$0x19800] =	vst v63  }
0x17d: {  	s16 =	simm.s32 $0x19400  }
0x17e: {  	[tilespmem:s16], [sflag:$0x4] =	stream.indirect_vreg.gather [hbm4b:s0+s19], $0x80, v2, vm1, $0xb8;
	[tilespmem:$0x19800] =	vst v63  }
.LBB2_6:
.Ltmp7:
0x17f: {  	(pc) =	sbr.rel @p1 .LBB2_8-.Ltmp7, $1  }
0x180: {  	_ =	sdelay $0x3  }
.LBB2_7:
0x181: {  	s5 =	simm.s32 $0x2  }
0x182: {  	_ =	swait.ge [sflag:s5], $0x6400  }
0x183: {  	[sflag:s5] =	ssyncset.done $0x0  }
0x184: {  	s16 =	rddreg [dreg:$0xf];
	[sflag:s5] =	ssyncadd.s32 $0xFFFF9C00  }
0x185: {  	[hbm4b:s16+s9] =	stream.strided.scatter [tilespmem:s10], [sflag:$0x6], $0x6400, s17, s9, $0x38;
	[tilespmem:$0x19800] =	vst v63  }
.LBB2_9:
0x186: {  	s5 =	simm.s32 $0x5  }
0x187: {  	_ =	swait.ge [sflag:s5], $0x6400  }
0x188: {  	s10 =	sld [smem:$0x7F7];
	_ =	sdelay $0x1  }
0x189: {  	[sflag:s5] =	ssyncset.done $0x0  }
0x18a: {  	[sflag:s5] =	ssyncadd.s32 $0xFFFF9C00;
	p2 =	seq.s32 s10, $0x1  }
0x18b: {  	v2 =	vld.msk @!p2 [tilespmem:$0x400], $0x1;
	_ =	sdelay $0x4  }
0x18c: {  	v3 =	vshrl.u32 @!p2 v2, $0x3  }
0x18d: {  	v3 =	vmul.u32 @!p2 $0x640, v3  }
0x18e: {  	v2 =	vand.u32 @!p2 $0x7, v2  }
0x18f: {  	v4 =	vlaneseq.u32 @!p2;
	v2 =	vor.u32 @!p2 v2, v3;
	v3 =	vimm.s32 @!p2 $0x0  }
0x190: {  	v2 =	vperm.xlane @!p2 v2, v3;
	v3 =	vmul.u32 @!p2 $0x8, v4;
	_ =	sdelay $0x1  }
0x191: {  	v2 =	vadd.s32 @!p2 v3, v2;
	_ =	sdelay $0x3  }
0x192: {  	s5 =	simm.s32 @!p2 $0x0;
	s7 =	simm.s32 @!p2 $0x800  }
0x193: {  	[tilespmem:s7], [sflag:$0x1] =	stream.indirect_vreg.gather @!p2 [hbm4b:s20+s5], $0x80, v2, vm6, $0xb8;
	[tilespmem:$0x19800] =	vst v63  }
0x194: {  	s7 =	simm.s32 @!p2 $0x1000  }
0x195: {  	[tilespmem:s7], [sflag:$0x1] =	stream.indirect_vreg.gather @!p2 [hbm4b:s21+s5], $0x80, v2, vm6, $0xb8;
	[tilespmem:$0x19800] =	vst v63  }
0x196: {  	s7 =	simm.s32 @!p2 $0x1800  }
0x197: {  	[tilespmem:s7], [sflag:$0x1] =	stream.indirect_vreg.gather @!p2 [hbm4b:s22+s5], $0x80, v2, vm6, $0xb8;
	[tilespmem:$0x19800] =	vst v63  }
0x198: {  	s7 =	simm.s32 @!p2 $0x2000  }
0x199: {  	[tilespmem:s7], [sflag:$0x1] =	stream.indirect_vreg.gather @!p2 [hbm4b:s23+s5], $0x80, v2, vm6, $0xb8;
	[tilespmem:$0x19800] =	vst v63  }
0x19a: {  	s7 =	simm.s32 @!p2 $0x2800  }
0x19b: {  	[tilespmem:s7], [sflag:$0x1] =	stream.indirect_vreg.gather @!p2 [hbm4b:s24+s5], $0x80, v2, vm6, $0xb8;
	[tilespmem:$0x19800] =	vst v63  }
0x19c: {  	s7 =	simm.s32 @!p2 $0x3000  }
0x19d: {  	[tilespmem:s7], [sflag:$0x1] =	stream.indirect_vreg.gather @!p2 [hbm4b:s25+s5], $0x80, v2, vm6, $0xb8;
	[tilespmem:$0x19800] =	vst v63  }
0x19e: {  	s7 =	simm.s32 @!p2 $0x3800  }
0x19f: {  	[tilespmem:s7], [sflag:$0x1] =	stream.indirect_vreg.gather @!p2 [hbm4b:s26+s5], $0x80, v2, vm6, $0xb8;
	[tilespmem:$0x19800] =	vst v63  }
0x1a0: {  	s7 =	simm.s32 @!p2 $0x4000  }
0x1a1: {  	[tilespmem:s7], [sflag:$0x1] =	stream.indirect_vreg.gather @!p2 [hbm4b:s28+s5], $0x80, v2, vm6, $0xb8;
	[tilespmem:$0x19800] =	vst v63  }
0x1a2: {  	s16 =	sld [smem:$0x7F5];
	s7 =	simm.s32 @!p2 $0x4800  }
0x1a3: {  	[tilespmem:s7], [sflag:$0x1] =	stream.indirect_vreg.gather @!p2 [hbm4b:s29+s5], $0x80, v2, vm6, $0xb8;
	[tilespmem:$0x19800] =	vst v63  }
0x1a4: {  	s7 =	simm.s32 @!p2 $0x5000  }
0x1a5: {  	[tilespmem:s7], [sflag:$0x1] =	stream.indirect_vreg.gather @!p2 [hbm4b:s30+s5], $0x80, v2, vm6, $0xb8;
	[tilespmem:$0x19800] =	vst v63  }
0x1a6: {  	p3 =	seq.s32 s16, $0x1;
	v3 =	vld [tilespmem:$0x1FF90];
	s7 =	simm.s32 @!p2 $0x5800  }
0x1a7: {  	[tilespmem:s7], [sflag:$0x1] =	stream.indirect_vreg.gather @!p2 [hbm4b:s31+s5], $0x80, v2, vm6, $0xb8;
	[tilespmem:$0x19800] =	vst v63  }
.Ltmp8:
0x1a8: {  	_ = 	snop;
	(pc) =	sbr.rel @p3 .LBB2_11-.Ltmp8, $4  }
0x1a9: {  	s7 =	simm.s32 @!p2 $0x6000  }
0x1aa: {  	[tilespmem:s7], [sflag:$0x1] =	stream.indirect_vreg.gather @!p2 [hbm4b:s18+s5], $0x80, v2, vm6, $0xb8;
	[tilespmem:$0x19800] =	vst v63  }
0x1ab: {  	vm13 =	vnez.u8 v3;
	s7 =	simm.s32 @!p2 $0x6800  }
0x1ac: {  	[tilespmem:s7], [sflag:$0x1] =	stream.indirect_vreg.gather @!p2 [hbm4b:s0+s5], $0x80, v2, vm13, $0xb8;
	[tilespmem:$0x19800] =	vst v63  }
.Ltmp9:
0x1ad: {  	s5 =	simm.s32 $0x3;
	(pc) =	sbr.rel .LBB2_12-.Ltmp9, $4  }
0x1ae: {  	_ =	swait.ge [sflag:s5], $0x6400  }
0x1af: {  	[sflag:s5] =	ssyncset.done $0x0  }
0x1b0: {  	s16 =	rddreg [dreg:$0x11];
	[sflag:s5] =	ssyncadd.s32 $0xFFFF9C00  }
0x1b1: {  	[hbm4b:s16+s9] =	stream.strided.scatter [tilespmem:s13], [sflag:$0x7], $0x6400, s17, s9, $0x38;
	[tilespmem:$0x19800] =	vst v63  }
.LBB2_11:
.Ltmp10:
0x1b2: {  	(pc) =	sbr.rel @p1 .LBB2_13-.Ltmp10, $1  }
0x1b3: {  	_ =	sdelay $0x3  }
.LBB2_12:
0x1b4: {  	s5 =	simm.s32 $0x6  }
0x1b5: {  	_ =	swait.ge [sflag:s5], $0x6400  }
0x1b6: {  	[sflag:s5] =	ssyncset.done $0x0  }
0x1b7: {  	[sflag:s5] =	ssyncadd.s32 $0xFFFF9C00  }
.LBB2_13:
0x1b8: {  	v2 =	vld.msk @!p5 [tilespmem:$0x480], $0x1;
	_ =	sdelay $0x4  }
0x1b9: {  	v3 =	vshrl.u32 @!p5 v2, $0x3  }
0x1ba: {  	v3 =	vmul.u32 @!p5 $0x640, v3  }
0x1bb: {  	v2 =	vand.u32 @!p5 $0x7, v2  }
0x1bc: {  	v4 =	vlaneseq.u32 @!p5;
	v2 =	vor.u32 @!p5 v2, v3;
	v3 =	vimm.s32 @!p5 $0x0  }
0x1bd: {  	v2 =	vperm.xlane @!p5 v2, v3;
	v3 =	vmul.u32 @!p5 $0x8, v4;
	_ =	sdelay $0x1  }
0x1be: {  	v2 =	vadd.s32 @!p5 v3, v2;
	_ =	sdelay $0x3  }
0x1bf: {  	s5 =	simm.s32 @!p5 $0x0;
	s7 =	simm.s32 @!p5 $0x6C00  }
0x1c0: {  	[tilespmem:s7], [sflag:$0x2] =	stream.indirect_vreg.gather @!p5 [hbm4b:s20+s5], $0x80, v2, vm8, $0xb8;
	[tilespmem:$0x19800] =	vst v63  }
0x1c1: {  	s7 =	simm.s32 @!p5 $0x7400  }
0x1c2: {  	[tilespmem:s7], [sflag:$0x2] =	stream.indirect_vreg.gather @!p5 [hbm4b:s21+s5], $0x80, v2, vm8, $0xb8;
	[tilespmem:$0x19800] =	vst v63  }
0x1c3: {  	s7 =	simm.s32 @!p5 $0x7C00  }
0x1c4: {  	[tilespmem:s7], [sflag:$0x2] =	stream.indirect_vreg.gather @!p5 [hbm4b:s22+s5], $0x80, v2, vm8, $0xb8;
	[tilespmem:$0x19800] =	vst v63  }
0x1c5: {  	s7 =	simm.s32 @!p5 $0x8400  }
0x1c6: {  	[tilespmem:s7], [sflag:$0x2] =	stream.indirect_vreg.gather @!p5 [hbm4b:s23+s5], $0x80, v2, vm8, $0xb8;
	[tilespmem:$0x19800] =	vst v63  }
0x1c7: {  	s7 =	simm.s32 @!p5 $0x8C00  }
0x1c8: {  	[tilespmem:s7], [sflag:$0x2] =	stream.indirect_vreg.gather @!p5 [hbm4b:s24+s5], $0x80, v2, vm8, $0xb8;
	[tilespmem:$0x19800] =	vst v63  }
0x1c9: {  	s7 =	simm.s32 @!p5 $0x9400  }
0x1ca: {  	[tilespmem:s7], [sflag:$0x2] =	stream.indirect_vreg.gather @!p5 [hbm4b:s25+s5], $0x80, v2, vm8, $0xb8;
	[tilespmem:$0x19800] =	vst v63  }
0x1cb: {  	s7 =	simm.s32 @!p5 $0x9C00  }
0x1cc: {  	[tilespmem:s7], [sflag:$0x2] =	stream.indirect_vreg.gather @!p5 [hbm4b:s26+s5], $0x80, v2, vm8, $0xb8;
	[tilespmem:$0x19800] =	vst v63  }
0x1cd: {  	s7 =	simm.s32 @!p5 $0xA400  }
0x1ce: {  	[tilespmem:s7], [sflag:$0x2] =	stream.indirect_vreg.gather @!p5 [hbm4b:s28+s5], $0x80, v2, vm8, $0xb8;
	[tilespmem:$0x19800] =	vst v63  }
0x1cf: {  	s16 =	sld [smem:$0x7F6];
	s7 =	simm.s32 @!p5 $0xAC00  }
0x1d0: {  	[tilespmem:s7], [sflag:$0x2] =	stream.indirect_vreg.gather @!p5 [hbm4b:s29+s5], $0x80, v2, vm8, $0xb8;
	[tilespmem:$0x19800] =	vst v63  }
0x1d1: {  	s7 =	simm.s32 @!p5 $0xB400  }
0x1d2: {  	[tilespmem:s7], [sflag:$0x2] =	stream.indirect_vreg.gather @!p5 [hbm4b:s30+s5], $0x80, v2, vm8, $0xb8;
	[tilespmem:$0x19800] =	vst v63  }
0x1d3: {  	p3 =	seq.s32 s16, $0x1;
	v3 =	vld [tilespmem:$0x1FFA0];
	s7 =	simm.s32 @!p5 $0xBC00  }
0x1d4: {  	[tilespmem:s7], [sflag:$0x2] =	stream.indirect_vreg.gather @!p5 [hbm4b:s31+s5], $0x80, v2, vm8, $0xb8;
	[tilespmem:$0x19800] =	vst v63  }
.Ltmp11:
0x1d5: {  	_ = 	snop;
	(pc) =	sbr.rel @p3 .LBB2_15-.Ltmp11, $4  }
0x1d6: {  	s7 =	simm.s32 @!p5 $0xC400  }
0x1d7: {  	[tilespmem:s7], [sflag:$0x2] =	stream.indirect_vreg.gather @!p5 [hbm4b:s18+s5], $0x80, v2, vm8, $0xb8;
	[tilespmem:$0x19800] =	vst v63  }
0x1d8: {  	vm13 =	vnez.u8 v3;
	s7 =	simm.s32 @!p5 $0xCC00  }
0x1d9: {  	[tilespmem:s7], [sflag:$0x2] =	stream.indirect_vreg.gather @!p5 [hbm4b:s0+s5], $0x80, v2, vm13, $0xb8;
	[tilespmem:$0x19800] =	vst v63  }
.Ltmp12:
0x1da: {  	s5 =	simm.s32 $0x4;
	(pc) =	sbr.rel .LBB2_16-.Ltmp12, $4  }
0x1db: {  	_ =	swait.ge [sflag:s5], $0x6400  }
0x1dc: {  	[sflag:s5] =	ssyncset.done $0x0  }
0x1dd: {  	s7 =	simm.s32 $0x13400;
	s16 =	rddreg [dreg:$0x12];
	[sflag:s5] =	ssyncadd.s32 $0xFFFF9C00  }
0x1de: {  	[hbm4b:s16+s9] =	stream.strided.scatter [tilespmem:s7], [sflag:$0x8], $0x6400, s17, s9, $0x38;
	[tilespmem:$0x19800] =	vst v63  }
.LBB2_15:
0x1df: {  	s5 =	sld [smem:$0x7F5];
	_ =	sdelay $0x2  }
0x1e0: {  	p3 =	seq.s32 s5, $0x1  }
.Ltmp13:
0x1e1: {  	_ = 	snop;
	(pc) =	sbr.rel @p3 .LBB2_17-.Ltmp13, $1  }
0x1e2: {  	_ =	sdelay $0x3  }
.LBB2_16:
0x1e3: {  	s5 =	simm.s32 $0x7  }
0x1e4: {  	_ =	swait.ge [sflag:s5], $0x6400  }
0x1e5: {  	[sflag:s5] =	ssyncset.done $0x0  }
0x1e6: {  	[sflag:s5] =	ssyncadd.s32 $0xFFFF9C00  }
.LBB2_17:
0x1e7: {  	s5 =	sld [smem:$0x7F8];
	_ =	sdelay $0x2  }
0x1e8: {  	p6 =	seq.s32 s5, $0x1  }
0x1e9: {  	v2 =	vld.msk @!p6 [tilespmem:$0x500], $0x1;
	_ =	sdelay $0x4  }
0x1ea: {  	v3 =	vshrl.u32 @!p6 v2, $0x3  }
0x1eb: {  	v3 =	vmul.u32 @!p6 $0x640, v3  }
0x1ec: {  	v2 =	vand.u32 @!p6 $0x7, v2  }
0x1ed: {  	v4 =	vlaneseq.u32 @!p6;
	v2 =	vor.u32 @!p6 v2, v3;
	v3 =	vimm.s32 @!p6 $0x0  }
0x1ee: {  	v2 =	vperm.xlane @!p6 v2, v3;
	v3 =	vmul.u32 @!p6 $0x8, v4;
	_ =	sdelay $0x1  }
0x1ef: {  	v2 =	vadd.s32 @!p6 v3, v2;
	_ =	sdelay $0x3  }
0x1f0: {  	s7 =	simm.s32 @!p6 $0x0;
	s5 =	simm.s32 @!p6 $0xD000  }
0x1f1: {  	[tilespmem:s5], [sflag:$0x3] =	stream.indirect_vreg.gather @!p6 [hbm4b:s20+s7], $0x80, v2, vm10, $0xb8;
	[tilespmem:$0x19800] =	vst v63  }
0x1f2: {  	s13 =	simm.s32 @!p6 $0xD800  }
0x1f3: {  	[tilespmem:s13], [sflag:$0x3] =	stream.indirect_vreg.gather @!p6 [hbm4b:s21+s7], $0x80, v2, vm10, $0xb8;
	[tilespmem:$0x19800] =	vst v63  }
0x1f4: {  	s13 =	simm.s32 @!p6 $0xE000  }
0x1f5: {  	[tilespmem:s13], [sflag:$0x3] =	stream.indirect_vreg.gather @!p6 [hbm4b:s22+s7], $0x80, v2, vm10, $0xb8;
	[tilespmem:$0x19800] =	vst v63  }
0x1f6: {  	s13 =	simm.s32 @!p6 $0xE800  }
0x1f7: {  	[tilespmem:s13], [sflag:$0x3] =	stream.indirect_vreg.gather @!p6 [hbm4b:s23+s7], $0x80, v2, vm10, $0xb8;
	[tilespmem:$0x19800] =	vst v63  }
0x1f8: {  	s13 =	simm.s32 @!p6 $0xF000  }
0x1f9: {  	[tilespmem:s13], [sflag:$0x3] =	stream.indirect_vreg.gather @!p6 [hbm4b:s24+s7], $0x80, v2, vm10, $0xb8;
	[tilespmem:$0x19800] =	vst v63  }
0x1fa: {  	s13 =	simm.s32 @!p6 $0xF800  }
0x1fb: {  	[tilespmem:s13], [sflag:$0x3] =	stream.indirect_vreg.gather @!p6 [hbm4b:s25+s7], $0x80, v2, vm10, $0xb8;
	[tilespmem:$0x19800] =	vst v63  }
0x1fc: {  	s13 =	simm.s32 @!p6 $0x10000  }
0x1fd: {  	[tilespmem:s13], [sflag:$0x3] =	stream.indirect_vreg.gather @!p6 [hbm4b:s26+s7], $0x80, v2, vm10, $0xb8;
	[tilespmem:$0x19800] =	vst v63  }
0x1fe: {  	s13 =	simm.s32 @!p6 $0x10800  }
0x1ff: {  	[tilespmem:s13], [sflag:$0x3] =	stream.indirect_vreg.gather @!p6 [hbm4b:s28+s7], $0x80, v2, vm10, $0xb8;
	[tilespmem:$0x19800] =	vst v63  }
0x200: {  	s13 =	simm.s32 @!p6 $0x11000  }
0x201: {  	[tilespmem:s13], [sflag:$0x3] =	stream.indirect_vreg.gather @!p6 [hbm4b:s29+s7], $0x80, v2, vm10, $0xb8;
	[tilespmem:$0x19800] =	vst v63  }
0x202: {  	s13 =	simm.s32 @!p6 $0x11800  }
0x203: {  	v3 =	vld [tilespmem:$0x1FFB0];
	[tilespmem:s13], [sflag:$0x3] =	stream.indirect_vreg.gather @!p6 [hbm4b:s30+s7], $0x80, v2, vm10, $0xb8  }
0x204: {  	s8 =	sld [smem:$0x7F7];
	s13 =	simm.s32 @!p6 $0x12000  }
0x205: {  	[tilespmem:s13], [sflag:$0x3] =	stream.indirect_vreg.gather @!p6 [hbm4b:s31+s7], $0x80, v2, vm10, $0xb8;
	[tilespmem:$0x19800] =	vst v63  }
0x206: {  	s13 =	simm.s32 @!p6 $0x12800  }
0x207: {  	[tilespmem:s13], [sflag:$0x3] =	stream.indirect_vreg.gather @!p6 [hbm4b:s18+s7], $0x80, v2, vm10, $0xb8;
	[tilespmem:$0x19800] =	vst v63  }
0x208: {  	p2 =	seq.s32 s8, $0x1;
	vm13 =	vnez.u8 v3;
	s13 =	simm.s32 @!p6 $0x13000  }
0x209: {  	[tilespmem:s13], [sflag:$0x3] =	stream.indirect_vreg.gather @!p6 [hbm4b:s0+s7], $0x80, v2, vm13, $0xb8;
	[tilespmem:$0x19800] =	vst v63  }
0x20a: {  	s7 =	simm.s32 @!p2 $0x1  }
0x20b: {  	_ =	swait.ge @!p2 [sflag:s7], $0x6400  }
0x20c: {  	s10 =	simm.s32 @!p2 $0x800;
	s13 =	simm.s32 @!p2 $0x400;
	[sflag:s7] =	ssyncset.done @!p2 $0x0  }
0x20d: {  	s8 =	rddreg [dreg:$0x9];
	[sflag:s7] =	ssyncadd.s32 @!p2 $0xFFFF9C00;
	s7 =	simm.s32 @!p2 $0x80  }
0x20e: {  	[hbm4b:s8+s7] =	stream.strided.scatter @!p2 [tilespmem:s10], [sflag:$0x5], $0x6400, s13, s7, $0x38;
	[tilespmem:$0x19800] =	vst v63  }
0x20f: {  	s10 =	sld [smem:$0x7F6];
	_ =	sdelay $0x2  }
0x210: {  	p3 =	seq.s32 s10, $0x1  }
0x211: {  	s7 =	simm.s32 @!p3 $0x8  }
0x212: {  	_ =	swait.ge @!p3 [sflag:s7], $0x6400  }
0x213: {  	s13 =	sld [smem:$0x7F9];
	_ =	sdelay $0x1  }
0x214: {  	[sflag:s7] =	ssyncset.done @!p3 $0x0  }
0x215: {  	[sflag:s7] =	ssyncadd.s32 @!p3 $0xFFFF9C00;
	p3 =	seq.s32 s13, $0x1  }
0x216: {  	v2 =	vld.msk @!p3 [tilespmem:$0x580], $0x1;
	_ =	sdelay $0x4  }
0x217: {  	v3 =	vshrl.u32 @!p3 v2, $0x3  }
0x218: {  	v3 =	vmul.u32 @!p3 $0x640, v3  }
0x219: {  	v2 =	vand.u32 @!p3 $0x7, v2  }
0x21a: {  	v4 =	vlaneseq.u32 @!p3;
	v2 =	vor.u32 @!p3 v2, v3;
	v3 =	vimm.s32 @!p3 $0x0  }
0x21b: {  	v2 =	vperm.xlane @!p3 v2, v3;
	v3 =	vmul.u32 @!p3 $0x8, v4;
	_ =	sdelay $0x1  }
0x21c: {  	v2 =	vadd.s32 @!p3 v3, v2;
	_ =	sdelay $0x3  }
0x21d: {  	s10 =	simm.s32 @!p3 $0x0;
	s7 =	simm.s32 @!p3 $0x13400  }
0x21e: {  	[tilespmem:s7], [sflag:$0x4] =	stream.indirect_vreg.gather @!p3 [hbm4b:s20+s10], $0x80, v2, vm12, $0xb8;
	[tilespmem:$0x19800] =	vst v63  }
0x21f: {  	s13 =	simm.s32 @!p3 $0x13C00  }
0x220: {  	[tilespmem:s13], [sflag:$0x4] =	stream.indirect_vreg.gather @!p3 [hbm4b:s21+s10], $0x80, v2, vm12, $0xb8;
	[tilespmem:$0x19800] =	vst v63  }
0x221: {  	s13 =	simm.s32 @!p3 $0x14400  }
0x222: {  	[tilespmem:s13], [sflag:$0x4] =	stream.indirect_vreg.gather @!p3 [hbm4b:s22+s10], $0x80, v2, vm12, $0xb8;
	[tilespmem:$0x19800] =	vst v63  }
0x223: {  	s13 =	simm.s32 @!p3 $0x14C00  }
0x224: {  	[tilespmem:s13], [sflag:$0x4] =	stream.indirect_vreg.gather @!p3 [hbm4b:s23+s10], $0x80, v2, vm12, $0xb8;
	[tilespmem:$0x19800] =	vst v63  }
0x225: {  	s13 =	simm.s32 @!p3 $0x15400  }
0x226: {  	[tilespmem:s13], [sflag:$0x4] =	stream.indirect_vreg.gather @!p3 [hbm4b:s24+s10], $0x80, v2, vm12, $0xb8;
	[tilespmem:$0x19800] =	vst v63  }
0x227: {  	s13 =	simm.s32 @!p3 $0x15C00  }
0x228: {  	[tilespmem:s13], [sflag:$0x4] =	stream.indirect_vreg.gather @!p3 [hbm4b:s25+s10], $0x80, v2, vm12, $0xb8;
	[tilespmem:$0x19800] =	vst v63  }
0x229: {  	s13 =	simm.s32 @!p3 $0x16400  }
0x22a: {  	[tilespmem:s13], [sflag:$0x4] =	stream.indirect_vreg.gather @!p3 [hbm4b:s26+s10], $0x80, v2, vm12, $0xb8;
	[tilespmem:$0x19800] =	vst v63  }
0x22b: {  	s13 =	simm.s32 @!p3 $0x16C00  }
0x22c: {  	[tilespmem:s13], [sflag:$0x4] =	stream.indirect_vreg.gather @!p3 [hbm4b:s28+s10], $0x80, v2, vm12, $0xb8;
	[tilespmem:$0x19800] =	vst v63  }
0x22d: {  	s13 =	simm.s32 @!p3 $0x17400  }
0x22e: {  	[tilespmem:s13], [sflag:$0x4] =	stream.indirect_vreg.gather @!p3 [hbm4b:s29+s10], $0x80, v2, vm12, $0xb8;
	[tilespmem:$0x19800] =	vst v63  }
0x22f: {  	s13 =	simm.s32 @!p3 $0x17C00  }
0x230: {  	v3 =	vld [tilespmem:$0x1FFC0];
	[tilespmem:s13], [sflag:$0x4] =	stream.indirect_vreg.gather @!p3 [hbm4b:s30+s10], $0x80, v2, vm12, $0xb8  }
0x231: {  	s13 =	simm.s32 @!p3 $0x18400  }
0x232: {  	[tilespmem:s13], [sflag:$0x4] =	stream.indirect_vreg.gather @!p3 [hbm4b:s31+s10], $0x80, v2, vm12, $0xb8;
	[tilespmem:$0x19800] =	vst v63  }
0x233: {  	s13 =	simm.s32 @!p3 $0x18C00  }
0x234: {  	[tilespmem:s13], [sflag:$0x4] =	stream.indirect_vreg.gather @!p3 [hbm4b:s18+s10], $0x80, v2, vm12, $0xb8;
	[tilespmem:$0x19800] =	vst v63  }
0x235: {  	vm13 =	vnez.u8 v3;
	s13 =	simm.s32 @!p3 $0x19400  }
0x236: {  	[tilespmem:s13], [sflag:$0x4] =	stream.indirect_vreg.gather @!p3 [hbm4b:s0+s10], $0x80, v2, vm13, $0xb8;
	[tilespmem:$0x19800] =	vst v63  }
0x237: {  	s10 =	simm.s32 @!p5 $0x2  }
0x238: {  	_ =	swait.ge @!p5 [sflag:s10], $0x6400  }
0x239: {  	s8 =	simm.s32 @!p5 $0x6C00;
	s13 =	simm.s32 @!p5 $0x400;
	[sflag:s10] =	ssyncset.done @!p5 $0x0  }
0x23a: {  	s16 =	rddreg [dreg:$0xa];
	[sflag:s10] =	ssyncadd.s32 @!p5 $0xFFFF9C00;
	s10 =	simm.s32 @!p5 $0x80  }
0x23b: {  	[hbm4b:s16+s10] =	stream.strided.scatter @!p5 [tilespmem:s8], [sflag:$0x6], $0x6400, s13, s10, $0x38;
	[tilespmem:$0x19800] =	vst v63  }
0x23c: {  	s8 =	simm.s32 @!p2 $0x5  }
0x23d: {  	_ =	swait.ge @!p2 [sflag:s8], $0x6400  }
0x23e: {  	s16 =	sld [smem:$0x7FA];
	_ =	sdelay $0x1  }
0x23f: {  	[sflag:s8] =	ssyncset.done @!p2 $0x0  }
0x240: {  	[sflag:s8] =	ssyncadd.s32 @!p2 $0xFFFF9C00;
	p2 =	seq.s32 s16, $0x1  }
0x241: {  	v2 =	vld.msk @!p2 [tilespmem:$0x600], $0x1;
	_ =	sdelay $0x4  }
0x242: {  	v3 =	vshrl.u32 @!p2 v2, $0x3  }
0x243: {  	v3 =	vmul.u32 @!p2 $0x640, v3  }
0x244: {  	v2 =	vand.u32 @!p2 $0x7, v2  }
0x245: {  	v4 =	vlaneseq.u32 @!p2;
	v2 =	vor.u32 @!p2 v2, v3;
	v3 =	vimm.s32 @!p2 $0x0  }
0x246: {  	v2 =	vperm.xlane @!p2 v2, v3;
	v3 =	vmul.u32 @!p2 $0x8, v4;
	_ =	sdelay $0x1  }
0x247: {  	v2 =	vadd.s32 @!p2 v3, v2;
	_ =	sdelay $0x3  }
0x248: {  	s8 =	simm.s32 @!p2 $0x0;
	s13 =	simm.s32 @!p2 $0x800  }
0x249: {  	[tilespmem:s13], [sflag:$0x1] =	stream.indirect_vreg.gather @!p2 [hbm4b:s20+s8], $0x80, v2, vm14, $0xb8;
	[tilespmem:$0x19800] =	vst v63  }
0x24a: {  	s10 =	simm.s32 @!p2 $0x1000  }
0x24b: {  	[tilespmem:s10], [sflag:$0x1] =	stream.indirect_vreg.gather @!p2 [hbm4b:s21+s8], $0x80, v2, vm14, $0xb8;
	[tilespmem:$0x19800] =	vst v63  }
0x24c: {  	s10 =	simm.s32 @!p2 $0x1800  }
0x24d: {  	[tilespmem:s10], [sflag:$0x1] =	stream.indirect_vreg.gather @!p2 [hbm4b:s22+s8], $0x80, v2, vm14, $0xb8;
	[tilespmem:$0x19800] =	vst v63  }
0x24e: {  	s10 =	simm.s32 @!p2 $0x2000  }
0x24f: {  	[tilespmem:s10], [sflag:$0x1] =	stream.indirect_vreg.gather @!p2 [hbm4b:s23+s8], $0x80, v2, vm14, $0xb8;
	[tilespmem:$0x19800] =	vst v63  }
0x250: {  	s10 =	simm.s32 @!p2 $0x2800  }
0x251: {  	[tilespmem:s10], [sflag:$0x1] =	stream.indirect_vreg.gather @!p2 [hbm4b:s24+s8], $0x80, v2, vm14, $0xb8;
	[tilespmem:$0x19800] =	vst v63  }
0x252: {  	s10 =	simm.s32 @!p2 $0x3000  }
0x253: {  	[tilespmem:s10], [sflag:$0x1] =	stream.indirect_vreg.gather @!p2 [hbm4b:s25+s8], $0x80, v2, vm14, $0xb8;
	[tilespmem:$0x19800] =	vst v63  }
0x254: {  	s10 =	simm.s32 @!p2 $0x3800  }
0x255: {  	[tilespmem:s10], [sflag:$0x1] =	stream.indirect_vreg.gather @!p2 [hbm4b:s26+s8], $0x80, v2, vm14, $0xb8;
	[tilespmem:$0x19800] =	vst v63  }
0x256: {  	s10 =	simm.s32 @!p2 $0x4000  }
0x257: {  	[tilespmem:s10], [sflag:$0x1] =	stream.indirect_vreg.gather @!p2 [hbm4b:s28+s8], $0x80, v2, vm14, $0xb8;
	[tilespmem:$0x19800] =	vst v63  }
0x258: {  	s10 =	simm.s32 @!p2 $0x4800  }
0x259: {  	[tilespmem:s10], [sflag:$0x1] =	stream.indirect_vreg.gather @!p2 [hbm4b:s29+s8], $0x80, v2, vm14, $0xb8;
	[tilespmem:$0x19800] =	vst v63  }
0x25a: {  	s10 =	simm.s32 @!p2 $0x5000  }
0x25b: {  	v3 =	vld [tilespmem:$0x1FFD0];
	[tilespmem:s10], [sflag:$0x1] =	stream.indirect_vreg.gather @!p2 [hbm4b:s30+s8], $0x80, v2, vm14, $0xb8  }
0x25c: {  	s10 =	simm.s32 @!p2 $0x5800  }
0x25d: {  	[tilespmem:s10], [sflag:$0x1] =	stream.indirect_vreg.gather @!p2 [hbm4b:s31+s8], $0x80, v2, vm14, $0xb8;
	[tilespmem:$0x19800] =	vst v63  }
0x25e: {  	s10 =	simm.s32 @!p2 $0x6000  }
0x25f: {  	[tilespmem:s10], [sflag:$0x1] =	stream.indirect_vreg.gather @!p2 [hbm4b:s18+s8], $0x80, v2, vm14, $0xb8;
	[tilespmem:$0x19800] =	vst v63  }
0x260: {  	vm13 =	vnez.u8 v3;
	s10 =	simm.s32 @!p2 $0x6800  }
0x261: {  	[tilespmem:s10], [sflag:$0x1] =	stream.indirect_vreg.gather @!p2 [hbm4b:s0+s8], $0x80, v2, vm13, $0xb8;
	[tilespmem:$0x19800] =	vst v63  }
0x262: {  	s8 =	simm.s32 @!p6 $0x3  }
0x263: {  	_ =	swait.ge @!p6 [sflag:s8], $0x6400  }
0x264: {  	s10 =	simm.s32 @!p6 $0x400;
	[sflag:s8] =	ssyncset.done @!p6 $0x0  }
0x265: {  	s16 =	rddreg [dreg:$0xb];
	[sflag:s8] =	ssyncadd.s32 @!p6 $0xFFFF9C00;
	s8 =	simm.s32 @!p6 $0x80  }
0x266: {  	[hbm4b:s16+s8] =	stream.strided.scatter @!p6 [tilespmem:s5], [sflag:$0x7], $0x6400, s10, s8, $0x38;
	[tilespmem:$0x19800] =	vst v63  }
0x267: {  	s5 =	simm.s32 @!p5 $0x6  }
0x268: {  	_ =	swait.ge @!p5 [sflag:s5], $0x6400  }
0x269: {  	s8 =	sld [smem:$0x7FB];
	_ =	sdelay $0x1  }
0x26a: {  	[sflag:s5] =	ssyncset.done @!p5 $0x0  }
0x26b: {  	[sflag:s5] =	ssyncadd.s32 @!p5 $0xFFFF9C00;
	p4 =	seq.s32 s8, $0x1  }
0x26c: {  	v2 =	vld.msk @!p4 [tilespmem:$0x680], $0x1;
	_ =	sdelay $0x4  }
0x26d: {  	v3 =	vshrl.u32 @!p4 v2, $0x3  }
0x26e: {  	v3 =	vmul.u32 @!p4 $0x640, v3  }
0x26f: {  	v2 =	vand.u32 @!p4 $0x7, v2  }
0x270: {  	v4 =	vlaneseq.u32 @!p4;
	v2 =	vor.u32 @!p4 v2, v3;
	v3 =	vimm.s32 @!p4 $0x0  }
0x271: {  	v2 =	vperm.xlane @!p4 v2, v3;
	v3 =	vmul.u32 @!p4 $0x8, v4;
	_ =	sdelay $0x1  }
0x272: {  	v2 =	vadd.s32 @!p4 v3, v2;
	_ =	sdelay $0x3  }
0x273: {  	s8 =	simm.s32 @!p4 $0x0;
	s5 =	simm.s32 @!p4 $0x6C00  }
0x274: {  	[tilespmem:s5], [sflag:$0x2] =	stream.indirect_vreg.gather @!p4 [hbm4b:s20+s8], $0x80, v2, vm7, $0xb8;
	[tilespmem:$0x19800] =	vst v63  }
0x275: {  	s10 =	simm.s32 @!p4 $0x7400  }
0x276: {  	[tilespmem:s10], [sflag:$0x2] =	stream.indirect_vreg.gather @!p4 [hbm4b:s21+s8], $0x80, v2, vm7, $0xb8;
	[tilespmem:$0x19800] =	vst v63  }
0x277: {  	s10 =	simm.s32 @!p4 $0x7C00  }
0x278: {  	[tilespmem:s10], [sflag:$0x2] =	stream.indirect_vreg.gather @!p4 [hbm4b:s22+s8], $0x80, v2, vm7, $0xb8;
	[tilespmem:$0x19800] =	vst v63  }
0x279: {  	s10 =	simm.s32 @!p4 $0x8400  }
0x27a: {  	[tilespmem:s10], [sflag:$0x2] =	stream.indirect_vreg.gather @!p4 [hbm4b:s23+s8], $0x80, v2, vm7, $0xb8;
	[tilespmem:$0x19800] =	vst v63  }
0x27b: {  	s10 =	simm.s32 @!p4 $0x8C00  }
0x27c: {  	[tilespmem:s10], [sflag:$0x2] =	stream.indirect_vreg.gather @!p4 [hbm4b:s24+s8], $0x80, v2, vm7, $0xb8;
	[tilespmem:$0x19800] =	vst v63  }
0x27d: {  	s10 =	simm.s32 @!p4 $0x9400  }
0x27e: {  	[tilespmem:s10], [sflag:$0x2] =	stream.indirect_vreg.gather @!p4 [hbm4b:s25+s8], $0x80, v2, vm7, $0xb8;
	[tilespmem:$0x19800] =	vst v63  }
0x27f: {  	s10 =	simm.s32 @!p4 $0x9C00  }
0x280: {  	[tilespmem:s10], [sflag:$0x2] =	stream.indirect_vreg.gather @!p4 [hbm4b:s26+s8], $0x80, v2, vm7, $0xb8;
	[tilespmem:$0x19800] =	vst v63  }
0x281: {  	s10 =	simm.s32 @!p4 $0xA400  }
0x282: {  	[tilespmem:s10], [sflag:$0x2] =	stream.indirect_vreg.gather @!p4 [hbm4b:s28+s8], $0x80, v2, vm7, $0xb8;
	[tilespmem:$0x19800] =	vst v63  }
0x283: {  	s10 =	simm.s32 @!p4 $0xAC00  }
0x284: {  	[tilespmem:s10], [sflag:$0x2] =	stream.indirect_vreg.gather @!p4 [hbm4b:s29+s8], $0x80, v2, vm7, $0xb8;
	[tilespmem:$0x19800] =	vst v63  }
0x285: {  	s10 =	simm.s32 @!p4 $0xB400  }
0x286: {  	v3 =	vld [tilespmem:$0x1FFE0];
	[tilespmem:s10], [sflag:$0x2] =	stream.indirect_vreg.gather @!p4 [hbm4b:s30+s8], $0x80, v2, vm7, $0xb8  }
0x287: {  	s10 =	simm.s32 @!p4 $0xBC00  }
0x288: {  	[tilespmem:s10], [sflag:$0x2] =	stream.indirect_vreg.gather @!p4 [hbm4b:s31+s8], $0x80, v2, vm7, $0xb8;
	[tilespmem:$0x19800] =	vst v63  }
0x289: {  	s10 =	simm.s32 @!p4 $0xC400  }
0x28a: {  	[tilespmem:s10], [sflag:$0x2] =	stream.indirect_vreg.gather @!p4 [hbm4b:s18+s8], $0x80, v2, vm7, $0xb8;
	[tilespmem:$0x19800] =	vst v63  }
0x28b: {  	vm13 =	vnez.u8 v3;
	s10 =	simm.s32 @!p4 $0xCC00  }
0x28c: {  	[tilespmem:s10], [sflag:$0x2] =	stream.indirect_vreg.gather @!p4 [hbm4b:s0+s8], $0x80, v2, vm13, $0xb8;
	[tilespmem:$0x19800] =	vst v63  }
0x28d: {  	s8 =	simm.s32 @!p3 $0x4  }
0x28e: {  	_ =	swait.ge @!p3 [sflag:s8], $0x6400  }
0x28f: {  	s10 =	simm.s32 @!p3 $0x400;
	[sflag:s8] =	ssyncset.done @!p3 $0x0  }
0x290: {  	s16 =	rddreg [dreg:$0xc];
	[sflag:s8] =	ssyncadd.s32 @!p3 $0xFFFF9C00;
	s8 =	simm.s32 @!p3 $0x80  }
0x291: {  	[hbm4b:s16+s8] =	stream.strided.scatter @!p3 [tilespmem:s7], [sflag:$0x8], $0x6400, s10, s8, $0x38;
	[tilespmem:$0x19800] =	vst v63  }
0x292: {  	s7 =	simm.s32 @!p6 $0x7  }
0x293: {  	_ =	swait.ge @!p6 [sflag:s7], $0x6400  }
0x294: {  	s10 =	sld [smem:$0x7FC];
	_ =	sdelay $0x1  }
0x295: {  	[sflag:s7] =	ssyncset.done @!p6 $0x0  }
0x296: {  	[sflag:s7] =	ssyncadd.s32 @!p6 $0xFFFF9C00;
	p6 =	seq.s32 s10, $0x1  }
0x297: {  	v2 =	vld.msk @!p6 [tilespmem:$0x700], $0x1;
	_ =	sdelay $0x4  }
0x298: {  	v3 =	vshrl.u32 @!p6 v2, $0x3  }
0x299: {  	v3 =	vmul.u32 @!p6 $0x640, v3  }
0x29a: {  	v2 =	vand.u32 @!p6 $0x7, v2  }
0x29b: {  	v4 =	vlaneseq.u32 @!p6;
	v2 =	vor.u32 @!p6 v2, v3;
	v3 =	vimm.s32 @!p6 $0x0  }
0x29c: {  	v2 =	vperm.xlane @!p6 v2, v3;
	v3 =	vmul.u32 @!p6 $0x8, v4;
	_ =	sdelay $0x1  }
0x29d: {  	v2 =	vadd.s32 @!p6 v3, v2;
	_ =	sdelay $0x3  }
0x29e: {  	s8 =	simm.s32 @!p6 $0x0;
	s7 =	simm.s32 @!p6 $0xD000  }
0x29f: {  	[tilespmem:s7], [sflag:$0x3] =	stream.indirect_vreg.gather @!p6 [hbm4b:s20+s8], $0x80, v2, vm11, $0xb8;
	[tilespmem:$0x19800] =	vst v63  }
0x2a0: {  	s10 =	simm.s32 @!p6 $0xD800  }
0x2a1: {  	[tilespmem:s10], [sflag:$0x3] =	stream.indirect_vreg.gather @!p6 [hbm4b:s21+s8], $0x80, v2, vm11, $0xb8;
	[tilespmem:$0x19800] =	vst v63  }
0x2a2: {  	s10 =	simm.s32 @!p6 $0xE000  }
0x2a3: {  	[tilespmem:s10], [sflag:$0x3] =	stream.indirect_vreg.gather @!p6 [hbm4b:s22+s8], $0x80, v2, vm11, $0xb8;
	[tilespmem:$0x19800] =	vst v63  }
0x2a4: {  	s10 =	simm.s32 @!p6 $0xE800  }
0x2a5: {  	[tilespmem:s10], [sflag:$0x3] =	stream.indirect_vreg.gather @!p6 [hbm4b:s23+s8], $0x80, v2, vm11, $0xb8;
	[tilespmem:$0x19800] =	vst v63  }
0x2a6: {  	s10 =	simm.s32 @!p6 $0xF000  }
0x2a7: {  	[tilespmem:s10], [sflag:$0x3] =	stream.indirect_vreg.gather @!p6 [hbm4b:s24+s8], $0x80, v2, vm11, $0xb8;
	[tilespmem:$0x19800] =	vst v63  }
0x2a8: {  	s10 =	simm.s32 @!p6 $0xF800  }
0x2a9: {  	[tilespmem:s10], [sflag:$0x3] =	stream.indirect_vreg.gather @!p6 [hbm4b:s25+s8], $0x80, v2, vm11, $0xb8;
	[tilespmem:$0x19800] =	vst v63  }
0x2aa: {  	s10 =	simm.s32 @!p6 $0x10000  }
0x2ab: {  	[tilespmem:s10], [sflag:$0x3] =	stream.indirect_vreg.gather @!p6 [hbm4b:s26+s8], $0x80, v2, vm11, $0xb8;
	[tilespmem:$0x19800] =	vst v63  }
0x2ac: {  	s10 =	simm.s32 @!p6 $0x10800  }
0x2ad: {  	[tilespmem:s10], [sflag:$0x3] =	stream.indirect_vreg.gather @!p6 [hbm4b:s28+s8], $0x80, v2, vm11, $0xb8;
	[tilespmem:$0x19800] =	vst v63  }
0x2ae: {  	s10 =	simm.s32 @!p6 $0x11000  }
0x2af: {  	[tilespmem:s10], [sflag:$0x3] =	stream.indirect_vreg.gather @!p6 [hbm4b:s29+s8], $0x80, v2, vm11, $0xb8;
	[tilespmem:$0x19800] =	vst v63  }
0x2b0: {  	s10 =	simm.s32 @!p6 $0x11800  }
0x2b1: {  	v3 =	vld [tilespmem:$0x1FFF0];
	[tilespmem:s10], [sflag:$0x3] =	stream.indirect_vreg.gather @!p6 [hbm4b:s30+s8], $0x80, v2, vm11, $0xb8  }
0x2b2: {  	s10 =	simm.s32 @!p6 $0x12000  }
0x2b3: {  	[tilespmem:s10], [sflag:$0x3] =	stream.indirect_vreg.gather @!p6 [hbm4b:s31+s8], $0x80, v2, vm11, $0xb8;
	[tilespmem:$0x19800] =	vst v63  }
0x2b4: {  	s10 =	simm.s32 @!p6 $0x12800  }
0x2b5: {  	[tilespmem:s10], [sflag:$0x3] =	stream.indirect_vreg.gather @!p6 [hbm4b:s18+s8], $0x80, v2, vm11, $0xb8;
	[tilespmem:$0x19800] =	vst v63  }
0x2b6: {  	vm13 =	vnez.u8 v3;
	s10 =	simm.s32 @!p6 $0x13000  }
0x2b7: {  	[tilespmem:s10], [sflag:$0x3] =	stream.indirect_vreg.gather @!p6 [hbm4b:s0+s8], $0x80, v2, vm13, $0xb8;
	[tilespmem:$0x19800] =	vst v63  }
0x2b8: {  	s8 =	simm.s32 @!p2 $0x1  }
0x2b9: {  	_ =	swait.ge @!p2 [sflag:s8], $0x6400  }
0x2ba: {  	s10 =	simm.s32 @!p2 $0x400;
	[sflag:s8] =	ssyncset.done @!p2 $0x0  }
0x2bb: {  	s16 =	rddreg [dreg:$0xd];
	[sflag:s8] =	ssyncadd.s32 @!p2 $0xFFFF9C00;
	s8 =	simm.s32 @!p2 $0x80  }
0x2bc: {  	[hbm4b:s16+s8] =	stream.strided.scatter @!p2 [tilespmem:s13], [sflag:$0x5], $0x6400, s10, s8, $0x38;
	[tilespmem:$0x19800] =	vst v63  }
0x2bd: {  	s8 =	simm.s32 @!p3 $0x8  }
0x2be: {  	_ =	swait.ge @!p3 [sflag:s8], $0x6400  }
0x2bf: {  	s16 =	sld [smem:$0x7FD];
	_ =	sdelay $0x1  }
0x2c0: {  	[sflag:s8] =	ssyncset.done @!p3 $0x0  }
0x2c1: {  	[sflag:s8] =	ssyncadd.s32 @!p3 $0xFFFF9C00;
	p3 =	seq.s32 s16, $0x1  }
0x2c2: {  	v2 =	vld.msk @!p3 [tilespmem:$0x780], $0x1;
	_ =	sdelay $0x4  }
0x2c3: {  	v3 =	vshrl.u32 @!p3 v2, $0x3  }
0x2c4: {  	v3 =	vmul.u32 @!p3 $0x640, v3  }
0x2c5: {  	v2 =	vand.u32 @!p3 $0x7, v2  }
0x2c6: {  	v4 =	vlaneseq.u32 @!p3;
	v2 =	vor.u32 @!p3 v2, v3;
	v3 =	vimm.s32 @!p3 $0x0  }
0x2c7: {  	v2 =	vperm.xlane @!p3 v2, v3;
	v3 =	vmul.u32 @!p3 $0x8, v4;
	_ =	sdelay $0x1  }
0x2c8: {  	v2 =	vadd.s32 @!p3 v3, v2;
	_ =	sdelay $0x3  }
0x2c9: {  	s8 =	simm.s32 @!p3 $0x0;
	s10 =	simm.s32 @!p3 $0x13400  }
0x2ca: {  	[tilespmem:s10], [sflag:$0x4] =	stream.indirect_vreg.gather @!p3 [hbm4b:s20+s8], $0x80, v2, vm15, $0xb8;
	[tilespmem:$0x19800] =	vst v63  }
0x2cb: {  	s13 =	simm.s32 @!p3 $0x13C00  }
0x2cc: {  	[tilespmem:s13], [sflag:$0x4] =	stream.indirect_vreg.gather @!p3 [hbm4b:s21+s8], $0x80, v2, vm15, $0xb8;
	[tilespmem:$0x19800] =	vst v63  }
0x2cd: {  	s13 =	simm.s32 @!p3 $0x14400  }
0x2ce: {  	[tilespmem:s13], [sflag:$0x4] =	stream.indirect_vreg.gather @!p3 [hbm4b:s22+s8], $0x80, v2, vm15, $0xb8;
	[tilespmem:$0x19800] =	vst v63  }
0x2cf: {  	s13 =	simm.s32 @!p3 $0x14C00  }
0x2d0: {  	[tilespmem:s13], [sflag:$0x4] =	stream.indirect_vreg.gather @!p3 [hbm4b:s23+s8], $0x80, v2, vm15, $0xb8;
	[tilespmem:$0x19800] =	vst v63  }
0x2d1: {  	s13 =	simm.s32 @!p3 $0x15400  }
0x2d2: {  	[tilespmem:s13], [sflag:$0x4] =	stream.indirect_vreg.gather @!p3 [hbm4b:s24+s8], $0x80, v2, vm15, $0xb8;
	[tilespmem:$0x19800] =	vst v63  }
0x2d3: {  	s13 =	simm.s32 @!p3 $0x15C00  }
0x2d4: {  	[tilespmem:s13], [sflag:$0x4] =	stream.indirect_vreg.gather @!p3 [hbm4b:s25+s8], $0x80, v2, vm15, $0xb8;
	[tilespmem:$0x19800] =	vst v63  }
0x2d5: {  	s13 =	simm.s32 @!p3 $0x16400  }
0x2d6: {  	[tilespmem:s13], [sflag:$0x4] =	stream.indirect_vreg.gather @!p3 [hbm4b:s26+s8], $0x80, v2, vm15, $0xb8;
	[tilespmem:$0x19800] =	vst v63  }
0x2d7: {  	s13 =	simm.s32 @!p3 $0x16C00  }
0x2d8: {  	[tilespmem:s13], [sflag:$0x4] =	stream.indirect_vreg.gather @!p3 [hbm4b:s28+s8], $0x80, v2, vm15, $0xb8;
	[tilespmem:$0x19800] =	vst v63  }
0x2d9: {  	s13 =	simm.s32 @!p3 $0x17400  }
0x2da: {  	[tilespmem:s13], [sflag:$0x4] =	stream.indirect_vreg.gather @!p3 [hbm4b:s29+s8], $0x80, v2, vm15, $0xb8;
	[tilespmem:$0x19800] =	vst v63  }
0x2db: {  	s13 =	simm.s32 @!p3 $0x17C00  }
0x2dc: {  	[tilespmem:s13], [sflag:$0x4] =	stream.indirect_vreg.gather @!p3 [hbm4b:s30+s8], $0x80, v2, vm15, $0xb8;
	[tilespmem:$0x19800] =	vst v63  }
0x2dd: {  	s13 =	simm.s32 @!p3 $0x18400  }
0x2de: {  	[tilespmem:s13], [sflag:$0x4] =	stream.indirect_vreg.gather @!p3 [hbm4b:s31+s8], $0x80, v2, vm15, $0xb8;
	[tilespmem:$0x19800] =	vst v63  }
0x2df: {  	s13 =	simm.s32 @!p3 $0x18C00  }
0x2e0: {  	[tilespmem:s13], [sflag:$0x4] =	stream.indirect_vreg.gather @!p3 [hbm4b:s18+s8], $0x80, v2, vm15, $0xb8;
	[tilespmem:$0x19800] =	vst v63  }
0x2e1: {  	s13 =	simm.s32 @!p3 $0x19400  }
0x2e2: {  	[tilespmem:s13], [sflag:$0x4] =	stream.indirect_vreg.gather @!p3 [hbm4b:s0+s8], $0x80, v2, vm9, $0xb8;
	[tilespmem:$0x19800] =	vst v63  }
0x2e3: {  	s8 =	simm.s32 @!p4 $0x2  }
0x2e4: {  	_ =	swait.ge @!p4 [sflag:s8], $0x6400  }
0x2e5: {  	s13 =	simm.s32 @!p4 $0x400;
	[sflag:s8] =	ssyncset.done @!p4 $0x0  }
0x2e6: {  	s16 =	rddreg [dreg:$0xe];
	[sflag:s8] =	ssyncadd.s32 @!p4 $0xFFFF9C00;
	s8 =	simm.s32 @!p4 $0x80  }
0x2e7: {  	[hbm4b:s16+s8] =	stream.strided.scatter @!p4 [tilespmem:s5], [sflag:$0x6], $0x6400, s13, s8, $0x38;
	[tilespmem:$0x19800] =	vst v63  }
0x2e8: {  	s5 =	simm.s32 @!p6 $0x3  }
0x2e9: {  	_ =	swait.ge @!p6 [sflag:s5], $0x6400  }
0x2ea: {  	s8 =	simm.s32 @!p6 $0x400;
	[sflag:s5] =	ssyncset.done @!p6 $0x0  }
0x2eb: {  	s13 =	rddreg [dreg:$0x10];
	[sflag:s5] =	ssyncadd.s32 @!p6 $0xFFFF9C00;
	s5 =	simm.s32 @!p6 $0x80  }
0x2ec: {  	[hbm4b:s13+s5] =	stream.strided.scatter @!p6 [tilespmem:s7], [sflag:$0x7], $0x6400, s8, s5, $0x38;
	[tilespmem:$0x19800] =	vst v63  }
0x2ed: {  	s5 =	simm.s32 @!p3 $0x4  }
0x2ee: {  	_ =	swait.ge @!p3 [sflag:s5], $0x6400  }
0x2ef: {  	s7 =	simm.s32 @!p3 $0x400;
	[sflag:s5] =	ssyncset.done @!p3 $0x0  }
0x2f0: {  	s8 =	rddreg [dreg:$0x13];
	[sflag:s5] =	ssyncadd.s32 @!p3 $0xFFFF9C00;
	s5 =	simm.s32 @!p3 $0x80  }
0x2f1: {  	[hbm4b:s8+s5] =	stream.strided.scatter @!p3 [tilespmem:s10], [sflag:$0x8], $0x6400, s7, s5, $0x38;
	[tilespmem:$0x19800] =	vst v63  }
0x2f2: {  	s5 =	simm.s32 @!p2 $0x5  }
0x2f3: {  	_ =	swait.ge @!p2 [sflag:s5], $0x6400  }
0x2f4: {  	[sflag:s5] =	ssyncset.done @!p2 $0x0  }
0x2f5: {  	[sflag:s5] =	ssyncadd.s32 @!p2 $0xFFFF9C00;
	s5 =	simm.s32 @!p4 $0x6  }
0x2f6: {  	_ =	swait.ge @!p4 [sflag:s5], $0x6400  }
.Ltmp14:
0x2f7: {  	[sflag:s5] =	ssyncset.done @!p4 $0x0;
	(pc) =	sbr.rel @p3 .LBB2_19-.Ltmp14, $4  }
.Ltmp15:
0x2f8: {  	[sflag:s5] =	ssyncadd.s32 @!p4 $0xFFFF9C00;
	s5 =	simm.s32 @!p6 $0x7;
	(pc) =	sbr.rel @!p3 .LBB2_18-.Ltmp15, $4  }
0x2f9: {  	s16 =	simm.s32 $0xD800;
	_ =	swait.ge @!p6 [sflag:s5], $0x6400  }
0x2fa: {  	s13 =	simm.s32 $0xD000;
	s8 =	simm.s32 $0x800;
	[sflag:s5] =	ssyncset.done @!p6 $0x0  }
0x2fb: {  	s10 =	simm.s32 $0x6C00;
	s7 =	simm.s32 $0xE000;
	[sflag:s5] =	ssyncadd.s32 @!p6 $0xFFFF9C00  }
0x2fc: {  	_ = 	snop  }
.LBB2_8:
.Ltmp16:
0x2fd: {  	(pc) =	sbr.rel @p0 .LBB2_19-.Ltmp16, $4  }
.Ltmp17:
0x2fe: {  	(pc) =	sbr.rel @!p0 .LBB2_9-.Ltmp17, $4  }
0x2ff: {  	_ = 	snop  }
0x300: {  	_ = 	snop  }
0x301: {  	_ = 	snop  }
0x302: {  	_ = 	snop  }
.LBB2_20:
0x303: {  	_ =	sfence.sel $0x180000  }
0x304: {  	[bflag:$0x0] =	sbarrier.arrive $0xFFFF  }
0x305: {  	_ =	strace $0x9000004A  }
0x306: {  	s0 =	stileid.u32;
	[bflag:$0x2] =	sbarrier.arrive $0xFFFF  }
0x307: {  	p0 =	sne.s32 s0, $0x0;
	s0 =	rddreg [dreg:$0x2]  }
0x308: {  	s0 =	sadd.s32 @!p0 $0x100000, s0  }
0x309: {  	[sflag:s0] =	ssyncadd.tile.s32 @!p0 $0x1;
	_ =	shalt  }
.Lfunc_end2:
_tile_overlayer_lowered:
.L_overlay_start_2:
0x30a: {  	(tag) =	ssettag $0x2  }
0x30b: {  	s0 =	rddreg [dreg:$0x0];
	s2 =	stileid.u32  }
0x30c: {  	s1 =	rddreg [dreg:$0x1];
	p0 =	sne.s32 s2, $0x0  }
0x30d: {  	s3 =	rddreg [dreg:$0x2];
	[bflag:$0x3] =	sbarrier.arrive $0xFFFF;
	s2 =	simm.s32 @!p0 $0x1C09  }
0x30e: {  	[timem:s3], [sflag:s2] =	dma.local @!p0 [hbm:s0], s1  }
0x30f: {  	s0 =	simm.s32 @!p0 $0x9  }
0x310: {  	_ =	swait.ge @!p0 [sflag:s0], s1  }
0x311: {  	s1 =	ssub.s32 @!p0 $0x0, s1;
	[sflag:s0] =	ssyncset.done @!p0 $0x0  }
0x312: {  	[sflag:s0] =	ssyncadd.s32 @!p0 s1  }
0x313: {  	[bflag:$0x3] =	sbarrier.arrive $0xFFFF  }
0x314: {  	_ =	shalt  }

</sc_bundles>
